<compile_context>
chip_gen: v7x
topology: tpu7x:2x2x1
jax: 0.10.2.dev20260603
libtpu: 0.0.44.dev20260713+nightly
codegen_flags: <defaults>
</compile_context>

<pallas_src>
import functools

import jax
import jax.numpy as jnp
from jax import lax
from jax.experimental import pallas as pl
from jax.experimental.pallas import tpu as pltpu
from jax.experimental.pallas import tpu_sc as plsc

N = 10000
E = 320000
D = 128
N_LAYER = 4
N_INNER = 2
BN_EPS = 1e-5

PAD_ROWS = 112
N_PAD = N + PAD_ROWS

CHUNK = 128
GCH = 32


def _sc_counts():
    try:
        info = plsc.get_sparse_core_info()
        return info.num_cores, info.num_subcores
    except Exception:
        return 2, 16


NBUF = 8
LANES = 16
assert CHUNK % GCH == 0


def _make_sc_aggregate(nc, ns):
    nw = nc * ns
    nchunk = -(-E // (nw * CHUNK * 8)) * 8
    edges_per_w = nchunk * CHUNK
    e_pad = nw * edges_per_w
    rows_per_tile = N_PAD // ns
    ngroup = edges_per_w // (GCH * NBUF)

    mesh = plsc.VectorSubcoreMesh(core_axis_name="c", subcore_axis_name="s")

    @functools.partial(
        pl.kernel,
        out_type=jax.ShapeDtypeStruct((nc * N_PAD, D), jnp.float32),
        mesh=mesh,
        scratch_types=(
            [pltpu.VMEM((nchunk, CHUNK), jnp.int32)] +
            [pltpu.VMEM((GCH, D), jnp.float32)] * NBUF +
            [pltpu.VMEM((GCH,), jnp.int32)] * (2 * NBUF) +
            [pltpu.VMEM_SHARED((N_PAD, D), jnp.float32)] +
            [pltpu.SemaphoreType.DMA] * (2 * NBUF)
        ),
    )
    def agg_kernel(h_hbm, se_hbm, zeros_hbm, out_hbm, pbig, *scr):
        rows = scr[:NBUF]
        sidx = scr[NBUF:2 * NBUF]
        didx = scr[2 * NBUF:3 * NBUF]
        agg_sh = scr[3 * NBUF]
        sem_g = scr[3 * NBUF + 1:3 * NBUF + 1 + NBUF]
        sem_s = scr[3 * NBUF + 1 + NBUF:]
        cid = lax.axis_index("c")
        sid = lax.axis_index("s")
        wid = sid * nc + cid

        r0 = sid * rows_per_tile
        pltpu.async_copy(se_hbm.at[pl.ds(wid * nchunk, nchunk)], pbig,
                         sem_g[0])
        pltpu.async_copy(zeros_hbm.at[pl.ds(r0, rows_per_tile)],
                         agg_sh.at[pl.ds(r0, rows_per_tile)], sem_s[0])
        pltpu.make_async_copy(se_hbm.at[pl.ds(wid * nchunk, nchunk)], pbig,
                              sem_g[0]).wait()
        pltpu.make_async_copy(zeros_hbm.at[pl.ds(r0, rows_per_tile)],
                              agg_sh.at[pl.ds(r0, rows_per_tile)],
                              sem_s[0]).wait()
        plsc.subcore_barrier()

        def group(g, carry):
            for bb in range(NBUF):
                row = g * (NBUF * GCH // CHUNK) + (bb * GCH) // CHUNK
                off = (bb * GCH) % CHUNK

                @pl.when(g > 0)
                def _():
                    pltpu.make_async_copy(
                        rows[bb], agg_sh.at[didx[bb]], sem_s[bb]).wait()

                for k in range(GCH // LANES):
                    p = pbig[row, pl.ds(off + k * LANES, LANES)]
                    sl = pl.ds(k * LANES, LANES)
                    sidx[bb][sl] = lax.bitwise_and(p, 0xFFFF)
                    didx[bb][sl] = lax.shift_right_logical(p, 16)
                pltpu.async_copy(h_hbm.at[sidx[bb]], rows[bb], sem_g[bb])
            for bb in range(NBUF):
                pltpu.make_async_copy(
                    h_hbm.at[sidx[bb]], rows[bb], sem_g[bb]).wait()
                pltpu.async_copy(rows[bb], agg_sh.at[didx[bb]],
                                 sem_s[bb], add=True)
            return carry

        lax.fori_loop(0, ngroup, group, 0)
        for bb in range(NBUF):
            pltpu.make_async_copy(
                rows[bb], agg_sh.at[didx[bb]], sem_s[bb]).wait()
        plsc.subcore_barrier()

        pltpu.sync_copy(agg_sh.at[pl.ds(r0, rows_per_tile)],
                        out_hbm.at[pl.ds(cid * N_PAD + r0, rows_per_tile)])

    return agg_kernel, e_pad


def _dense_body(eps_ref, h_ref, parts_ref, w_ref, gl_ref, bl_ref,
                go_ref, bo_ref, out_ref, *, nc, residual):
    h = h_ref[:N]
    agg = parts_ref[:N]
    for c in range(1, nc):
        agg = agg + parts_ref[c * N_PAD:c * N_PAD + N]
    def bn_relu(hh, gamma, beta):
        s1 = jnp.sum(hh, axis=0, keepdims=True)
        s2 = jnp.sum(hh * hh, axis=0, keepdims=True)
        mu = s1 * (1.0 / N)
        var = s2 * (1.0 / N) - mu * mu
        a = gamma * lax.rsqrt(var + BN_EPS)
        c = beta - a * mu
        return jnp.maximum(a * hh + c, 0.0)

    hh = (1.0 + eps_ref[0]) * h + agg
    for j in range(N_INNER):
        hh = lax.dot_general(hh, w_ref[j], (((1,), (1,)), ((), ())),
                             preferred_element_type=jnp.float32)
        hh = bn_relu(hh, gl_ref[j], bl_ref[j])
    hh = bn_relu(hh, go_ref[:], bo_ref[:])
    if residual:
        hh = hh + h
    out_ref[:N] = hh
    out_ref[N:] = jnp.zeros((N_PAD - N, D), jnp.float32)


def _make_dense_call(nc, residual):
    return pl.pallas_call(
        functools.partial(_dense_body, nc=nc, residual=residual),
        out_shape=jax.ShapeDtypeStruct((N_PAD, D), jnp.float32),
        in_specs=[pl.BlockSpec(memory_space=pltpu.SMEM)] +
                 [pl.BlockSpec(memory_space=pltpu.VMEM)] * 7,
        out_specs=pl.BlockSpec(memory_space=pltpu.VMEM),
    )


def kernel(x, edge_index, eps, W, b, gamma_l, beta_l, gamma_o, beta_o):
    nc, ns = _sc_counts()
    agg_call, e_pad = _make_sc_aggregate(nc, ns)

    src = edge_index[0].astype(jnp.int32)
    dst = edge_index[1].astype(jnp.int32)
    npad_e = e_pad - E
    pad_idx = N + (jnp.arange(npad_e, dtype=jnp.int32) % PAD_ROWS)
    src_p = jnp.concatenate([src, pad_idx])
    dst_p = jnp.concatenate([dst, pad_idx])
    se_p = (src_p | (dst_p << 16)).reshape(-1, CHUNK)

    zeros_full = jnp.zeros((N_PAD, D), jnp.float32)
    h = jnp.concatenate([x.astype(jnp.float32),
                         jnp.zeros((PAD_ROWS, D), jnp.float32)])

    del b
    gl3 = gamma_l.reshape(N_LAYER, N_INNER, 1, D)
    bl3 = beta_l.reshape(N_LAYER, N_INNER, 1, D)
    go2 = gamma_o.reshape(N_LAYER, 1, D)
    bo2 = beta_o.reshape(N_LAYER, 1, D)

    dense0 = _make_dense_call(nc, residual=False)
    dense = _make_dense_call(nc, residual=True)
    for l in range(N_LAYER):
        parts = agg_call(h, se_p, zeros_full)
        dc = dense0 if l == 0 else dense
        h = dc(eps[l].reshape(1), h, parts,
               W[l], gl3[l], bl3[l], go2[l], bo2[l])
    return h[:N]

# --- scband reference (transcript-rebuilt; emitter-appended) ---
"""Pipeline reference for scband-phi-module-81157702025450 (READ-ONLY COPY).

The authoritative reference and input builder live on the scoring server;
editing this copy changes nothing except your own understanding.
"""

import jax, jax.numpy as jnp
import numpy as np

N_NODES = 10000
N_EDGES = 320000
D = 128
N_LAYER = 4
N_INNER = 2
BN_EPS = 1e-5


def setup_inputs(seed: int = 0) -> dict:
    key = jax.random.key(seed)
    ks = jax.random.split(key, 12)
    x = jax.random.normal(ks[0], (N_NODES, D), dtype=jnp.float32)
    edge_index = jax.random.randint(ks[1], (2, N_EDGES), 0, N_NODES, dtype=jnp.int64)
    # GIN train_eps parameter per PhiLayer (init 0.0 like PyG default)
    eps = jnp.zeros((N_LAYER,), dtype=jnp.float32)
    # inner linears: [layer, inner, out, in]
    W = jax.random.normal(ks[2], (N_LAYER, N_INNER, D, D), dtype=jnp.float32) * (1.0 / np.sqrt(D))
    b = jnp.zeros((N_LAYER, N_INNER, D), dtype=jnp.float32)
    # inner batchnorm affine params
    gamma_l = jnp.ones((N_LAYER, N_INNER, D), dtype=jnp.float32)
    beta_l = jnp.zeros((N_LAYER, N_INNER, D), dtype=jnp.float32)
    # outer (PhiModule) batchnorm affine params
    gamma_o = jnp.ones((N_LAYER, D), dtype=jnp.float32)
    beta_o = jnp.zeros((N_LAYER, D), dtype=jnp.float32)
    return {"x": x, "edge_index": edge_index, "eps": eps, "W": W, "b": b,
            "gamma_l": gamma_l, "beta_l": beta_l, "gamma_o": gamma_o, "beta_o": beta_o}


def _batchnorm(h, gamma, beta):
    mu = jnp.mean(h, axis=0)
    var = jnp.var(h, axis=0)
    return gamma * (h - mu) / jnp.sqrt(var + BN_EPS) + beta


def _gin_conv(h, src, dst, eps_i):
    # GINConv with nn=Identity: out = (1 + eps) * x + sum_{j in N(i)} x_j
    agg = jnp.zeros_like(h).at[dst].add(h[src])
    return (1.0 + eps_i) * h + agg


def reference(x, edge_index, eps, W, b, gamma_l, beta_l, gamma_o, beta_o):
    src = edge_index[0]
    dst = edge_index[1]
    h = x
    prev = jnp.zeros_like(x)
    for l in range(N_LAYER):
        # PhiLayer: GINConv(Identity) then n_layer=2 x (Linear -> BatchNorm -> ReLU)
        h = _gin_conv(h, src, dst, eps[l])
        for j in range(N_INNER):
            h = h @ W[l, j].T + b[l, j]
            h = _batchnorm(h, gamma_l[l, j], beta_l[l, j])
            h = jax.nn.relu(h)
        # PhiModule: BatchNorm -> ReLU -> residual accumulation
        h = _batchnorm(h, gamma_o[l], beta_o[l])
        h = jax.nn.relu(h)
        h = h + prev
        prev = h
    return h

if __name__ == "__main__":
    import jax
    _d = setup_inputs()
    print(jax.jit(kernel)(*tuple(_d.values())))

</pallas_src>

<mosaic_0001>
#map = affine_map<(d0, d1) -> (0, 0)>
module attributes {stable_mosaic.version = 14 : i64} {
  func.func @agg_kernel(%arg0: i32, %arg1: i32, %arg2: memref<10112x128xf32, #tpu.memory_space<hbm>>, %arg3: memref<2560x128xi32, #tpu.memory_space<hbm>>, %arg4: memref<10112x128xf32, #tpu.memory_space<hbm>>, %arg5: memref<20224x128xf32, #tpu.memory_space<hbm>>, %arg6: memref<80x128xi32, #tpu.memory_space<vmem>>, %arg7: memref<32x128xf32, #tpu.memory_space<vmem>>, %arg8: memref<32x128xf32, #tpu.memory_space<vmem>>, %arg9: memref<32x128xf32, #tpu.memory_space<vmem>>, %arg10: memref<32x128xf32, #tpu.memory_space<vmem>>, %arg11: memref<32x128xf32, #tpu.memory_space<vmem>>, %arg12: memref<32x128xf32, #tpu.memory_space<vmem>>, %arg13: memref<32x128xf32, #tpu.memory_space<vmem>>, %arg14: memref<32x128xf32, #tpu.memory_space<vmem>>, %arg15: memref<32xi32, #tpu.memory_space<vmem>>, %arg16: memref<32xi32, #tpu.memory_space<vmem>>, %arg17: memref<32xi32, #tpu.memory_space<vmem>>, %arg18: memref<32xi32, #tpu.memory_space<vmem>>, %arg19: memref<32xi32, #tpu.memory_space<vmem>>, %arg20: memref<32xi32, #tpu.memory_space<vmem>>, %arg21: memref<32xi32, #tpu.memory_space<vmem>>, %arg22: memref<32xi32, #tpu.memory_space<vmem>>, %arg23: memref<32xi32, #tpu.memory_space<vmem>>, %arg24: memref<32xi32, #tpu.memory_space<vmem>>, %arg25: memref<32xi32, #tpu.memory_space<vmem>>, %arg26: memref<32xi32, #tpu.memory_space<vmem>>, %arg27: memref<32xi32, #tpu.memory_space<vmem>>, %arg28: memref<32xi32, #tpu.memory_space<vmem>>, %arg29: memref<32xi32, #tpu.memory_space<vmem>>, %arg30: memref<32xi32, #tpu.memory_space<vmem>>, %arg31: memref<10112x128xf32, #tpu.memory_space<vmem_shared>>, %arg32: memref<!tpu.dma_semaphore, #tpu.memory_space<semaphore_mem>>, %arg33: memref<!tpu.dma_semaphore, #tpu.memory_space<semaphore_mem>>, %arg34: memref<!tpu.dma_semaphore, #tpu.memory_space<semaphore_mem>>, %arg35: memref<!tpu.dma_semaphore, #tpu.memory_space<semaphore_mem>>, %arg36: memref<!tpu.dma_semaphore, #tpu.memory_space<semaphore_mem>>, %arg37: memref<!tpu.dma_semaphore, #tpu.memory_space<semaphore_mem>>, %arg38: memref<!tpu.dma_semaphore, #tpu.memory_space<semaphore_mem>>, %arg39: memref<!tpu.dma_semaphore, #tpu.memory_space<semaphore_mem>>, %arg40: memref<!tpu.dma_semaphore, #tpu.memory_space<semaphore_mem>>, %arg41: memref<!tpu.dma_semaphore, #tpu.memory_space<semaphore_mem>>, %arg42: memref<!tpu.dma_semaphore, #tpu.memory_space<semaphore_mem>>, %arg43: memref<!tpu.dma_semaphore, #tpu.memory_space<semaphore_mem>>, %arg44: memref<!tpu.dma_semaphore, #tpu.memory_space<semaphore_mem>>, %arg45: memref<!tpu.dma_semaphore, #tpu.memory_space<semaphore_mem>>, %arg46: memref<!tpu.dma_semaphore, #tpu.memory_space<semaphore_mem>>, %arg47: memref<!tpu.dma_semaphore, #tpu.memory_space<semaphore_mem>>) attributes {dimension_semantics = [#tpu.dimension_semantics<core_parallel>, #tpu.dimension_semantics<subcore_parallel>], iteration_bounds = array<i64: 2, 16>, scalar_prefetch = 0 : i64, scratch_operands = 42 : i64, tpu.core_type = #tpu.core_type<sc_vector_subcore>, window_params = [{transform_indices = #map}, {transform_indices = #map}, {transform_indices = #map}, {transform_indices = #map}]} {
    %mul3A = arith.constant 2 : i32
    %mul3A_0 = arith.muli %arg1, %mul3A : i32
    %add3A = arith.addi %mul3A_0, %arg0 : i32
    %mul3A_1 = arith.constant 632 : i32
    %mul3A_2 = arith.muli %arg1, %mul3A_1 : i32
    %mul3A_3 = arith.constant 80 : i32
    %mul3A_4 = arith.muli %add3A, %mul3A_3 : i32
    %dma_start3A = arith.constant 0 : i32
    %dma_start3A_5 = tpu.memref_slice %arg3[%mul3A_4, %dma_start3A] : memref<2560x128xi32, #tpu.memory_space<hbm>> -> memref<80x128xi32, #tpu.memory_space<hbm>>
    %dma_start3A_6 = arith.constant 0 : i32
    %dma_start3A_7 = tpu.memref_slice %arg3[%mul3A_4, %dma_start3A_6] : memref<2560x128xi32, #tpu.memory_space<hbm>> -> memref<80x128xi32, #tpu.memory_space<hbm>>
    tpu.enqueue_dma source(%dma_start3A_7 : memref<80x128xi32, #tpu.memory_space<hbm>>) target(%arg6 : memref<80x128xi32, #tpu.memory_space<vmem>>) target_semaphore(%arg32 : memref<!tpu.dma_semaphore, #tpu.memory_space<semaphore_mem>>)
    %dma_start3A_8 = arith.constant 0 : i32
    %dma_start3A_9 = tpu.memref_slice %arg31[%mul3A_2, %dma_start3A_8] : memref<10112x128xf32, #tpu.memory_space<vmem_shared>> -> memref<632x128xf32, #tpu.memory_space<vmem_shared>>
    %dma_start3A_10 = arith.constant 0 : i32
    %dma_start3A_11 = tpu.memref_slice %arg4[%mul3A_2, %dma_start3A_10] : memref<10112x128xf32, #tpu.memory_space<hbm>> -> memref<632x128xf32, #tpu.memory_space<hbm>>
    tpu.enqueue_dma source(%dma_start3A_11 : memref<632x128xf32, #tpu.memory_space<hbm>>) target(%dma_start3A_9 : memref<632x128xf32, #tpu.memory_space<vmem_shared>>) target_semaphore(%arg40 : memref<!tpu.dma_semaphore, #tpu.memory_space<semaphore_mem>>)
    %mul3A_12 = arith.constant 80 : i32
    %mul3A_13 = arith.muli %add3A, %mul3A_12 : i32
    %dma_wait3A = arith.constant 0 : i32
    %dma_wait3A_14 = tpu.memref_slice %arg3[%mul3A_13, %dma_wait3A] : memref<2560x128xi32, #tpu.memory_space<hbm>> -> memref<80x128xi32, #tpu.memory_space<hbm>>
    %dma_wait3A_15 = arith.constant 0 : i32
    %dma_wait3A_16 = tpu.memref_slice %arg3[%mul3A_13, %dma_wait3A_15] : memref<2560x128xi32, #tpu.memory_space<hbm>> -> memref<80x128xi32, #tpu.memory_space<hbm>>
    tpu.wait_dma2 semaphore(%arg32 : memref<!tpu.dma_semaphore, #tpu.memory_space<semaphore_mem>>) src(%dma_wait3A_16 : memref<80x128xi32, #tpu.memory_space<hbm>>) dst(%arg6 : memref<80x128xi32, #tpu.memory_space<vmem>>)
    %dma_wait3A_17 = arith.constant 0 : i32
    %dma_wait3A_18 = tpu.memref_slice %arg31[%mul3A_2, %dma_wait3A_17] : memref<10112x128xf32, #tpu.memory_space<vmem_shared>> -> memref<632x128xf32, #tpu.memory_space<vmem_shared>>
    %dma_wait3A_19 = arith.constant 0 : i32
    %dma_wait3A_20 = tpu.memref_slice %arg4[%mul3A_2, %dma_wait3A_19] : memref<10112x128xf32, #tpu.memory_space<hbm>> -> memref<632x128xf32, #tpu.memory_space<hbm>>
    tpu.wait_dma2 semaphore(%arg40 : memref<!tpu.dma_semaphore, #tpu.memory_space<semaphore_mem>>) src(%dma_wait3A_20 : memref<632x128xf32, #tpu.memory_space<hbm>>) dst(%dma_wait3A_18 : memref<632x128xf32, #tpu.memory_space<vmem_shared>>)
    %barrier3A = arith.constant 0 : index
    tpu.barrier barrier_id(%barrier3A)
    %scan3A = arith.constant 0 : i32
    %scan3A_21 = arith.constant 0 : i32
    %scan3A_22 = arith.constant 40 : i32
    %scan3A_23 = arith.addi %scan3A_21, %scan3A_22 : i32
    %scan3A_24 = arith.constant 1 : i32
    scf.for %scan3A_54 = %scan3A_21 to %scan3A_23 step %scan3A_24  : i32 {
      %mul3A_55 = arith.constant 2 : i32
      %mul3A_56 = arith.muli %scan3A_54, %mul3A_55 : i32
      %add3A_57 = arith.constant 0 : i32
      %add3A_58 = arith.addi %mul3A_56, %add3A_57 : i32
      %gt3A = arith.constant 0 : i32
      %gt3A_59 = arith.cmpi sgt, %scan3A_54, %gt3A : i32
      %convert_element_type3A = arith.extui %gt3A_59 : i1 to i32
      %cond3A = arith.constant 0 : i32
      %cond3A_60 = arith.cmpi ne, %convert_element_type3A, %cond3A : i32
      scf.if %cond3A_60 {
        %dma_wait3A_480 = arith.constant 0 : i32
        %dma_wait3A_481 = arith.constant 0 : i32
        %dma_wait3A_482 = tpu.memref_slice %arg31[%dma_wait3A_480, %dma_wait3A_481] : memref<10112x128xf32, #tpu.memory_space<vmem_shared>> -> memref<10112x128xf32, #tpu.memory_space<vmem_shared>>
        tpu.wait_indirect_dma semaphore(%arg40 : memref<!tpu.dma_semaphore, #tpu.memory_space<semaphore_mem>>) src(%arg7 : memref<32x128xf32, #tpu.memory_space<vmem>>) dst(%dma_wait3A_482 : memref<10112x128xf32, #tpu.memory_space<vmem_shared>>)
      } else {
      }
      %get3A = arith.index_cast %add3A_58 : i32 to index
      %get3A_61 = arith.constant 0 : index
      %get3A_62 = tpu.vector_load %arg6[%get3A, %get3A_61] {strides = array<i32>} : memref<80x128xi32, #tpu.memory_space<vmem>>, vector<1x16xi32>,
      %get3A_63 = vector.shape_cast %get3A_62 : vector<1x16xi32> to vector<16xi32>
      %and3A = arith.constant 65535 : i32
      %and3A_64 = vector.broadcast %and3A : i32 to vector<16xi32>
      %and3A_65 = arith.andi %get3A_63, %and3A_64 : vector<16xi32>
      %swap3A = arith.constant 0 : index
      %swap3A_66 = tpu.vector_load %arg15[%swap3A] {strides = array<i32>} : memref<32xi32, #tpu.memory_space<vmem>>, vector<16xi32>,
      %swap3A_67 = vector.shape_cast %swap3A_66 : vector<16xi32> to vector<16xi32>
      %swap3A_68 = vector.shape_cast %and3A_65 : vector<16xi32> to vector<16xi32>
      tpu.vector_store %arg15[%swap3A], %swap3A_68 {strides = array<i32>} : memref<32xi32, #tpu.memory_space<vmem>>, vector<16xi32>,
      %shift_right_logical3A = arith.constant 16 : i32
      %shift_right_logical3A_69 = vector.broadcast %shift_right_logical3A : i32 to vector<16xi32>
      %shift_right_logical3A_70 = arith.shrui %get3A_63, %shift_right_logical3A_69 : vector<16xi32>
      %swap3A_71 = arith.constant 0 : index
      %swap3A_72 = tpu.vector_load %arg23[%swap3A_71] {strides = array<i32>} : memref<32xi32, #tpu.memory_space<vmem>>, vector<16xi32>,
      %swap3A_73 = vector.shape_cast %swap3A_72 : vector<16xi32> to vector<16xi32>
      %swap3A_74 = vector.shape_cast %shift_right_logical3A_70 : vector<16xi32> to vector<16xi32>
      tpu.vector_store %arg23[%swap3A_71], %swap3A_74 {strides = array<i32>} : memref<32xi32, #tpu.memory_space<vmem>>, vector<16xi32>,
      %get3A_75 = arith.index_cast %add3A_58 : i32 to index
      %get3A_76 = arith.constant 16 : index
      %get3A_77 = tpu.vector_load %arg6[%get3A_75, %get3A_76] {strides = array<i32>} : memref<80x128xi32, #tpu.memory_space<vmem>>, vector<1x16xi32>,
      %get3A_78 = vector.shape_cast %get3A_77 : vector<1x16xi32> to vector<16xi32>
      %and3A_79 = arith.constant 65535 : i32
      %and3A_80 = vector.broadcast %and3A_79 : i32 to vector<16xi32>
      %and3A_81 = arith.andi %get3A_78, %and3A_80 : vector<16xi32>
      %swap3A_82 = arith.constant 16 : index
      %swap3A_83 = tpu.vector_load %arg15[%swap3A_82] {strides = array<i32>} : memref<32xi32, #tpu.memory_space<vmem>>, vector<16xi32>,
      %swap3A_84 = vector.shape_cast %swap3A_83 : vector<16xi32> to vector<16xi32>
      %swap3A_85 = vector.shape_cast %and3A_81 : vector<16xi32> to vector<16xi32>
      tpu.vector_store %arg15[%swap3A_82], %swap3A_85 {strides = array<i32>} : memref<32xi32, #tpu.memory_space<vmem>>, vector<16xi32>,
      %shift_right_logical3A_86 = arith.constant 16 : i32
      %shift_right_logical3A_87 = vector.broadcast %shift_right_logical3A_86 : i32 to vector<16xi32>
      %shift_right_logical3A_88 = arith.shrui %get3A_78, %shift_right_logical3A_87 : vector<16xi32>
      %swap3A_89 = arith.constant 16 : index
      %swap3A_90 = tpu.vector_load %arg23[%swap3A_89] {strides = array<i32>} : memref<32xi32, #tpu.memory_space<vmem>>, vector<16xi32>,
      %swap3A_91 = vector.shape_cast %swap3A_90 : vector<16xi32> to vector<16xi32>
      %swap3A_92 = vector.shape_cast %shift_right_logical3A_88 : vector<16xi32> to vector<16xi32>
      tpu.vector_store %arg23[%swap3A_89], %swap3A_92 {strides = array<i32>} : memref<32xi32, #tpu.memory_space<vmem>>, vector<16xi32>,
      %dma_start3A_93 = arith.constant 0 : i32
      %dma_start3A_94 = arith.constant 0 : i32
      %dma_start3A_95 = tpu.memref_slice %arg2[%dma_start3A_93, %dma_start3A_94] : memref<10112x128xf32, #tpu.memory_space<hbm>> -> memref<10112x128xf32, #tpu.memory_space<hbm>>
      tpu.enqueue_indirect_dma source(%dma_start3A_95 : memref<10112x128xf32, #tpu.memory_space<hbm>>) target(%arg7 : memref<32x128xf32, #tpu.memory_space<vmem>>) offsets(%arg15 : memref<32xi32, #tpu.memory_space<vmem>>) semaphore(%arg32 : memref<!tpu.dma_semaphore, #tpu.memory_space<semaphore_mem>>)
      %mul3A_96 = arith.constant 2 : i32
      %mul3A_97 = arith.muli %scan3A_54, %mul3A_96 : i32
      %add3A_98 = arith.constant 0 : i32
      %add3A_99 = arith.addi %mul3A_97, %add3A_98 : i32
      %gt3A_100 = arith.constant 0 : i32
      %gt3A_101 = arith.cmpi sgt, %scan3A_54, %gt3A_100 : i32
      %convert_element_type3A_102 = arith.extui %gt3A_101 : i1 to i32
      %cond3A_103 = arith.constant 0 : i32
      %cond3A_104 = arith.cmpi ne, %convert_element_type3A_102, %cond3A_103 : i32
      scf.if %cond3A_104 {
        %dma_wait3A_480 = arith.constant 0 : i32
        %dma_wait3A_481 = arith.constant 0 : i32
        %dma_wait3A_482 = tpu.memref_slice %arg31[%dma_wait3A_480, %dma_wait3A_481] : memref<10112x128xf32, #tpu.memory_space<vmem_shared>> -> memref<10112x128xf32, #tpu.memory_space<vmem_shared>>
        tpu.wait_indirect_dma semaphore(%arg41 : memref<!tpu.dma_semaphore, #tpu.memory_space<semaphore_mem>>) src(%arg8 : memref<32x128xf32, #tpu.memory_space<vmem>>) dst(%dma_wait3A_482 : memref<10112x128xf32, #tpu.memory_space<vmem_shared>>)
      } else {
      }
      %get3A_105 = arith.index_cast %add3A_99 : i32 to index
      %get3A_106 = arith.constant 32 : index
      %get3A_107 = tpu.vector_load %arg6[%get3A_105, %get3A_106] {strides = array<i32>} : memref<80x128xi32, #tpu.memory_space<vmem>>, vector<1x16xi32>,
      %get3A_108 = vector.shape_cast %get3A_107 : vector<1x16xi32> to vector<16xi32>
      %and3A_109 = arith.constant 65535 : i32
      %and3A_110 = vector.broadcast %and3A_109 : i32 to vector<16xi32>
      %and3A_111 = arith.andi %get3A_108, %and3A_110 : vector<16xi32>
      %swap3A_112 = arith.constant 0 : index
      %swap3A_113 = tpu.vector_load %arg16[%swap3A_112] {strides = array<i32>} : memref<32xi32, #tpu.memory_space<vmem>>, vector<16xi32>,
      %swap3A_114 = vector.shape_cast %swap3A_113 : vector<16xi32> to vector<16xi32>
      %swap3A_115 = vector.shape_cast %and3A_111 : vector<16xi32> to vector<16xi32>
      tpu.vector_store %arg16[%swap3A_112], %swap3A_115 {strides = array<i32>} : memref<32xi32, #tpu.memory_space<vmem>>, vector<16xi32>,
      %shift_right_logical3A_116 = arith.constant 16 : i32
      %shift_right_logical3A_117 = vector.broadcast %shift_right_logical3A_116 : i32 to vector<16xi32>
      %shift_right_logical3A_118 = arith.shrui %get3A_108, %shift_right_logical3A_117 : vector<16xi32>
      %swap3A_119 = arith.constant 0 : index
      %swap3A_120 = tpu.vector_load %arg24[%swap3A_119] {strides = array<i32>} : memref<32xi32, #tpu.memory_space<vmem>>, vector<16xi32>,
      %swap3A_121 = vector.shape_cast %swap3A_120 : vector<16xi32> to vector<16xi32>
      %swap3A_122 = vector.shape_cast %shift_right_logical3A_118 : vector<16xi32> to vector<16xi32>
      tpu.vector_store %arg24[%swap3A_119], %swap3A_122 {strides = array<i32>} : memref<32xi32, #tpu.memory_space<vmem>>, vector<16xi32>,
      %get3A_123 = arith.index_cast %add3A_99 : i32 to index
      %get3A_124 = arith.constant 48 : index
      %get3A_125 = tpu.vector_load %arg6[%get3A_123, %get3A_124] {strides = array<i32>} : memref<80x128xi32, #tpu.memory_space<vmem>>, vector<1x16xi32>,
      %get3A_126 = vector.shape_cast %get3A_125 : vector<1x16xi32> to vector<16xi32>
      %and3A_127 = arith.constant 65535 : i32
      %and3A_128 = vector.broadcast %and3A_127 : i32 to vector<16xi32>
      %and3A_129 = arith.andi %get3A_126, %and3A_128 : vector<16xi32>
      %swap3A_130 = arith.constant 16 : index
      %swap3A_131 = tpu.vector_load %arg16[%swap3A_130] {strides = array<i32>} : memref<32xi32, #tpu.memory_space<vmem>>, vector<16xi32>,
      %swap3A_132 = vector.shape_cast %swap3A_131 : vector<16xi32> to vector<16xi32>
      %swap3A_133 = vector.shape_cast %and3A_129 : vector<16xi32> to vector<16xi32>
      tpu.vector_store %arg16[%swap3A_130], %swap3A_133 {strides = array<i32>} : memref<32xi32, #tpu.memory_space<vmem>>, vector<16xi32>,
      %shift_right_logical3A_134 = arith.constant 16 : i32
      %shift_right_logical3A_135 = vector.broadcast %shift_right_logical3A_134 : i32 to vector<16xi32>
      %shift_right_logical3A_136 = arith.shrui %get3A_126, %shift_right_logical3A_135 : vector<16xi32>
      %swap3A_137 = arith.constant 16 : index
      %swap3A_138 = tpu.vector_load %arg24[%swap3A_137] {strides = array<i32>} : memref<32xi32, #tpu.memory_space<vmem>>, vector<16xi32>,
      %swap3A_139 = vector.shape_cast %swap3A_138 : vector<16xi32> to vector<16xi32>
      %swap3A_140 = vector.shape_cast %shift_right_logical3A_136 : vector<16xi32> to vector<16xi32>
      tpu.vector_store %arg24[%swap3A_137], %swap3A_140 {strides = array<i32>} : memref<32xi32, #tpu.memory_space<vmem>>, vector<16xi32>,
      %dma_start3A_141 = arith.constant 0 : i32
      %dma_start3A_142 = arith.constant 0 : i32
      %dma_start3A_143 = tpu.memref_slice %arg2[%dma_start3A_141, %dma_start3A_142] : memref<10112x128xf32, #tpu.memory_space<hbm>> -> memref<10112x128xf32, #tpu.memory_space<hbm>>
      tpu.enqueue_indirect_dma source(%dma_start3A_143 : memref<10112x128xf32, #tpu.memory_space<hbm>>) target(%arg8 : memref<32x128xf32, #tpu.memory_space<vmem>>) offsets(%arg16 : memref<32xi32, #tpu.memory_space<vmem>>) semaphore(%arg33 : memref<!tpu.dma_semaphore, #tpu.memory_space<semaphore_mem>>)
      %mul3A_144 = arith.constant 2 : i32
      %mul3A_145 = arith.muli %scan3A_54, %mul3A_144 : i32
      %add3A_146 = arith.constant 0 : i32
      %add3A_147 = arith.addi %mul3A_145, %add3A_146 : i32
      %gt3A_148 = arith.constant 0 : i32
      %gt3A_149 = arith.cmpi sgt, %scan3A_54, %gt3A_148 : i32
      %convert_element_type3A_150 = arith.extui %gt3A_149 : i1 to i32
      %cond3A_151 = arith.constant 0 : i32
      %cond3A_152 = arith.cmpi ne, %convert_element_type3A_150, %cond3A_151 : i32
      scf.if %cond3A_152 {
        %dma_wait3A_480 = arith.constant 0 : i32
        %dma_wait3A_481 = arith.constant 0 : i32
        %dma_wait3A_482 = tpu.memref_slice %arg31[%dma_wait3A_480, %dma_wait3A_481] : memref<10112x128xf32, #tpu.memory_space<vmem_shared>> -> memref<10112x128xf32, #tpu.memory_space<vmem_shared>>
        tpu.wait_indirect_dma semaphore(%arg42 : memref<!tpu.dma_semaphore, #tpu.memory_space<semaphore_mem>>) src(%arg9 : memref<32x128xf32, #tpu.memory_space<vmem>>) dst(%dma_wait3A_482 : memref<10112x128xf32, #tpu.memory_space<vmem_shared>>)
      } else {
      }
      %get3A_153 = arith.index_cast %add3A_147 : i32 to index
      %get3A_154 = arith.constant 64 : index
      %get3A_155 = tpu.vector_load %arg6[%get3A_153, %get3A_154] {strides = array<i32>} : memref<80x128xi32, #tpu.memory_space<vmem>>, vector<1x16xi32>,
      %get3A_156 = vector.shape_cast %get3A_155 : vector<1x16xi32> to vector<16xi32>
      %and3A_157 = arith.constant 65535 : i32
      %and3A_158 = vector.broadcast %and3A_157 : i32 to vector<16xi32>
      %and3A_159 = arith.andi %get3A_156, %and3A_158 : vector<16xi32>
      %swap3A_160 = arith.constant 0 : index
      %swap3A_161 = tpu.vector_load %arg17[%swap3A_160] {strides = array<i32>} : memref<32xi32, #tpu.memory_space<vmem>>, vector<16xi32>,
      %swap3A_162 = vector.shape_cast %swap3A_161 : vector<16xi32> to vector<16xi32>
      %swap3A_163 = vector.shape_cast %and3A_159 : vector<16xi32> to vector<16xi32>
      tpu.vector_store %arg17[%swap3A_160], %swap3A_163 {strides = array<i32>} : memref<32xi32, #tpu.memory_space<vmem>>, vector<16xi32>,
      %shift_right_logical3A_164 = arith.constant 16 : i32
      %shift_right_logical3A_165 = vector.broadcast %shift_right_logical3A_164 : i32 to vector<16xi32>
      %shift_right_logical3A_166 = arith.shrui %get3A_156, %shift_right_logical3A_165 : vector<16xi32>
      %swap3A_167 = arith.constant 0 : index
      %swap3A_168 = tpu.vector_load %arg25[%swap3A_167] {strides = array<i32>} : memref<32xi32, #tpu.memory_space<vmem>>, vector<16xi32>,
      %swap3A_169 = vector.shape_cast %swap3A_168 : vector<16xi32> to vector<16xi32>
      %swap3A_170 = vector.shape_cast %shift_right_logical3A_166 : vector<16xi32> to vector<16xi32>
      tpu.vector_store %arg25[%swap3A_167], %swap3A_170 {strides = array<i32>} : memref<32xi32, #tpu.memory_space<vmem>>, vector<16xi32>,
      %get3A_171 = arith.index_cast %add3A_147 : i32 to index
      %get3A_172 = arith.constant 80 : index
      %get3A_173 = tpu.vector_load %arg6[%get3A_171, %get3A_172] {strides = array<i32>} : memref<80x128xi32, #tpu.memory_space<vmem>>, vector<1x16xi32>,
      %get3A_174 = vector.shape_cast %get3A_173 : vector<1x16xi32> to vector<16xi32>
      %and3A_175 = arith.constant 65535 : i32
      %and3A_176 = vector.broadcast %and3A_175 : i32 to vector<16xi32>
      %and3A_177 = arith.andi %get3A_174, %and3A_176 : vector<16xi32>
      %swap3A_178 = arith.constant 16 : index
      %swap3A_179 = tpu.vector_load %arg17[%swap3A_178] {strides = array<i32>} : memref<32xi32, #tpu.memory_space<vmem>>, vector<16xi32>,
      %swap3A_180 = vector.shape_cast %swap3A_179 : vector<16xi32> to vector<16xi32>
      %swap3A_181 = vector.shape_cast %and3A_177 : vector<16xi32> to vector<16xi32>
      tpu.vector_store %arg17[%swap3A_178], %swap3A_181 {strides = array<i32>} : memref<32xi32, #tpu.memory_space<vmem>>, vector<16xi32>,
      %shift_right_logical3A_182 = arith.constant 16 : i32
      %shift_right_logical3A_183 = vector.broadcast %shift_right_logical3A_182 : i32 to vector<16xi32>
      %shift_right_logical3A_184 = arith.shrui %get3A_174, %shift_right_logical3A_183 : vector<16xi32>
      %swap3A_185 = arith.constant 16 : index
      %swap3A_186 = tpu.vector_load %arg25[%swap3A_185] {strides = array<i32>} : memref<32xi32, #tpu.memory_space<vmem>>, vector<16xi32>,
      %swap3A_187 = vector.shape_cast %swap3A_186 : vector<16xi32> to vector<16xi32>
      %swap3A_188 = vector.shape_cast %shift_right_logical3A_184 : vector<16xi32> to vector<16xi32>
      tpu.vector_store %arg25[%swap3A_185], %swap3A_188 {strides = array<i32>} : memref<32xi32, #tpu.memory_space<vmem>>, vector<16xi32>,
      %dma_start3A_189 = arith.constant 0 : i32
      %dma_start3A_190 = arith.constant 0 : i32
      %dma_start3A_191 = tpu.memref_slice %arg2[%dma_start3A_189, %dma_start3A_190] : memref<10112x128xf32, #tpu.memory_space<hbm>> -> memref<10112x128xf32, #tpu.memory_space<hbm>>
      tpu.enqueue_indirect_dma source(%dma_start3A_191 : memref<10112x128xf32, #tpu.memory_space<hbm>>) target(%arg9 : memref<32x128xf32, #tpu.memory_space<vmem>>) offsets(%arg17 : memref<32xi32, #tpu.memory_space<vmem>>) semaphore(%arg34 : memref<!tpu.dma_semaphore, #tpu.memory_space<semaphore_mem>>)
      %mul3A_192 = arith.constant 2 : i32
      %mul3A_193 = arith.muli %scan3A_54, %mul3A_192 : i32
      %add3A_194 = arith.constant 0 : i32
      %add3A_195 = arith.addi %mul3A_193, %add3A_194 : i32
      %gt3A_196 = arith.constant 0 : i32
      %gt3A_197 = arith.cmpi sgt, %scan3A_54, %gt3A_196 : i32
      %convert_element_type3A_198 = arith.extui %gt3A_197 : i1 to i32
      %cond3A_199 = arith.constant 0 : i32
      %cond3A_200 = arith.cmpi ne, %convert_element_type3A_198, %cond3A_199 : i32
      scf.if %cond3A_200 {
        %dma_wait3A_480 = arith.constant 0 : i32
        %dma_wait3A_481 = arith.constant 0 : i32
        %dma_wait3A_482 = tpu.memref_slice %arg31[%dma_wait3A_480, %dma_wait3A_481] : memref<10112x128xf32, #tpu.memory_space<vmem_shared>> -> memref<10112x128xf32, #tpu.memory_space<vmem_shared>>
        tpu.wait_indirect_dma semaphore(%arg43 : memref<!tpu.dma_semaphore, #tpu.memory_space<semaphore_mem>>) src(%arg10 : memref<32x128xf32, #tpu.memory_space<vmem>>) dst(%dma_wait3A_482 : memref<10112x128xf32, #tpu.memory_space<vmem_shared>>)
      } else {
      }
      %get3A_201 = arith.index_cast %add3A_195 : i32 to index
      %get3A_202 = arith.constant 96 : index
      %get3A_203 = tpu.vector_load %arg6[%get3A_201, %get3A_202] {strides = array<i32>} : memref<80x128xi32, #tpu.memory_space<vmem>>, vector<1x16xi32>,
      %get3A_204 = vector.shape_cast %get3A_203 : vector<1x16xi32> to vector<16xi32>
      %and3A_205 = arith.constant 65535 : i32
      %and3A_206 = vector.broadcast %and3A_205 : i32 to vector<16xi32>
      %and3A_207 = arith.andi %get3A_204, %and3A_206 : vector<16xi32>
      %swap3A_208 = arith.constant 0 : index
      %swap3A_209 = tpu.vector_load %arg18[%swap3A_208] {strides = array<i32>} : memref<32xi32, #tpu.memory_space<vmem>>, vector<16xi32>,
      %swap3A_210 = vector.shape_cast %swap3A_209 : vector<16xi32> to vector<16xi32>
      %swap3A_211 = vector.shape_cast %and3A_207 : vector<16xi32> to vector<16xi32>
      tpu.vector_store %arg18[%swap3A_208], %swap3A_211 {strides = array<i32>} : memref<32xi32, #tpu.memory_space<vmem>>, vector<16xi32>,
      %shift_right_logical3A_212 = arith.constant 16 : i32
      %shift_right_logical3A_213 = vector.broadcast %shift_right_logical3A_212 : i32 to vector<16xi32>
      %shift_right_logical3A_214 = arith.shrui %get3A_204, %shift_right_logical3A_213 : vector<16xi32>
      %swap3A_215 = arith.constant 0 : index
      %swap3A_216 = tpu.vector_load %arg26[%swap3A_215] {strides = array<i32>} : memref<32xi32, #tpu.memory_space<vmem>>, vector<16xi32>,
      %swap3A_217 = vector.shape_cast %swap3A_216 : vector<16xi32> to vector<16xi32>
      %swap3A_218 = vector.shape_cast %shift_right_logical3A_214 : vector<16xi32> to vector<16xi32>
      tpu.vector_store %arg26[%swap3A_215], %swap3A_218 {strides = array<i32>} : memref<32xi32, #tpu.memory_space<vmem>>, vector<16xi32>,
      %get3A_219 = arith.index_cast %add3A_195 : i32 to index
      %get3A_220 = arith.constant 112 : index
      %get3A_221 = tpu.vector_load %arg6[%get3A_219, %get3A_220] {strides = array<i32>} : memref<80x128xi32, #tpu.memory_space<vmem>>, vector<1x16xi32>,
      %get3A_222 = vector.shape_cast %get3A_221 : vector<1x16xi32> to vector<16xi32>
      %and3A_223 = arith.constant 65535 : i32
      %and3A_224 = vector.broadcast %and3A_223 : i32 to vector<16xi32>
      %and3A_225 = arith.andi %get3A_222, %and3A_224 : vector<16xi32>
      %swap3A_226 = arith.constant 16 : index
      %swap3A_227 = tpu.vector_load %arg18[%swap3A_226] {strides = array<i32>} : memref<32xi32, #tpu.memory_space<vmem>>, vector<16xi32>,
      %swap3A_228 = vector.shape_cast %swap3A_227 : vector<16xi32> to vector<16xi32>
      %swap3A_229 = vector.shape_cast %and3A_225 : vector<16xi32> to vector<16xi32>
      tpu.vector_store %arg18[%swap3A_226], %swap3A_229 {strides = array<i32>} : memref<32xi32, #tpu.memory_space<vmem>>, vector<16xi32>,
      %shift_right_logical3A_230 = arith.constant 16 : i32
      %shift_right_logical3A_231 = vector.broadcast %shift_right_logical3A_230 : i32 to vector<16xi32>
      %shift_right_logical3A_232 = arith.shrui %get3A_222, %shift_right_logical3A_231 : vector<16xi32>
      %swap3A_233 = arith.constant 16 : index
      %swap3A_234 = tpu.vector_load %arg26[%swap3A_233] {strides = array<i32>} : memref<32xi32, #tpu.memory_space<vmem>>, vector<16xi32>,
      %swap3A_235 = vector.shape_cast %swap3A_234 : vector<16xi32> to vector<16xi32>
      %swap3A_236 = vector.shape_cast %shift_right_logical3A_232 : vector<16xi32> to vector<16xi32>
      tpu.vector_store %arg26[%swap3A_233], %swap3A_236 {strides = array<i32>} : memref<32xi32, #tpu.memory_space<vmem>>, vector<16xi32>,
      %dma_start3A_237 = arith.constant 0 : i32
      %dma_start3A_238 = arith.constant 0 : i32
      %dma_start3A_239 = tpu.memref_slice %arg2[%dma_start3A_237, %dma_start3A_238] : memref<10112x128xf32, #tpu.memory_space<hbm>> -> memref<10112x128xf32, #tpu.memory_space<hbm>>
      tpu.enqueue_indirect_dma source(%dma_start3A_239 : memref<10112x128xf32, #tpu.memory_space<hbm>>) target(%arg10 : memref<32x128xf32, #tpu.memory_space<vmem>>) offsets(%arg18 : memref<32xi32, #tpu.memory_space<vmem>>) semaphore(%arg35 : memref<!tpu.dma_semaphore, #tpu.memory_space<semaphore_mem>>)
      %mul3A_240 = arith.constant 2 : i32
      %mul3A_241 = arith.muli %scan3A_54, %mul3A_240 : i32
      %add3A_242 = arith.constant 1 : i32
      %add3A_243 = arith.addi %mul3A_241, %add3A_242 : i32
      %gt3A_244 = arith.constant 0 : i32
      %gt3A_245 = arith.cmpi sgt, %scan3A_54, %gt3A_244 : i32
      %convert_element_type3A_246 = arith.extui %gt3A_245 : i1 to i32
      %cond3A_247 = arith.constant 0 : i32
      %cond3A_248 = arith.cmpi ne, %convert_element_type3A_246, %cond3A_247 : i32
      scf.if %cond3A_248 {
        %dma_wait3A_480 = arith.constant 0 : i32
        %dma_wait3A_481 = arith.constant 0 : i32
        %dma_wait3A_482 = tpu.memref_slice %arg31[%dma_wait3A_480, %dma_wait3A_481] : memref<10112x128xf32, #tpu.memory_space<vmem_shared>> -> memref<10112x128xf32, #tpu.memory_space<vmem_shared>>
        tpu.wait_indirect_dma semaphore(%arg44 : memref<!tpu.dma_semaphore, #tpu.memory_space<semaphore_mem>>) src(%arg11 : memref<32x128xf32, #tpu.memory_space<vmem>>) dst(%dma_wait3A_482 : memref<10112x128xf32, #tpu.memory_space<vmem_shared>>)
      } else {
      }
      %get3A_249 = arith.index_cast %add3A_243 : i32 to index
      %get3A_250 = arith.constant 0 : index
      %get3A_251 = tpu.vector_load %arg6[%get3A_249, %get3A_250] {strides = array<i32>} : memref<80x128xi32, #tpu.memory_space<vmem>>, vector<1x16xi32>,
      %get3A_252 = vector.shape_cast %get3A_251 : vector<1x16xi32> to vector<16xi32>
      %and3A_253 = arith.constant 65535 : i32
      %and3A_254 = vector.broadcast %and3A_253 : i32 to vector<16xi32>
      %and3A_255 = arith.andi %get3A_252, %and3A_254 : vector<16xi32>
      %swap3A_256 = arith.constant 0 : index
      %swap3A_257 = tpu.vector_load %arg19[%swap3A_256] {strides = array<i32>} : memref<32xi32, #tpu.memory_space<vmem>>, vector<16xi32>,
      %swap3A_258 = vector.shape_cast %swap3A_257 : vector<16xi32> to vector<16xi32>
      %swap3A_259 = vector.shape_cast %and3A_255 : vector<16xi32> to vector<16xi32>
      tpu.vector_store %arg19[%swap3A_256], %swap3A_259 {strides = array<i32>} : memref<32xi32, #tpu.memory_space<vmem>>, vector<16xi32>,
      %shift_right_logical3A_260 = arith.constant 16 : i32
      %shift_right_logical3A_261 = vector.broadcast %shift_right_logical3A_260 : i32 to vector<16xi32>
      %shift_right_logical3A_262 = arith.shrui %get3A_252, %shift_right_logical3A_261 : vector<16xi32>
      %swap3A_263 = arith.constant 0 : index
      %swap3A_264 = tpu.vector_load %arg27[%swap3A_263] {strides = array<i32>} : memref<32xi32, #tpu.memory_space<vmem>>, vector<16xi32>,
      %swap3A_265 = vector.shape_cast %swap3A_264 : vector<16xi32> to vector<16xi32>
      %swap3A_266 = vector.shape_cast %shift_right_logical3A_262 : vector<16xi32> to vector<16xi32>
      tpu.vector_store %arg27[%swap3A_263], %swap3A_266 {strides = array<i32>} : memref<32xi32, #tpu.memory_space<vmem>>, vector<16xi32>,
      %get3A_267 = arith.index_cast %add3A_243 : i32 to index
      %get3A_268 = arith.constant 16 : index
      %get3A_269 = tpu.vector_load %arg6[%get3A_267, %get3A_268] {strides = array<i32>} : memref<80x128xi32, #tpu.memory_space<vmem>>, vector<1x16xi32>,
      %get3A_270 = vector.shape_cast %get3A_269 : vector<1x16xi32> to vector<16xi32>
      %and3A_271 = arith.constant 65535 : i32
      %and3A_272 = vector.broadcast %and3A_271 : i32 to vector<16xi32>
      %and3A_273 = arith.andi %get3A_270, %and3A_272 : vector<16xi32>
      %swap3A_274 = arith.constant 16 : index
      %swap3A_275 = tpu.vector_load %arg19[%swap3A_274] {strides = array<i32>} : memref<32xi32, #tpu.memory_space<vmem>>, vector<16xi32>,
      %swap3A_276 = vector.shape_cast %swap3A_275 : vector<16xi32> to vector<16xi32>
      %swap3A_277 = vector.shape_cast %and3A_273 : vector<16xi32> to vector<16xi32>
      tpu.vector_store %arg19[%swap3A_274], %swap3A_277 {strides = array<i32>} : memref<32xi32, #tpu.memory_space<vmem>>, vector<16xi32>,
      %shift_right_logical3A_278 = arith.constant 16 : i32
      %shift_right_logical3A_279 = vector.broadcast %shift_right_logical3A_278 : i32 to vector<16xi32>
      %shift_right_logical3A_280 = arith.shrui %get3A_270, %shift_right_logical3A_279 : vector<16xi32>
      %swap3A_281 = arith.constant 16 : index
      %swap3A_282 = tpu.vector_load %arg27[%swap3A_281] {strides = array<i32>} : memref<32xi32, #tpu.memory_space<vmem>>, vector<16xi32>,
      %swap3A_283 = vector.shape_cast %swap3A_282 : vector<16xi32> to vector<16xi32>
      %swap3A_284 = vector.shape_cast %shift_right_logical3A_280 : vector<16xi32> to vector<16xi32>
      tpu.vector_store %arg27[%swap3A_281], %swap3A_284 {strides = array<i32>} : memref<32xi32, #tpu.memory_space<vmem>>, vector<16xi32>,
      %dma_start3A_285 = arith.constant 0 : i32
      %dma_start3A_286 = arith.constant 0 : i32
      %dma_start3A_287 = tpu.memref_slice %arg2[%dma_start3A_285, %dma_start3A_286] : memref<10112x128xf32, #tpu.memory_space<hbm>> -> memref<10112x128xf32, #tpu.memory_space<hbm>>
      tpu.enqueue_indirect_dma source(%dma_start3A_287 : memref<10112x128xf32, #tpu.memory_space<hbm>>) target(%arg11 : memref<32x128xf32, #tpu.memory_space<vmem>>) offsets(%arg19 : memref<32xi32, #tpu.memory_space<vmem>>) semaphore(%arg36 : memref<!tpu.dma_semaphore, #tpu.memory_space<semaphore_mem>>)
      %mul3A_288 = arith.constant 2 : i32
      %mul3A_289 = arith.muli %scan3A_54, %mul3A_288 : i32
      %add3A_290 = arith.constant 1 : i32
      %add3A_291 = arith.addi %mul3A_289, %add3A_290 : i32
      %gt3A_292 = arith.constant 0 : i32
      %gt3A_293 = arith.cmpi sgt, %scan3A_54, %gt3A_292 : i32
      %convert_element_type3A_294 = arith.extui %gt3A_293 : i1 to i32
      %cond3A_295 = arith.constant 0 : i32
      %cond3A_296 = arith.cmpi ne, %convert_element_type3A_294, %cond3A_295 : i32
      scf.if %cond3A_296 {
        %dma_wait3A_480 = arith.constant 0 : i32
        %dma_wait3A_481 = arith.constant 0 : i32
        %dma_wait3A_482 = tpu.memref_slice %arg31[%dma_wait3A_480, %dma_wait3A_481] : memref<10112x128xf32, #tpu.memory_space<vmem_shared>> -> memref<10112x128xf32, #tpu.memory_space<vmem_shared>>
        tpu.wait_indirect_dma semaphore(%arg45 : memref<!tpu.dma_semaphore, #tpu.memory_space<semaphore_mem>>) src(%arg12 : memref<32x128xf32, #tpu.memory_space<vmem>>) dst(%dma_wait3A_482 : memref<10112x128xf32, #tpu.memory_space<vmem_shared>>)
      } else {
      }
      %get3A_297 = arith.index_cast %add3A_291 : i32 to index
      %get3A_298 = arith.constant 32 : index
      %get3A_299 = tpu.vector_load %arg6[%get3A_297, %get3A_298] {strides = array<i32>} : memref<80x128xi32, #tpu.memory_space<vmem>>, vector<1x16xi32>,
      %get3A_300 = vector.shape_cast %get3A_299 : vector<1x16xi32> to vector<16xi32>
      %and3A_301 = arith.constant 65535 : i32
      %and3A_302 = vector.broadcast %and3A_301 : i32 to vector<16xi32>
      %and3A_303 = arith.andi %get3A_300, %and3A_302 : vector<16xi32>
      %swap3A_304 = arith.constant 0 : index
      %swap3A_305 = tpu.vector_load %arg20[%swap3A_304] {strides = array<i32>} : memref<32xi32, #tpu.memory_space<vmem>>, vector<16xi32>,
      %swap3A_306 = vector.shape_cast %swap3A_305 : vector<16xi32> to vector<16xi32>
      %swap3A_307 = vector.shape_cast %and3A_303 : vector<16xi32> to vector<16xi32>
      tpu.vector_store %arg20[%swap3A_304], %swap3A_307 {strides = array<i32>} : memref<32xi32, #tpu.memory_space<vmem>>, vector<16xi32>,
      %shift_right_logical3A_308 = arith.constant 16 : i32
      %shift_right_logical3A_309 = vector.broadcast %shift_right_logical3A_308 : i32 to vector<16xi32>
      %shift_right_logical3A_310 = arith.shrui %get3A_300, %shift_right_logical3A_309 : vector<16xi32>
      %swap3A_311 = arith.constant 0 : index
      %swap3A_312 = tpu.vector_load %arg28[%swap3A_311] {strides = array<i32>} : memref<32xi32, #tpu.memory_space<vmem>>, vector<16xi32>,
      %swap3A_313 = vector.shape_cast %swap3A_312 : vector<16xi32> to vector<16xi32>
      %swap3A_314 = vector.shape_cast %shift_right_logical3A_310 : vector<16xi32> to vector<16xi32>
      tpu.vector_store %arg28[%swap3A_311], %swap3A_314 {strides = array<i32>} : memref<32xi32, #tpu.memory_space<vmem>>, vector<16xi32>,
      %get3A_315 = arith.index_cast %add3A_291 : i32 to index
      %get3A_316 = arith.constant 48 : index
      %get3A_317 = tpu.vector_load %arg6[%get3A_315, %get3A_316] {strides = array<i32>} : memref<80x128xi32, #tpu.memory_space<vmem>>, vector<1x16xi32>,
      %get3A_318 = vector.shape_cast %get3A_317 : vector<1x16xi32> to vector<16xi32>
      %and3A_319 = arith.constant 65535 : i32
      %and3A_320 = vector.broadcast %and3A_319 : i32 to vector<16xi32>
      %and3A_321 = arith.andi %get3A_318, %and3A_320 : vector<16xi32>
      %swap3A_322 = arith.constant 16 : index
      %swap3A_323 = tpu.vector_load %arg20[%swap3A_322] {strides = array<i32>} : memref<32xi32, #tpu.memory_space<vmem>>, vector<16xi32>,
      %swap3A_324 = vector.shape_cast %swap3A_323 : vector<16xi32> to vector<16xi32>
      %swap3A_325 = vector.shape_cast %and3A_321 : vector<16xi32> to vector<16xi32>
      tpu.vector_store %arg20[%swap3A_322], %swap3A_325 {strides = array<i32>} : memref<32xi32, #tpu.memory_space<vmem>>, vector<16xi32>,
      %shift_right_logical3A_326 = arith.constant 16 : i32
      %shift_right_logical3A_327 = vector.broadcast %shift_right_logical3A_326 : i32 to vector<16xi32>
      %shift_right_logical3A_328 = arith.shrui %get3A_318, %shift_right_logical3A_327 : vector<16xi32>
      %swap3A_329 = arith.constant 16 : index
      %swap3A_330 = tpu.vector_load %arg28[%swap3A_329] {strides = array<i32>} : memref<32xi32, #tpu.memory_space<vmem>>, vector<16xi32>,
      %swap3A_331 = vector.shape_cast %swap3A_330 : vector<16xi32> to vector<16xi32>
      %swap3A_332 = vector.shape_cast %shift_right_logical3A_328 : vector<16xi32> to vector<16xi32>
      tpu.vector_store %arg28[%swap3A_329], %swap3A_332 {strides = array<i32>} : memref<32xi32, #tpu.memory_space<vmem>>, vector<16xi32>,
      %dma_start3A_333 = arith.constant 0 : i32
      %dma_start3A_334 = arith.constant 0 : i32
      %dma_start3A_335 = tpu.memref_slice %arg2[%dma_start3A_333, %dma_start3A_334] : memref<10112x128xf32, #tpu.memory_space<hbm>> -> memref<10112x128xf32, #tpu.memory_space<hbm>>
      tpu.enqueue_indirect_dma source(%dma_start3A_335 : memref<10112x128xf32, #tpu.memory_space<hbm>>) target(%arg12 : memref<32x128xf32, #tpu.memory_space<vmem>>) offsets(%arg20 : memref<32xi32, #tpu.memory_space<vmem>>) semaphore(%arg37 : memref<!tpu.dma_semaphore, #tpu.memory_space<semaphore_mem>>)
      %mul3A_336 = arith.constant 2 : i32
      %mul3A_337 = arith.muli %scan3A_54, %mul3A_336 : i32
      %add3A_338 = arith.constant 1 : i32
      %add3A_339 = arith.addi %mul3A_337, %add3A_338 : i32
      %gt3A_340 = arith.constant 0 : i32
      %gt3A_341 = arith.cmpi sgt, %scan3A_54, %gt3A_340 : i32
      %convert_element_type3A_342 = arith.extui %gt3A_341 : i1 to i32
      %cond3A_343 = arith.constant 0 : i32
      %cond3A_344 = arith.cmpi ne, %convert_element_type3A_342, %cond3A_343 : i32
      scf.if %cond3A_344 {
        %dma_wait3A_480 = arith.constant 0 : i32
        %dma_wait3A_481 = arith.constant 0 : i32
        %dma_wait3A_482 = tpu.memref_slice %arg31[%dma_wait3A_480, %dma_wait3A_481] : memref<10112x128xf32, #tpu.memory_space<vmem_shared>> -> memref<10112x128xf32, #tpu.memory_space<vmem_shared>>
        tpu.wait_indirect_dma semaphore(%arg46 : memref<!tpu.dma_semaphore, #tpu.memory_space<semaphore_mem>>) src(%arg13 : memref<32x128xf32, #tpu.memory_space<vmem>>) dst(%dma_wait3A_482 : memref<10112x128xf32, #tpu.memory_space<vmem_shared>>)
      } else {
      }
      %get3A_345 = arith.index_cast %add3A_339 : i32 to index
      %get3A_346 = arith.constant 64 : index
      %get3A_347 = tpu.vector_load %arg6[%get3A_345, %get3A_346] {strides = array<i32>} : memref<80x128xi32, #tpu.memory_space<vmem>>, vector<1x16xi32>,
      %get3A_348 = vector.shape_cast %get3A_347 : vector<1x16xi32> to vector<16xi32>
      %and3A_349 = arith.constant 65535 : i32
      %and3A_350 = vector.broadcast %and3A_349 : i32 to vector<16xi32>
      %and3A_351 = arith.andi %get3A_348, %and3A_350 : vector<16xi32>
      %swap3A_352 = arith.constant 0 : index
      %swap3A_353 = tpu.vector_load %arg21[%swap3A_352] {strides = array<i32>} : memref<32xi32, #tpu.memory_space<vmem>>, vector<16xi32>,
      %swap3A_354 = vector.shape_cast %swap3A_353 : vector<16xi32> to vector<16xi32>
      %swap3A_355 = vector.shape_cast %and3A_351 : vector<16xi32> to vector<16xi32>
      tpu.vector_store %arg21[%swap3A_352], %swap3A_355 {strides = array<i32>} : memref<32xi32, #tpu.memory_space<vmem>>, vector<16xi32>,
      %shift_right_logical3A_356 = arith.constant 16 : i32
      %shift_right_logical3A_357 = vector.broadcast %shift_right_logical3A_356 : i32 to vector<16xi32>
      %shift_right_logical3A_358 = arith.shrui %get3A_348, %shift_right_logical3A_357 : vector<16xi32>
      %swap3A_359 = arith.constant 0 : index
      %swap3A_360 = tpu.vector_load %arg29[%swap3A_359] {strides = array<i32>} : memref<32xi32, #tpu.memory_space<vmem>>, vector<16xi32>,
      %swap3A_361 = vector.shape_cast %swap3A_360 : vector<16xi32> to vector<16xi32>
      %swap3A_362 = vector.shape_cast %shift_right_logical3A_358 : vector<16xi32> to vector<16xi32>
      tpu.vector_store %arg29[%swap3A_359], %swap3A_362 {strides = array<i32>} : memref<32xi32, #tpu.memory_space<vmem>>, vector<16xi32>,
      %get3A_363 = arith.index_cast %add3A_339 : i32 to index
      %get3A_364 = arith.constant 80 : index
      %get3A_365 = tpu.vector_load %arg6[%get3A_363, %get3A_364] {strides = array<i32>} : memref<80x128xi32, #tpu.memory_space<vmem>>, vector<1x16xi32>,
      %get3A_366 = vector.shape_cast %get3A_365 : vector<1x16xi32> to vector<16xi32>
      %and3A_367 = arith.constant 65535 : i32
      %and3A_368 = vector.broadcast %and3A_367 : i32 to vector<16xi32>
      %and3A_369 = arith.andi %get3A_366, %and3A_368 : vector<16xi32>
      %swap3A_370 = arith.constant 16 : index
      %swap3A_371 = tpu.vector_load %arg21[%swap3A_370] {strides = array<i32>} : memref<32xi32, #tpu.memory_space<vmem>>, vector<16xi32>,
      %swap3A_372 = vector.shape_cast %swap3A_371 : vector<16xi32> to vector<16xi32>
      %swap3A_373 = vector.shape_cast %and3A_369 : vector<16xi32> to vector<16xi32>
      tpu.vector_store %arg21[%swap3A_370], %swap3A_373 {strides = array<i32>} : memref<32xi32, #tpu.memory_space<vmem>>, vector<16xi32>,
      %shift_right_logical3A_374 = arith.constant 16 : i32
      %shift_right_logical3A_375 = vector.broadcast %shift_right_logical3A_374 : i32 to vector<16xi32>
      %shift_right_logical3A_376 = arith.shrui %get3A_366, %shift_right_logical3A_375 : vector<16xi32>
      %swap3A_377 = arith.constant 16 : index
      %swap3A_378 = tpu.vector_load %arg29[%swap3A_377] {strides = array<i32>} : memref<32xi32, #tpu.memory_space<vmem>>, vector<16xi32>,
      %swap3A_379 = vector.shape_cast %swap3A_378 : vector<16xi32> to vector<16xi32>
      %swap3A_380 = vector.shape_cast %shift_right_logical3A_376 : vector<16xi32> to vector<16xi32>
      tpu.vector_store %arg29[%swap3A_377], %swap3A_380 {strides = array<i32>} : memref<32xi32, #tpu.memory_space<vmem>>, vector<16xi32>,
      %dma_start3A_381 = arith.constant 0 : i32
      %dma_start3A_382 = arith.constant 0 : i32
      %dma_start3A_383 = tpu.memref_slice %arg2[%dma_start3A_381, %dma_start3A_382] : memref<10112x128xf32, #tpu.memory_space<hbm>> -> memref<10112x128xf32, #tpu.memory_space<hbm>>
      tpu.enqueue_indirect_dma source(%dma_start3A_383 : memref<10112x128xf32, #tpu.memory_space<hbm>>) target(%arg13 : memref<32x128xf32, #tpu.memory_space<vmem>>) offsets(%arg21 : memref<32xi32, #tpu.memory_space<vmem>>) semaphore(%arg38 : memref<!tpu.dma_semaphore, #tpu.memory_space<semaphore_mem>>)
      %mul3A_384 = arith.constant 2 : i32
      %mul3A_385 = arith.muli %scan3A_54, %mul3A_384 : i32
      %add3A_386 = arith.constant 1 : i32
      %add3A_387 = arith.addi %mul3A_385, %add3A_386 : i32
      %gt3A_388 = arith.constant 0 : i32
      %gt3A_389 = arith.cmpi sgt, %scan3A_54, %gt3A_388 : i32
      %convert_element_type3A_390 = arith.extui %gt3A_389 : i1 to i32
      %cond3A_391 = arith.constant 0 : i32
      %cond3A_392 = arith.cmpi ne, %convert_element_type3A_390, %cond3A_391 : i32
      scf.if %cond3A_392 {
        %dma_wait3A_480 = arith.constant 0 : i32
        %dma_wait3A_481 = arith.constant 0 : i32
        %dma_wait3A_482 = tpu.memref_slice %arg31[%dma_wait3A_480, %dma_wait3A_481] : memref<10112x128xf32, #tpu.memory_space<vmem_shared>> -> memref<10112x128xf32, #tpu.memory_space<vmem_shared>>
        tpu.wait_indirect_dma semaphore(%arg47 : memref<!tpu.dma_semaphore, #tpu.memory_space<semaphore_mem>>) src(%arg14 : memref<32x128xf32, #tpu.memory_space<vmem>>) dst(%dma_wait3A_482 : memref<10112x128xf32, #tpu.memory_space<vmem_shared>>)
      } else {
      }
      %get3A_393 = arith.index_cast %add3A_387 : i32 to index
      %get3A_394 = arith.constant 96 : index
      %get3A_395 = tpu.vector_load %arg6[%get3A_393, %get3A_394] {strides = array<i32>} : memref<80x128xi32, #tpu.memory_space<vmem>>, vector<1x16xi32>,
      %get3A_396 = vector.shape_cast %get3A_395 : vector<1x16xi32> to vector<16xi32>
      %and3A_397 = arith.constant 65535 : i32
      %and3A_398 = vector.broadcast %and3A_397 : i32 to vector<16xi32>
      %and3A_399 = arith.andi %get3A_396, %and3A_398 : vector<16xi32>
      %swap3A_400 = arith.constant 0 : index
      %swap3A_401 = tpu.vector_load %arg22[%swap3A_400] {strides = array<i32>} : memref<32xi32, #tpu.memory_space<vmem>>, vector<16xi32>,
      %swap3A_402 = vector.shape_cast %swap3A_401 : vector<16xi32> to vector<16xi32>
      %swap3A_403 = vector.shape_cast %and3A_399 : vector<16xi32> to vector<16xi32>
      tpu.vector_store %arg22[%swap3A_400], %swap3A_403 {strides = array<i32>} : memref<32xi32, #tpu.memory_space<vmem>>, vector<16xi32>,
      %shift_right_logical3A_404 = arith.constant 16 : i32
      %shift_right_logical3A_405 = vector.broadcast %shift_right_logical3A_404 : i32 to vector<16xi32>
      %shift_right_logical3A_406 = arith.shrui %get3A_396, %shift_right_logical3A_405 : vector<16xi32>
      %swap3A_407 = arith.constant 0 : index
      %swap3A_408 = tpu.vector_load %arg30[%swap3A_407] {strides = array<i32>} : memref<32xi32, #tpu.memory_space<vmem>>, vector<16xi32>,
      %swap3A_409 = vector.shape_cast %swap3A_408 : vector<16xi32> to vector<16xi32>
      %swap3A_410 = vector.shape_cast %shift_right_logical3A_406 : vector<16xi32> to vector<16xi32>
      tpu.vector_store %arg30[%swap3A_407], %swap3A_410 {strides = array<i32>} : memref<32xi32, #tpu.memory_space<vmem>>, vector<16xi32>,
      %get3A_411 = arith.index_cast %add3A_387 : i32 to index
      %get3A_412 = arith.constant 112 : index
      %get3A_413 = tpu.vector_load %arg6[%get3A_411, %get3A_412] {strides = array<i32>} : memref<80x128xi32, #tpu.memory_space<vmem>>, vector<1x16xi32>,
      %get3A_414 = vector.shape_cast %get3A_413 : vector<1x16xi32> to vector<16xi32>
      %and3A_415 = arith.constant 65535 : i32
      %and3A_416 = vector.broadcast %and3A_415 : i32 to vector<16xi32>
      %and3A_417 = arith.andi %get3A_414, %and3A_416 : vector<16xi32>
      %swap3A_418 = arith.constant 16 : index
      %swap3A_419 = tpu.vector_load %arg22[%swap3A_418] {strides = array<i32>} : memref<32xi32, #tpu.memory_space<vmem>>, vector<16xi32>,
      %swap3A_420 = vector.shape_cast %swap3A_419 : vector<16xi32> to vector<16xi32>
      %swap3A_421 = vector.shape_cast %and3A_417 : vector<16xi32> to vector<16xi32>
      tpu.vector_store %arg22[%swap3A_418], %swap3A_421 {strides = array<i32>} : memref<32xi32, #tpu.memory_space<vmem>>, vector<16xi32>,
      %shift_right_logical3A_422 = arith.constant 16 : i32
      %shift_right_logical3A_423 = vector.broadcast %shift_right_logical3A_422 : i32 to vector<16xi32>
      %shift_right_logical3A_424 = arith.shrui %get3A_414, %shift_right_logical3A_423 : vector<16xi32>
      %swap3A_425 = arith.constant 16 : index
      %swap3A_426 = tpu.vector_load %arg30[%swap3A_425] {strides = array<i32>} : memref<32xi32, #tpu.memory_space<vmem>>, vector<16xi32>,
      %swap3A_427 = vector.shape_cast %swap3A_426 : vector<16xi32> to vector<16xi32>
      %swap3A_428 = vector.shape_cast %shift_right_logical3A_424 : vector<16xi32> to vector<16xi32>
      tpu.vector_store %arg30[%swap3A_425], %swap3A_428 {strides = array<i32>} : memref<32xi32, #tpu.memory_space<vmem>>, vector<16xi32>,
      %dma_start3A_429 = arith.constant 0 : i32
      %dma_start3A_430 = arith.constant 0 : i32
      %dma_start3A_431 = tpu.memref_slice %arg2[%dma_start3A_429, %dma_start3A_430] : memref<10112x128xf32, #tpu.memory_space<hbm>> -> memref<10112x128xf32, #tpu.memory_space<hbm>>
      tpu.enqueue_indirect_dma source(%dma_start3A_431 : memref<10112x128xf32, #tpu.memory_space<hbm>>) target(%arg14 : memref<32x128xf32, #tpu.memory_space<vmem>>) offsets(%arg22 : memref<32xi32, #tpu.memory_space<vmem>>) semaphore(%arg39 : memref<!tpu.dma_semaphore, #tpu.memory_space<semaphore_mem>>)
      %dma_wait3A_432 = arith.constant 0 : i32
      %dma_wait3A_433 = arith.constant 0 : i32
      %dma_wait3A_434 = tpu.memref_slice %arg2[%dma_wait3A_432, %dma_wait3A_433] : memref<10112x128xf32, #tpu.memory_space<hbm>> -> memref<10112x128xf32, #tpu.memory_space<hbm>>
      tpu.wait_indirect_dma semaphore(%arg32 : memref<!tpu.dma_semaphore, #tpu.memory_space<semaphore_mem>>) src(%dma_wait3A_434 : memref<10112x128xf32, #tpu.memory_space<hbm>>) dst(%arg7 : memref<32x128xf32, #tpu.memory_space<vmem>>)
      %dma_start3A_435 = arith.constant 0 : i32
      %dma_start3A_436 = arith.constant 0 : i32
      %dma_start3A_437 = tpu.memref_slice %arg31[%dma_start3A_435, %dma_start3A_436] : memref<10112x128xf32, #tpu.memory_space<vmem_shared>> -> memref<10112x128xf32, #tpu.memory_space<vmem_shared>>
      tpu.enqueue_indirect_dma source(%arg7 : memref<32x128xf32, #tpu.memory_space<vmem>>) target(%dma_start3A_437 : memref<10112x128xf32, #tpu.memory_space<vmem_shared>>) offsets(%arg23 : memref<32xi32, #tpu.memory_space<vmem>>) semaphore(%arg40 : memref<!tpu.dma_semaphore, #tpu.memory_space<semaphore_mem>>) {add = true}
      %dma_wait3A_438 = arith.constant 0 : i32
      %dma_wait3A_439 = arith.constant 0 : i32
      %dma_wait3A_440 = tpu.memref_slice %arg2[%dma_wait3A_438, %dma_wait3A_439] : memref<10112x128xf32, #tpu.memory_space<hbm>> -> memref<10112x128xf32, #tpu.memory_space<hbm>>
      tpu.wait_indirect_dma semaphore(%arg33 : memref<!tpu.dma_semaphore, #tpu.memory_space<semaphore_mem>>) src(%dma_wait3A_440 : memref<10112x128xf32, #tpu.memory_space<hbm>>) dst(%arg8 : memref<32x128xf32, #tpu.memory_space<vmem>>)
      %dma_start3A_441 = arith.constant 0 : i32
      %dma_start3A_442 = arith.constant 0 : i32
      %dma_start3A_443 = tpu.memref_slice %arg31[%dma_start3A_441, %dma_start3A_442] : memref<10112x128xf32, #tpu.memory_space<vmem_shared>> -> memref<10112x128xf32, #tpu.memory_space<vmem_shared>>
      tpu.enqueue_indirect_dma source(%arg8 : memref<32x128xf32, #tpu.memory_space<vmem>>) target(%dma_start3A_443 : memref<10112x128xf32, #tpu.memory_space<vmem_shared>>) offsets(%arg24 : memref<32xi32, #tpu.memory_space<vmem>>) semaphore(%arg41 : memref<!tpu.dma_semaphore, #tpu.memory_space<semaphore_mem>>) {add = true}
      %dma_wait3A_444 = arith.constant 0 : i32
      %dma_wait3A_445 = arith.constant 0 : i32
      %dma_wait3A_446 = tpu.memref_slice %arg2[%dma_wait3A_444, %dma_wait3A_445] : memref<10112x128xf32, #tpu.memory_space<hbm>> -> memref<10112x128xf32, #tpu.memory_space<hbm>>
      tpu.wait_indirect_dma semaphore(%arg34 : memref<!tpu.dma_semaphore, #tpu.memory_space<semaphore_mem>>) src(%dma_wait3A_446 : memref<10112x128xf32, #tpu.memory_space<hbm>>) dst(%arg9 : memref<32x128xf32, #tpu.memory_space<vmem>>)
      %dma_start3A_447 = arith.constant 0 : i32
      %dma_start3A_448 = arith.constant 0 : i32
      %dma_start3A_449 = tpu.memref_slice %arg31[%dma_start3A_447, %dma_start3A_448] : memref<10112x128xf32, #tpu.memory_space<vmem_shared>> -> memref<10112x128xf32, #tpu.memory_space<vmem_shared>>
      tpu.enqueue_indirect_dma source(%arg9 : memref<32x128xf32, #tpu.memory_space<vmem>>) target(%dma_start3A_449 : memref<10112x128xf32, #tpu.memory_space<vmem_shared>>) offsets(%arg25 : memref<32xi32, #tpu.memory_space<vmem>>) semaphore(%arg42 : memref<!tpu.dma_semaphore, #tpu.memory_space<semaphore_mem>>) {add = true}
      %dma_wait3A_450 = arith.constant 0 : i32
      %dma_wait3A_451 = arith.constant 0 : i32
      %dma_wait3A_452 = tpu.memref_slice %arg2[%dma_wait3A_450, %dma_wait3A_451] : memref<10112x128xf32, #tpu.memory_space<hbm>> -> memref<10112x128xf32, #tpu.memory_space<hbm>>
      tpu.wait_indirect_dma semaphore(%arg35 : memref<!tpu.dma_semaphore, #tpu.memory_space<semaphore_mem>>) src(%dma_wait3A_452 : memref<10112x128xf32, #tpu.memory_space<hbm>>) dst(%arg10 : memref<32x128xf32, #tpu.memory_space<vmem>>)
      %dma_start3A_453 = arith.constant 0 : i32
      %dma_start3A_454 = arith.constant 0 : i32
      %dma_start3A_455 = tpu.memref_slice %arg31[%dma_start3A_453, %dma_start3A_454] : memref<10112x128xf32, #tpu.memory_space<vmem_shared>> -> memref<10112x128xf32, #tpu.memory_space<vmem_shared>>
      tpu.enqueue_indirect_dma source(%arg10 : memref<32x128xf32, #tpu.memory_space<vmem>>) target(%dma_start3A_455 : memref<10112x128xf32, #tpu.memory_space<vmem_shared>>) offsets(%arg26 : memref<32xi32, #tpu.memory_space<vmem>>) semaphore(%arg43 : memref<!tpu.dma_semaphore, #tpu.memory_space<semaphore_mem>>) {add = true}
      %dma_wait3A_456 = arith.constant 0 : i32
      %dma_wait3A_457 = arith.constant 0 : i32
      %dma_wait3A_458 = tpu.memref_slice %arg2[%dma_wait3A_456, %dma_wait3A_457] : memref<10112x128xf32, #tpu.memory_space<hbm>> -> memref<10112x128xf32, #tpu.memory_space<hbm>>
      tpu.wait_indirect_dma semaphore(%arg36 : memref<!tpu.dma_semaphore, #tpu.memory_space<semaphore_mem>>) src(%dma_wait3A_458 : memref<10112x128xf32, #tpu.memory_space<hbm>>) dst(%arg11 : memref<32x128xf32, #tpu.memory_space<vmem>>)
      %dma_start3A_459 = arith.constant 0 : i32
      %dma_start3A_460 = arith.constant 0 : i32
      %dma_start3A_461 = tpu.memref_slice %arg31[%dma_start3A_459, %dma_start3A_460] : memref<10112x128xf32, #tpu.memory_space<vmem_shared>> -> memref<10112x128xf32, #tpu.memory_space<vmem_shared>>
      tpu.enqueue_indirect_dma source(%arg11 : memref<32x128xf32, #tpu.memory_space<vmem>>) target(%dma_start3A_461 : memref<10112x128xf32, #tpu.memory_space<vmem_shared>>) offsets(%arg27 : memref<32xi32, #tpu.memory_space<vmem>>) semaphore(%arg44 : memref<!tpu.dma_semaphore, #tpu.memory_space<semaphore_mem>>) {add = true}
      %dma_wait3A_462 = arith.constant 0 : i32
      %dma_wait3A_463 = arith.constant 0 : i32
      %dma_wait3A_464 = tpu.memref_slice %arg2[%dma_wait3A_462, %dma_wait3A_463] : memref<10112x128xf32, #tpu.memory_space<hbm>> -> memref<10112x128xf32, #tpu.memory_space<hbm>>
      tpu.wait_indirect_dma semaphore(%arg37 : memref<!tpu.dma_semaphore, #tpu.memory_space<semaphore_mem>>) src(%dma_wait3A_464 : memref<10112x128xf32, #tpu.memory_space<hbm>>) dst(%arg12 : memref<32x128xf32, #tpu.memory_space<vmem>>)
      %dma_start3A_465 = arith.constant 0 : i32
      %dma_start3A_466 = arith.constant 0 : i32
      %dma_start3A_467 = tpu.memref_slice %arg31[%dma_start3A_465, %dma_start3A_466] : memref<10112x128xf32, #tpu.memory_space<vmem_shared>> -> memref<10112x128xf32, #tpu.memory_space<vmem_shared>>
      tpu.enqueue_indirect_dma source(%arg12 : memref<32x128xf32, #tpu.memory_space<vmem>>) target(%dma_start3A_467 : memref<10112x128xf32, #tpu.memory_space<vmem_shared>>) offsets(%arg28 : memref<32xi32, #tpu.memory_space<vmem>>) semaphore(%arg45 : memref<!tpu.dma_semaphore, #tpu.memory_space<semaphore_mem>>) {add = true}
      %dma_wait3A_468 = arith.constant 0 : i32
      %dma_wait3A_469 = arith.constant 0 : i32
      %dma_wait3A_470 = tpu.memref_slice %arg2[%dma_wait3A_468, %dma_wait3A_469] : memref<10112x128xf32, #tpu.memory_space<hbm>> -> memref<10112x128xf32, #tpu.memory_space<hbm>>
      tpu.wait_indirect_dma semaphore(%arg38 : memref<!tpu.dma_semaphore, #tpu.memory_space<semaphore_mem>>) src(%dma_wait3A_470 : memref<10112x128xf32, #tpu.memory_space<hbm>>) dst(%arg13 : memref<32x128xf32, #tpu.memory_space<vmem>>)
      %dma_start3A_471 = arith.constant 0 : i32
      %dma_start3A_472 = arith.constant 0 : i32
      %dma_start3A_473 = tpu.memref_slice %arg31[%dma_start3A_471, %dma_start3A_472] : memref<10112x128xf32, #tpu.memory_space<vmem_shared>> -> memref<10112x128xf32, #tpu.memory_space<vmem_shared>>
      tpu.enqueue_indirect_dma source(%arg13 : memref<32x128xf32, #tpu.memory_space<vmem>>) target(%dma_start3A_473 : memref<10112x128xf32, #tpu.memory_space<vmem_shared>>) offsets(%arg29 : memref<32xi32, #tpu.memory_space<vmem>>) semaphore(%arg46 : memref<!tpu.dma_semaphore, #tpu.memory_space<semaphore_mem>>) {add = true}
      %dma_wait3A_474 = arith.constant 0 : i32
      %dma_wait3A_475 = arith.constant 0 : i32
      %dma_wait3A_476 = tpu.memref_slice %arg2[%dma_wait3A_474, %dma_wait3A_475] : memref<10112x128xf32, #tpu.memory_space<hbm>> -> memref<10112x128xf32, #tpu.memory_space<hbm>>
      tpu.wait_indirect_dma semaphore(%arg39 : memref<!tpu.dma_semaphore, #tpu.memory_space<semaphore_mem>>) src(%dma_wait3A_476 : memref<10112x128xf32, #tpu.memory_space<hbm>>) dst(%arg14 : memref<32x128xf32, #tpu.memory_space<vmem>>)
      %dma_start3A_477 = arith.constant 0 : i32
      %dma_start3A_478 = arith.constant 0 : i32
      %dma_start3A_479 = tpu.memref_slice %arg31[%dma_start3A_477, %dma_start3A_478] : memref<10112x128xf32, #tpu.memory_space<vmem_shared>> -> memref<10112x128xf32, #tpu.memory_space<vmem_shared>>
      tpu.enqueue_indirect_dma source(%arg14 : memref<32x128xf32, #tpu.memory_space<vmem>>) target(%dma_start3A_479 : memref<10112x128xf32, #tpu.memory_space<vmem_shared>>) offsets(%arg30 : memref<32xi32, #tpu.memory_space<vmem>>) semaphore(%arg47 : memref<!tpu.dma_semaphore, #tpu.memory_space<semaphore_mem>>) {add = true}
    }
    %scan3A_25 = arith.constant 40 : i32
    %dma_wait3A_26 = arith.constant 0 : i32
    %dma_wait3A_27 = arith.constant 0 : i32
    %dma_wait3A_28 = tpu.memref_slice %arg31[%dma_wait3A_26, %dma_wait3A_27] : memref<10112x128xf32, #tpu.memory_space<vmem_shared>> -> memref<10112x128xf32, #tpu.memory_space<vmem_shared>>
    tpu.wait_indirect_dma semaphore(%arg40 : memref<!tpu.dma_semaphore, #tpu.memory_space<semaphore_mem>>) src(%arg7 : memref<32x128xf32, #tpu.memory_space<vmem>>) dst(%dma_wait3A_28 : memref<10112x128xf32, #tpu.memory_space<vmem_shared>>)
    %dma_wait3A_29 = arith.constant 0 : i32
    %dma_wait3A_30 = arith.constant 0 : i32
    %dma_wait3A_31 = tpu.memref_slice %arg31[%dma_wait3A_29, %dma_wait3A_30] : memref<10112x128xf32, #tpu.memory_space<vmem_shared>> -> memref<10112x128xf32, #tpu.memory_space<vmem_shared>>
    tpu.wait_indirect_dma semaphore(%arg41 : memref<!tpu.dma_semaphore, #tpu.memory_space<semaphore_mem>>) src(%arg8 : memref<32x128xf32, #tpu.memory_space<vmem>>) dst(%dma_wait3A_31 : memref<10112x128xf32, #tpu.memory_space<vmem_shared>>)
    %dma_wait3A_32 = arith.constant 0 : i32
    %dma_wait3A_33 = arith.constant 0 : i32
    %dma_wait3A_34 = tpu.memref_slice %arg31[%dma_wait3A_32, %dma_wait3A_33] : memref<10112x128xf32, #tpu.memory_space<vmem_shared>> -> memref<10112x128xf32, #tpu.memory_space<vmem_shared>>
    tpu.wait_indirect_dma semaphore(%arg42 : memref<!tpu.dma_semaphore, #tpu.memory_space<semaphore_mem>>) src(%arg9 : memref<32x128xf32, #tpu.memory_space<vmem>>) dst(%dma_wait3A_34 : memref<10112x128xf32, #tpu.memory_space<vmem_shared>>)
    %dma_wait3A_35 = arith.constant 0 : i32
    %dma_wait3A_36 = arith.constant 0 : i32
    %dma_wait3A_37 = tpu.memref_slice %arg31[%dma_wait3A_35, %dma_wait3A_36] : memref<10112x128xf32, #tpu.memory_space<vmem_shared>> -> memref<10112x128xf32, #tpu.memory_space<vmem_shared>>
    tpu.wait_indirect_dma semaphore(%arg43 : memref<!tpu.dma_semaphore, #tpu.memory_space<semaphore_mem>>) src(%arg10 : memref<32x128xf32, #tpu.memory_space<vmem>>) dst(%dma_wait3A_37 : memref<10112x128xf32, #tpu.memory_space<vmem_shared>>)
    %dma_wait3A_38 = arith.constant 0 : i32
    %dma_wait3A_39 = arith.constant 0 : i32
    %dma_wait3A_40 = tpu.memref_slice %arg31[%dma_wait3A_38, %dma_wait3A_39] : memref<10112x128xf32, #tpu.memory_space<vmem_shared>> -> memref<10112x128xf32, #tpu.memory_space<vmem_shared>>
    tpu.wait_indirect_dma semaphore(%arg44 : memref<!tpu.dma_semaphore, #tpu.memory_space<semaphore_mem>>) src(%arg11 : memref<32x128xf32, #tpu.memory_space<vmem>>) dst(%dma_wait3A_40 : memref<10112x128xf32, #tpu.memory_space<vmem_shared>>)
    %dma_wait3A_41 = arith.constant 0 : i32
    %dma_wait3A_42 = arith.constant 0 : i32
    %dma_wait3A_43 = tpu.memref_slice %arg31[%dma_wait3A_41, %dma_wait3A_42] : memref<10112x128xf32, #tpu.memory_space<vmem_shared>> -> memref<10112x128xf32, #tpu.memory_space<vmem_shared>>
    tpu.wait_indirect_dma semaphore(%arg45 : memref<!tpu.dma_semaphore, #tpu.memory_space<semaphore_mem>>) src(%arg12 : memref<32x128xf32, #tpu.memory_space<vmem>>) dst(%dma_wait3A_43 : memref<10112x128xf32, #tpu.memory_space<vmem_shared>>)
    %dma_wait3A_44 = arith.constant 0 : i32
    %dma_wait3A_45 = arith.constant 0 : i32
    %dma_wait3A_46 = tpu.memref_slice %arg31[%dma_wait3A_44, %dma_wait3A_45] : memref<10112x128xf32, #tpu.memory_space<vmem_shared>> -> memref<10112x128xf32, #tpu.memory_space<vmem_shared>>
    tpu.wait_indirect_dma semaphore(%arg46 : memref<!tpu.dma_semaphore, #tpu.memory_space<semaphore_mem>>) src(%arg13 : memref<32x128xf32, #tpu.memory_space<vmem>>) dst(%dma_wait3A_46 : memref<10112x128xf32, #tpu.memory_space<vmem_shared>>)
    %dma_wait3A_47 = arith.constant 0 : i32
    %dma_wait3A_48 = arith.constant 0 : i32
    %dma_wait3A_49 = tpu.memref_slice %arg31[%dma_wait3A_47, %dma_wait3A_48] : memref<10112x128xf32, #tpu.memory_space<vmem_shared>> -> memref<10112x128xf32, #tpu.memory_space<vmem_shared>>
    tpu.wait_indirect_dma semaphore(%arg47 : memref<!tpu.dma_semaphore, #tpu.memory_space<semaphore_mem>>) src(%arg14 : memref<32x128xf32, #tpu.memory_space<vmem>>) dst(%dma_wait3A_49 : memref<10112x128xf32, #tpu.memory_space<vmem_shared>>)
    %barrier3A_50 = arith.constant 0 : index
    tpu.barrier barrier_id(%barrier3A_50)
    %mul3A_51 = arith.constant 10112 : i32
    %mul3A_52 = arith.muli %arg0, %mul3A_51 : i32
    %add3A_53 = arith.addi %mul3A_52, %mul3A_2 : i32
    "tpu.region"() ({
      %run_scoped3A = tpu.sem_alloc : memref<!tpu.dma_semaphore, #tpu.memory_space<semaphore_mem>>
      %dma_start3A_54 = arith.constant 0 : i32
      %dma_start3A_55 = tpu.memref_slice %arg5[%add3A_53, %dma_start3A_54] : memref<20224x128xf32, #tpu.memory_space<hbm>> -> memref<632x128xf32, #tpu.memory_space<hbm>>
      %dma_start3A_56 = arith.constant 0 : i32
      %dma_start3A_57 = tpu.memref_slice %arg31[%mul3A_2, %dma_start3A_56] : memref<10112x128xf32, #tpu.memory_space<vmem_shared>> -> memref<632x128xf32, #tpu.memory_space<vmem_shared>>
      tpu.enqueue_dma source(%dma_start3A_57 : memref<632x128xf32, #tpu.memory_space<vmem_shared>>) target(%dma_start3A_55 : memref<632x128xf32, #tpu.memory_space<hbm>>) target_semaphore(%run_scoped3A : memref<!tpu.dma_semaphore, #tpu.memory_space<semaphore_mem>>)
      %dma_wait3A_58 = arith.constant 0 : i32
      %dma_wait3A_59 = tpu.memref_slice %arg5[%add3A_53, %dma_wait3A_58] : memref<20224x128xf32, #tpu.memory_space<hbm>> -> memref<632x128xf32, #tpu.memory_space<hbm>>
      %dma_wait3A_60 = arith.constant 0 : i32
      %dma_wait3A_61 = tpu.memref_slice %arg31[%mul3A_2, %dma_wait3A_60] : memref<10112x128xf32, #tpu.memory_space<vmem_shared>> -> memref<632x128xf32, #tpu.memory_space<vmem_shared>>
      tpu.wait_dma2 semaphore(%run_scoped3A : memref<!tpu.dma_semaphore, #tpu.memory_space<semaphore_mem>>) src(%dma_wait3A_61 : memref<632x128xf32, #tpu.memory_space<vmem_shared>>) dst(%dma_wait3A_59 : memref<632x128xf32, #tpu.memory_space<hbm>>)
      tpu.yield
    }) : () -> ()
    return
  }
}

#map = affine_map<(d0, d1) -> (0, 0)>
module attributes {stable_mosaic.version = 14 : i64} {
  func.func @agg_kernel(%arg0: i32, %arg1: i32, %arg2: memref<10112x128xf32, #tpu.memory_space<hbm>>, %arg3: memref<2560x128xi32, #tpu.memory_space<hbm>>, %arg4: memref<10112x128xf32, #tpu.memory_space<hbm>>, %arg5: memref<20224x128xf32, #tpu.memory_space<hbm>>, %arg6: memref<80x128xi32, #tpu.memory_space<vmem>>, %arg7: memref<32x128xf32, #tpu.memory_space<vmem>>, %arg8: memref<32x128xf32, #tpu.memory_space<vmem>>, %arg9: memref<32x128xf32, #tpu.memory_space<vmem>>, %arg10: memref<32x128xf32, #tpu.memory_space<vmem>>, %arg11: memref<32x128xf32, #tpu.memory_space<vmem>>, %arg12: memref<32x128xf32, #tpu.memory_space<vmem>>, %arg13: memref<32x128xf32, #tpu.memory_space<vmem>>, %arg14: memref<32x128xf32, #tpu.memory_space<vmem>>, %arg15: memref<32xi32, #tpu.memory_space<vmem>>, %arg16: memref<32xi32, #tpu.memory_space<vmem>>, %arg17: memref<32xi32, #tpu.memory_space<vmem>>, %arg18: memref<32xi32, #tpu.memory_space<vmem>>, %arg19: memref<32xi32, #tpu.memory_space<vmem>>, %arg20: memref<32xi32, #tpu.memory_space<vmem>>, %arg21: memref<32xi32, #tpu.memory_space<vmem>>, %arg22: memref<32xi32, #tpu.memory_space<vmem>>, %arg23: memref<32xi32, #tpu.memory_space<vmem>>, %arg24: memref<32xi32, #tpu.memory_space<vmem>>, %arg25: memref<32xi32, #tpu.memory_space<vmem>>, %arg26: memref<32xi32, #tpu.memory_space<vmem>>, %arg27: memref<32xi32, #tpu.memory_space<vmem>>, %arg28: memref<32xi32, #tpu.memory_space<vmem>>, %arg29: memref<32xi32, #tpu.memory_space<vmem>>, %arg30: memref<32xi32, #tpu.memory_space<vmem>>, %arg31: memref<10112x128xf32, #tpu.memory_space<vmem_shared>>, %arg32: memref<!tpu.dma_semaphore, #tpu.memory_space<semaphore_mem>>, %arg33: memref<!tpu.dma_semaphore, #tpu.memory_space<semaphore_mem>>, %arg34: memref<!tpu.dma_semaphore, #tpu.memory_space<semaphore_mem>>, %arg35: memref<!tpu.dma_semaphore, #tpu.memory_space<semaphore_mem>>, %arg36: memref<!tpu.dma_semaphore, #tpu.memory_space<semaphore_mem>>, %arg37: memref<!tpu.dma_semaphore, #tpu.memory_space<semaphore_mem>>, %arg38: memref<!tpu.dma_semaphore, #tpu.memory_space<semaphore_mem>>, %arg39: memref<!tpu.dma_semaphore, #tpu.memory_space<semaphore_mem>>, %arg40: memref<!tpu.dma_semaphore, #tpu.memory_space<semaphore_mem>>, %arg41: memref<!tpu.dma_semaphore, #tpu.memory_space<semaphore_mem>>, %arg42: memref<!tpu.dma_semaphore, #tpu.memory_space<semaphore_mem>>, %arg43: memref<!tpu.dma_semaphore, #tpu.memory_space<semaphore_mem>>, %arg44: memref<!tpu.dma_semaphore, #tpu.memory_space<semaphore_mem>>, %arg45: memref<!tpu.dma_semaphore, #tpu.memory_space<semaphore_mem>>, %arg46: memref<!tpu.dma_semaphore, #tpu.memory_space<semaphore_mem>>, %arg47: memref<!tpu.dma_semaphore, #tpu.memory_space<semaphore_mem>>) attributes {dimension_semantics = [#tpu.dimension_semantics<core_parallel>, #tpu.dimension_semantics<subcore_parallel>], iteration_bounds = array<i64: 2, 16>, scalar_prefetch = 0 : i64, scratch_operands = 42 : i64, tpu.core_type = #tpu.core_type<sc_vector_subcore>, window_params = [{transform_indices = #map}, {transform_indices = #map}, {transform_indices = #map}, {transform_indices = #map}]} {
    %mul3A = arith.constant 2 : i32
    %mul3A_0 = arith.muli %arg1, %mul3A : i32
    %add3A = arith.addi %mul3A_0, %arg0 : i32
    %mul3A_1 = arith.constant 632 : i32
    %mul3A_2 = arith.muli %arg1, %mul3A_1 : i32
    %mul3A_3 = arith.constant 80 : i32
    %mul3A_4 = arith.muli %add3A, %mul3A_3 : i32
    %dma_start3A = arith.constant 0 : i32
    %dma_start3A_5 = tpu.memref_slice %arg3[%mul3A_4, %dma_start3A] : memref<2560x128xi32, #tpu.memory_space<hbm>> -> memref<80x128xi32, #tpu.memory_space<hbm>>
    %dma_start3A_6 = arith.constant 0 : i32
    %dma_start3A_7 = tpu.memref_slice %arg3[%mul3A_4, %dma_start3A_6] : memref<2560x128xi32, #tpu.memory_space<hbm>> -> memref<80x128xi32, #tpu.memory_space<hbm>>
    tpu.enqueue_dma source(%dma_start3A_7 : memref<80x128xi32, #tpu.memory_space<hbm>>) target(%arg6 : memref<80x128xi32, #tpu.memory_space<vmem>>) target_semaphore(%arg32 : memref<!tpu.dma_semaphore, #tpu.memory_space<semaphore_mem>>)
    %dma_start3A_8 = arith.constant 0 : i32
    %dma_start3A_9 = tpu.memref_slice %arg31[%mul3A_2, %dma_start3A_8] : memref<10112x128xf32, #tpu.memory_space<vmem_shared>> -> memref<632x128xf32, #tpu.memory_space<vmem_shared>>
    %dma_start3A_10 = arith.constant 0 : i32
    %dma_start3A_11 = tpu.memref_slice %arg4[%mul3A_2, %dma_start3A_10] : memref<10112x128xf32, #tpu.memory_space<hbm>> -> memref<632x128xf32, #tpu.memory_space<hbm>>
    tpu.enqueue_dma source(%dma_start3A_11 : memref<632x128xf32, #tpu.memory_space<hbm>>) target(%dma_start3A_9 : memref<632x128xf32, #tpu.memory_space<vmem_shared>>) target_semaphore(%arg40 : memref<!tpu.dma_semaphore, #tpu.memory_space<semaphore_mem>>)
    %mul3A_12 = arith.constant 80 : i32
    %mul3A_13 = arith.muli %add3A, %mul3A_12 : i32
    %dma_wait3A = arith.constant 0 : i32
    %dma_wait3A_14 = tpu.memref_slice %arg3[%mul3A_13, %dma_wait3A] : memref<2560x128xi32, #tpu.memory_space<hbm>> -> memref<80x128xi32, #tpu.memory_space<hbm>>
    %dma_wait3A_15 = arith.constant 0 : i32
    %dma_wait3A_16 = tpu.memref_slice %arg3[%mul3A_13, %dma_wait3A_15] : memref<2560x128xi32, #tpu.memory_space<hbm>> -> memref<80x128xi32, #tpu.memory_space<hbm>>
    tpu.wait_dma2 semaphore(%arg32 : memref<!tpu.dma_semaphore, #tpu.memory_space<semaphore_mem>>) src(%dma_wait3A_16 : memref<80x128xi32, #tpu.memory_space<hbm>>) dst(%arg6 : memref<80x128xi32, #tpu.memory_space<vmem>>)
    %dma_wait3A_17 = arith.constant 0 : i32
    %dma_wait3A_18 = tpu.memref_slice %arg31[%mul3A_2, %dma_wait3A_17] : memref<10112x128xf32, #tpu.memory_space<vmem_shared>> -> memref<632x128xf32, #tpu.memory_space<vmem_shared>>
    %dma_wait3A_19 = arith.constant 0 : i32
    %dma_wait3A_20 = tpu.memref_slice %arg4[%mul3A_2, %dma_wait3A_19] : memref<10112x128xf32, #tpu.memory_space<hbm>> -> memref<632x128xf32, #tpu.memory_space<hbm>>
    tpu.wait_dma2 semaphore(%arg40 : memref<!tpu.dma_semaphore, #tpu.memory_space<semaphore_mem>>) src(%dma_wait3A_20 : memref<632x128xf32, #tpu.memory_space<hbm>>) dst(%dma_wait3A_18 : memref<632x128xf32, #tpu.memory_space<vmem_shared>>)
    %barrier3A = arith.constant 0 : index
    tpu.barrier barrier_id(%barrier3A)
    %scan3A = arith.constant 0 : i32
    %scan3A_21 = arith.constant 0 : i32
    %scan3A_22 = arith.constant 40 : i32
    %scan3A_23 = arith.addi %scan3A_21, %scan3A_22 : i32
    %scan3A_24 = arith.constant 1 : i32
    scf.for %scan3A_54 = %scan3A_21 to %scan3A_23 step %scan3A_24  : i32 {
      %mul3A_55 = arith.constant 2 : i32
      %mul3A_56 = arith.muli %scan3A_54, %mul3A_55 : i32
      %add3A_57 = arith.constant 0 : i32
      %add3A_58 = arith.addi %mul3A_56, %add3A_57 : i32
      %gt3A = arith.constant 0 : i32
      %gt3A_59 = arith.cmpi sgt, %scan3A_54, %gt3A : i32
      %convert_element_type3A = arith.extui %gt3A_59 : i1 to i32
      %cond3A = arith.constant 0 : i32
      %cond3A_60 = arith.cmpi ne, %convert_element_type3A, %cond3A : i32
      scf.if %cond3A_60 {
        %dma_wait3A_480 = arith.constant 0 : i32
        %dma_wait3A_481 = arith.constant 0 : i32
        %dma_wait3A_482 = tpu.memref_slice %arg31[%dma_wait3A_480, %dma_wait3A_481] : memref<10112x128xf32, #tpu.memory_space<vmem_shared>> -> memref<10112x128xf32, #tpu.memory_space<vmem_shared>>
        tpu.wait_indirect_dma semaphore(%arg40 : memref<!tpu.dma_semaphore, #tpu.memory_space<semaphore_mem>>) src(%arg7 : memref<32x128xf32, #tpu.memory_space<vmem>>) dst(%dma_wait3A_482 : memref<10112x128xf32, #tpu.memory_space<vmem_shared>>)
      } else {
      }
      %get3A = arith.index_cast %add3A_58 : i32 to index
      %get3A_61 = arith.constant 0 : index
      %get3A_62 = tpu.vector_load %arg6[%get3A, %get3A_61] {strides = array<i32>} : memref<80x128xi32, #tpu.memory_space<vmem>>, vector<1x16xi32>,
      %get3A_63 = vector.shape_cast %get3A_62 : vector<1x16xi32> to vector<16xi32>
      %and3A = arith.constant 65535 : i32
      %and3A_64 = vector.broadcast %and3A : i32 to vector<16xi32>
      %and3A_65 = arith.andi %get3A_63, %and3A_64 : vector<16xi32>
      %swap3A = arith.constant 0 : index
      %swap3A_66 = tpu.vector_load %arg15[%swap3A] {strides = array<i32>} : memref<32xi32, #tpu.memory_space<vmem>>, vector<16xi32>,
      %swap3A_67 = vector.shape_cast %swap3A_66 : vector<16xi32> to vector<16xi32>
      %swap3A_68 = vector.shape_cast %and3A_65 : vector<16xi32> to vector<16xi32>
      tpu.vector_store %arg15[%swap3A], %swap3A_68 {strides = array<i32>} : memref<32xi32, #tpu.memory_space<vmem>>, vector<16xi32>,
      %shift_right_logical3A = arith.constant 16 : i32
      %shift_right_logical3A_69 = vector.broadcast %shift_right_logical3A : i32 to vector<16xi32>
      %shift_right_logical3A_70 = arith.shrui %get3A_63, %shift_right_logical3A_69 : vector<16xi32>
      %swap3A_71 = arith.constant 0 : index
      %swap3A_72 = tpu.vector_load %arg23[%swap3A_71] {strides = array<i32>} : memref<32xi32, #tpu.memory_space<vmem>>, vector<16xi32>,
      %swap3A_73 = vector.shape_cast %swap3A_72 : vector<16xi32> to vector<16xi32>
      %swap3A_74 = vector.shape_cast %shift_right_logical3A_70 : vector<16xi32> to vector<16xi32>
      tpu.vector_store %arg23[%swap3A_71], %swap3A_74 {strides = array<i32>} : memref<32xi32, #tpu.memory_space<vmem>>, vector<16xi32>,
      %get3A_75 = arith.index_cast %add3A_58 : i32 to index
      %get3A_76 = arith.constant 16 : index
      %get3A_77 = tpu.vector_load %arg6[%get3A_75, %get3A_76] {strides = array<i32>} : memref<80x128xi32, #tpu.memory_space<vmem>>, vector<1x16xi32>,
      %get3A_78 = vector.shape_cast %get3A_77 : vector<1x16xi32> to vector<16xi32>
      %and3A_79 = arith.constant 65535 : i32
      %and3A_80 = vector.broadcast %and3A_79 : i32 to vector<16xi32>
      %and3A_81 = arith.andi %get3A_78, %and3A_80 : vector<16xi32>
      %swap3A_82 = arith.constant 16 : index
      %swap3A_83 = tpu.vector_load %arg15[%swap3A_82] {strides = array<i32>} : memref<32xi32, #tpu.memory_space<vmem>>, vector<16xi32>,
      %swap3A_84 = vector.shape_cast %swap3A_83 : vector<16xi32> to vector<16xi32>
      %swap3A_85 = vector.shape_cast %and3A_81 : vector<16xi32> to vector<16xi32>
      tpu.vector_store %arg15[%swap3A_82], %swap3A_85 {strides = array<i32>} : memref<32xi32, #tpu.memory_space<vmem>>, vector<16xi32>,
      %shift_right_logical3A_86 = arith.constant 16 : i32
      %shift_right_logical3A_87 = vector.broadcast %shift_right_logical3A_86 : i32 to vector<16xi32>
      %shift_right_logical3A_88 = arith.shrui %get3A_78, %shift_right_logical3A_87 : vector<16xi32>
      %swap3A_89 = arith.constant 16 : index
      %swap3A_90 = tpu.vector_load %arg23[%swap3A_89] {strides = array<i32>} : memref<32xi32, #tpu.memory_space<vmem>>, vector<16xi32>,
      %swap3A_91 = vector.shape_cast %swap3A_90 : vector<16xi32> to vector<16xi32>
      %swap3A_92 = vector.shape_cast %shift_right_logical3A_88 : vector<16xi32> to vector<16xi32>
      tpu.vector_store %arg23[%swap3A_89], %swap3A_92 {strides = array<i32>} : memref<32xi32, #tpu.memory_space<vmem>>, vector<16xi32>,
      %dma_start3A_93 = arith.constant 0 : i32
      %dma_start3A_94 = arith.constant 0 : i32
      %dma_start3A_95 = tpu.memref_slice %arg2[%dma_start3A_93, %dma_start3A_94] : memref<10112x128xf32, #tpu.memory_space<hbm>> -> memref<10112x128xf32, #tpu.memory_space<hbm>>
      tpu.enqueue_indirect_dma source(%dma_start3A_95 : memref<10112x128xf32, #tpu.memory_space<hbm>>) target(%arg7 : memref<32x128xf32, #tpu.memory_space<vmem>>) offsets(%arg15 : memref<32xi32, #tpu.memory_space<vmem>>) semaphore(%arg32 : memref<!tpu.dma_semaphore, #tpu.memory_space<semaphore_mem>>)
      %mul3A_96 = arith.constant 2 : i32
      %mul3A_97 = arith.muli %scan3A_54, %mul3A_96 : i32
      %add3A_98 = arith.constant 0 : i32
      %add3A_99 = arith.addi %mul3A_97, %add3A_98 : i32
      %gt3A_100 = arith.constant 0 : i32
      %gt3A_101 = arith.cmpi sgt, %scan3A_54, %gt3A_100 : i32
      %convert_element_type3A_102 = arith.extui %gt3A_101 : i1 to i32
      %cond3A_103 = arith.constant 0 : i32
      %cond3A_104 = arith.cmpi ne, %convert_element_type3A_102, %cond3A_103 : i32
      scf.if %cond3A_104 {
        %dma_wait3A_480 = arith.constant 0 : i32
        %dma_wait3A_481 = arith.constant 0 : i32
        %dma_wait3A_482 = tpu.memref_slice %arg31[%dma_wait3A_480, %dma_wait3A_481] : memref<10112x128xf32, #tpu.memory_space<vmem_shared>> -> memref<10112x128xf32, #tpu.memory_space<vmem_shared>>
        tpu.wait_indirect_dma semaphore(%arg41 : memref<!tpu.dma_semaphore, #tpu.memory_space<semaphore_mem>>) src(%arg8 : memref<32x128xf32, #tpu.memory_space<vmem>>) dst(%dma_wait3A_482 : memref<10112x128xf32, #tpu.memory_space<vmem_shared>>)
      } else {
      }
      %get3A_105 = arith.index_cast %add3A_99 : i32 to index
      %get3A_106 = arith.constant 32 : index
      %get3A_107 = tpu.vector_load %arg6[%get3A_105, %get3A_106] {strides = array<i32>} : memref<80x128xi32, #tpu.memory_space<vmem>>, vector<1x16xi32>,
      %get3A_108 = vector.shape_cast %get3A_107 : vector<1x16xi32> to vector<16xi32>
      %and3A_109 = arith.constant 65535 : i32
      %and3A_110 = vector.broadcast %and3A_109 : i32 to vector<16xi32>
      %and3A_111 = arith.andi %get3A_108, %and3A_110 : vector<16xi32>
      %swap3A_112 = arith.constant 0 : index
      %swap3A_113 = tpu.vector_load %arg16[%swap3A_112] {strides = array<i32>} : memref<32xi32, #tpu.memory_space<vmem>>, vector<16xi32>,
      %swap3A_114 = vector.shape_cast %swap3A_113 : vector<16xi32> to vector<16xi32>
      %swap3A_115 = vector.shape_cast %and3A_111 : vector<16xi32> to vector<16xi32>
      tpu.vector_store %arg16[%swap3A_112], %swap3A_115 {strides = array<i32>} : memref<32xi32, #tpu.memory_space<vmem>>, vector<16xi32>,
      %shift_right_logical3A_116 = arith.constant 16 : i32
      %shift_right_logical3A_117 = vector.broadcast %shift_right_logical3A_116 : i32 to vector<16xi32>
      %shift_right_logical3A_118 = arith.shrui %get3A_108, %shift_right_logical3A_117 : vector<16xi32>
      %swap3A_119 = arith.constant 0 : index
      %swap3A_120 = tpu.vector_load %arg24[%swap3A_119] {strides = array<i32>} : memref<32xi32, #tpu.memory_space<vmem>>, vector<16xi32>,
      %swap3A_121 = vector.shape_cast %swap3A_120 : vector<16xi32> to vector<16xi32>
      %swap3A_122 = vector.shape_cast %shift_right_logical3A_118 : vector<16xi32> to vector<16xi32>
      tpu.vector_store %arg24[%swap3A_119], %swap3A_122 {strides = array<i32>} : memref<32xi32, #tpu.memory_space<vmem>>, vector<16xi32>,
      %get3A_123 = arith.index_cast %add3A_99 : i32 to index
      %get3A_124 = arith.constant 48 : index
      %get3A_125 = tpu.vector_load %arg6[%get3A_123, %get3A_124] {strides = array<i32>} : memref<80x128xi32, #tpu.memory_space<vmem>>, vector<1x16xi32>,
      %get3A_126 = vector.shape_cast %get3A_125 : vector<1x16xi32> to vector<16xi32>
      %and3A_127 = arith.constant 65535 : i32
      %and3A_128 = vector.broadcast %and3A_127 : i32 to vector<16xi32>
      %and3A_129 = arith.andi %get3A_126, %and3A_128 : vector<16xi32>
      %swap3A_130 = arith.constant 16 : index
      %swap3A_131 = tpu.vector_load %arg16[%swap3A_130] {strides = array<i32>} : memref<32xi32, #tpu.memory_space<vmem>>, vector<16xi32>,
      %swap3A_132 = vector.shape_cast %swap3A_131 : vector<16xi32> to vector<16xi32>
      %swap3A_133 = vector.shape_cast %and3A_129 : vector<16xi32> to vector<16xi32>
      tpu.vector_store %arg16[%swap3A_130], %swap3A_133 {strides = array<i32>} : memref<32xi32, #tpu.memory_space<vmem>>, vector<16xi32>,
      %shift_right_logical3A_134 = arith.constant 16 : i32
      %shift_right_logical3A_135 = vector.broadcast %shift_right_logical3A_134 : i32 to vector<16xi32>
      %shift_right_logical3A_136 = arith.shrui %get3A_126, %shift_right_logical3A_135 : vector<16xi32>
      %swap3A_137 = arith.constant 16 : index
      %swap3A_138 = tpu.vector_load %arg24[%swap3A_137] {strides = array<i32>} : memref<32xi32, #tpu.memory_space<vmem>>, vector<16xi32>,
      %swap3A_139 = vector.shape_cast %swap3A_138 : vector<16xi32> to vector<16xi32>
      %swap3A_140 = vector.shape_cast %shift_right_logical3A_136 : vector<16xi32> to vector<16xi32>
      tpu.vector_store %arg24[%swap3A_137], %swap3A_140 {strides = array<i32>} : memref<32xi32, #tpu.memory_space<vmem>>, vector<16xi32>,
      %dma_start3A_141 = arith.constant 0 : i32
      %dma_start3A_142 = arith.constant 0 : i32
      %dma_start3A_143 = tpu.memref_slice %arg2[%dma_start3A_141, %dma_start3A_142] : memref<10112x128xf32, #tpu.memory_space<hbm>> -> memref<10112x128xf32, #tpu.memory_space<hbm>>
      tpu.enqueue_indirect_dma source(%dma_start3A_143 : memref<10112x128xf32, #tpu.memory_space<hbm>>) target(%arg8 : memref<32x128xf32, #tpu.memory_space<vmem>>) offsets(%arg16 : memref<32xi32, #tpu.memory_space<vmem>>) semaphore(%arg33 : memref<!tpu.dma_semaphore, #tpu.memory_space<semaphore_mem>>)
      %mul3A_144 = arith.constant 2 : i32
      %mul3A_145 = arith.muli %scan3A_54, %mul3A_144 : i32
      %add3A_146 = arith.constant 0 : i32
      %add3A_147 = arith.addi %mul3A_145, %add3A_146 : i32
      %gt3A_148 = arith.constant 0 : i32
      %gt3A_149 = arith.cmpi sgt, %scan3A_54, %gt3A_148 : i32
      %convert_element_type3A_150 = arith.extui %gt3A_149 : i1 to i32
      %cond3A_151 = arith.constant 0 : i32
      %cond3A_152 = arith.cmpi ne, %convert_element_type3A_150, %cond3A_151 : i32
      scf.if %cond3A_152 {
        %dma_wait3A_480 = arith.constant 0 : i32
        %dma_wait3A_481 = arith.constant 0 : i32
        %dma_wait3A_482 = tpu.memref_slice %arg31[%dma_wait3A_480, %dma_wait3A_481] : memref<10112x128xf32, #tpu.memory_space<vmem_shared>> -> memref<10112x128xf32, #tpu.memory_space<vmem_shared>>
        tpu.wait_indirect_dma semaphore(%arg42 : memref<!tpu.dma_semaphore, #tpu.memory_space<semaphore_mem>>) src(%arg9 : memref<32x128xf32, #tpu.memory_space<vmem>>) dst(%dma_wait3A_482 : memref<10112x128xf32, #tpu.memory_space<vmem_shared>>)
      } else {
      }
      %get3A_153 = arith.index_cast %add3A_147 : i32 to index
      %get3A_154 = arith.constant 64 : index
      %get3A_155 = tpu.vector_load %arg6[%get3A_153, %get3A_154] {strides = array<i32>} : memref<80x128xi32, #tpu.memory_space<vmem>>, vector<1x16xi32>,
      %get3A_156 = vector.shape_cast %get3A_155 : vector<1x16xi32> to vector<16xi32>
      %and3A_157 = arith.constant 65535 : i32
      %and3A_158 = vector.broadcast %and3A_157 : i32 to vector<16xi32>
      %and3A_159 = arith.andi %get3A_156, %and3A_158 : vector<16xi32>
      %swap3A_160 = arith.constant 0 : index
      %swap3A_161 = tpu.vector_load %arg17[%swap3A_160] {strides = array<i32>} : memref<32xi32, #tpu.memory_space<vmem>>, vector<16xi32>,
      %swap3A_162 = vector.shape_cast %swap3A_161 : vector<16xi32> to vector<16xi32>
      %swap3A_163 = vector.shape_cast %and3A_159 : vector<16xi32> to vector<16xi32>
      tpu.vector_store %arg17[%swap3A_160], %swap3A_163 {strides = array<i32>} : memref<32xi32, #tpu.memory_space<vmem>>, vector<16xi32>,
      %shift_right_logical3A_164 = arith.constant 16 : i32
      %shift_right_logical3A_165 = vector.broadcast %shift_right_logical3A_164 : i32 to vector<16xi32>
      %shift_right_logical3A_166 = arith.shrui %get3A_156, %shift_right_logical3A_165 : vector<16xi32>
      %swap3A_167 = arith.constant 0 : index
      %swap3A_168 = tpu.vector_load %arg25[%swap3A_167] {strides = array<i32>} : memref<32xi32, #tpu.memory_space<vmem>>, vector<16xi32>,
      %swap3A_169 = vector.shape_cast %swap3A_168 : vector<16xi32> to vector<16xi32>
      %swap3A_170 = vector.shape_cast %shift_right_logical3A_166 : vector<16xi32> to vector<16xi32>
      tpu.vector_store %arg25[%swap3A_167], %swap3A_170 {strides = array<i32>} : memref<32xi32, #tpu.memory_space<vmem>>, vector<16xi32>,
      %get3A_171 = arith.index_cast %add3A_147 : i32 to index
      %get3A_172 = arith.constant 80 : index
      %get3A_173 = tpu.vector_load %arg6[%get3A_171, %get3A_172] {strides = array<i32>} : memref<80x128xi32, #tpu.memory_space<vmem>>, vector<1x16xi32>,
      %get3A_174 = vector.shape_cast %get3A_173 : vector<1x16xi32> to vector<16xi32>
      %and3A_175 = arith.constant 65535 : i32
      %and3A_176 = vector.broadcast %and3A_175 : i32 to vector<16xi32>
      %and3A_177 = arith.andi %get3A_174, %and3A_176 : vector<16xi32>
      %swap3A_178 = arith.constant 16 : index
      %swap3A_179 = tpu.vector_load %arg17[%swap3A_178] {strides = array<i32>} : memref<32xi32, #tpu.memory_space<vmem>>, vector<16xi32>,
      %swap3A_180 = vector.shape_cast %swap3A_179 : vector<16xi32> to vector<16xi32>
      %swap3A_181 = vector.shape_cast %and3A_177 : vector<16xi32> to vector<16xi32>
      tpu.vector_store %arg17[%swap3A_178], %swap3A_181 {strides = array<i32>} : memref<32xi32, #tpu.memory_space<vmem>>, vector<16xi32>,
      %shift_right_logical3A_182 = arith.constant 16 : i32
      %shift_right_logical3A_183 = vector.broadcast %shift_right_logical3A_182 : i32 to vector<16xi32>
      %shift_right_logical3A_184 = arith.shrui %get3A_174, %shift_right_logical3A_183 : vector<16xi32>
      %swap3A_185 = arith.constant 16 : index
      %swap3A_186 = tpu.vector_load %arg25[%swap3A_185] {strides = array<i32>} : memref<32xi32, #tpu.memory_space<vmem>>, vector<16xi32>,
      %swap3A_187 = vector.shape_cast %swap3A_186 : vector<16xi32> to vector<16xi32>
      %swap3A_188 = vector.shape_cast %shift_right_logical3A_184 : vector<16xi32> to vector<16xi32>
      tpu.vector_store %arg25[%swap3A_185], %swap3A_188 {strides = array<i32>} : memref<32xi32, #tpu.memory_space<vmem>>, vector<16xi32>,
      %dma_start3A_189 = arith.constant 0 : i32
      %dma_start3A_190 = arith.constant 0 : i32
      %dma_start3A_191 = tpu.memref_slice %arg2[%dma_start3A_189, %dma_start3A_190] : memref<10112x128xf32, #tpu.memory_space<hbm>> -> memref<10112x128xf32, #tpu.memory_space<hbm>>
      tpu.enqueue_indirect_dma source(%dma_start3A_191 : memref<10112x128xf32, #tpu.memory_space<hbm>>) target(%arg9 : memref<32x128xf32, #tpu.memory_space<vmem>>) offsets(%arg17 : memref<32xi32, #tpu.memory_space<vmem>>) semaphore(%arg34 : memref<!tpu.dma_semaphore, #tpu.memory_space<semaphore_mem>>)
      %mul3A_192 = arith.constant 2 : i32
      %mul3A_193 = arith.muli %scan3A_54, %mul3A_192 : i32
      %add3A_194 = arith.constant 0 : i32
      %add3A_195 = arith.addi %mul3A_193, %add3A_194 : i32
      %gt3A_196 = arith.constant 0 : i32
      %gt3A_197 = arith.cmpi sgt, %scan3A_54, %gt3A_196 : i32
      %convert_element_type3A_198 = arith.extui %gt3A_197 : i1 to i32
      %cond3A_199 = arith.constant 0 : i32
      %cond3A_200 = arith.cmpi ne, %convert_element_type3A_198, %cond3A_199 : i32
      scf.if %cond3A_200 {
        %dma_wait3A_480 = arith.constant 0 : i32
        %dma_wait3A_481 = arith.constant 0 : i32
        %dma_wait3A_482 = tpu.memref_slice %arg31[%dma_wait3A_480, %dma_wait3A_481] : memref<10112x128xf32, #tpu.memory_space<vmem_shared>> -> memref<10112x128xf32, #tpu.memory_space<vmem_shared>>
        tpu.wait_indirect_dma semaphore(%arg43 : memref<!tpu.dma_semaphore, #tpu.memory_space<semaphore_mem>>) src(%arg10 : memref<32x128xf32, #tpu.memory_space<vmem>>) dst(%dma_wait3A_482 : memref<10112x128xf32, #tpu.memory_space<vmem_shared>>)
      } else {
      }
      %get3A_201 = arith.index_cast %add3A_195 : i32 to index
      %get3A_202 = arith.constant 96 : index
      %get3A_203 = tpu.vector_load %arg6[%get3A_201, %get3A_202] {strides = array<i32>} : memref<80x128xi32, #tpu.memory_space<vmem>>, vector<1x16xi32>,
      %get3A_204 = vector.shape_cast %get3A_203 : vector<1x16xi32> to vector<16xi32>
      %and3A_205 = arith.constant 65535 : i32
      %and3A_206 = vector.broadcast %and3A_205 : i32 to vector<16xi32>
      %and3A_207 = arith.andi %get3A_204, %and3A_206 : vector<16xi32>
      %swap3A_208 = arith.constant 0 : index
      %swap3A_209 = tpu.vector_load %arg18[%swap3A_208] {strides = array<i32>} : memref<32xi32, #tpu.memory_space<vmem>>, vector<16xi32>,
      %swap3A_210 = vector.shape_cast %swap3A_209 : vector<16xi32> to vector<16xi32>
      %swap3A_211 = vector.shape_cast %and3A_207 : vector<16xi32> to vector<16xi32>
      tpu.vector_store %arg18[%swap3A_208], %swap3A_211 {strides = array<i32>} : memref<32xi32, #tpu.memory_space<vmem>>, vector<16xi32>,
      %shift_right_logical3A_212 = arith.constant 16 : i32
      %shift_right_logical3A_213 = vector.broadcast %shift_right_logical3A_212 : i32 to vector<16xi32>
      %shift_right_logical3A_214 = arith.shrui %get3A_204, %shift_right_logical3A_213 : vector<16xi32>
      %swap3A_215 = arith.constant 0 : index
      %swap3A_216 = tpu.vector_load %arg26[%swap3A_215] {strides = array<i32>} : memref<32xi32, #tpu.memory_space<vmem>>, vector<16xi32>,
      %swap3A_217 = vector.shape_cast %swap3A_216 : vector<16xi32> to vector<16xi32>
      %swap3A_218 = vector.shape_cast %shift_right_logical3A_214 : vector<16xi32> to vector<16xi32>
      tpu.vector_store %arg26[%swap3A_215], %swap3A_218 {strides = array<i32>} : memref<32xi32, #tpu.memory_space<vmem>>, vector<16xi32>,
      %get3A_219 = arith.index_cast %add3A_195 : i32 to index
      %get3A_220 = arith.constant 112 : index
      %get3A_221 = tpu.vector_load %arg6[%get3A_219, %get3A_220] {strides = array<i32>} : memref<80x128xi32, #tpu.memory_space<vmem>>, vector<1x16xi32>,
      %get3A_222 = vector.shape_cast %get3A_221 : vector<1x16xi32> to vector<16xi32>
      %and3A_223 = arith.constant 65535 : i32
      %and3A_224 = vector.broadcast %and3A_223 : i32 to vector<16xi32>
      %and3A_225 = arith.andi %get3A_222, %and3A_224 : vector<16xi32>
      %swap3A_226 = arith.constant 16 : index
      %swap3A_227 = tpu.vector_load %arg18[%swap3A_226] {strides = array<i32>} : memref<32xi32, #tpu.memory_space<vmem>>, vector<16xi32>,
      %swap3A_228 = vector.shape_cast %swap3A_227 : vector<16xi32> to vector<16xi32>
      %swap3A_229 = vector.shape_cast %and3A_225 : vector<16xi32> to vector<16xi32>
      tpu.vector_store %arg18[%swap3A_226], %swap3A_229 {strides = array<i32>} : memref<32xi32, #tpu.memory_space<vmem>>, vector<16xi32>,
      %shift_right_logical3A_230 = arith.constant 16 : i32
      %shift_right_logical3A_231 = vector.broadcast %shift_right_logical3A_230 : i32 to vector<16xi32>
      %shift_right_logical3A_232 = arith.shrui %get3A_222, %shift_right_logical3A_231 : vector<16xi32>
      %swap3A_233 = arith.constant 16 : index
      %swap3A_234 = tpu.vector_load %arg26[%swap3A_233] {strides = array<i32>} : memref<32xi32, #tpu.memory_space<vmem>>, vector<16xi32>,
      %swap3A_235 = vector.shape_cast %swap3A_234 : vector<16xi32> to vector<16xi32>
      %swap3A_236 = vector.shape_cast %shift_right_logical3A_232 : vector<16xi32> to vector<16xi32>
      tpu.vector_store %arg26[%swap3A_233], %swap3A_236 {strides = array<i32>} : memref<32xi32, #tpu.memory_space<vmem>>, vector<16xi32>,
      %dma_start3A_237 = arith.constant 0 : i32
      %dma_start3A_238 = arith.constant 0 : i32
      %dma_start3A_239 = tpu.memref_slice %arg2[%dma_start3A_237, %dma_start3A_238] : memref<10112x128xf32, #tpu.memory_space<hbm>> -> memref<10112x128xf32, #tpu.memory_space<hbm>>
      tpu.enqueue_indirect_dma source(%dma_start3A_239 : memref<10112x128xf32, #tpu.memory_space<hbm>>) target(%arg10 : memref<32x128xf32, #tpu.memory_space<vmem>>) offsets(%arg18 : memref<32xi32, #tpu.memory_space<vmem>>) semaphore(%arg35 : memref<!tpu.dma_semaphore, #tpu.memory_space<semaphore_mem>>)
      %mul3A_240 = arith.constant 2 : i32
      %mul3A_241 = arith.muli %scan3A_54, %mul3A_240 : i32
      %add3A_242 = arith.constant 1 : i32
      %add3A_243 = arith.addi %mul3A_241, %add3A_242 : i32
      %gt3A_244 = arith.constant 0 : i32
      %gt3A_245 = arith.cmpi sgt, %scan3A_54, %gt3A_244 : i32
      %convert_element_type3A_246 = arith.extui %gt3A_245 : i1 to i32
      %cond3A_247 = arith.constant 0 : i32
      %cond3A_248 = arith.cmpi ne, %convert_element_type3A_246, %cond3A_247 : i32
      scf.if %cond3A_248 {
        %dma_wait3A_480 = arith.constant 0 : i32
        %dma_wait3A_481 = arith.constant 0 : i32
        %dma_wait3A_482 = tpu.memref_slice %arg31[%dma_wait3A_480, %dma_wait3A_481] : memref<10112x128xf32, #tpu.memory_space<vmem_shared>> -> memref<10112x128xf32, #tpu.memory_space<vmem_shared>>
        tpu.wait_indirect_dma semaphore(%arg44 : memref<!tpu.dma_semaphore, #tpu.memory_space<semaphore_mem>>) src(%arg11 : memref<32x128xf32, #tpu.memory_space<vmem>>) dst(%dma_wait3A_482 : memref<10112x128xf32, #tpu.memory_space<vmem_shared>>)
      } else {
      }
      %get3A_249 = arith.index_cast %add3A_243 : i32 to index
      %get3A_250 = arith.constant 0 : index
      %get3A_251 = tpu.vector_load %arg6[%get3A_249, %get3A_250] {strides = array<i32>} : memref<80x128xi32, #tpu.memory_space<vmem>>, vector<1x16xi32>,
      %get3A_252 = vector.shape_cast %get3A_251 : vector<1x16xi32> to vector<16xi32>
      %and3A_253 = arith.constant 65535 : i32
      %and3A_254 = vector.broadcast %and3A_253 : i32 to vector<16xi32>
      %and3A_255 = arith.andi %get3A_252, %and3A_254 : vector<16xi32>
      %swap3A_256 = arith.constant 0 : index
      %swap3A_257 = tpu.vector_load %arg19[%swap3A_256] {strides = array<i32>} : memref<32xi32, #tpu.memory_space<vmem>>, vector<16xi32>,
      %swap3A_258 = vector.shape_cast %swap3A_257 : vector<16xi32> to vector<16xi32>
      %swap3A_259 = vector.shape_cast %and3A_255 : vector<16xi32> to vector<16xi32>
      tpu.vector_store %arg19[%swap3A_256], %swap3A_259 {strides = array<i32>} : memref<32xi32, #tpu.memory_space<vmem>>, vector<16xi32>,
      %shift_right_logical3A_260 = arith.constant 16 : i32
      %shift_right_logical3A_261 = vector.broadcast %shift_right_logical3A_260 : i32 to vector<16xi32>
      %shift_right_logical3A_262 = arith.shrui %get3A_252, %shift_right_logical3A_261 : vector<16xi32>
      %swap3A_263 = arith.constant 0 : index
      %swap3A_264 = tpu.vector_load %arg27[%swap3A_263] {strides = array<i32>} : memref<32xi32, #tpu.memory_space<vmem>>, vector<16xi32>,
      %swap3A_265 = vector.shape_cast %swap3A_264 : vector<16xi32> to vector<16xi32>
      %swap3A_266 = vector.shape_cast %shift_right_logical3A_262 : vector<16xi32> to vector<16xi32>
      tpu.vector_store %arg27[%swap3A_263], %swap3A_266 {strides = array<i32>} : memref<32xi32, #tpu.memory_space<vmem>>, vector<16xi32>,
      %get3A_267 = arith.index_cast %add3A_243 : i32 to index
      %get3A_268 = arith.constant 16 : index
      %get3A_269 = tpu.vector_load %arg6[%get3A_267, %get3A_268] {strides = array<i32>} : memref<80x128xi32, #tpu.memory_space<vmem>>, vector<1x16xi32>,
      %get3A_270 = vector.shape_cast %get3A_269 : vector<1x16xi32> to vector<16xi32>
      %and3A_271 = arith.constant 65535 : i32
      %and3A_272 = vector.broadcast %and3A_271 : i32 to vector<16xi32>
      %and3A_273 = arith.andi %get3A_270, %and3A_272 : vector<16xi32>
      %swap3A_274 = arith.constant 16 : index
      %swap3A_275 = tpu.vector_load %arg19[%swap3A_274] {strides = array<i32>} : memref<32xi32, #tpu.memory_space<vmem>>, vector<16xi32>,
      %swap3A_276 = vector.shape_cast %swap3A_275 : vector<16xi32> to vector<16xi32>
      %swap3A_277 = vector.shape_cast %and3A_273 : vector<16xi32> to vector<16xi32>
      tpu.vector_store %arg19[%swap3A_274], %swap3A_277 {strides = array<i32>} : memref<32xi32, #tpu.memory_space<vmem>>, vector<16xi32>,
      %shift_right_logical3A_278 = arith.constant 16 : i32
      %shift_right_logical3A_279 = vector.broadcast %shift_right_logical3A_278 : i32 to vector<16xi32>
      %shift_right_logical3A_280 = arith.shrui %get3A_270, %shift_right_logical3A_279 : vector<16xi32>
      %swap3A_281 = arith.constant 16 : index
      %swap3A_282 = tpu.vector_load %arg27[%swap3A_281] {strides = array<i32>} : memref<32xi32, #tpu.memory_space<vmem>>, vector<16xi32>,
      %swap3A_283 = vector.shape_cast %swap3A_282 : vector<16xi32> to vector<16xi32>
      %swap3A_284 = vector.shape_cast %shift_right_logical3A_280 : vector<16xi32> to vector<16xi32>
      tpu.vector_store %arg27[%swap3A_281], %swap3A_284 {strides = array<i32>} : memref<32xi32, #tpu.memory_space<vmem>>, vector<16xi32>,
      %dma_start3A_285 = arith.constant 0 : i32
      %dma_start3A_286 = arith.constant 0 : i32
      %dma_start3A_287 = tpu.memref_slice %arg2[%dma_start3A_285, %dma_start3A_286] : memref<10112x128xf32, #tpu.memory_space<hbm>> -> memref<10112x128xf32, #tpu.memory_space<hbm>>
      tpu.enqueue_indirect_dma source(%dma_start3A_287 : memref<10112x128xf32, #tpu.memory_space<hbm>>) target(%arg11 : memref<32x128xf32, #tpu.memory_space<vmem>>) offsets(%arg19 : memref<32xi32, #tpu.memory_space<vmem>>) semaphore(%arg36 : memref<!tpu.dma_semaphore, #tpu.memory_space<semaphore_mem>>)
      %mul3A_288 = arith.constant 2 : i32
      %mul3A_289 = arith.muli %scan3A_54, %mul3A_288 : i32
      %add3A_290 = arith.constant 1 : i32
      %add3A_291 = arith.addi %mul3A_289, %add3A_290 : i32
      %gt3A_292 = arith.constant 0 : i32
      %gt3A_293 = arith.cmpi sgt, %scan3A_54, %gt3A_292 : i32
      %convert_element_type3A_294 = arith.extui %gt3A_293 : i1 to i32
      %cond3A_295 = arith.constant 0 : i32
      %cond3A_296 = arith.cmpi ne, %convert_element_type3A_294, %cond3A_295 : i32
      scf.if %cond3A_296 {
        %dma_wait3A_480 = arith.constant 0 : i32
        %dma_wait3A_481 = arith.constant 0 : i32
        %dma_wait3A_482 = tpu.memref_slice %arg31[%dma_wait3A_480, %dma_wait3A_481] : memref<10112x128xf32, #tpu.memory_space<vmem_shared>> -> memref<10112x128xf32, #tpu.memory_space<vmem_shared>>
        tpu.wait_indirect_dma semaphore(%arg45 : memref<!tpu.dma_semaphore, #tpu.memory_space<semaphore_mem>>) src(%arg12 : memref<32x128xf32, #tpu.memory_space<vmem>>) dst(%dma_wait3A_482 : memref<10112x128xf32, #tpu.memory_space<vmem_shared>>)
      } else {
      }
      %get3A_297 = arith.index_cast %add3A_291 : i32 to index
      %get3A_298 = arith.constant 32 : index
      %get3A_299 = tpu.vector_load %arg6[%get3A_297, %get3A_298] {strides = array<i32>} : memref<80x128xi32, #tpu.memory_space<vmem>>, vector<1x16xi32>,
      %get3A_300 = vector.shape_cast %get3A_299 : vector<1x16xi32> to vector<16xi32>
      %and3A_301 = arith.constant 65535 : i32
      %and3A_302 = vector.broadcast %and3A_301 : i32 to vector<16xi32>
      %and3A_303 = arith.andi %get3A_300, %and3A_302 : vector<16xi32>
      %swap3A_304 = arith.constant 0 : index
      %swap3A_305 = tpu.vector_load %arg20[%swap3A_304] {strides = array<i32>} : memref<32xi32, #tpu.memory_space<vmem>>, vector<16xi32>,
      %swap3A_306 = vector.shape_cast %swap3A_305 : vector<16xi32> to vector<16xi32>
      %swap3A_307 = vector.shape_cast %and3A_303 : vector<16xi32> to vector<16xi32>
      tpu.vector_store %arg20[%swap3A_304], %swap3A_307 {strides = array<i32>} : memref<32xi32, #tpu.memory_space<vmem>>, vector<16xi32>,
      %shift_right_logical3A_308 = arith.constant 16 : i32
      %shift_right_logical3A_309 = vector.broadcast %shift_right_logical3A_308 : i32 to vector<16xi32>
      %shift_right_logical3A_310 = arith.shrui %get3A_300, %shift_right_logical3A_309 : vector<16xi32>
      %swap3A_311 = arith.constant 0 : index
      %swap3A_312 = tpu.vector_load %arg28[%swap3A_311] {strides = array<i32>} : memref<32xi32, #tpu.memory_space<vmem>>, vector<16xi32>,
      %swap3A_313 = vector.shape_cast %swap3A_312 : vector<16xi32> to vector<16xi32>
      %swap3A_314 = vector.shape_cast %shift_right_logical3A_310 : vector<16xi32> to vector<16xi32>
      tpu.vector_store %arg28[%swap3A_311], %swap3A_314 {strides = array<i32>} : memref<32xi32, #tpu.memory_space<vmem>>, vector<16xi32>,
      %get3A_315 = arith.index_cast %add3A_291 : i32 to index
      %get3A_316 = arith.constant 48 : index
      %get3A_317 = tpu.vector_load %arg6[%get3A_315, %get3A_316] {strides = array<i32>} : memref<80x128xi32, #tpu.memory_space<vmem>>, vector<1x16xi32>,
      %get3A_318 = vector.shape_cast %get3A_317 : vector<1x16xi32> to vector<16xi32>
      %and3A_319 = arith.constant 65535 : i32
      %and3A_320 = vector.broadcast %and3A_319 : i32 to vector<16xi32>
      %and3A_321 = arith.andi %get3A_318, %and3A_320 : vector<16xi32>
      %swap3A_322 = arith.constant 16 : index
      %swap3A_323 = tpu.vector_load %arg20[%swap3A_322] {strides = array<i32>} : memref<32xi32, #tpu.memory_space<vmem>>, vector<16xi32>,
      %swap3A_324 = vector.shape_cast %swap3A_323 : vector<16xi32> to vector<16xi32>
      %swap3A_325 = vector.shape_cast %and3A_321 : vector<16xi32> to vector<16xi32>
      tpu.vector_store %arg20[%swap3A_322], %swap3A_325 {strides = array<i32>} : memref<32xi32, #tpu.memory_space<vmem>>, vector<16xi32>,
      %shift_right_logical3A_326 = arith.constant 16 : i32
      %shift_right_logical3A_327 = vector.broadcast %shift_right_logical3A_326 : i32 to vector<16xi32>
      %shift_right_logical3A_328 = arith.shrui %get3A_318, %shift_right_logical3A_327 : vector<16xi32>
      %swap3A_329 = arith.constant 16 : index
      %swap3A_330 = tpu.vector_load %arg28[%swap3A_329] {strides = array<i32>} : memref<32xi32, #tpu.memory_space<vmem>>, vector<16xi32>,
      %swap3A_331 = vector.shape_cast %swap3A_330 : vector<16xi32> to vector<16xi32>
      %swap3A_332 = vector.shape_cast %shift_right_logical3A_328 : vector<16xi32> to vector<16xi32>
      tpu.vector_store %arg28[%swap3A_329], %swap3A_332 {strides = array<i32>} : memref<32xi32, #tpu.memory_space<vmem>>, vector<16xi32>,
      %dma_start3A_333 = arith.constant 0 : i32
      %dma_start3A_334 = arith.constant 0 : i32
      %dma_start3A_335 = tpu.memref_slice %arg2[%dma_start3A_333, %dma_start3A_334] : memref<10112x128xf32, #tpu.memory_space<hbm>> -> memref<10112x128xf32, #tpu.memory_space<hbm>>
      tpu.enqueue_indirect_dma source(%dma_start3A_335 : memref<10112x128xf32, #tpu.memory_space<hbm>>) target(%arg12 : memref<32x128xf32, #tpu.memory_space<vmem>>) offsets(%arg20 : memref<32xi32, #tpu.memory_space<vmem>>) semaphore(%arg37 : memref<!tpu.dma_semaphore, #tpu.memory_space<semaphore_mem>>)
      %mul3A_336 = arith.constant 2 : i32
      %mul3A_337 = arith.muli %scan3A_54, %mul3A_336 : i32
      %add3A_338 = arith.constant 1 : i32
      %add3A_339 = arith.addi %mul3A_337, %add3A_338 : i32
      %gt3A_340 = arith.constant 0 : i32
      %gt3A_341 = arith.cmpi sgt, %scan3A_54, %gt3A_340 : i32
      %convert_element_type3A_342 = arith.extui %gt3A_341 : i1 to i32
      %cond3A_343 = arith.constant 0 : i32
      %cond3A_344 = arith.cmpi ne, %convert_element_type3A_342, %cond3A_343 : i32
      scf.if %cond3A_344 {
        %dma_wait3A_480 = arith.constant 0 : i32
        %dma_wait3A_481 = arith.constant 0 : i32
        %dma_wait3A_482 = tpu.memref_slice %arg31[%dma_wait3A_480, %dma_wait3A_481] : memref<10112x128xf32, #tpu.memory_space<vmem_shared>> -> memref<10112x128xf32, #tpu.memory_space<vmem_shared>>
        tpu.wait_indirect_dma semaphore(%arg46 : memref<!tpu.dma_semaphore, #tpu.memory_space<semaphore_mem>>) src(%arg13 : memref<32x128xf32, #tpu.memory_space<vmem>>) dst(%dma_wait3A_482 : memref<10112x128xf32, #tpu.memory_space<vmem_shared>>)
      } else {
      }
      %get3A_345 = arith.index_cast %add3A_339 : i32 to index
      %get3A_346 = arith.constant 64 : index
      %get3A_347 = tpu.vector_load %arg6[%get3A_345, %get3A_346] {strides = array<i32>} : memref<80x128xi32, #tpu.memory_space<vmem>>, vector<1x16xi32>,
      %get3A_348 = vector.shape_cast %get3A_347 : vector<1x16xi32> to vector<16xi32>
      %and3A_349 = arith.constant 65535 : i32
      %and3A_350 = vector.broadcast %and3A_349 : i32 to vector<16xi32>
      %and3A_351 = arith.andi %get3A_348, %and3A_350 : vector<16xi32>
      %swap3A_352 = arith.constant 0 : index
      %swap3A_353 = tpu.vector_load %arg21[%swap3A_352] {strides = array<i32>} : memref<32xi32, #tpu.memory_space<vmem>>, vector<16xi32>,
      %swap3A_354 = vector.shape_cast %swap3A_353 : vector<16xi32> to vector<16xi32>
      %swap3A_355 = vector.shape_cast %and3A_351 : vector<16xi32> to vector<16xi32>
      tpu.vector_store %arg21[%swap3A_352], %swap3A_355 {strides = array<i32>} : memref<32xi32, #tpu.memory_space<vmem>>, vector<16xi32>,
      %shift_right_logical3A_356 = arith.constant 16 : i32
      %shift_right_logical3A_357 = vector.broadcast %shift_right_logical3A_356 : i32 to vector<16xi32>
      %shift_right_logical3A_358 = arith.shrui %get3A_348, %shift_right_logical3A_357 : vector<16xi32>
      %swap3A_359 = arith.constant 0 : index
      %swap3A_360 = tpu.vector_load %arg29[%swap3A_359] {strides = array<i32>} : memref<32xi32, #tpu.memory_space<vmem>>, vector<16xi32>,
      %swap3A_361 = vector.shape_cast %swap3A_360 : vector<16xi32> to vector<16xi32>
      %swap3A_362 = vector.shape_cast %shift_right_logical3A_358 : vector<16xi32> to vector<16xi32>
      tpu.vector_store %arg29[%swap3A_359], %swap3A_362 {strides = array<i32>} : memref<32xi32, #tpu.memory_space<vmem>>, vector<16xi32>,
      %get3A_363 = arith.index_cast %add3A_339 : i32 to index
      %get3A_364 = arith.constant 80 : index
      %get3A_365 = tpu.vector_load %arg6[%get3A_363, %get3A_364] {strides = array<i32>} : memref<80x128xi32, #tpu.memory_space<vmem>>, vector<1x16xi32>,
      %get3A_366 = vector.shape_cast %get3A_365 : vector<1x16xi32> to vector<16xi32>
      %and3A_367 = arith.constant 65535 : i32
      %and3A_368 = vector.broadcast %and3A_367 : i32 to vector<16xi32>
      %and3A_369 = arith.andi %get3A_366, %and3A_368 : vector<16xi32>
      %swap3A_370 = arith.constant 16 : index
      %swap3A_371 = tpu.vector_load %arg21[%swap3A_370] {strides = array<i32>} : memref<32xi32, #tpu.memory_space<vmem>>, vector<16xi32>,
      %swap3A_372 = vector.shape_cast %swap3A_371 : vector<16xi32> to vector<16xi32>
      %swap3A_373 = vector.shape_cast %and3A_369 : vector<16xi32> to vector<16xi32>
      tpu.vector_store %arg21[%swap3A_370], %swap3A_373 {strides = array<i32>} : memref<32xi32, #tpu.memory_space<vmem>>, vector<16xi32>,
      %shift_right_logical3A_374 = arith.constant 16 : i32
      %shift_right_logical3A_375 = vector.broadcast %shift_right_logical3A_374 : i32 to vector<16xi32>
      %shift_right_logical3A_376 = arith.shrui %get3A_366, %shift_right_logical3A_375 : vector<16xi32>
      %swap3A_377 = arith.constant 16 : index
      %swap3A_378 = tpu.vector_load %arg29[%swap3A_377] {strides = array<i32>} : memref<32xi32, #tpu.memory_space<vmem>>, vector<16xi32>,
      %swap3A_379 = vector.shape_cast %swap3A_378 : vector<16xi32> to vector<16xi32>
      %swap3A_380 = vector.shape_cast %shift_right_logical3A_376 : vector<16xi32> to vector<16xi32>
      tpu.vector_store %arg29[%swap3A_377], %swap3A_380 {strides = array<i32>} : memref<32xi32, #tpu.memory_space<vmem>>, vector<16xi32>,
      %dma_start3A_381 = arith.constant 0 : i32
      %dma_start3A_382 = arith.constant 0 : i32
      %dma_start3A_383 = tpu.memref_slice %arg2[%dma_start3A_381, %dma_start3A_382] : memref<10112x128xf32, #tpu.memory_space<hbm>> -> memref<10112x128xf32, #tpu.memory_space<hbm>>
      tpu.enqueue_indirect_dma source(%dma_start3A_383 : memref<10112x128xf32, #tpu.memory_space<hbm>>) target(%arg13 : memref<32x128xf32, #tpu.memory_space<vmem>>) offsets(%arg21 : memref<32xi32, #tpu.memory_space<vmem>>) semaphore(%arg38 : memref<!tpu.dma_semaphore, #tpu.memory_space<semaphore_mem>>)
      %mul3A_384 = arith.constant 2 : i32
      %mul3A_385 = arith.muli %scan3A_54, %mul3A_384 : i32
      %add3A_386 = arith.constant 1 : i32
      %add3A_387 = arith.addi %mul3A_385, %add3A_386 : i32
      %gt3A_388 = arith.constant 0 : i32
      %gt3A_389 = arith.cmpi sgt, %scan3A_54, %gt3A_388 : i32
      %convert_element_type3A_390 = arith.extui %gt3A_389 : i1 to i32
      %cond3A_391 = arith.constant 0 : i32
      %cond3A_392 = arith.cmpi ne, %convert_element_type3A_390, %cond3A_391 : i32
      scf.if %cond3A_392 {
        %dma_wait3A_480 = arith.constant 0 : i32
        %dma_wait3A_481 = arith.constant 0 : i32
        %dma_wait3A_482 = tpu.memref_slice %arg31[%dma_wait3A_480, %dma_wait3A_481] : memref<10112x128xf32, #tpu.memory_space<vmem_shared>> -> memref<10112x128xf32, #tpu.memory_space<vmem_shared>>
        tpu.wait_indirect_dma semaphore(%arg47 : memref<!tpu.dma_semaphore, #tpu.memory_space<semaphore_mem>>) src(%arg14 : memref<32x128xf32, #tpu.memory_space<vmem>>) dst(%dma_wait3A_482 : memref<10112x128xf32, #tpu.memory_space<vmem_shared>>)
      } else {
      }
      %get3A_393 = arith.index_cast %add3A_387 : i32 to index
      %get3A_394 = arith.constant 96 : index
      %get3A_395 = tpu.vector_load %arg6[%get3A_393, %get3A_394] {strides = array<i32>} : memref<80x128xi32, #tpu.memory_space<vmem>>, vector<1x16xi32>,
      %get3A_396 = vector.shape_cast %get3A_395 : vector<1x16xi32> to vector<16xi32>
      %and3A_397 = arith.constant 65535 : i32
      %and3A_398 = vector.broadcast %and3A_397 : i32 to vector<16xi32>
      %and3A_399 = arith.andi %get3A_396, %and3A_398 : vector<16xi32>
      %swap3A_400 = arith.constant 0 : index
      %swap3A_401 = tpu.vector_load %arg22[%swap3A_400] {strides = array<i32>} : memref<32xi32, #tpu.memory_space<vmem>>, vector<16xi32>,
      %swap3A_402 = vector.shape_cast %swap3A_401 : vector<16xi32> to vector<16xi32>
      %swap3A_403 = vector.shape_cast %and3A_399 : vector<16xi32> to vector<16xi32>
      tpu.vector_store %arg22[%swap3A_400], %swap3A_403 {strides = array<i32>} : memref<32xi32, #tpu.memory_space<vmem>>, vector<16xi32>,
      %shift_right_logical3A_404 = arith.constant 16 : i32
      %shift_right_logical3A_405 = vector.broadcast %shift_right_logical3A_404 : i32 to vector<16xi32>
      %shift_right_logical3A_406 = arith.shrui %get3A_396, %shift_right_logical3A_405 : vector<16xi32>
      %swap3A_407 = arith.constant 0 : index
      %swap3A_408 = tpu.vector_load %arg30[%swap3A_407] {strides = array<i32>} : memref<32xi32, #tpu.memory_space<vmem>>, vector<16xi32>,
      %swap3A_409 = vector.shape_cast %swap3A_408 : vector<16xi32> to vector<16xi32>
      %swap3A_410 = vector.shape_cast %shift_right_logical3A_406 : vector<16xi32> to vector<16xi32>
      tpu.vector_store %arg30[%swap3A_407], %swap3A_410 {strides = array<i32>} : memref<32xi32, #tpu.memory_space<vmem>>, vector<16xi32>,
      %get3A_411 = arith.index_cast %add3A_387 : i32 to index
      %get3A_412 = arith.constant 112 : index
      %get3A_413 = tpu.vector_load %arg6[%get3A_411, %get3A_412] {strides = array<i32>} : memref<80x128xi32, #tpu.memory_space<vmem>>, vector<1x16xi32>,
      %get3A_414 = vector.shape_cast %get3A_413 : vector<1x16xi32> to vector<16xi32>
      %and3A_415 = arith.constant 65535 : i32
      %and3A_416 = vector.broadcast %and3A_415 : i32 to vector<16xi32>
      %and3A_417 = arith.andi %get3A_414, %and3A_416 : vector<16xi32>
      %swap3A_418 = arith.constant 16 : index
      %swap3A_419 = tpu.vector_load %arg22[%swap3A_418] {strides = array<i32>} : memref<32xi32, #tpu.memory_space<vmem>>, vector<16xi32>,
      %swap3A_420 = vector.shape_cast %swap3A_419 : vector<16xi32> to vector<16xi32>
      %swap3A_421 = vector.shape_cast %and3A_417 : vector<16xi32> to vector<16xi32>
      tpu.vector_store %arg22[%swap3A_418], %swap3A_421 {strides = array<i32>} : memref<32xi32, #tpu.memory_space<vmem>>, vector<16xi32>,
      %shift_right_logical3A_422 = arith.constant 16 : i32
      %shift_right_logical3A_423 = vector.broadcast %shift_right_logical3A_422 : i32 to vector<16xi32>
      %shift_right_logical3A_424 = arith.shrui %get3A_414, %shift_right_logical3A_423 : vector<16xi32>
      %swap3A_425 = arith.constant 16 : index
      %swap3A_426 = tpu.vector_load %arg30[%swap3A_425] {strides = array<i32>} : memref<32xi32, #tpu.memory_space<vmem>>, vector<16xi32>,
      %swap3A_427 = vector.shape_cast %swap3A_426 : vector<16xi32> to vector<16xi32>
      %swap3A_428 = vector.shape_cast %shift_right_logical3A_424 : vector<16xi32> to vector<16xi32>
      tpu.vector_store %arg30[%swap3A_425], %swap3A_428 {strides = array<i32>} : memref<32xi32, #tpu.memory_space<vmem>>, vector<16xi32>,
      %dma_start3A_429 = arith.constant 0 : i32
      %dma_start3A_430 = arith.constant 0 : i32
      %dma_start3A_431 = tpu.memref_slice %arg2[%dma_start3A_429, %dma_start3A_430] : memref<10112x128xf32, #tpu.memory_space<hbm>> -> memref<10112x128xf32, #tpu.memory_space<hbm>>
      tpu.enqueue_indirect_dma source(%dma_start3A_431 : memref<10112x128xf32, #tpu.memory_space<hbm>>) target(%arg14 : memref<32x128xf32, #tpu.memory_space<vmem>>) offsets(%arg22 : memref<32xi32, #tpu.memory_space<vmem>>) semaphore(%arg39 : memref<!tpu.dma_semaphore, #tpu.memory_space<semaphore_mem>>)
      %dma_wait3A_432 = arith.constant 0 : i32
      %dma_wait3A_433 = arith.constant 0 : i32
      %dma_wait3A_434 = tpu.memref_slice %arg2[%dma_wait3A_432, %dma_wait3A_433] : memref<10112x128xf32, #tpu.memory_space<hbm>> -> memref<10112x128xf32, #tpu.memory_space<hbm>>
      tpu.wait_indirect_dma semaphore(%arg32 : memref<!tpu.dma_semaphore, #tpu.memory_space<semaphore_mem>>) src(%dma_wait3A_434 : memref<10112x128xf32, #tpu.memory_space<hbm>>) dst(%arg7 : memref<32x128xf32, #tpu.memory_space<vmem>>)
      %dma_start3A_435 = arith.constant 0 : i32
      %dma_start3A_436 = arith.constant 0 : i32
      %dma_start3A_437 = tpu.memref_slice %arg31[%dma_start3A_435, %dma_start3A_436] : memref<10112x128xf32, #tpu.memory_space<vmem_shared>> -> memref<10112x128xf32, #tpu.memory_space<vmem_shared>>
      tpu.enqueue_indirect_dma source(%arg7 : memref<32x128xf32, #tpu.memory_space<vmem>>) target(%dma_start3A_437 : memref<10112x128xf32, #tpu.memory_space<vmem_shared>>) offsets(%arg23 : memref<32xi32, #tpu.memory_space<vmem>>) semaphore(%arg40 : memref<!tpu.dma_semaphore, #tpu.memory_space<semaphore_mem>>) {add = true}
      %dma_wait3A_438 = arith.constant 0 : i32
      %dma_wait3A_439 = arith.constant 0 : i32
      %dma_wait3A_440 = tpu.memref_slice %arg2[%dma_wait3A_438, %dma_wait3A_439] : memref<10112x128xf32, #tpu.memory_space<hbm>> -> memref<10112x128xf32, #tpu.memory_space<hbm>>
      tpu.wait_indirect_dma semaphore(%arg33 : memref<!tpu.dma_semaphore, #tpu.memory_space<semaphore_mem>>) src(%dma_wait3A_440 : memref<10112x128xf32, #tpu.memory_space<hbm>>) dst(%arg8 : memref<32x128xf32, #tpu.memory_space<vmem>>)
      %dma_start3A_441 = arith.constant 0 : i32
      %dma_start3A_442 = arith.constant 0 : i32
      %dma_start3A_443 = tpu.memref_slice %arg31[%dma_start3A_441, %dma_start3A_442] : memref<10112x128xf32, #tpu.memory_space<vmem_shared>> -> memref<10112x128xf32, #tpu.memory_space<vmem_shared>>
      tpu.enqueue_indirect_dma source(%arg8 : memref<32x128xf32, #tpu.memory_space<vmem>>) target(%dma_start3A_443 : memref<10112x128xf32, #tpu.memory_space<vmem_shared>>) offsets(%arg24 : memref<32xi32, #tpu.memory_space<vmem>>) semaphore(%arg41 : memref<!tpu.dma_semaphore, #tpu.memory_space<semaphore_mem>>) {add = true}
      %dma_wait3A_444 = arith.constant 0 : i32
      %dma_wait3A_445 = arith.constant 0 : i32
      %dma_wait3A_446 = tpu.memref_slice %arg2[%dma_wait3A_444, %dma_wait3A_445] : memref<10112x128xf32, #tpu.memory_space<hbm>> -> memref<10112x128xf32, #tpu.memory_space<hbm>>
      tpu.wait_indirect_dma semaphore(%arg34 : memref<!tpu.dma_semaphore, #tpu.memory_space<semaphore_mem>>) src(%dma_wait3A_446 : memref<10112x128xf32, #tpu.memory_space<hbm>>) dst(%arg9 : memref<32x128xf32, #tpu.memory_space<vmem>>)
      %dma_start3A_447 = arith.constant 0 : i32
      %dma_start3A_448 = arith.constant 0 : i32
      %dma_start3A_449 = tpu.memref_slice %arg31[%dma_start3A_447, %dma_start3A_448] : memref<10112x128xf32, #tpu.memory_space<vmem_shared>> -> memref<10112x128xf32, #tpu.memory_space<vmem_shared>>
      tpu.enqueue_indirect_dma source(%arg9 : memref<32x128xf32, #tpu.memory_space<vmem>>) target(%dma_start3A_449 : memref<10112x128xf32, #tpu.memory_space<vmem_shared>>) offsets(%arg25 : memref<32xi32, #tpu.memory_space<vmem>>) semaphore(%arg42 : memref<!tpu.dma_semaphore, #tpu.memory_space<semaphore_mem>>) {add = true}
      %dma_wait3A_450 = arith.constant 0 : i32
      %dma_wait3A_451 = arith.constant 0 : i32
      %dma_wait3A_452 = tpu.memref_slice %arg2[%dma_wait3A_450, %dma_wait3A_451] : memref<10112x128xf32, #tpu.memory_space<hbm>> -> memref<10112x128xf32, #tpu.memory_space<hbm>>
      tpu.wait_indirect_dma semaphore(%arg35 : memref<!tpu.dma_semaphore, #tpu.memory_space<semaphore_mem>>) src(%dma_wait3A_452 : memref<10112x128xf32, #tpu.memory_space<hbm>>) dst(%arg10 : memref<32x128xf32, #tpu.memory_space<vmem>>)
      %dma_start3A_453 = arith.constant 0 : i32
      %dma_start3A_454 = arith.constant 0 : i32
      %dma_start3A_455 = tpu.memref_slice %arg31[%dma_start3A_453, %dma_start3A_454] : memref<10112x128xf32, #tpu.memory_space<vmem_shared>> -> memref<10112x128xf32, #tpu.memory_space<vmem_shared>>
      tpu.enqueue_indirect_dma source(%arg10 : memref<32x128xf32, #tpu.memory_space<vmem>>) target(%dma_start3A_455 : memref<10112x128xf32, #tpu.memory_space<vmem_shared>>) offsets(%arg26 : memref<32xi32, #tpu.memory_space<vmem>>) semaphore(%arg43 : memref<!tpu.dma_semaphore, #tpu.memory_space<semaphore_mem>>) {add = true}
      %dma_wait3A_456 = arith.constant 0 : i32
      %dma_wait3A_457 = arith.constant 0 : i32
      %dma_wait3A_458 = tpu.memref_slice %arg2[%dma_wait3A_456, %dma_wait3A_457] : memref<10112x128xf32, #tpu.memory_space<hbm>> -> memref<10112x128xf32, #tpu.memory_space<hbm>>
      tpu.wait_indirect_dma semaphore(%arg36 : memref<!tpu.dma_semaphore, #tpu.memory_space<semaphore_mem>>) src(%dma_wait3A_458 : memref<10112x128xf32, #tpu.memory_space<hbm>>) dst(%arg11 : memref<32x128xf32, #tpu.memory_space<vmem>>)
      %dma_start3A_459 = arith.constant 0 : i32
      %dma_start3A_460 = arith.constant 0 : i32
      %dma_start3A_461 = tpu.memref_slice %arg31[%dma_start3A_459, %dma_start3A_460] : memref<10112x128xf32, #tpu.memory_space<vmem_shared>> -> memref<10112x128xf32, #tpu.memory_space<vmem_shared>>
      tpu.enqueue_indirect_dma source(%arg11 : memref<32x128xf32, #tpu.memory_space<vmem>>) target(%dma_start3A_461 : memref<10112x128xf32, #tpu.memory_space<vmem_shared>>) offsets(%arg27 : memref<32xi32, #tpu.memory_space<vmem>>) semaphore(%arg44 : memref<!tpu.dma_semaphore, #tpu.memory_space<semaphore_mem>>) {add = true}
      %dma_wait3A_462 = arith.constant 0 : i32
      %dma_wait3A_463 = arith.constant 0 : i32
      %dma_wait3A_464 = tpu.memref_slice %arg2[%dma_wait3A_462, %dma_wait3A_463] : memref<10112x128xf32, #tpu.memory_space<hbm>> -> memref<10112x128xf32, #tpu.memory_space<hbm>>
      tpu.wait_indirect_dma semaphore(%arg37 : memref<!tpu.dma_semaphore, #tpu.memory_space<semaphore_mem>>) src(%dma_wait3A_464 : memref<10112x128xf32, #tpu.memory_space<hbm>>) dst(%arg12 : memref<32x128xf32, #tpu.memory_space<vmem>>)
      %dma_start3A_465 = arith.constant 0 : i32
      %dma_start3A_466 = arith.constant 0 : i32
      %dma_start3A_467 = tpu.memref_slice %arg31[%dma_start3A_465, %dma_start3A_466] : memref<10112x128xf32, #tpu.memory_space<vmem_shared>> -> memref<10112x128xf32, #tpu.memory_space<vmem_shared>>
      tpu.enqueue_indirect_dma source(%arg12 : memref<32x128xf32, #tpu.memory_space<vmem>>) target(%dma_start3A_467 : memref<10112x128xf32, #tpu.memory_space<vmem_shared>>) offsets(%arg28 : memref<32xi32, #tpu.memory_space<vmem>>) semaphore(%arg45 : memref<!tpu.dma_semaphore, #tpu.memory_space<semaphore_mem>>) {add = true}
      %dma_wait3A_468 = arith.constant 0 : i32
      %dma_wait3A_469 = arith.constant 0 : i32
      %dma_wait3A_470 = tpu.memref_slice %arg2[%dma_wait3A_468, %dma_wait3A_469] : memref<10112x128xf32, #tpu.memory_space<hbm>> -> memref<10112x128xf32, #tpu.memory_space<hbm>>
      tpu.wait_indirect_dma semaphore(%arg38 : memref<!tpu.dma_semaphore, #tpu.memory_space<semaphore_mem>>) src(%dma_wait3A_470 : memref<10112x128xf32, #tpu.memory_space<hbm>>) dst(%arg13 : memref<32x128xf32, #tpu.memory_space<vmem>>)
      %dma_start3A_471 = arith.constant 0 : i32
      %dma_start3A_472 = arith.constant 0 : i32
      %dma_start3A_473 = tpu.memref_slice %arg31[%dma_start3A_471, %dma_start3A_472] : memref<10112x128xf32, #tpu.memory_space<vmem_shared>> -> memref<10112x128xf32, #tpu.memory_space<vmem_shared>>
      tpu.enqueue_indirect_dma source(%arg13 : memref<32x128xf32, #tpu.memory_space<vmem>>) target(%dma_start3A_473 : memref<10112x128xf32, #tpu.memory_space<vmem_shared>>) offsets(%arg29 : memref<32xi32, #tpu.memory_space<vmem>>) semaphore(%arg46 : memref<!tpu.dma_semaphore, #tpu.memory_space<semaphore_mem>>) {add = true}
      %dma_wait3A_474 = arith.constant 0 : i32
      %dma_wait3A_475 = arith.constant 0 : i32
      %dma_wait3A_476 = tpu.memref_slice %arg2[%dma_wait3A_474, %dma_wait3A_475] : memref<10112x128xf32, #tpu.memory_space<hbm>> -> memref<10112x128xf32, #tpu.memory_space<hbm>>
      tpu.wait_indirect_dma semaphore(%arg39 : memref<!tpu.dma_semaphore, #tpu.memory_space<semaphore_mem>>) src(%dma_wait3A_476 : memref<10112x128xf32, #tpu.memory_space<hbm>>) dst(%arg14 : memref<32x128xf32, #tpu.memory_space<vmem>>)
      %dma_start3A_477 = arith.constant 0 : i32
      %dma_start3A_478 = arith.constant 0 : i32
      %dma_start3A_479 = tpu.memref_slice %arg31[%dma_start3A_477, %dma_start3A_478] : memref<10112x128xf32, #tpu.memory_space<vmem_shared>> -> memref<10112x128xf32, #tpu.memory_space<vmem_shared>>
      tpu.enqueue_indirect_dma source(%arg14 : memref<32x128xf32, #tpu.memory_space<vmem>>) target(%dma_start3A_479 : memref<10112x128xf32, #tpu.memory_space<vmem_shared>>) offsets(%arg30 : memref<32xi32, #tpu.memory_space<vmem>>) semaphore(%arg47 : memref<!tpu.dma_semaphore, #tpu.memory_space<semaphore_mem>>) {add = true}
    }
    %scan3A_25 = arith.constant 40 : i32
    %dma_wait3A_26 = arith.constant 0 : i32
    %dma_wait3A_27 = arith.constant 0 : i32
    %dma_wait3A_28 = tpu.memref_slice %arg31[%dma_wait3A_26, %dma_wait3A_27] : memref<10112x128xf32, #tpu.memory_space<vmem_shared>> -> memref<10112x128xf32, #tpu.memory_space<vmem_shared>>
    tpu.wait_indirect_dma semaphore(%arg40 : memref<!tpu.dma_semaphore, #tpu.memory_space<semaphore_mem>>) src(%arg7 : memref<32x128xf32, #tpu.memory_space<vmem>>) dst(%dma_wait3A_28 : memref<10112x128xf32, #tpu.memory_space<vmem_shared>>)
    %dma_wait3A_29 = arith.constant 0 : i32
    %dma_wait3A_30 = arith.constant 0 : i32
    %dma_wait3A_31 = tpu.memref_slice %arg31[%dma_wait3A_29, %dma_wait3A_30] : memref<10112x128xf32, #tpu.memory_space<vmem_shared>> -> memref<10112x128xf32, #tpu.memory_space<vmem_shared>>
    tpu.wait_indirect_dma semaphore(%arg41 : memref<!tpu.dma_semaphore, #tpu.memory_space<semaphore_mem>>) src(%arg8 : memref<32x128xf32, #tpu.memory_space<vmem>>) dst(%dma_wait3A_31 : memref<10112x128xf32, #tpu.memory_space<vmem_shared>>)
    %dma_wait3A_32 = arith.constant 0 : i32
    %dma_wait3A_33 = arith.constant 0 : i32
    %dma_wait3A_34 = tpu.memref_slice %arg31[%dma_wait3A_32, %dma_wait3A_33] : memref<10112x128xf32, #tpu.memory_space<vmem_shared>> -> memref<10112x128xf32, #tpu.memory_space<vmem_shared>>
    tpu.wait_indirect_dma semaphore(%arg42 : memref<!tpu.dma_semaphore, #tpu.memory_space<semaphore_mem>>) src(%arg9 : memref<32x128xf32, #tpu.memory_space<vmem>>) dst(%dma_wait3A_34 : memref<10112x128xf32, #tpu.memory_space<vmem_shared>>)
    %dma_wait3A_35 = arith.constant 0 : i32
    %dma_wait3A_36 = arith.constant 0 : i32
    %dma_wait3A_37 = tpu.memref_slice %arg31[%dma_wait3A_35, %dma_wait3A_36] : memref<10112x128xf32, #tpu.memory_space<vmem_shared>> -> memref<10112x128xf32, #tpu.memory_space<vmem_shared>>
    tpu.wait_indirect_dma semaphore(%arg43 : memref<!tpu.dma_semaphore, #tpu.memory_space<semaphore_mem>>) src(%arg10 : memref<32x128xf32, #tpu.memory_space<vmem>>) dst(%dma_wait3A_37 : memref<10112x128xf32, #tpu.memory_space<vmem_shared>>)
    %dma_wait3A_38 = arith.constant 0 : i32
    %dma_wait3A_39 = arith.constant 0 : i32
    %dma_wait3A_40 = tpu.memref_slice %arg31[%dma_wait3A_38, %dma_wait3A_39] : memref<10112x128xf32, #tpu.memory_space<vmem_shared>> -> memref<10112x128xf32, #tpu.memory_space<vmem_shared>>
    tpu.wait_indirect_dma semaphore(%arg44 : memref<!tpu.dma_semaphore, #tpu.memory_space<semaphore_mem>>) src(%arg11 : memref<32x128xf32, #tpu.memory_space<vmem>>) dst(%dma_wait3A_40 : memref<10112x128xf32, #tpu.memory_space<vmem_shared>>)
    %dma_wait3A_41 = arith.constant 0 : i32
    %dma_wait3A_42 = arith.constant 0 : i32
    %dma_wait3A_43 = tpu.memref_slice %arg31[%dma_wait3A_41, %dma_wait3A_42] : memref<10112x128xf32, #tpu.memory_space<vmem_shared>> -> memref<10112x128xf32, #tpu.memory_space<vmem_shared>>
    tpu.wait_indirect_dma semaphore(%arg45 : memref<!tpu.dma_semaphore, #tpu.memory_space<semaphore_mem>>) src(%arg12 : memref<32x128xf32, #tpu.memory_space<vmem>>) dst(%dma_wait3A_43 : memref<10112x128xf32, #tpu.memory_space<vmem_shared>>)
    %dma_wait3A_44 = arith.constant 0 : i32
    %dma_wait3A_45 = arith.constant 0 : i32
    %dma_wait3A_46 = tpu.memref_slice %arg31[%dma_wait3A_44, %dma_wait3A_45] : memref<10112x128xf32, #tpu.memory_space<vmem_shared>> -> memref<10112x128xf32, #tpu.memory_space<vmem_shared>>
    tpu.wait_indirect_dma semaphore(%arg46 : memref<!tpu.dma_semaphore, #tpu.memory_space<semaphore_mem>>) src(%arg13 : memref<32x128xf32, #tpu.memory_space<vmem>>) dst(%dma_wait3A_46 : memref<10112x128xf32, #tpu.memory_space<vmem_shared>>)
    %dma_wait3A_47 = arith.constant 0 : i32
    %dma_wait3A_48 = arith.constant 0 : i32
    %dma_wait3A_49 = tpu.memref_slice %arg31[%dma_wait3A_47, %dma_wait3A_48] : memref<10112x128xf32, #tpu.memory_space<vmem_shared>> -> memref<10112x128xf32, #tpu.memory_space<vmem_shared>>
    tpu.wait_indirect_dma semaphore(%arg47 : memref<!tpu.dma_semaphore, #tpu.memory_space<semaphore_mem>>) src(%arg14 : memref<32x128xf32, #tpu.memory_space<vmem>>) dst(%dma_wait3A_49 : memref<10112x128xf32, #tpu.memory_space<vmem_shared>>)
    %barrier3A_50 = arith.constant 0 : index
    tpu.barrier barrier_id(%barrier3A_50)
    %mul3A_51 = arith.constant 10112 : i32
    %mul3A_52 = arith.muli %arg0, %mul3A_51 : i32
    %add3A_53 = arith.addi %mul3A_52, %mul3A_2 : i32
    "tpu.region"() ({
      %run_scoped3A = tpu.sem_alloc : memref<!tpu.dma_semaphore, #tpu.memory_space<semaphore_mem>>
      %dma_start3A_54 = arith.constant 0 : i32
      %dma_start3A_55 = tpu.memref_slice %arg5[%add3A_53, %dma_start3A_54] : memref<20224x128xf32, #tpu.memory_space<hbm>> -> memref<632x128xf32, #tpu.memory_space<hbm>>
      %dma_start3A_56 = arith.constant 0 : i32
      %dma_start3A_57 = tpu.memref_slice %arg31[%mul3A_2, %dma_start3A_56] : memref<10112x128xf32, #tpu.memory_space<vmem_shared>> -> memref<632x128xf32, #tpu.memory_space<vmem_shared>>
      tpu.enqueue_dma source(%dma_start3A_57 : memref<632x128xf32, #tpu.memory_space<vmem_shared>>) target(%dma_start3A_55 : memref<632x128xf32, #tpu.memory_space<hbm>>) target_semaphore(%run_scoped3A : memref<!tpu.dma_semaphore, #tpu.memory_space<semaphore_mem>>)
      %dma_wait3A_58 = arith.constant 0 : i32
      %dma_wait3A_59 = tpu.memref_slice %arg5[%add3A_53, %dma_wait3A_58] : memref<20224x128xf32, #tpu.memory_space<hbm>> -> memref<632x128xf32, #tpu.memory_space<hbm>>
      %dma_wait3A_60 = arith.constant 0 : i32
      %dma_wait3A_61 = tpu.memref_slice %arg31[%mul3A_2, %dma_wait3A_60] : memref<10112x128xf32, #tpu.memory_space<vmem_shared>> -> memref<632x128xf32, #tpu.memory_space<vmem_shared>>
      tpu.wait_dma2 semaphore(%run_scoped3A : memref<!tpu.dma_semaphore, #tpu.memory_space<semaphore_mem>>) src(%dma_wait3A_61 : memref<632x128xf32, #tpu.memory_space<vmem_shared>>) dst(%dma_wait3A_59 : memref<632x128xf32, #tpu.memory_space<hbm>>)
      tpu.yield
    }) : () -> ()
    return
  }
}

#map = affine_map<(d0, d1) -> (0, 0)>
module attributes {stable_mosaic.version = 14 : i64} {
  func.func @agg_kernel(%arg0: i32, %arg1: i32, %arg2: memref<10112x128xf32, #tpu.memory_space<hbm>>, %arg3: memref<2560x128xi32, #tpu.memory_space<hbm>>, %arg4: memref<10112x128xf32, #tpu.memory_space<hbm>>, %arg5: memref<20224x128xf32, #tpu.memory_space<hbm>>, %arg6: memref<80x128xi32, #tpu.memory_space<vmem>>, %arg7: memref<32x128xf32, #tpu.memory_space<vmem>>, %arg8: memref<32x128xf32, #tpu.memory_space<vmem>>, %arg9: memref<32x128xf32, #tpu.memory_space<vmem>>, %arg10: memref<32x128xf32, #tpu.memory_space<vmem>>, %arg11: memref<32x128xf32, #tpu.memory_space<vmem>>, %arg12: memref<32x128xf32, #tpu.memory_space<vmem>>, %arg13: memref<32x128xf32, #tpu.memory_space<vmem>>, %arg14: memref<32x128xf32, #tpu.memory_space<vmem>>, %arg15: memref<32xi32, #tpu.memory_space<vmem>>, %arg16: memref<32xi32, #tpu.memory_space<vmem>>, %arg17: memref<32xi32, #tpu.memory_space<vmem>>, %arg18: memref<32xi32, #tpu.memory_space<vmem>>, %arg19: memref<32xi32, #tpu.memory_space<vmem>>, %arg20: memref<32xi32, #tpu.memory_space<vmem>>, %arg21: memref<32xi32, #tpu.memory_space<vmem>>, %arg22: memref<32xi32, #tpu.memory_space<vmem>>, %arg23: memref<32xi32, #tpu.memory_space<vmem>>, %arg24: memref<32xi32, #tpu.memory_space<vmem>>, %arg25: memref<32xi32, #tpu.memory_space<vmem>>, %arg26: memref<32xi32, #tpu.memory_space<vmem>>, %arg27: memref<32xi32, #tpu.memory_space<vmem>>, %arg28: memref<32xi32, #tpu.memory_space<vmem>>, %arg29: memref<32xi32, #tpu.memory_space<vmem>>, %arg30: memref<32xi32, #tpu.memory_space<vmem>>, %arg31: memref<10112x128xf32, #tpu.memory_space<vmem_shared>>, %arg32: memref<!tpu.dma_semaphore, #tpu.memory_space<semaphore_mem>>, %arg33: memref<!tpu.dma_semaphore, #tpu.memory_space<semaphore_mem>>, %arg34: memref<!tpu.dma_semaphore, #tpu.memory_space<semaphore_mem>>, %arg35: memref<!tpu.dma_semaphore, #tpu.memory_space<semaphore_mem>>, %arg36: memref<!tpu.dma_semaphore, #tpu.memory_space<semaphore_mem>>, %arg37: memref<!tpu.dma_semaphore, #tpu.memory_space<semaphore_mem>>, %arg38: memref<!tpu.dma_semaphore, #tpu.memory_space<semaphore_mem>>, %arg39: memref<!tpu.dma_semaphore, #tpu.memory_space<semaphore_mem>>, %arg40: memref<!tpu.dma_semaphore, #tpu.memory_space<semaphore_mem>>, %arg41: memref<!tpu.dma_semaphore, #tpu.memory_space<semaphore_mem>>, %arg42: memref<!tpu.dma_semaphore, #tpu.memory_space<semaphore_mem>>, %arg43: memref<!tpu.dma_semaphore, #tpu.memory_space<semaphore_mem>>, %arg44: memref<!tpu.dma_semaphore, #tpu.memory_space<semaphore_mem>>, %arg45: memref<!tpu.dma_semaphore, #tpu.memory_space<semaphore_mem>>, %arg46: memref<!tpu.dma_semaphore, #tpu.memory_space<semaphore_mem>>, %arg47: memref<!tpu.dma_semaphore, #tpu.memory_space<semaphore_mem>>) attributes {dimension_semantics = [#tpu.dimension_semantics<core_parallel>, #tpu.dimension_semantics<subcore_parallel>], iteration_bounds = array<i64: 2, 16>, scalar_prefetch = 0 : i64, scratch_operands = 42 : i64, tpu.core_type = #tpu.core_type<sc_vector_subcore>, window_params = [{transform_indices = #map}, {transform_indices = #map}, {transform_indices = #map}, {transform_indices = #map}]} {
    %mul3A = arith.constant 2 : i32
    %mul3A_0 = arith.muli %arg1, %mul3A : i32
    %add3A = arith.addi %mul3A_0, %arg0 : i32
    %mul3A_1 = arith.constant 632 : i32
    %mul3A_2 = arith.muli %arg1, %mul3A_1 : i32
    %mul3A_3 = arith.constant 80 : i32
    %mul3A_4 = arith.muli %add3A, %mul3A_3 : i32
    %dma_start3A = arith.constant 0 : i32
    %dma_start3A_5 = tpu.memref_slice %arg3[%mul3A_4, %dma_start3A] : memref<2560x128xi32, #tpu.memory_space<hbm>> -> memref<80x128xi32, #tpu.memory_space<hbm>>
    %dma_start3A_6 = arith.constant 0 : i32
    %dma_start3A_7 = tpu.memref_slice %arg3[%mul3A_4, %dma_start3A_6] : memref<2560x128xi32, #tpu.memory_space<hbm>> -> memref<80x128xi32, #tpu.memory_space<hbm>>
    tpu.enqueue_dma source(%dma_start3A_7 : memref<80x128xi32, #tpu.memory_space<hbm>>) target(%arg6 : memref<80x128xi32, #tpu.memory_space<vmem>>) target_semaphore(%arg32 : memref<!tpu.dma_semaphore, #tpu.memory_space<semaphore_mem>>)
    %dma_start3A_8 = arith.constant 0 : i32
    %dma_start3A_9 = tpu.memref_slice %arg31[%mul3A_2, %dma_start3A_8] : memref<10112x128xf32, #tpu.memory_space<vmem_shared>> -> memref<632x128xf32, #tpu.memory_space<vmem_shared>>
    %dma_start3A_10 = arith.constant 0 : i32
    %dma_start3A_11 = tpu.memref_slice %arg4[%mul3A_2, %dma_start3A_10] : memref<10112x128xf32, #tpu.memory_space<hbm>> -> memref<632x128xf32, #tpu.memory_space<hbm>>
    tpu.enqueue_dma source(%dma_start3A_11 : memref<632x128xf32, #tpu.memory_space<hbm>>) target(%dma_start3A_9 : memref<632x128xf32, #tpu.memory_space<vmem_shared>>) target_semaphore(%arg40 : memref<!tpu.dma_semaphore, #tpu.memory_space<semaphore_mem>>)
    %mul3A_12 = arith.constant 80 : i32
    %mul3A_13 = arith.muli %add3A, %mul3A_12 : i32
    %dma_wait3A = arith.constant 0 : i32
    %dma_wait3A_14 = tpu.memref_slice %arg3[%mul3A_13, %dma_wait3A] : memref<2560x128xi32, #tpu.memory_space<hbm>> -> memref<80x128xi32, #tpu.memory_space<hbm>>
    %dma_wait3A_15 = arith.constant 0 : i32
    %dma_wait3A_16 = tpu.memref_slice %arg3[%mul3A_13, %dma_wait3A_15] : memref<2560x128xi32, #tpu.memory_space<hbm>> -> memref<80x128xi32, #tpu.memory_space<hbm>>
    tpu.wait_dma2 semaphore(%arg32 : memref<!tpu.dma_semaphore, #tpu.memory_space<semaphore_mem>>) src(%dma_wait3A_16 : memref<80x128xi32, #tpu.memory_space<hbm>>) dst(%arg6 : memref<80x128xi32, #tpu.memory_space<vmem>>)
    %dma_wait3A_17 = arith.constant 0 : i32
    %dma_wait3A_18 = tpu.memref_slice %arg31[%mul3A_2, %dma_wait3A_17] : memref<10112x128xf32, #tpu.memory_space<vmem_shared>> -> memref<632x128xf32, #tpu.memory_space<vmem_shared>>
    %dma_wait3A_19 = arith.constant 0 : i32
    %dma_wait3A_20 = tpu.memref_slice %arg4[%mul3A_2, %dma_wait3A_19] : memref<10112x128xf32, #tpu.memory_space<hbm>> -> memref<632x128xf32, #tpu.memory_space<hbm>>
    tpu.wait_dma2 semaphore(%arg40 : memref<!tpu.dma_semaphore, #tpu.memory_space<semaphore_mem>>) src(%dma_wait3A_20 : memref<632x128xf32, #tpu.memory_space<hbm>>) dst(%dma_wait3A_18 : memref<632x128xf32, #tpu.memory_space<vmem_shared>>)
    %barrier3A = arith.constant 0 : index
    tpu.barrier barrier_id(%barrier3A)
    %scan3A = arith.constant 0 : i32
    %scan3A_21 = arith.constant 0 : i32
    %scan3A_22 = arith.constant 40 : i32
    %scan3A_23 = arith.addi %scan3A_21, %scan3A_22 : i32
    %scan3A_24 = arith.constant 1 : i32
    scf.for %scan3A_54 = %scan3A_21 to %scan3A_23 step %scan3A_24  : i32 {
      %mul3A_55 = arith.constant 2 : i32
      %mul3A_56 = arith.muli %scan3A_54, %mul3A_55 : i32
      %add3A_57 = arith.constant 0 : i32
      %add3A_58 = arith.addi %mul3A_56, %add3A_57 : i32
      %gt3A = arith.constant 0 : i32
      %gt3A_59 = arith.cmpi sgt, %scan3A_54, %gt3A : i32
      %convert_element_type3A = arith.extui %gt3A_59 : i1 to i32
      %cond3A = arith.constant 0 : i32
      %cond3A_60 = arith.cmpi ne, %convert_element_type3A, %cond3A : i32
      scf.if %cond3A_60 {
        %dma_wait3A_480 = arith.constant 0 : i32
        %dma_wait3A_481 = arith.constant 0 : i32
        %dma_wait3A_482 = tpu.memref_slice %arg31[%dma_wait3A_480, %dma_wait3A_481] : memref<10112x128xf32, #tpu.memory_space<vmem_shared>> -> memref<10112x128xf32, #tpu.memory_space<vmem_shared>>
        tpu.wait_indirect_dma semaphore(%arg40 : memref<!tpu.dma_semaphore, #tpu.memory_space<semaphore_mem>>) src(%arg7 : memref<32x128xf32, #tpu.memory_space<vmem>>) dst(%dma_wait3A_482 : memref<10112x128xf32, #tpu.memory_space<vmem_shared>>)
      } else {
      }
      %get3A = arith.index_cast %add3A_58 : i32 to index
      %get3A_61 = arith.constant 0 : index
      %get3A_62 = tpu.vector_load %arg6[%get3A, %get3A_61] {strides = array<i32>} : memref<80x128xi32, #tpu.memory_space<vmem>>, vector<1x16xi32>,
      %get3A_63 = vector.shape_cast %get3A_62 : vector<1x16xi32> to vector<16xi32>
      %and3A = arith.constant 65535 : i32
      %and3A_64 = vector.broadcast %and3A : i32 to vector<16xi32>
      %and3A_65 = arith.andi %get3A_63, %and3A_64 : vector<16xi32>
      %swap3A = arith.constant 0 : index
      %swap3A_66 = tpu.vector_load %arg15[%swap3A] {strides = array<i32>} : memref<32xi32, #tpu.memory_space<vmem>>, vector<16xi32>,
      %swap3A_67 = vector.shape_cast %swap3A_66 : vector<16xi32> to vector<16xi32>
      %swap3A_68 = vector.shape_cast %and3A_65 : vector<16xi32> to vector<16xi32>
      tpu.vector_store %arg15[%swap3A], %swap3A_68 {strides = array<i32>} : memref<32xi32, #tpu.memory_space<vmem>>, vector<16xi32>,
      %shift_right_logical3A = arith.constant 16 : i32
      %shift_right_logical3A_69 = vector.broadcast %shift_right_logical3A : i32 to vector<16xi32>
      %shift_right_logical3A_70 = arith.shrui %get3A_63, %shift_right_logical3A_69 : vector<16xi32>
      %swap3A_71 = arith.constant 0 : index
      %swap3A_72 = tpu.vector_load %arg23[%swap3A_71] {strides = array<i32>} : memref<32xi32, #tpu.memory_space<vmem>>, vector<16xi32>,
      %swap3A_73 = vector.shape_cast %swap3A_72 : vector<16xi32> to vector<16xi32>
      %swap3A_74 = vector.shape_cast %shift_right_logical3A_70 : vector<16xi32> to vector<16xi32>
      tpu.vector_store %arg23[%swap3A_71], %swap3A_74 {strides = array<i32>} : memref<32xi32, #tpu.memory_space<vmem>>, vector<16xi32>,
      %get3A_75 = arith.index_cast %add3A_58 : i32 to index
      %get3A_76 = arith.constant 16 : index
      %get3A_77 = tpu.vector_load %arg6[%get3A_75, %get3A_76] {strides = array<i32>} : memref<80x128xi32, #tpu.memory_space<vmem>>, vector<1x16xi32>,
      %get3A_78 = vector.shape_cast %get3A_77 : vector<1x16xi32> to vector<16xi32>
      %and3A_79 = arith.constant 65535 : i32
      %and3A_80 = vector.broadcast %and3A_79 : i32 to vector<16xi32>
      %and3A_81 = arith.andi %get3A_78, %and3A_80 : vector<16xi32>
      %swap3A_82 = arith.constant 16 : index
      %swap3A_83 = tpu.vector_load %arg15[%swap3A_82] {strides = array<i32>} : memref<32xi32, #tpu.memory_space<vmem>>, vector<16xi32>,
      %swap3A_84 = vector.shape_cast %swap3A_83 : vector<16xi32> to vector<16xi32>
      %swap3A_85 = vector.shape_cast %and3A_81 : vector<16xi32> to vector<16xi32>
      tpu.vector_store %arg15[%swap3A_82], %swap3A_85 {strides = array<i32>} : memref<32xi32, #tpu.memory_space<vmem>>, vector<16xi32>,
      %shift_right_logical3A_86 = arith.constant 16 : i32
      %shift_right_logical3A_87 = vector.broadcast %shift_right_logical3A_86 : i32 to vector<16xi32>
      %shift_right_logical3A_88 = arith.shrui %get3A_78, %shift_right_logical3A_87 : vector<16xi32>
      %swap3A_89 = arith.constant 16 : index
      %swap3A_90 = tpu.vector_load %arg23[%swap3A_89] {strides = array<i32>} : memref<32xi32, #tpu.memory_space<vmem>>, vector<16xi32>,
      %swap3A_91 = vector.shape_cast %swap3A_90 : vector<16xi32> to vector<16xi32>
      %swap3A_92 = vector.shape_cast %shift_right_logical3A_88 : vector<16xi32> to vector<16xi32>
      tpu.vector_store %arg23[%swap3A_89], %swap3A_92 {strides = array<i32>} : memref<32xi32, #tpu.memory_space<vmem>>, vector<16xi32>,
      %dma_start3A_93 = arith.constant 0 : i32
      %dma_start3A_94 = arith.constant 0 : i32
      %dma_start3A_95 = tpu.memref_slice %arg2[%dma_start3A_93, %dma_start3A_94] : memref<10112x128xf32, #tpu.memory_space<hbm>> -> memref<10112x128xf32, #tpu.memory_space<hbm>>
      tpu.enqueue_indirect_dma source(%dma_start3A_95 : memref<10112x128xf32, #tpu.memory_space<hbm>>) target(%arg7 : memref<32x128xf32, #tpu.memory_space<vmem>>) offsets(%arg15 : memref<32xi32, #tpu.memory_space<vmem>>) semaphore(%arg32 : memref<!tpu.dma_semaphore, #tpu.memory_space<semaphore_mem>>)
      %mul3A_96 = arith.constant 2 : i32
      %mul3A_97 = arith.muli %scan3A_54, %mul3A_96 : i32
      %add3A_98 = arith.constant 0 : i32
      %add3A_99 = arith.addi %mul3A_97, %add3A_98 : i32
      %gt3A_100 = arith.constant 0 : i32
      %gt3A_101 = arith.cmpi sgt, %scan3A_54, %gt3A_100 : i32
      %convert_element_type3A_102 = arith.extui %gt3A_101 : i1 to i32
      %cond3A_103 = arith.constant 0 : i32
      %cond3A_104 = arith.cmpi ne, %convert_element_type3A_102, %cond3A_103 : i32
      scf.if %cond3A_104 {
        %dma_wait3A_480 = arith.constant 0 : i32
        %dma_wait3A_481 = arith.constant 0 : i32
        %dma_wait3A_482 = tpu.memref_slice %arg31[%dma_wait3A_480, %dma_wait3A_481] : memref<10112x128xf32, #tpu.memory_space<vmem_shared>> -> memref<10112x128xf32, #tpu.memory_space<vmem_shared>>
        tpu.wait_indirect_dma semaphore(%arg41 : memref<!tpu.dma_semaphore, #tpu.memory_space<semaphore_mem>>) src(%arg8 : memref<32x128xf32, #tpu.memory_space<vmem>>) dst(%dma_wait3A_482 : memref<10112x128xf32, #tpu.memory_space<vmem_shared>>)
      } else {
      }
      %get3A_105 = arith.index_cast %add3A_99 : i32 to index
      %get3A_106 = arith.constant 32 : index
      %get3A_107 = tpu.vector_load %arg6[%get3A_105, %get3A_106] {strides = array<i32>} : memref<80x128xi32, #tpu.memory_space<vmem>>, vector<1x16xi32>,
      %get3A_108 = vector.shape_cast %get3A_107 : vector<1x16xi32> to vector<16xi32>
      %and3A_109 = arith.constant 65535 : i32
      %and3A_110 = vector.broadcast %and3A_109 : i32 to vector<16xi32>
      %and3A_111 = arith.andi %get3A_108, %and3A_110 : vector<16xi32>
      %swap3A_112 = arith.constant 0 : index
      %swap3A_113 = tpu.vector_load %arg16[%swap3A_112] {strides = array<i32>} : memref<32xi32, #tpu.memory_space<vmem>>, vector<16xi32>,
      %swap3A_114 = vector.shape_cast %swap3A_113 : vector<16xi32> to vector<16xi32>
      %swap3A_115 = vector.shape_cast %and3A_111 : vector<16xi32> to vector<16xi32>
      tpu.vector_store %arg16[%swap3A_112], %swap3A_115 {strides = array<i32>} : memref<32xi32, #tpu.memory_space<vmem>>, vector<16xi32>,
      %shift_right_logical3A_116 = arith.constant 16 : i32
      %shift_right_logical3A_117 = vector.broadcast %shift_right_logical3A_116 : i32 to vector<16xi32>
      %shift_right_logical3A_118 = arith.shrui %get3A_108, %shift_right_logical3A_117 : vector<16xi32>
      %swap3A_119 = arith.constant 0 : index
      %swap3A_120 = tpu.vector_load %arg24[%swap3A_119] {strides = array<i32>} : memref<32xi32, #tpu.memory_space<vmem>>, vector<16xi32>,
      %swap3A_121 = vector.shape_cast %swap3A_120 : vector<16xi32> to vector<16xi32>
      %swap3A_122 = vector.shape_cast %shift_right_logical3A_118 : vector<16xi32> to vector<16xi32>
      tpu.vector_store %arg24[%swap3A_119], %swap3A_122 {strides = array<i32>} : memref<32xi32, #tpu.memory_space<vmem>>, vector<16xi32>,
      %get3A_123 = arith.index_cast %add3A_99 : i32 to index
      %get3A_124 = arith.constant 48 : index
      %get3A_125 = tpu.vector_load %arg6[%get3A_123, %get3A_124] {strides = array<i32>} : memref<80x128xi32, #tpu.memory_space<vmem>>, vector<1x16xi32>,
      %get3A_126 = vector.shape_cast %get3A_125 : vector<1x16xi32> to vector<16xi32>
      %and3A_127 = arith.constant 65535 : i32
      %and3A_128 = vector.broadcast %and3A_127 : i32 to vector<16xi32>
      %and3A_129 = arith.andi %get3A_126, %and3A_128 : vector<16xi32>
      %swap3A_130 = arith.constant 16 : index
      %swap3A_131 = tpu.vector_load %arg16[%swap3A_130] {strides = array<i32>} : memref<32xi32, #tpu.memory_space<vmem>>, vector<16xi32>,
      %swap3A_132 = vector.shape_cast %swap3A_131 : vector<16xi32> to vector<16xi32>
      %swap3A_133 = vector.shape_cast %and3A_129 : vector<16xi32> to vector<16xi32>
      tpu.vector_store %arg16[%swap3A_130], %swap3A_133 {strides = array<i32>} : memref<32xi32, #tpu.memory_space<vmem>>, vector<16xi32>,
      %shift_right_logical3A_134 = arith.constant 16 : i32
      %shift_right_logical3A_135 = vector.broadcast %shift_right_logical3A_134 : i32 to vector<16xi32>
      %shift_right_logical3A_136 = arith.shrui %get3A_126, %shift_right_logical3A_135 : vector<16xi32>
      %swap3A_137 = arith.constant 16 : index
      %swap3A_138 = tpu.vector_load %arg24[%swap3A_137] {strides = array<i32>} : memref<32xi32, #tpu.memory_space<vmem>>, vector<16xi32>,
      %swap3A_139 = vector.shape_cast %swap3A_138 : vector<16xi32> to vector<16xi32>
      %swap3A_140 = vector.shape_cast %shift_right_logical3A_136 : vector<16xi32> to vector<16xi32>
      tpu.vector_store %arg24[%swap3A_137], %swap3A_140 {strides = array<i32>} : memref<32xi32, #tpu.memory_space<vmem>>, vector<16xi32>,
      %dma_start3A_141 = arith.constant 0 : i32
      %dma_start3A_142 = arith.constant 0 : i32
      %dma_start3A_143 = tpu.memref_slice %arg2[%dma_start3A_141, %dma_start3A_142] : memref<10112x128xf32, #tpu.memory_space<hbm>> -> memref<10112x128xf32, #tpu.memory_space<hbm>>
      tpu.enqueue_indirect_dma source(%dma_start3A_143 : memref<10112x128xf32, #tpu.memory_space<hbm>>) target(%arg8 : memref<32x128xf32, #tpu.memory_space<vmem>>) offsets(%arg16 : memref<32xi32, #tpu.memory_space<vmem>>) semaphore(%arg33 : memref<!tpu.dma_semaphore, #tpu.memory_space<semaphore_mem>>)
      %mul3A_144 = arith.constant 2 : i32
      %mul3A_145 = arith.muli %scan3A_54, %mul3A_144 : i32
      %add3A_146 = arith.constant 0 : i32
      %add3A_147 = arith.addi %mul3A_145, %add3A_146 : i32
      %gt3A_148 = arith.constant 0 : i32
      %gt3A_149 = arith.cmpi sgt, %scan3A_54, %gt3A_148 : i32
      %convert_element_type3A_150 = arith.extui %gt3A_149 : i1 to i32
      %cond3A_151 = arith.constant 0 : i32
      %cond3A_152 = arith.cmpi ne, %convert_element_type3A_150, %cond3A_151 : i32
      scf.if %cond3A_152 {
        %dma_wait3A_480 = arith.constant 0 : i32
        %dma_wait3A_481 = arith.constant 0 : i32
        %dma_wait3A_482 = tpu.memref_slice %arg31[%dma_wait3A_480, %dma_wait3A_481] : memref<10112x128xf32, #tpu.memory_space<vmem_shared>> -> memref<10112x128xf32, #tpu.memory_space<vmem_shared>>
        tpu.wait_indirect_dma semaphore(%arg42 : memref<!tpu.dma_semaphore, #tpu.memory_space<semaphore_mem>>) src(%arg9 : memref<32x128xf32, #tpu.memory_space<vmem>>) dst(%dma_wait3A_482 : memref<10112x128xf32, #tpu.memory_space<vmem_shared>>)
      } else {
      }
      %get3A_153 = arith.index_cast %add3A_147 : i32 to index
      %get3A_154 = arith.constant 64 : index
      %get3A_155 = tpu.vector_load %arg6[%get3A_153, %get3A_154] {strides = array<i32>} : memref<80x128xi32, #tpu.memory_space<vmem>>, vector<1x16xi32>,
      %get3A_156 = vector.shape_cast %get3A_155 : vector<1x16xi32> to vector<16xi32>
      %and3A_157 = arith.constant 65535 : i32
      %and3A_158 = vector.broadcast %and3A_157 : i32 to vector<16xi32>
      %and3A_159 = arith.andi %get3A_156, %and3A_158 : vector<16xi32>
      %swap3A_160 = arith.constant 0 : index
      %swap3A_161 = tpu.vector_load %arg17[%swap3A_160] {strides = array<i32>} : memref<32xi32, #tpu.memory_space<vmem>>, vector<16xi32>,
      %swap3A_162 = vector.shape_cast %swap3A_161 : vector<16xi32> to vector<16xi32>
      %swap3A_163 = vector.shape_cast %and3A_159 : vector<16xi32> to vector<16xi32>
      tpu.vector_store %arg17[%swap3A_160], %swap3A_163 {strides = array<i32>} : memref<32xi32, #tpu.memory_space<vmem>>, vector<16xi32>,
      %shift_right_logical3A_164 = arith.constant 16 : i32
      %shift_right_logical3A_165 = vector.broadcast %shift_right_logical3A_164 : i32 to vector<16xi32>
      %shift_right_logical3A_166 = arith.shrui %get3A_156, %shift_right_logical3A_165 : vector<16xi32>
      %swap3A_167 = arith.constant 0 : index
      %swap3A_168 = tpu.vector_load %arg25[%swap3A_167] {strides = array<i32>} : memref<32xi32, #tpu.memory_space<vmem>>, vector<16xi32>,
      %swap3A_169 = vector.shape_cast %swap3A_168 : vector<16xi32> to vector<16xi32>
      %swap3A_170 = vector.shape_cast %shift_right_logical3A_166 : vector<16xi32> to vector<16xi32>
      tpu.vector_store %arg25[%swap3A_167], %swap3A_170 {strides = array<i32>} : memref<32xi32, #tpu.memory_space<vmem>>, vector<16xi32>,
      %get3A_171 = arith.index_cast %add3A_147 : i32 to index
      %get3A_172 = arith.constant 80 : index
      %get3A_173 = tpu.vector_load %arg6[%get3A_171, %get3A_172] {strides = array<i32>} : memref<80x128xi32, #tpu.memory_space<vmem>>, vector<1x16xi32>,
      %get3A_174 = vector.shape_cast %get3A_173 : vector<1x16xi32> to vector<16xi32>
      %and3A_175 = arith.constant 65535 : i32
      %and3A_176 = vector.broadcast %and3A_175 : i32 to vector<16xi32>
      %and3A_177 = arith.andi %get3A_174, %and3A_176 : vector<16xi32>
      %swap3A_178 = arith.constant 16 : index
      %swap3A_179 = tpu.vector_load %arg17[%swap3A_178] {strides = array<i32>} : memref<32xi32, #tpu.memory_space<vmem>>, vector<16xi32>,
      %swap3A_180 = vector.shape_cast %swap3A_179 : vector<16xi32> to vector<16xi32>
      %swap3A_181 = vector.shape_cast %and3A_177 : vector<16xi32> to vector<16xi32>
      tpu.vector_store %arg17[%swap3A_178], %swap3A_181 {strides = array<i32>} : memref<32xi32, #tpu.memory_space<vmem>>, vector<16xi32>,
      %shift_right_logical3A_182 = arith.constant 16 : i32
      %shift_right_logical3A_183 = vector.broadcast %shift_right_logical3A_182 : i32 to vector<16xi32>
      %shift_right_logical3A_184 = arith.shrui %get3A_174, %shift_right_logical3A_183 : vector<16xi32>
      %swap3A_185 = arith.constant 16 : index
      %swap3A_186 = tpu.vector_load %arg25[%swap3A_185] {strides = array<i32>} : memref<32xi32, #tpu.memory_space<vmem>>, vector<16xi32>,
      %swap3A_187 = vector.shape_cast %swap3A_186 : vector<16xi32> to vector<16xi32>
      %swap3A_188 = vector.shape_cast %shift_right_logical3A_184 : vector<16xi32> to vector<16xi32>
      tpu.vector_store %arg25[%swap3A_185], %swap3A_188 {strides = array<i32>} : memref<32xi32, #tpu.memory_space<vmem>>, vector<16xi32>,
      %dma_start3A_189 = arith.constant 0 : i32
      %dma_start3A_190 = arith.constant 0 : i32
      %dma_start3A_191 = tpu.memref_slice %arg2[%dma_start3A_189, %dma_start3A_190] : memref<10112x128xf32, #tpu.memory_space<hbm>> -> memref<10112x128xf32, #tpu.memory_space<hbm>>
      tpu.enqueue_indirect_dma source(%dma_start3A_191 : memref<10112x128xf32, #tpu.memory_space<hbm>>) target(%arg9 : memref<32x128xf32, #tpu.memory_space<vmem>>) offsets(%arg17 : memref<32xi32, #tpu.memory_space<vmem>>) semaphore(%arg34 : memref<!tpu.dma_semaphore, #tpu.memory_space<semaphore_mem>>)
      %mul3A_192 = arith.constant 2 : i32
      %mul3A_193 = arith.muli %scan3A_54, %mul3A_192 : i32
      %add3A_194 = arith.constant 0 : i32
      %add3A_195 = arith.addi %mul3A_193, %add3A_194 : i32
      %gt3A_196 = arith.constant 0 : i32
      %gt3A_197 = arith.cmpi sgt, %scan3A_54, %gt3A_196 : i32
      %convert_element_type3A_198 = arith.extui %gt3A_197 : i1 to i32
      %cond3A_199 = arith.constant 0 : i32
      %cond3A_200 = arith.cmpi ne, %convert_element_type3A_198, %cond3A_199 : i32
      scf.if %cond3A_200 {
        %dma_wait3A_480 = arith.constant 0 : i32
        %dma_wait3A_481 = arith.constant 0 : i32
        %dma_wait3A_482 = tpu.memref_slice %arg31[%dma_wait3A_480, %dma_wait3A_481] : memref<10112x128xf32, #tpu.memory_space<vmem_shared>> -> memref<10112x128xf32, #tpu.memory_space<vmem_shared>>
        tpu.wait_indirect_dma semaphore(%arg43 : memref<!tpu.dma_semaphore, #tpu.memory_space<semaphore_mem>>) src(%arg10 : memref<32x128xf32, #tpu.memory_space<vmem>>) dst(%dma_wait3A_482 : memref<10112x128xf32, #tpu.memory_space<vmem_shared>>)
      } else {
      }
      %get3A_201 = arith.index_cast %add3A_195 : i32 to index
      %get3A_202 = arith.constant 96 : index
      %get3A_203 = tpu.vector_load %arg6[%get3A_201, %get3A_202] {strides = array<i32>} : memref<80x128xi32, #tpu.memory_space<vmem>>, vector<1x16xi32>,
      %get3A_204 = vector.shape_cast %get3A_203 : vector<1x16xi32> to vector<16xi32>
      %and3A_205 = arith.constant 65535 : i32
      %and3A_206 = vector.broadcast %and3A_205 : i32 to vector<16xi32>
      %and3A_207 = arith.andi %get3A_204, %and3A_206 : vector<16xi32>
      %swap3A_208 = arith.constant 0 : index
      %swap3A_209 = tpu.vector_load %arg18[%swap3A_208] {strides = array<i32>} : memref<32xi32, #tpu.memory_space<vmem>>, vector<16xi32>,
      %swap3A_210 = vector.shape_cast %swap3A_209 : vector<16xi32> to vector<16xi32>
      %swap3A_211 = vector.shape_cast %and3A_207 : vector<16xi32> to vector<16xi32>
      tpu.vector_store %arg18[%swap3A_208], %swap3A_211 {strides = array<i32>} : memref<32xi32, #tpu.memory_space<vmem>>, vector<16xi32>,
      %shift_right_logical3A_212 = arith.constant 16 : i32
      %shift_right_logical3A_213 = vector.broadcast %shift_right_logical3A_212 : i32 to vector<16xi32>
      %shift_right_logical3A_214 = arith.shrui %get3A_204, %shift_right_logical3A_213 : vector<16xi32>
      %swap3A_215 = arith.constant 0 : index
      %swap3A_216 = tpu.vector_load %arg26[%swap3A_215] {strides = array<i32>} : memref<32xi32, #tpu.memory_space<vmem>>, vector<16xi32>,
      %swap3A_217 = vector.shape_cast %swap3A_216 : vector<16xi32> to vector<16xi32>
      %swap3A_218 = vector.shape_cast %shift_right_logical3A_214 : vector<16xi32> to vector<16xi32>
      tpu.vector_store %arg26[%swap3A_215], %swap3A_218 {strides = array<i32>} : memref<32xi32, #tpu.memory_space<vmem>>, vector<16xi32>,
      %get3A_219 = arith.index_cast %add3A_195 : i32 to index
      %get3A_220 = arith.constant 112 : index
      %get3A_221 = tpu.vector_load %arg6[%get3A_219, %get3A_220] {strides = array<i32>} : memref<80x128xi32, #tpu.memory_space<vmem>>, vector<1x16xi32>,
      %get3A_222 = vector.shape_cast %get3A_221 : vector<1x16xi32> to vector<16xi32>
      %and3A_223 = arith.constant 65535 : i32
      %and3A_224 = vector.broadcast %and3A_223 : i32 to vector<16xi32>
      %and3A_225 = arith.andi %get3A_222, %and3A_224 : vector<16xi32>
      %swap3A_226 = arith.constant 16 : index
      %swap3A_227 = tpu.vector_load %arg18[%swap3A_226] {strides = array<i32>} : memref<32xi32, #tpu.memory_space<vmem>>, vector<16xi32>,
      %swap3A_228 = vector.shape_cast %swap3A_227 : vector<16xi32> to vector<16xi32>
      %swap3A_229 = vector.shape_cast %and3A_225 : vector<16xi32> to vector<16xi32>
      tpu.vector_store %arg18[%swap3A_226], %swap3A_229 {strides = array<i32>} : memref<32xi32, #tpu.memory_space<vmem>>, vector<16xi32>,
      %shift_right_logical3A_230 = arith.constant 16 : i32
      %shift_right_logical3A_231 = vector.broadcast %shift_right_logical3A_230 : i32 to vector<16xi32>
      %shift_right_logical3A_232 = arith.shrui %get3A_222, %shift_right_logical3A_231 : vector<16xi32>
      %swap3A_233 = arith.constant 16 : index
      %swap3A_234 = tpu.vector_load %arg26[%swap3A_233] {strides = array<i32>} : memref<32xi32, #tpu.memory_space<vmem>>, vector<16xi32>,
      %swap3A_235 = vector.shape_cast %swap3A_234 : vector<16xi32> to vector<16xi32>
      %swap3A_236 = vector.shape_cast %shift_right_logical3A_232 : vector<16xi32> to vector<16xi32>
      tpu.vector_store %arg26[%swap3A_233], %swap3A_236 {strides = array<i32>} : memref<32xi32, #tpu.memory_space<vmem>>, vector<16xi32>,
      %dma_start3A_237 = arith.constant 0 : i32
      %dma_start3A_238 = arith.constant 0 : i32
      %dma_start3A_239 = tpu.memref_slice %arg2[%dma_start3A_237, %dma_start3A_238] : memref<10112x128xf32, #tpu.memory_space<hbm>> -> memref<10112x128xf32, #tpu.memory_space<hbm>>
      tpu.enqueue_indirect_dma source(%dma_start3A_239 : memref<10112x128xf32, #tpu.memory_space<hbm>>) target(%arg10 : memref<32x128xf32, #tpu.memory_space<vmem>>) offsets(%arg18 : memref<32xi32, #tpu.memory_space<vmem>>) semaphore(%arg35 : memref<!tpu.dma_semaphore, #tpu.memory_space<semaphore_mem>>)
      %mul3A_240 = arith.constant 2 : i32
      %mul3A_241 = arith.muli %scan3A_54, %mul3A_240 : i32
      %add3A_242 = arith.constant 1 : i32
      %add3A_243 = arith.addi %mul3A_241, %add3A_242 : i32
      %gt3A_244 = arith.constant 0 : i32
      %gt3A_245 = arith.cmpi sgt, %scan3A_54, %gt3A_244 : i32
      %convert_element_type3A_246 = arith.extui %gt3A_245 : i1 to i32
      %cond3A_247 = arith.constant 0 : i32
      %cond3A_248 = arith.cmpi ne, %convert_element_type3A_246, %cond3A_247 : i32
      scf.if %cond3A_248 {
        %dma_wait3A_480 = arith.constant 0 : i32
        %dma_wait3A_481 = arith.constant 0 : i32
        %dma_wait3A_482 = tpu.memref_slice %arg31[%dma_wait3A_480, %dma_wait3A_481] : memref<10112x128xf32, #tpu.memory_space<vmem_shared>> -> memref<10112x128xf32, #tpu.memory_space<vmem_shared>>
        tpu.wait_indirect_dma semaphore(%arg44 : memref<!tpu.dma_semaphore, #tpu.memory_space<semaphore_mem>>) src(%arg11 : memref<32x128xf32, #tpu.memory_space<vmem>>) dst(%dma_wait3A_482 : memref<10112x128xf32, #tpu.memory_space<vmem_shared>>)
      } else {
      }
      %get3A_249 = arith.index_cast %add3A_243 : i32 to index
      %get3A_250 = arith.constant 0 : index
      %get3A_251 = tpu.vector_load %arg6[%get3A_249, %get3A_250] {strides = array<i32>} : memref<80x128xi32, #tpu.memory_space<vmem>>, vector<1x16xi32>,
      %get3A_252 = vector.shape_cast %get3A_251 : vector<1x16xi32> to vector<16xi32>
      %and3A_253 = arith.constant 65535 : i32
      %and3A_254 = vector.broadcast %and3A_253 : i32 to vector<16xi32>
      %and3A_255 = arith.andi %get3A_252, %and3A_254 : vector<16xi32>
      %swap3A_256 = arith.constant 0 : index
      %swap3A_257 = tpu.vector_load %arg19[%swap3A_256] {strides = array<i32>} : memref<32xi32, #tpu.memory_space<vmem>>, vector<16xi32>,
      %swap3A_258 = vector.shape_cast %swap3A_257 : vector<16xi32> to vector<16xi32>
      %swap3A_259 = vector.shape_cast %and3A_255 : vector<16xi32> to vector<16xi32>
      tpu.vector_store %arg19[%swap3A_256], %swap3A_259 {strides = array<i32>} : memref<32xi32, #tpu.memory_space<vmem>>, vector<16xi32>,
      %shift_right_logical3A_260 = arith.constant 16 : i32
      %shift_right_logical3A_261 = vector.broadcast %shift_right_logical3A_260 : i32 to vector<16xi32>
      %shift_right_logical3A_262 = arith.shrui %get3A_252, %shift_right_logical3A_261 : vector<16xi32>
      %swap3A_263 = arith.constant 0 : index
      %swap3A_264 = tpu.vector_load %arg27[%swap3A_263] {strides = array<i32>} : memref<32xi32, #tpu.memory_space<vmem>>, vector<16xi32>,
      %swap3A_265 = vector.shape_cast %swap3A_264 : vector<16xi32> to vector<16xi32>
      %swap3A_266 = vector.shape_cast %shift_right_logical3A_262 : vector<16xi32> to vector<16xi32>
      tpu.vector_store %arg27[%swap3A_263], %swap3A_266 {strides = array<i32>} : memref<32xi32, #tpu.memory_space<vmem>>, vector<16xi32>,
      %get3A_267 = arith.index_cast %add3A_243 : i32 to index
      %get3A_268 = arith.constant 16 : index
      %get3A_269 = tpu.vector_load %arg6[%get3A_267, %get3A_268] {strides = array<i32>} : memref<80x128xi32, #tpu.memory_space<vmem>>, vector<1x16xi32>,
      %get3A_270 = vector.shape_cast %get3A_269 : vector<1x16xi32> to vector<16xi32>
      %and3A_271 = arith.constant 65535 : i32
      %and3A_272 = vector.broadcast %and3A_271 : i32 to vector<16xi32>
      %and3A_273 = arith.andi %get3A_270, %and3A_272 : vector<16xi32>
      %swap3A_274 = arith.constant 16 : index
      %swap3A_275 = tpu.vector_load %arg19[%swap3A_274] {strides = array<i32>} : memref<32xi32, #tpu.memory_space<vmem>>, vector<16xi32>,
      %swap3A_276 = vector.shape_cast %swap3A_275 : vector<16xi32> to vector<16xi32>
      %swap3A_277 = vector.shape_cast %and3A_273 : vector<16xi32> to vector<16xi32>
      tpu.vector_store %arg19[%swap3A_274], %swap3A_277 {strides = array<i32>} : memref<32xi32, #tpu.memory_space<vmem>>, vector<16xi32>,
      %shift_right_logical3A_278 = arith.constant 16 : i32
      %shift_right_logical3A_279 = vector.broadcast %shift_right_logical3A_278 : i32 to vector<16xi32>
      %shift_right_logical3A_280 = arith.shrui %get3A_270, %shift_right_logical3A_279 : vector<16xi32>
      %swap3A_281 = arith.constant 16 : index
      %swap3A_282 = tpu.vector_load %arg27[%swap3A_281] {strides = array<i32>} : memref<32xi32, #tpu.memory_space<vmem>>, vector<16xi32>,
      %swap3A_283 = vector.shape_cast %swap3A_282 : vector<16xi32> to vector<16xi32>
      %swap3A_284 = vector.shape_cast %shift_right_logical3A_280 : vector<16xi32> to vector<16xi32>
      tpu.vector_store %arg27[%swap3A_281], %swap3A_284 {strides = array<i32>} : memref<32xi32, #tpu.memory_space<vmem>>, vector<16xi32>,
      %dma_start3A_285 = arith.constant 0 : i32
      %dma_start3A_286 = arith.constant 0 : i32
      %dma_start3A_287 = tpu.memref_slice %arg2[%dma_start3A_285, %dma_start3A_286] : memref<10112x128xf32, #tpu.memory_space<hbm>> -> memref<10112x128xf32, #tpu.memory_space<hbm>>
      tpu.enqueue_indirect_dma source(%dma_start3A_287 : memref<10112x128xf32, #tpu.memory_space<hbm>>) target(%arg11 : memref<32x128xf32, #tpu.memory_space<vmem>>) offsets(%arg19 : memref<32xi32, #tpu.memory_space<vmem>>) semaphore(%arg36 : memref<!tpu.dma_semaphore, #tpu.memory_space<semaphore_mem>>)
      %mul3A_288 = arith.constant 2 : i32
      %mul3A_289 = arith.muli %scan3A_54, %mul3A_288 : i32
      %add3A_290 = arith.constant 1 : i32
      %add3A_291 = arith.addi %mul3A_289, %add3A_290 : i32
      %gt3A_292 = arith.constant 0 : i32
      %gt3A_293 = arith.cmpi sgt, %scan3A_54, %gt3A_292 : i32
      %convert_element_type3A_294 = arith.extui %gt3A_293 : i1 to i32
      %cond3A_295 = arith.constant 0 : i32
      %cond3A_296 = arith.cmpi ne, %convert_element_type3A_294, %cond3A_295 : i32
      scf.if %cond3A_296 {
        %dma_wait3A_480 = arith.constant 0 : i32
        %dma_wait3A_481 = arith.constant 0 : i32
        %dma_wait3A_482 = tpu.memref_slice %arg31[%dma_wait3A_480, %dma_wait3A_481] : memref<10112x128xf32, #tpu.memory_space<vmem_shared>> -> memref<10112x128xf32, #tpu.memory_space<vmem_shared>>
        tpu.wait_indirect_dma semaphore(%arg45 : memref<!tpu.dma_semaphore, #tpu.memory_space<semaphore_mem>>) src(%arg12 : memref<32x128xf32, #tpu.memory_space<vmem>>) dst(%dma_wait3A_482 : memref<10112x128xf32, #tpu.memory_space<vmem_shared>>)
      } else {
      }
      %get3A_297 = arith.index_cast %add3A_291 : i32 to index
      %get3A_298 = arith.constant 32 : index
      %get3A_299 = tpu.vector_load %arg6[%get3A_297, %get3A_298] {strides = array<i32>} : memref<80x128xi32, #tpu.memory_space<vmem>>, vector<1x16xi32>,
      %get3A_300 = vector.shape_cast %get3A_299 : vector<1x16xi32> to vector<16xi32>
      %and3A_301 = arith.constant 65535 : i32
      %and3A_302 = vector.broadcast %and3A_301 : i32 to vector<16xi32>
      %and3A_303 = arith.andi %get3A_300, %and3A_302 : vector<16xi32>
      %swap3A_304 = arith.constant 0 : index
      %swap3A_305 = tpu.vector_load %arg20[%swap3A_304] {strides = array<i32>} : memref<32xi32, #tpu.memory_space<vmem>>, vector<16xi32>,
      %swap3A_306 = vector.shape_cast %swap3A_305 : vector<16xi32> to vector<16xi32>
      %swap3A_307 = vector.shape_cast %and3A_303 : vector<16xi32> to vector<16xi32>
      tpu.vector_store %arg20[%swap3A_304], %swap3A_307 {strides = array<i32>} : memref<32xi32, #tpu.memory_space<vmem>>, vector<16xi32>,
      %shift_right_logical3A_308 = arith.constant 16 : i32
      %shift_right_logical3A_309 = vector.broadcast %shift_right_logical3A_308 : i32 to vector<16xi32>
      %shift_right_logical3A_310 = arith.shrui %get3A_300, %shift_right_logical3A_309 : vector<16xi32>
      %swap3A_311 = arith.constant 0 : index
      %swap3A_312 = tpu.vector_load %arg28[%swap3A_311] {strides = array<i32>} : memref<32xi32, #tpu.memory_space<vmem>>, vector<16xi32>,
      %swap3A_313 = vector.shape_cast %swap3A_312 : vector<16xi32> to vector<16xi32>
      %swap3A_314 = vector.shape_cast %shift_right_logical3A_310 : vector<16xi32> to vector<16xi32>
      tpu.vector_store %arg28[%swap3A_311], %swap3A_314 {strides = array<i32>} : memref<32xi32, #tpu.memory_space<vmem>>, vector<16xi32>,
      %get3A_315 = arith.index_cast %add3A_291 : i32 to index
      %get3A_316 = arith.constant 48 : index
      %get3A_317 = tpu.vector_load %arg6[%get3A_315, %get3A_316] {strides = array<i32>} : memref<80x128xi32, #tpu.memory_space<vmem>>, vector<1x16xi32>,
      %get3A_318 = vector.shape_cast %get3A_317 : vector<1x16xi32> to vector<16xi32>
      %and3A_319 = arith.constant 65535 : i32
      %and3A_320 = vector.broadcast %and3A_319 : i32 to vector<16xi32>
      %and3A_321 = arith.andi %get3A_318, %and3A_320 : vector<16xi32>
      %swap3A_322 = arith.constant 16 : index
      %swap3A_323 = tpu.vector_load %arg20[%swap3A_322] {strides = array<i32>} : memref<32xi32, #tpu.memory_space<vmem>>, vector<16xi32>,
      %swap3A_324 = vector.shape_cast %swap3A_323 : vector<16xi32> to vector<16xi32>
      %swap3A_325 = vector.shape_cast %and3A_321 : vector<16xi32> to vector<16xi32>
      tpu.vector_store %arg20[%swap3A_322], %swap3A_325 {strides = array<i32>} : memref<32xi32, #tpu.memory_space<vmem>>, vector<16xi32>,
      %shift_right_logical3A_326 = arith.constant 16 : i32
      %shift_right_logical3A_327 = vector.broadcast %shift_right_logical3A_326 : i32 to vector<16xi32>
      %shift_right_logical3A_328 = arith.shrui %get3A_318, %shift_right_logical3A_327 : vector<16xi32>
      %swap3A_329 = arith.constant 16 : index
      %swap3A_330 = tpu.vector_load %arg28[%swap3A_329] {strides = array<i32>} : memref<32xi32, #tpu.memory_space<vmem>>, vector<16xi32>,
      %swap3A_331 = vector.shape_cast %swap3A_330 : vector<16xi32> to vector<16xi32>
      %swap3A_332 = vector.shape_cast %shift_right_logical3A_328 : vector<16xi32> to vector<16xi32>
      tpu.vector_store %arg28[%swap3A_329], %swap3A_332 {strides = array<i32>} : memref<32xi32, #tpu.memory_space<vmem>>, vector<16xi32>,
      %dma_start3A_333 = arith.constant 0 : i32
      %dma_start3A_334 = arith.constant 0 : i32
      %dma_start3A_335 = tpu.memref_slice %arg2[%dma_start3A_333, %dma_start3A_334] : memref<10112x128xf32, #tpu.memory_space<hbm>> -> memref<10112x128xf32, #tpu.memory_space<hbm>>
      tpu.enqueue_indirect_dma source(%dma_start3A_335 : memref<10112x128xf32, #tpu.memory_space<hbm>>) target(%arg12 : memref<32x128xf32, #tpu.memory_space<vmem>>) offsets(%arg20 : memref<32xi32, #tpu.memory_space<vmem>>) semaphore(%arg37 : memref<!tpu.dma_semaphore, #tpu.memory_space<semaphore_mem>>)
      %mul3A_336 = arith.constant 2 : i32
      %mul3A_337 = arith.muli %scan3A_54, %mul3A_336 : i32
      %add3A_338 = arith.constant 1 : i32
      %add3A_339 = arith.addi %mul3A_337, %add3A_338 : i32
      %gt3A_340 = arith.constant 0 : i32
      %gt3A_341 = arith.cmpi sgt, %scan3A_54, %gt3A_340 : i32
      %convert_element_type3A_342 = arith.extui %gt3A_341 : i1 to i32
      %cond3A_343 = arith.constant 0 : i32
      %cond3A_344 = arith.cmpi ne, %convert_element_type3A_342, %cond3A_343 : i32
      scf.if %cond3A_344 {
        %dma_wait3A_480 = arith.constant 0 : i32
        %dma_wait3A_481 = arith.constant 0 : i32
        %dma_wait3A_482 = tpu.memref_slice %arg31[%dma_wait3A_480, %dma_wait3A_481] : memref<10112x128xf32, #tpu.memory_space<vmem_shared>> -> memref<10112x128xf32, #tpu.memory_space<vmem_shared>>
        tpu.wait_indirect_dma semaphore(%arg46 : memref<!tpu.dma_semaphore, #tpu.memory_space<semaphore_mem>>) src(%arg13 : memref<32x128xf32, #tpu.memory_space<vmem>>) dst(%dma_wait3A_482 : memref<10112x128xf32, #tpu.memory_space<vmem_shared>>)
      } else {
      }
      %get3A_345 = arith.index_cast %add3A_339 : i32 to index
      %get3A_346 = arith.constant 64 : index
      %get3A_347 = tpu.vector_load %arg6[%get3A_345, %get3A_346] {strides = array<i32>} : memref<80x128xi32, #tpu.memory_space<vmem>>, vector<1x16xi32>,
      %get3A_348 = vector.shape_cast %get3A_347 : vector<1x16xi32> to vector<16xi32>
      %and3A_349 = arith.constant 65535 : i32
      %and3A_350 = vector.broadcast %and3A_349 : i32 to vector<16xi32>
      %and3A_351 = arith.andi %get3A_348, %and3A_350 : vector<16xi32>
      %swap3A_352 = arith.constant 0 : index
      %swap3A_353 = tpu.vector_load %arg21[%swap3A_352] {strides = array<i32>} : memref<32xi32, #tpu.memory_space<vmem>>, vector<16xi32>,
      %swap3A_354 = vector.shape_cast %swap3A_353 : vector<16xi32> to vector<16xi32>
      %swap3A_355 = vector.shape_cast %and3A_351 : vector<16xi32> to vector<16xi32>
      tpu.vector_store %arg21[%swap3A_352], %swap3A_355 {strides = array<i32>} : memref<32xi32, #tpu.memory_space<vmem>>, vector<16xi32>,
      %shift_right_logical3A_356 = arith.constant 16 : i32
      %shift_right_logical3A_357 = vector.broadcast %shift_right_logical3A_356 : i32 to vector<16xi32>
      %shift_right_logical3A_358 = arith.shrui %get3A_348, %shift_right_logical3A_357 : vector<16xi32>
      %swap3A_359 = arith.constant 0 : index
      %swap3A_360 = tpu.vector_load %arg29[%swap3A_359] {strides = array<i32>} : memref<32xi32, #tpu.memory_space<vmem>>, vector<16xi32>,
      %swap3A_361 = vector.shape_cast %swap3A_360 : vector<16xi32> to vector<16xi32>
      %swap3A_362 = vector.shape_cast %shift_right_logical3A_358 : vector<16xi32> to vector<16xi32>
      tpu.vector_store %arg29[%swap3A_359], %swap3A_362 {strides = array<i32>} : memref<32xi32, #tpu.memory_space<vmem>>, vector<16xi32>,
      %get3A_363 = arith.index_cast %add3A_339 : i32 to index
      %get3A_364 = arith.constant 80 : index
      %get3A_365 = tpu.vector_load %arg6[%get3A_363, %get3A_364] {strides = array<i32>} : memref<80x128xi32, #tpu.memory_space<vmem>>, vector<1x16xi32>,
      %get3A_366 = vector.shape_cast %get3A_365 : vector<1x16xi32> to vector<16xi32>
      %and3A_367 = arith.constant 65535 : i32
      %and3A_368 = vector.broadcast %and3A_367 : i32 to vector<16xi32>
      %and3A_369 = arith.andi %get3A_366, %and3A_368 : vector<16xi32>
      %swap3A_370 = arith.constant 16 : index
      %swap3A_371 = tpu.vector_load %arg21[%swap3A_370] {strides = array<i32>} : memref<32xi32, #tpu.memory_space<vmem>>, vector<16xi32>,
      %swap3A_372 = vector.shape_cast %swap3A_371 : vector<16xi32> to vector<16xi32>
      %swap3A_373 = vector.shape_cast %and3A_369 : vector<16xi32> to vector<16xi32>
      tpu.vector_store %arg21[%swap3A_370], %swap3A_373 {strides = array<i32>} : memref<32xi32, #tpu.memory_space<vmem>>, vector<16xi32>,
      %shift_right_logical3A_374 = arith.constant 16 : i32
      %shift_right_logical3A_375 = vector.broadcast %shift_right_logical3A_374 : i32 to vector<16xi32>
      %shift_right_logical3A_376 = arith.shrui %get3A_366, %shift_right_logical3A_375 : vector<16xi32>
      %swap3A_377 = arith.constant 16 : index
      %swap3A_378 = tpu.vector_load %arg29[%swap3A_377] {strides = array<i32>} : memref<32xi32, #tpu.memory_space<vmem>>, vector<16xi32>,
      %swap3A_379 = vector.shape_cast %swap3A_378 : vector<16xi32> to vector<16xi32>
      %swap3A_380 = vector.shape_cast %shift_right_logical3A_376 : vector<16xi32> to vector<16xi32>
      tpu.vector_store %arg29[%swap3A_377], %swap3A_380 {strides = array<i32>} : memref<32xi32, #tpu.memory_space<vmem>>, vector<16xi32>,
      %dma_start3A_381 = arith.constant 0 : i32
      %dma_start3A_382 = arith.constant 0 : i32
      %dma_start3A_383 = tpu.memref_slice %arg2[%dma_start3A_381, %dma_start3A_382] : memref<10112x128xf32, #tpu.memory_space<hbm>> -> memref<10112x128xf32, #tpu.memory_space<hbm>>
      tpu.enqueue_indirect_dma source(%dma_start3A_383 : memref<10112x128xf32, #tpu.memory_space<hbm>>) target(%arg13 : memref<32x128xf32, #tpu.memory_space<vmem>>) offsets(%arg21 : memref<32xi32, #tpu.memory_space<vmem>>) semaphore(%arg38 : memref<!tpu.dma_semaphore, #tpu.memory_space<semaphore_mem>>)
      %mul3A_384 = arith.constant 2 : i32
      %mul3A_385 = arith.muli %scan3A_54, %mul3A_384 : i32
      %add3A_386 = arith.constant 1 : i32
      %add3A_387 = arith.addi %mul3A_385, %add3A_386 : i32
      %gt3A_388 = arith.constant 0 : i32
      %gt3A_389 = arith.cmpi sgt, %scan3A_54, %gt3A_388 : i32
      %convert_element_type3A_390 = arith.extui %gt3A_389 : i1 to i32
      %cond3A_391 = arith.constant 0 : i32
      %cond3A_392 = arith.cmpi ne, %convert_element_type3A_390, %cond3A_391 : i32
      scf.if %cond3A_392 {
        %dma_wait3A_480 = arith.constant 0 : i32
        %dma_wait3A_481 = arith.constant 0 : i32
        %dma_wait3A_482 = tpu.memref_slice %arg31[%dma_wait3A_480, %dma_wait3A_481] : memref<10112x128xf32, #tpu.memory_space<vmem_shared>> -> memref<10112x128xf32, #tpu.memory_space<vmem_shared>>
        tpu.wait_indirect_dma semaphore(%arg47 : memref<!tpu.dma_semaphore, #tpu.memory_space<semaphore_mem>>) src(%arg14 : memref<32x128xf32, #tpu.memory_space<vmem>>) dst(%dma_wait3A_482 : memref<10112x128xf32, #tpu.memory_space<vmem_shared>>)
      } else {
      }
      %get3A_393 = arith.index_cast %add3A_387 : i32 to index
      %get3A_394 = arith.constant 96 : index
      %get3A_395 = tpu.vector_load %arg6[%get3A_393, %get3A_394] {strides = array<i32>} : memref<80x128xi32, #tpu.memory_space<vmem>>, vector<1x16xi32>,
      %get3A_396 = vector.shape_cast %get3A_395 : vector<1x16xi32> to vector<16xi32>
      %and3A_397 = arith.constant 65535 : i32
      %and3A_398 = vector.broadcast %and3A_397 : i32 to vector<16xi32>
      %and3A_399 = arith.andi %get3A_396, %and3A_398 : vector<16xi32>
      %swap3A_400 = arith.constant 0 : index
      %swap3A_401 = tpu.vector_load %arg22[%swap3A_400] {strides = array<i32>} : memref<32xi32, #tpu.memory_space<vmem>>, vector<16xi32>,
      %swap3A_402 = vector.shape_cast %swap3A_401 : vector<16xi32> to vector<16xi32>
      %swap3A_403 = vector.shape_cast %and3A_399 : vector<16xi32> to vector<16xi32>
      tpu.vector_store %arg22[%swap3A_400], %swap3A_403 {strides = array<i32>} : memref<32xi32, #tpu.memory_space<vmem>>, vector<16xi32>,
      %shift_right_logical3A_404 = arith.constant 16 : i32
      %shift_right_logical3A_405 = vector.broadcast %shift_right_logical3A_404 : i32 to vector<16xi32>
      %shift_right_logical3A_406 = arith.shrui %get3A_396, %shift_right_logical3A_405 : vector<16xi32>
      %swap3A_407 = arith.constant 0 : index
      %swap3A_408 = tpu.vector_load %arg30[%swap3A_407] {strides = array<i32>} : memref<32xi32, #tpu.memory_space<vmem>>, vector<16xi32>,
      %swap3A_409 = vector.shape_cast %swap3A_408 : vector<16xi32> to vector<16xi32>
      %swap3A_410 = vector.shape_cast %shift_right_logical3A_406 : vector<16xi32> to vector<16xi32>
      tpu.vector_store %arg30[%swap3A_407], %swap3A_410 {strides = array<i32>} : memref<32xi32, #tpu.memory_space<vmem>>, vector<16xi32>,
      %get3A_411 = arith.index_cast %add3A_387 : i32 to index
      %get3A_412 = arith.constant 112 : index
      %get3A_413 = tpu.vector_load %arg6[%get3A_411, %get3A_412] {strides = array<i32>} : memref<80x128xi32, #tpu.memory_space<vmem>>, vector<1x16xi32>,
      %get3A_414 = vector.shape_cast %get3A_413 : vector<1x16xi32> to vector<16xi32>
      %and3A_415 = arith.constant 65535 : i32
      %and3A_416 = vector.broadcast %and3A_415 : i32 to vector<16xi32>
      %and3A_417 = arith.andi %get3A_414, %and3A_416 : vector<16xi32>
      %swap3A_418 = arith.constant 16 : index
      %swap3A_419 = tpu.vector_load %arg22[%swap3A_418] {strides = array<i32>} : memref<32xi32, #tpu.memory_space<vmem>>, vector<16xi32>,
      %swap3A_420 = vector.shape_cast %swap3A_419 : vector<16xi32> to vector<16xi32>
      %swap3A_421 = vector.shape_cast %and3A_417 : vector<16xi32> to vector<16xi32>
      tpu.vector_store %arg22[%swap3A_418], %swap3A_421 {strides = array<i32>} : memref<32xi32, #tpu.memory_space<vmem>>, vector<16xi32>,
      %shift_right_logical3A_422 = arith.constant 16 : i32
      %shift_right_logical3A_423 = vector.broadcast %shift_right_logical3A_422 : i32 to vector<16xi32>
      %shift_right_logical3A_424 = arith.shrui %get3A_414, %shift_right_logical3A_423 : vector<16xi32>
      %swap3A_425 = arith.constant 16 : index
      %swap3A_426 = tpu.vector_load %arg30[%swap3A_425] {strides = array<i32>} : memref<32xi32, #tpu.memory_space<vmem>>, vector<16xi32>,
      %swap3A_427 = vector.shape_cast %swap3A_426 : vector<16xi32> to vector<16xi32>
      %swap3A_428 = vector.shape_cast %shift_right_logical3A_424 : vector<16xi32> to vector<16xi32>
      tpu.vector_store %arg30[%swap3A_425], %swap3A_428 {strides = array<i32>} : memref<32xi32, #tpu.memory_space<vmem>>, vector<16xi32>,
      %dma_start3A_429 = arith.constant 0 : i32
      %dma_start3A_430 = arith.constant 0 : i32
      %dma_start3A_431 = tpu.memref_slice %arg2[%dma_start3A_429, %dma_start3A_430] : memref<10112x128xf32, #tpu.memory_space<hbm>> -> memref<10112x128xf32, #tpu.memory_space<hbm>>
      tpu.enqueue_indirect_dma source(%dma_start3A_431 : memref<10112x128xf32, #tpu.memory_space<hbm>>) target(%arg14 : memref<32x128xf32, #tpu.memory_space<vmem>>) offsets(%arg22 : memref<32xi32, #tpu.memory_space<vmem>>) semaphore(%arg39 : memref<!tpu.dma_semaphore, #tpu.memory_space<semaphore_mem>>)
      %dma_wait3A_432 = arith.constant 0 : i32
      %dma_wait3A_433 = arith.constant 0 : i32
      %dma_wait3A_434 = tpu.memref_slice %arg2[%dma_wait3A_432, %dma_wait3A_433] : memref<10112x128xf32, #tpu.memory_space<hbm>> -> memref<10112x128xf32, #tpu.memory_space<hbm>>
      tpu.wait_indirect_dma semaphore(%arg32 : memref<!tpu.dma_semaphore, #tpu.memory_space<semaphore_mem>>) src(%dma_wait3A_434 : memref<10112x128xf32, #tpu.memory_space<hbm>>) dst(%arg7 : memref<32x128xf32, #tpu.memory_space<vmem>>)
      %dma_start3A_435 = arith.constant 0 : i32
      %dma_start3A_436 = arith.constant 0 : i32
      %dma_start3A_437 = tpu.memref_slice %arg31[%dma_start3A_435, %dma_start3A_436] : memref<10112x128xf32, #tpu.memory_space<vmem_shared>> -> memref<10112x128xf32, #tpu.memory_space<vmem_shared>>
      tpu.enqueue_indirect_dma source(%arg7 : memref<32x128xf32, #tpu.memory_space<vmem>>) target(%dma_start3A_437 : memref<10112x128xf32, #tpu.memory_space<vmem_shared>>) offsets(%arg23 : memref<32xi32, #tpu.memory_space<vmem>>) semaphore(%arg40 : memref<!tpu.dma_semaphore, #tpu.memory_space<semaphore_mem>>) {add = true}
      %dma_wait3A_438 = arith.constant 0 : i32
      %dma_wait3A_439 = arith.constant 0 : i32
      %dma_wait3A_440 = tpu.memref_slice %arg2[%dma_wait3A_438, %dma_wait3A_439] : memref<10112x128xf32, #tpu.memory_space<hbm>> -> memref<10112x128xf32, #tpu.memory_space<hbm>>
      tpu.wait_indirect_dma semaphore(%arg33 : memref<!tpu.dma_semaphore, #tpu.memory_space<semaphore_mem>>) src(%dma_wait3A_440 : memref<10112x128xf32, #tpu.memory_space<hbm>>) dst(%arg8 : memref<32x128xf32, #tpu.memory_space<vmem>>)
      %dma_start3A_441 = arith.constant 0 : i32
      %dma_start3A_442 = arith.constant 0 : i32
      %dma_start3A_443 = tpu.memref_slice %arg31[%dma_start3A_441, %dma_start3A_442] : memref<10112x128xf32, #tpu.memory_space<vmem_shared>> -> memref<10112x128xf32, #tpu.memory_space<vmem_shared>>
      tpu.enqueue_indirect_dma source(%arg8 : memref<32x128xf32, #tpu.memory_space<vmem>>) target(%dma_start3A_443 : memref<10112x128xf32, #tpu.memory_space<vmem_shared>>) offsets(%arg24 : memref<32xi32, #tpu.memory_space<vmem>>) semaphore(%arg41 : memref<!tpu.dma_semaphore, #tpu.memory_space<semaphore_mem>>) {add = true}
      %dma_wait3A_444 = arith.constant 0 : i32
      %dma_wait3A_445 = arith.constant 0 : i32
      %dma_wait3A_446 = tpu.memref_slice %arg2[%dma_wait3A_444, %dma_wait3A_445] : memref<10112x128xf32, #tpu.memory_space<hbm>> -> memref<10112x128xf32, #tpu.memory_space<hbm>>
      tpu.wait_indirect_dma semaphore(%arg34 : memref<!tpu.dma_semaphore, #tpu.memory_space<semaphore_mem>>) src(%dma_wait3A_446 : memref<10112x128xf32, #tpu.memory_space<hbm>>) dst(%arg9 : memref<32x128xf32, #tpu.memory_space<vmem>>)
      %dma_start3A_447 = arith.constant 0 : i32
      %dma_start3A_448 = arith.constant 0 : i32
      %dma_start3A_449 = tpu.memref_slice %arg31[%dma_start3A_447, %dma_start3A_448] : memref<10112x128xf32, #tpu.memory_space<vmem_shared>> -> memref<10112x128xf32, #tpu.memory_space<vmem_shared>>
      tpu.enqueue_indirect_dma source(%arg9 : memref<32x128xf32, #tpu.memory_space<vmem>>) target(%dma_start3A_449 : memref<10112x128xf32, #tpu.memory_space<vmem_shared>>) offsets(%arg25 : memref<32xi32, #tpu.memory_space<vmem>>) semaphore(%arg42 : memref<!tpu.dma_semaphore, #tpu.memory_space<semaphore_mem>>) {add = true}
      %dma_wait3A_450 = arith.constant 0 : i32
      %dma_wait3A_451 = arith.constant 0 : i32
      %dma_wait3A_452 = tpu.memref_slice %arg2[%dma_wait3A_450, %dma_wait3A_451] : memref<10112x128xf32, #tpu.memory_space<hbm>> -> memref<10112x128xf32, #tpu.memory_space<hbm>>
      tpu.wait_indirect_dma semaphore(%arg35 : memref<!tpu.dma_semaphore, #tpu.memory_space<semaphore_mem>>) src(%dma_wait3A_452 : memref<10112x128xf32, #tpu.memory_space<hbm>>) dst(%arg10 : memref<32x128xf32, #tpu.memory_space<vmem>>)
      %dma_start3A_453 = arith.constant 0 : i32
      %dma_start3A_454 = arith.constant 0 : i32
      %dma_start3A_455 = tpu.memref_slice %arg31[%dma_start3A_453, %dma_start3A_454] : memref<10112x128xf32, #tpu.memory_space<vmem_shared>> -> memref<10112x128xf32, #tpu.memory_space<vmem_shared>>
      tpu.enqueue_indirect_dma source(%arg10 : memref<32x128xf32, #tpu.memory_space<vmem>>) target(%dma_start3A_455 : memref<10112x128xf32, #tpu.memory_space<vmem_shared>>) offsets(%arg26 : memref<32xi32, #tpu.memory_space<vmem>>) semaphore(%arg43 : memref<!tpu.dma_semaphore, #tpu.memory_space<semaphore_mem>>) {add = true}
      %dma_wait3A_456 = arith.constant 0 : i32
      %dma_wait3A_457 = arith.constant 0 : i32
      %dma_wait3A_458 = tpu.memref_slice %arg2[%dma_wait3A_456, %dma_wait3A_457] : memref<10112x128xf32, #tpu.memory_space<hbm>> -> memref<10112x128xf32, #tpu.memory_space<hbm>>
      tpu.wait_indirect_dma semaphore(%arg36 : memref<!tpu.dma_semaphore, #tpu.memory_space<semaphore_mem>>) src(%dma_wait3A_458 : memref<10112x128xf32, #tpu.memory_space<hbm>>) dst(%arg11 : memref<32x128xf32, #tpu.memory_space<vmem>>)
      %dma_start3A_459 = arith.constant 0 : i32
      %dma_start3A_460 = arith.constant 0 : i32
      %dma_start3A_461 = tpu.memref_slice %arg31[%dma_start3A_459, %dma_start3A_460] : memref<10112x128xf32, #tpu.memory_space<vmem_shared>> -> memref<10112x128xf32, #tpu.memory_space<vmem_shared>>
      tpu.enqueue_indirect_dma source(%arg11 : memref<32x128xf32, #tpu.memory_space<vmem>>) target(%dma_start3A_461 : memref<10112x128xf32, #tpu.memory_space<vmem_shared>>) offsets(%arg27 : memref<32xi32, #tpu.memory_space<vmem>>) semaphore(%arg44 : memref<!tpu.dma_semaphore, #tpu.memory_space<semaphore_mem>>) {add = true}
      %dma_wait3A_462 = arith.constant 0 : i32
      %dma_wait3A_463 = arith.constant 0 : i32
      %dma_wait3A_464 = tpu.memref_slice %arg2[%dma_wait3A_462, %dma_wait3A_463] : memref<10112x128xf32, #tpu.memory_space<hbm>> -> memref<10112x128xf32, #tpu.memory_space<hbm>>
      tpu.wait_indirect_dma semaphore(%arg37 : memref<!tpu.dma_semaphore, #tpu.memory_space<semaphore_mem>>) src(%dma_wait3A_464 : memref<10112x128xf32, #tpu.memory_space<hbm>>) dst(%arg12 : memref<32x128xf32, #tpu.memory_space<vmem>>)
      %dma_start3A_465 = arith.constant 0 : i32
      %dma_start3A_466 = arith.constant 0 : i32
      %dma_start3A_467 = tpu.memref_slice %arg31[%dma_start3A_465, %dma_start3A_466] : memref<10112x128xf32, #tpu.memory_space<vmem_shared>> -> memref<10112x128xf32, #tpu.memory_space<vmem_shared>>
      tpu.enqueue_indirect_dma source(%arg12 : memref<32x128xf32, #tpu.memory_space<vmem>>) target(%dma_start3A_467 : memref<10112x128xf32, #tpu.memory_space<vmem_shared>>) offsets(%arg28 : memref<32xi32, #tpu.memory_space<vmem>>) semaphore(%arg45 : memref<!tpu.dma_semaphore, #tpu.memory_space<semaphore_mem>>) {add = true}
      %dma_wait3A_468 = arith.constant 0 : i32
      %dma_wait3A_469 = arith.constant 0 : i32
      %dma_wait3A_470 = tpu.memref_slice %arg2[%dma_wait3A_468, %dma_wait3A_469] : memref<10112x128xf32, #tpu.memory_space<hbm>> -> memref<10112x128xf32, #tpu.memory_space<hbm>>
      tpu.wait_indirect_dma semaphore(%arg38 : memref<!tpu.dma_semaphore, #tpu.memory_space<semaphore_mem>>) src(%dma_wait3A_470 : memref<10112x128xf32, #tpu.memory_space<hbm>>) dst(%arg13 : memref<32x128xf32, #tpu.memory_space<vmem>>)
      %dma_start3A_471 = arith.constant 0 : i32
      %dma_start3A_472 = arith.constant 0 : i32
      %dma_start3A_473 = tpu.memref_slice %arg31[%dma_start3A_471, %dma_start3A_472] : memref<10112x128xf32, #tpu.memory_space<vmem_shared>> -> memref<10112x128xf32, #tpu.memory_space<vmem_shared>>
      tpu.enqueue_indirect_dma source(%arg13 : memref<32x128xf32, #tpu.memory_space<vmem>>) target(%dma_start3A_473 : memref<10112x128xf32, #tpu.memory_space<vmem_shared>>) offsets(%arg29 : memref<32xi32, #tpu.memory_space<vmem>>) semaphore(%arg46 : memref<!tpu.dma_semaphore, #tpu.memory_space<semaphore_mem>>) {add = true}
      %dma_wait3A_474 = arith.constant 0 : i32
      %dma_wait3A_475 = arith.constant 0 : i32
      %dma_wait3A_476 = tpu.memref_slice %arg2[%dma_wait3A_474, %dma_wait3A_475] : memref<10112x128xf32, #tpu.memory_space<hbm>> -> memref<10112x128xf32, #tpu.memory_space<hbm>>
      tpu.wait_indirect_dma semaphore(%arg39 : memref<!tpu.dma_semaphore, #tpu.memory_space<semaphore_mem>>) src(%dma_wait3A_476 : memref<10112x128xf32, #tpu.memory_space<hbm>>) dst(%arg14 : memref<32x128xf32, #tpu.memory_space<vmem>>)
      %dma_start3A_477 = arith.constant 0 : i32
      %dma_start3A_478 = arith.constant 0 : i32
      %dma_start3A_479 = tpu.memref_slice %arg31[%dma_start3A_477, %dma_start3A_478] : memref<10112x128xf32, #tpu.memory_space<vmem_shared>> -> memref<10112x128xf32, #tpu.memory_space<vmem_shared>>
      tpu.enqueue_indirect_dma source(%arg14 : memref<32x128xf32, #tpu.memory_space<vmem>>) target(%dma_start3A_479 : memref<10112x128xf32, #tpu.memory_space<vmem_shared>>) offsets(%arg30 : memref<32xi32, #tpu.memory_space<vmem>>) semaphore(%arg47 : memref<!tpu.dma_semaphore, #tpu.memory_space<semaphore_mem>>) {add = true}
    }
    %scan3A_25 = arith.constant 40 : i32
    %dma_wait3A_26 = arith.constant 0 : i32
    %dma_wait3A_27 = arith.constant 0 : i32
    %dma_wait3A_28 = tpu.memref_slice %arg31[%dma_wait3A_26, %dma_wait3A_27] : memref<10112x128xf32, #tpu.memory_space<vmem_shared>> -> memref<10112x128xf32, #tpu.memory_space<vmem_shared>>
    tpu.wait_indirect_dma semaphore(%arg40 : memref<!tpu.dma_semaphore, #tpu.memory_space<semaphore_mem>>) src(%arg7 : memref<32x128xf32, #tpu.memory_space<vmem>>) dst(%dma_wait3A_28 : memref<10112x128xf32, #tpu.memory_space<vmem_shared>>)
    %dma_wait3A_29 = arith.constant 0 : i32
    %dma_wait3A_30 = arith.constant 0 : i32
    %dma_wait3A_31 = tpu.memref_slice %arg31[%dma_wait3A_29, %dma_wait3A_30] : memref<10112x128xf32, #tpu.memory_space<vmem_shared>> -> memref<10112x128xf32, #tpu.memory_space<vmem_shared>>
    tpu.wait_indirect_dma semaphore(%arg41 : memref<!tpu.dma_semaphore, #tpu.memory_space<semaphore_mem>>) src(%arg8 : memref<32x128xf32, #tpu.memory_space<vmem>>) dst(%dma_wait3A_31 : memref<10112x128xf32, #tpu.memory_space<vmem_shared>>)
    %dma_wait3A_32 = arith.constant 0 : i32
    %dma_wait3A_33 = arith.constant 0 : i32
    %dma_wait3A_34 = tpu.memref_slice %arg31[%dma_wait3A_32, %dma_wait3A_33] : memref<10112x128xf32, #tpu.memory_space<vmem_shared>> -> memref<10112x128xf32, #tpu.memory_space<vmem_shared>>
    tpu.wait_indirect_dma semaphore(%arg42 : memref<!tpu.dma_semaphore, #tpu.memory_space<semaphore_mem>>) src(%arg9 : memref<32x128xf32, #tpu.memory_space<vmem>>) dst(%dma_wait3A_34 : memref<10112x128xf32, #tpu.memory_space<vmem_shared>>)
    %dma_wait3A_35 = arith.constant 0 : i32
    %dma_wait3A_36 = arith.constant 0 : i32
    %dma_wait3A_37 = tpu.memref_slice %arg31[%dma_wait3A_35, %dma_wait3A_36] : memref<10112x128xf32, #tpu.memory_space<vmem_shared>> -> memref<10112x128xf32, #tpu.memory_space<vmem_shared>>
    tpu.wait_indirect_dma semaphore(%arg43 : memref<!tpu.dma_semaphore, #tpu.memory_space<semaphore_mem>>) src(%arg10 : memref<32x128xf32, #tpu.memory_space<vmem>>) dst(%dma_wait3A_37 : memref<10112x128xf32, #tpu.memory_space<vmem_shared>>)
    %dma_wait3A_38 = arith.constant 0 : i32
    %dma_wait3A_39 = arith.constant 0 : i32
    %dma_wait3A_40 = tpu.memref_slice %arg31[%dma_wait3A_38, %dma_wait3A_39] : memref<10112x128xf32, #tpu.memory_space<vmem_shared>> -> memref<10112x128xf32, #tpu.memory_space<vmem_shared>>
    tpu.wait_indirect_dma semaphore(%arg44 : memref<!tpu.dma_semaphore, #tpu.memory_space<semaphore_mem>>) src(%arg11 : memref<32x128xf32, #tpu.memory_space<vmem>>) dst(%dma_wait3A_40 : memref<10112x128xf32, #tpu.memory_space<vmem_shared>>)
    %dma_wait3A_41 = arith.constant 0 : i32
    %dma_wait3A_42 = arith.constant 0 : i32
    %dma_wait3A_43 = tpu.memref_slice %arg31[%dma_wait3A_41, %dma_wait3A_42] : memref<10112x128xf32, #tpu.memory_space<vmem_shared>> -> memref<10112x128xf32, #tpu.memory_space<vmem_shared>>
    tpu.wait_indirect_dma semaphore(%arg45 : memref<!tpu.dma_semaphore, #tpu.memory_space<semaphore_mem>>) src(%arg12 : memref<32x128xf32, #tpu.memory_space<vmem>>) dst(%dma_wait3A_43 : memref<10112x128xf32, #tpu.memory_space<vmem_shared>>)
    %dma_wait3A_44 = arith.constant 0 : i32
    %dma_wait3A_45 = arith.constant 0 : i32
    %dma_wait3A_46 = tpu.memref_slice %arg31[%dma_wait3A_44, %dma_wait3A_45] : memref<10112x128xf32, #tpu.memory_space<vmem_shared>> -> memref<10112x128xf32, #tpu.memory_space<vmem_shared>>
    tpu.wait_indirect_dma semaphore(%arg46 : memref<!tpu.dma_semaphore, #tpu.memory_space<semaphore_mem>>) src(%arg13 : memref<32x128xf32, #tpu.memory_space<vmem>>) dst(%dma_wait3A_46 : memref<10112x128xf32, #tpu.memory_space<vmem_shared>>)
    %dma_wait3A_47 = arith.constant 0 : i32
    %dma_wait3A_48 = arith.constant 0 : i32
    %dma_wait3A_49 = tpu.memref_slice %arg31[%dma_wait3A_47, %dma_wait3A_48] : memref<10112x128xf32, #tpu.memory_space<vmem_shared>> -> memref<10112x128xf32, #tpu.memory_space<vmem_shared>>
    tpu.wait_indirect_dma semaphore(%arg47 : memref<!tpu.dma_semaphore, #tpu.memory_space<semaphore_mem>>) src(%arg14 : memref<32x128xf32, #tpu.memory_space<vmem>>) dst(%dma_wait3A_49 : memref<10112x128xf32, #tpu.memory_space<vmem_shared>>)
    %barrier3A_50 = arith.constant 0 : index
    tpu.barrier barrier_id(%barrier3A_50)
    %mul3A_51 = arith.constant 10112 : i32
    %mul3A_52 = arith.muli %arg0, %mul3A_51 : i32
    %add3A_53 = arith.addi %mul3A_52, %mul3A_2 : i32
    "tpu.region"() ({
      %run_scoped3A = tpu.sem_alloc : memref<!tpu.dma_semaphore, #tpu.memory_space<semaphore_mem>>
      %dma_start3A_54 = arith.constant 0 : i32
      %dma_start3A_55 = tpu.memref_slice %arg5[%add3A_53, %dma_start3A_54] : memref<20224x128xf32, #tpu.memory_space<hbm>> -> memref<632x128xf32, #tpu.memory_space<hbm>>
      %dma_start3A_56 = arith.constant 0 : i32
      %dma_start3A_57 = tpu.memref_slice %arg31[%mul3A_2, %dma_start3A_56] : memref<10112x128xf32, #tpu.memory_space<vmem_shared>> -> memref<632x128xf32, #tpu.memory_space<vmem_shared>>
      tpu.enqueue_dma source(%dma_start3A_57 : memref<632x128xf32, #tpu.memory_space<vmem_shared>>) target(%dma_start3A_55 : memref<632x128xf32, #tpu.memory_space<hbm>>) target_semaphore(%run_scoped3A : memref<!tpu.dma_semaphore, #tpu.memory_space<semaphore_mem>>)
      %dma_wait3A_58 = arith.constant 0 : i32
      %dma_wait3A_59 = tpu.memref_slice %arg5[%add3A_53, %dma_wait3A_58] : memref<20224x128xf32, #tpu.memory_space<hbm>> -> memref<632x128xf32, #tpu.memory_space<hbm>>
      %dma_wait3A_60 = arith.constant 0 : i32
      %dma_wait3A_61 = tpu.memref_slice %arg31[%mul3A_2, %dma_wait3A_60] : memref<10112x128xf32, #tpu.memory_space<vmem_shared>> -> memref<632x128xf32, #tpu.memory_space<vmem_shared>>
      tpu.wait_dma2 semaphore(%run_scoped3A : memref<!tpu.dma_semaphore, #tpu.memory_space<semaphore_mem>>) src(%dma_wait3A_61 : memref<632x128xf32, #tpu.memory_space<vmem_shared>>) dst(%dma_wait3A_59 : memref<632x128xf32, #tpu.memory_space<hbm>>)
      tpu.yield
    }) : () -> ()
    return
  }
}

#map = affine_map<(d0, d1) -> (0, 0)>
module attributes {stable_mosaic.version = 14 : i64} {
  func.func @agg_kernel(%arg0: i32, %arg1: i32, %arg2: memref<10112x128xf32, #tpu.memory_space<hbm>>, %arg3: memref<2560x128xi32, #tpu.memory_space<hbm>>, %arg4: memref<10112x128xf32, #tpu.memory_space<hbm>>, %arg5: memref<20224x128xf32, #tpu.memory_space<hbm>>, %arg6: memref<80x128xi32, #tpu.memory_space<vmem>>, %arg7: memref<32x128xf32, #tpu.memory_space<vmem>>, %arg8: memref<32x128xf32, #tpu.memory_space<vmem>>, %arg9: memref<32x128xf32, #tpu.memory_space<vmem>>, %arg10: memref<32x128xf32, #tpu.memory_space<vmem>>, %arg11: memref<32x128xf32, #tpu.memory_space<vmem>>, %arg12: memref<32x128xf32, #tpu.memory_space<vmem>>, %arg13: memref<32x128xf32, #tpu.memory_space<vmem>>, %arg14: memref<32x128xf32, #tpu.memory_space<vmem>>, %arg15: memref<32xi32, #tpu.memory_space<vmem>>, %arg16: memref<32xi32, #tpu.memory_space<vmem>>, %arg17: memref<32xi32, #tpu.memory_space<vmem>>, %arg18: memref<32xi32, #tpu.memory_space<vmem>>, %arg19: memref<32xi32, #tpu.memory_space<vmem>>, %arg20: memref<32xi32, #tpu.memory_space<vmem>>, %arg21: memref<32xi32, #tpu.memory_space<vmem>>, %arg22: memref<32xi32, #tpu.memory_space<vmem>>, %arg23: memref<32xi32, #tpu.memory_space<vmem>>, %arg24: memref<32xi32, #tpu.memory_space<vmem>>, %arg25: memref<32xi32, #tpu.memory_space<vmem>>, %arg26: memref<32xi32, #tpu.memory_space<vmem>>, %arg27: memref<32xi32, #tpu.memory_space<vmem>>, %arg28: memref<32xi32, #tpu.memory_space<vmem>>, %arg29: memref<32xi32, #tpu.memory_space<vmem>>, %arg30: memref<32xi32, #tpu.memory_space<vmem>>, %arg31: memref<10112x128xf32, #tpu.memory_space<vmem_shared>>, %arg32: memref<!tpu.dma_semaphore, #tpu.memory_space<semaphore_mem>>, %arg33: memref<!tpu.dma_semaphore, #tpu.memory_space<semaphore_mem>>, %arg34: memref<!tpu.dma_semaphore, #tpu.memory_space<semaphore_mem>>, %arg35: memref<!tpu.dma_semaphore, #tpu.memory_space<semaphore_mem>>, %arg36: memref<!tpu.dma_semaphore, #tpu.memory_space<semaphore_mem>>, %arg37: memref<!tpu.dma_semaphore, #tpu.memory_space<semaphore_mem>>, %arg38: memref<!tpu.dma_semaphore, #tpu.memory_space<semaphore_mem>>, %arg39: memref<!tpu.dma_semaphore, #tpu.memory_space<semaphore_mem>>, %arg40: memref<!tpu.dma_semaphore, #tpu.memory_space<semaphore_mem>>, %arg41: memref<!tpu.dma_semaphore, #tpu.memory_space<semaphore_mem>>, %arg42: memref<!tpu.dma_semaphore, #tpu.memory_space<semaphore_mem>>, %arg43: memref<!tpu.dma_semaphore, #tpu.memory_space<semaphore_mem>>, %arg44: memref<!tpu.dma_semaphore, #tpu.memory_space<semaphore_mem>>, %arg45: memref<!tpu.dma_semaphore, #tpu.memory_space<semaphore_mem>>, %arg46: memref<!tpu.dma_semaphore, #tpu.memory_space<semaphore_mem>>, %arg47: memref<!tpu.dma_semaphore, #tpu.memory_space<semaphore_mem>>) attributes {dimension_semantics = [#tpu.dimension_semantics<core_parallel>, #tpu.dimension_semantics<subcore_parallel>], iteration_bounds = array<i64: 2, 16>, scalar_prefetch = 0 : i64, scratch_operands = 42 : i64, tpu.core_type = #tpu.core_type<sc_vector_subcore>, window_params = [{transform_indices = #map}, {transform_indices = #map}, {transform_indices = #map}, {transform_indices = #map}]} {
    %mul3A = arith.constant 2 : i32
    %mul3A_0 = arith.muli %arg1, %mul3A : i32
    %add3A = arith.addi %mul3A_0, %arg0 : i32
    %mul3A_1 = arith.constant 632 : i32
    %mul3A_2 = arith.muli %arg1, %mul3A_1 : i32
    %mul3A_3 = arith.constant 80 : i32
    %mul3A_4 = arith.muli %add3A, %mul3A_3 : i32
    %dma_start3A = arith.constant 0 : i32
    %dma_start3A_5 = tpu.memref_slice %arg3[%mul3A_4, %dma_start3A] : memref<2560x128xi32, #tpu.memory_space<hbm>> -> memref<80x128xi32, #tpu.memory_space<hbm>>
    %dma_start3A_6 = arith.constant 0 : i32
    %dma_start3A_7 = tpu.memref_slice %arg3[%mul3A_4, %dma_start3A_6] : memref<2560x128xi32, #tpu.memory_space<hbm>> -> memref<80x128xi32, #tpu.memory_space<hbm>>
    tpu.enqueue_dma source(%dma_start3A_7 : memref<80x128xi32, #tpu.memory_space<hbm>>) target(%arg6 : memref<80x128xi32, #tpu.memory_space<vmem>>) target_semaphore(%arg32 : memref<!tpu.dma_semaphore, #tpu.memory_space<semaphore_mem>>)
    %dma_start3A_8 = arith.constant 0 : i32
    %dma_start3A_9 = tpu.memref_slice %arg31[%mul3A_2, %dma_start3A_8] : memref<10112x128xf32, #tpu.memory_space<vmem_shared>> -> memref<632x128xf32, #tpu.memory_space<vmem_shared>>
    %dma_start3A_10 = arith.constant 0 : i32
    %dma_start3A_11 = tpu.memref_slice %arg4[%mul3A_2, %dma_start3A_10] : memref<10112x128xf32, #tpu.memory_space<hbm>> -> memref<632x128xf32, #tpu.memory_space<hbm>>
    tpu.enqueue_dma source(%dma_start3A_11 : memref<632x128xf32, #tpu.memory_space<hbm>>) target(%dma_start3A_9 : memref<632x128xf32, #tpu.memory_space<vmem_shared>>) target_semaphore(%arg40 : memref<!tpu.dma_semaphore, #tpu.memory_space<semaphore_mem>>)
    %mul3A_12 = arith.constant 80 : i32
    %mul3A_13 = arith.muli %add3A, %mul3A_12 : i32
    %dma_wait3A = arith.constant 0 : i32
    %dma_wait3A_14 = tpu.memref_slice %arg3[%mul3A_13, %dma_wait3A] : memref<2560x128xi32, #tpu.memory_space<hbm>> -> memref<80x128xi32, #tpu.memory_space<hbm>>
    %dma_wait3A_15 = arith.constant 0 : i32
    %dma_wait3A_16 = tpu.memref_slice %arg3[%mul3A_13, %dma_wait3A_15] : memref<2560x128xi32, #tpu.memory_space<hbm>> -> memref<80x128xi32, #tpu.memory_space<hbm>>
    tpu.wait_dma2 semaphore(%arg32 : memref<!tpu.dma_semaphore, #tpu.memory_space<semaphore_mem>>) src(%dma_wait3A_16 : memref<80x128xi32, #tpu.memory_space<hbm>>) dst(%arg6 : memref<80x128xi32, #tpu.memory_space<vmem>>)
    %dma_wait3A_17 = arith.constant 0 : i32
    %dma_wait3A_18 = tpu.memref_slice %arg31[%mul3A_2, %dma_wait3A_17] : memref<10112x128xf32, #tpu.memory_space<vmem_shared>> -> memref<632x128xf32, #tpu.memory_space<vmem_shared>>
    %dma_wait3A_19 = arith.constant 0 : i32
    %dma_wait3A_20 = tpu.memref_slice %arg4[%mul3A_2, %dma_wait3A_19] : memref<10112x128xf32, #tpu.memory_space<hbm>> -> memref<632x128xf32, #tpu.memory_space<hbm>>
    tpu.wait_dma2 semaphore(%arg40 : memref<!tpu.dma_semaphore, #tpu.memory_space<semaphore_mem>>) src(%dma_wait3A_20 : memref<632x128xf32, #tpu.memory_space<hbm>>) dst(%dma_wait3A_18 : memref<632x128xf32, #tpu.memory_space<vmem_shared>>)
    %barrier3A = arith.constant 0 : index
    tpu.barrier barrier_id(%barrier3A)
    %scan3A = arith.constant 0 : i32
    %scan3A_21 = arith.constant 0 : i32
    %scan3A_22 = arith.constant 40 : i32
    %scan3A_23 = arith.addi %scan3A_21, %scan3A_22 : i32
    %scan3A_24 = arith.constant 1 : i32
    scf.for %scan3A_54 = %scan3A_21 to %scan3A_23 step %scan3A_24  : i32 {
      %mul3A_55 = arith.constant 2 : i32
      %mul3A_56 = arith.muli %scan3A_54, %mul3A_55 : i32
      %add3A_57 = arith.constant 0 : i32
      %add3A_58 = arith.addi %mul3A_56, %add3A_57 : i32
      %gt3A = arith.constant 0 : i32
      %gt3A_59 = arith.cmpi sgt, %scan3A_54, %gt3A : i32
      %convert_element_type3A = arith.extui %gt3A_59 : i1 to i32
      %cond3A = arith.constant 0 : i32
      %cond3A_60 = arith.cmpi ne, %convert_element_type3A, %cond3A : i32
      scf.if %cond3A_60 {
        %dma_wait3A_480 = arith.constant 0 : i32
        %dma_wait3A_481 = arith.constant 0 : i32
        %dma_wait3A_482 = tpu.memref_slice %arg31[%dma_wait3A_480, %dma_wait3A_481] : memref<10112x128xf32, #tpu.memory_space<vmem_shared>> -> memref<10112x128xf32, #tpu.memory_space<vmem_shared>>
        tpu.wait_indirect_dma semaphore(%arg40 : memref<!tpu.dma_semaphore, #tpu.memory_space<semaphore_mem>>) src(%arg7 : memref<32x128xf32, #tpu.memory_space<vmem>>) dst(%dma_wait3A_482 : memref<10112x128xf32, #tpu.memory_space<vmem_shared>>)
      } else {
      }
      %get3A = arith.index_cast %add3A_58 : i32 to index
      %get3A_61 = arith.constant 0 : index
      %get3A_62 = tpu.vector_load %arg6[%get3A, %get3A_61] {strides = array<i32>} : memref<80x128xi32, #tpu.memory_space<vmem>>, vector<1x16xi32>,
      %get3A_63 = vector.shape_cast %get3A_62 : vector<1x16xi32> to vector<16xi32>
      %and3A = arith.constant 65535 : i32
      %and3A_64 = vector.broadcast %and3A : i32 to vector<16xi32>
      %and3A_65 = arith.andi %get3A_63, %and3A_64 : vector<16xi32>
      %swap3A = arith.constant 0 : index
      %swap3A_66 = tpu.vector_load %arg15[%swap3A] {strides = array<i32>} : memref<32xi32, #tpu.memory_space<vmem>>, vector<16xi32>,
      %swap3A_67 = vector.shape_cast %swap3A_66 : vector<16xi32> to vector<16xi32>
      %swap3A_68 = vector.shape_cast %and3A_65 : vector<16xi32> to vector<16xi32>
      tpu.vector_store %arg15[%swap3A], %swap3A_68 {strides = array<i32>} : memref<32xi32, #tpu.memory_space<vmem>>, vector<16xi32>,
      %shift_right_logical3A = arith.constant 16 : i32
      %shift_right_logical3A_69 = vector.broadcast %shift_right_logical3A : i32 to vector<16xi32>
      %shift_right_logical3A_70 = arith.shrui %get3A_63, %shift_right_logical3A_69 : vector<16xi32>
      %swap3A_71 = arith.constant 0 : index
      %swap3A_72 = tpu.vector_load %arg23[%swap3A_71] {strides = array<i32>} : memref<32xi32, #tpu.memory_space<vmem>>, vector<16xi32>,
      %swap3A_73 = vector.shape_cast %swap3A_72 : vector<16xi32> to vector<16xi32>
      %swap3A_74 = vector.shape_cast %shift_right_logical3A_70 : vector<16xi32> to vector<16xi32>
      tpu.vector_store %arg23[%swap3A_71], %swap3A_74 {strides = array<i32>} : memref<32xi32, #tpu.memory_space<vmem>>, vector<16xi32>,
      %get3A_75 = arith.index_cast %add3A_58 : i32 to index
      %get3A_76 = arith.constant 16 : index
      %get3A_77 = tpu.vector_load %arg6[%get3A_75, %get3A_76] {strides = array<i32>} : memref<80x128xi32, #tpu.memory_space<vmem>>, vector<1x16xi32>,
      %get3A_78 = vector.shape_cast %get3A_77 : vector<1x16xi32> to vector<16xi32>
      %and3A_79 = arith.constant 65535 : i32
      %and3A_80 = vector.broadcast %and3A_79 : i32 to vector<16xi32>
      %and3A_81 = arith.andi %get3A_78, %and3A_80 : vector<16xi32>
      %swap3A_82 = arith.constant 16 : index
      %swap3A_83 = tpu.vector_load %arg15[%swap3A_82] {strides = array<i32>} : memref<32xi32, #tpu.memory_space<vmem>>, vector<16xi32>,
      %swap3A_84 = vector.shape_cast %swap3A_83 : vector<16xi32> to vector<16xi32>
      %swap3A_85 = vector.shape_cast %and3A_81 : vector<16xi32> to vector<16xi32>
      tpu.vector_store %arg15[%swap3A_82], %swap3A_85 {strides = array<i32>} : memref<32xi32, #tpu.memory_space<vmem>>, vector<16xi32>,
      %shift_right_logical3A_86 = arith.constant 16 : i32
      %shift_right_logical3A_87 = vector.broadcast %shift_right_logical3A_86 : i32 to vector<16xi32>
      %shift_right_logical3A_88 = arith.shrui %get3A_78, %shift_right_logical3A_87 : vector<16xi32>
      %swap3A_89 = arith.constant 16 : index
      %swap3A_90 = tpu.vector_load %arg23[%swap3A_89] {strides = array<i32>} : memref<32xi32, #tpu.memory_space<vmem>>, vector<16xi32>,
      %swap3A_91 = vector.shape_cast %swap3A_90 : vector<16xi32> to vector<16xi32>
      %swap3A_92 = vector.shape_cast %shift_right_logical3A_88 : vector<16xi32> to vector<16xi32>
      tpu.vector_store %arg23[%swap3A_89], %swap3A_92 {strides = array<i32>} : memref<32xi32, #tpu.memory_space<vmem>>, vector<16xi32>,
      %dma_start3A_93 = arith.constant 0 : i32
      %dma_start3A_94 = arith.constant 0 : i32
      %dma_start3A_95 = tpu.memref_slice %arg2[%dma_start3A_93, %dma_start3A_94] : memref<10112x128xf32, #tpu.memory_space<hbm>> -> memref<10112x128xf32, #tpu.memory_space<hbm>>
      tpu.enqueue_indirect_dma source(%dma_start3A_95 : memref<10112x128xf32, #tpu.memory_space<hbm>>) target(%arg7 : memref<32x128xf32, #tpu.memory_space<vmem>>) offsets(%arg15 : memref<32xi32, #tpu.memory_space<vmem>>) semaphore(%arg32 : memref<!tpu.dma_semaphore, #tpu.memory_space<semaphore_mem>>)
      %mul3A_96 = arith.constant 2 : i32
      %mul3A_97 = arith.muli %scan3A_54, %mul3A_96 : i32
      %add3A_98 = arith.constant 0 : i32
      %add3A_99 = arith.addi %mul3A_97, %add3A_98 : i32
      %gt3A_100 = arith.constant 0 : i32
      %gt3A_101 = arith.cmpi sgt, %scan3A_54, %gt3A_100 : i32
      %convert_element_type3A_102 = arith.extui %gt3A_101 : i1 to i32
      %cond3A_103 = arith.constant 0 : i32
      %cond3A_104 = arith.cmpi ne, %convert_element_type3A_102, %cond3A_103 : i32
      scf.if %cond3A_104 {
        %dma_wait3A_480 = arith.constant 0 : i32
        %dma_wait3A_481 = arith.constant 0 : i32
        %dma_wait3A_482 = tpu.memref_slice %arg31[%dma_wait3A_480, %dma_wait3A_481] : memref<10112x128xf32, #tpu.memory_space<vmem_shared>> -> memref<10112x128xf32, #tpu.memory_space<vmem_shared>>
        tpu.wait_indirect_dma semaphore(%arg41 : memref<!tpu.dma_semaphore, #tpu.memory_space<semaphore_mem>>) src(%arg8 : memref<32x128xf32, #tpu.memory_space<vmem>>) dst(%dma_wait3A_482 : memref<10112x128xf32, #tpu.memory_space<vmem_shared>>)
      } else {
      }
      %get3A_105 = arith.index_cast %add3A_99 : i32 to index
      %get3A_106 = arith.constant 32 : index
      %get3A_107 = tpu.vector_load %arg6[%get3A_105, %get3A_106] {strides = array<i32>} : memref<80x128xi32, #tpu.memory_space<vmem>>, vector<1x16xi32>,
      %get3A_108 = vector.shape_cast %get3A_107 : vector<1x16xi32> to vector<16xi32>
      %and3A_109 = arith.constant 65535 : i32
      %and3A_110 = vector.broadcast %and3A_109 : i32 to vector<16xi32>
      %and3A_111 = arith.andi %get3A_108, %and3A_110 : vector<16xi32>
      %swap3A_112 = arith.constant 0 : index
      %swap3A_113 = tpu.vector_load %arg16[%swap3A_112] {strides = array<i32>} : memref<32xi32, #tpu.memory_space<vmem>>, vector<16xi32>,
      %swap3A_114 = vector.shape_cast %swap3A_113 : vector<16xi32> to vector<16xi32>
      %swap3A_115 = vector.shape_cast %and3A_111 : vector<16xi32> to vector<16xi32>
      tpu.vector_store %arg16[%swap3A_112], %swap3A_115 {strides = array<i32>} : memref<32xi32, #tpu.memory_space<vmem>>, vector<16xi32>,
      %shift_right_logical3A_116 = arith.constant 16 : i32
      %shift_right_logical3A_117 = vector.broadcast %shift_right_logical3A_116 : i32 to vector<16xi32>
      %shift_right_logical3A_118 = arith.shrui %get3A_108, %shift_right_logical3A_117 : vector<16xi32>
      %swap3A_119 = arith.constant 0 : index
      %swap3A_120 = tpu.vector_load %arg24[%swap3A_119] {strides = array<i32>} : memref<32xi32, #tpu.memory_space<vmem>>, vector<16xi32>,
      %swap3A_121 = vector.shape_cast %swap3A_120 : vector<16xi32> to vector<16xi32>
      %swap3A_122 = vector.shape_cast %shift_right_logical3A_118 : vector<16xi32> to vector<16xi32>
      tpu.vector_store %arg24[%swap3A_119], %swap3A_122 {strides = array<i32>} : memref<32xi32, #tpu.memory_space<vmem>>, vector<16xi32>,
      %get3A_123 = arith.index_cast %add3A_99 : i32 to index
      %get3A_124 = arith.constant 48 : index
      %get3A_125 = tpu.vector_load %arg6[%get3A_123, %get3A_124] {strides = array<i32>} : memref<80x128xi32, #tpu.memory_space<vmem>>, vector<1x16xi32>,
      %get3A_126 = vector.shape_cast %get3A_125 : vector<1x16xi32> to vector<16xi32>
      %and3A_127 = arith.constant 65535 : i32
      %and3A_128 = vector.broadcast %and3A_127 : i32 to vector<16xi32>
      %and3A_129 = arith.andi %get3A_126, %and3A_128 : vector<16xi32>
      %swap3A_130 = arith.constant 16 : index
      %swap3A_131 = tpu.vector_load %arg16[%swap3A_130] {strides = array<i32>} : memref<32xi32, #tpu.memory_space<vmem>>, vector<16xi32>,
      %swap3A_132 = vector.shape_cast %swap3A_131 : vector<16xi32> to vector<16xi32>
      %swap3A_133 = vector.shape_cast %and3A_129 : vector<16xi32> to vector<16xi32>
      tpu.vector_store %arg16[%swap3A_130], %swap3A_133 {strides = array<i32>} : memref<32xi32, #tpu.memory_space<vmem>>, vector<16xi32>,
      %shift_right_logical3A_134 = arith.constant 16 : i32
      %shift_right_logical3A_135 = vector.broadcast %shift_right_logical3A_134 : i32 to vector<16xi32>
      %shift_right_logical3A_136 = arith.shrui %get3A_126, %shift_right_logical3A_135 : vector<16xi32>
      %swap3A_137 = arith.constant 16 : index
      %swap3A_138 = tpu.vector_load %arg24[%swap3A_137] {strides = array<i32>} : memref<32xi32, #tpu.memory_space<vmem>>, vector<16xi32>,
      %swap3A_139 = vector.shape_cast %swap3A_138 : vector<16xi32> to vector<16xi32>
      %swap3A_140 = vector.shape_cast %shift_right_logical3A_136 : vector<16xi32> to vector<16xi32>
      tpu.vector_store %arg24[%swap3A_137], %swap3A_140 {strides = array<i32>} : memref<32xi32, #tpu.memory_space<vmem>>, vector<16xi32>,
      %dma_start3A_141 = arith.constant 0 : i32
      %dma_start3A_142 = arith.constant 0 : i32
      %dma_start3A_143 = tpu.memref_slice %arg2[%dma_start3A_141, %dma_start3A_142] : memref<10112x128xf32, #tpu.memory_space<hbm>> -> memref<10112x128xf32, #tpu.memory_space<hbm>>
      tpu.enqueue_indirect_dma source(%dma_start3A_143 : memref<10112x128xf32, #tpu.memory_space<hbm>>) target(%arg8 : memref<32x128xf32, #tpu.memory_space<vmem>>) offsets(%arg16 : memref<32xi32, #tpu.memory_space<vmem>>) semaphore(%arg33 : memref<!tpu.dma_semaphore, #tpu.memory_space<semaphore_mem>>)
      %mul3A_144 = arith.constant 2 : i32
      %mul3A_145 = arith.muli %scan3A_54, %mul3A_144 : i32
      %add3A_146 = arith.constant 0 : i32
      %add3A_147 = arith.addi %mul3A_145, %add3A_146 : i32
      %gt3A_148 = arith.constant 0 : i32
      %gt3A_149 = arith.cmpi sgt, %scan3A_54, %gt3A_148 : i32
      %convert_element_type3A_150 = arith.extui %gt3A_149 : i1 to i32
      %cond3A_151 = arith.constant 0 : i32
      %cond3A_152 = arith.cmpi ne, %convert_element_type3A_150, %cond3A_151 : i32
      scf.if %cond3A_152 {
        %dma_wait3A_480 = arith.constant 0 : i32
        %dma_wait3A_481 = arith.constant 0 : i32
        %dma_wait3A_482 = tpu.memref_slice %arg31[%dma_wait3A_480, %dma_wait3A_481] : memref<10112x128xf32, #tpu.memory_space<vmem_shared>> -> memref<10112x128xf32, #tpu.memory_space<vmem_shared>>
        tpu.wait_indirect_dma semaphore(%arg42 : memref<!tpu.dma_semaphore, #tpu.memory_space<semaphore_mem>>) src(%arg9 : memref<32x128xf32, #tpu.memory_space<vmem>>) dst(%dma_wait3A_482 : memref<10112x128xf32, #tpu.memory_space<vmem_shared>>)
      } else {
      }
      %get3A_153 = arith.index_cast %add3A_147 : i32 to index
      %get3A_154 = arith.constant 64 : index
      %get3A_155 = tpu.vector_load %arg6[%get3A_153, %get3A_154] {strides = array<i32>} : memref<80x128xi32, #tpu.memory_space<vmem>>, vector<1x16xi32>,
      %get3A_156 = vector.shape_cast %get3A_155 : vector<1x16xi32> to vector<16xi32>
      %and3A_157 = arith.constant 65535 : i32
      %and3A_158 = vector.broadcast %and3A_157 : i32 to vector<16xi32>
      %and3A_159 = arith.andi %get3A_156, %and3A_158 : vector<16xi32>
      %swap3A_160 = arith.constant 0 : index
      %swap3A_161 = tpu.vector_load %arg17[%swap3A_160] {strides = array<i32>} : memref<32xi32, #tpu.memory_space<vmem>>, vector<16xi32>,
      %swap3A_162 = vector.shape_cast %swap3A_161 : vector<16xi32> to vector<16xi32>
      %swap3A_163 = vector.shape_cast %and3A_159 : vector<16xi32> to vector<16xi32>
      tpu.vector_store %arg17[%swap3A_160], %swap3A_163 {strides = array<i32>} : memref<32xi32, #tpu.memory_space<vmem>>, vector<16xi32>,
      %shift_right_logical3A_164 = arith.constant 16 : i32
      %shift_right_logical3A_165 = vector.broadcast %shift_right_logical3A_164 : i32 to vector<16xi32>
      %shift_right_logical3A_166 = arith.shrui %get3A_156, %shift_right_logical3A_165 : vector<16xi32>
      %swap3A_167 = arith.constant 0 : index
      %swap3A_168 = tpu.vector_load %arg25[%swap3A_167] {strides = array<i32>} : memref<32xi32, #tpu.memory_space<vmem>>, vector<16xi32>,
      %swap3A_169 = vector.shape_cast %swap3A_168 : vector<16xi32> to vector<16xi32>
      %swap3A_170 = vector.shape_cast %shift_right_logical3A_166 : vector<16xi32> to vector<16xi32>
      tpu.vector_store %arg25[%swap3A_167], %swap3A_170 {strides = array<i32>} : memref<32xi32, #tpu.memory_space<vmem>>, vector<16xi32>,
      %get3A_171 = arith.index_cast %add3A_147 : i32 to index
      %get3A_172 = arith.constant 80 : index
      %get3A_173 = tpu.vector_load %arg6[%get3A_171, %get3A_172] {strides = array<i32>} : memref<80x128xi32, #tpu.memory_space<vmem>>, vector<1x16xi32>,
      %get3A_174 = vector.shape_cast %get3A_173 : vector<1x16xi32> to vector<16xi32>
      %and3A_175 = arith.constant 65535 : i32
      %and3A_176 = vector.broadcast %and3A_175 : i32 to vector<16xi32>
      %and3A_177 = arith.andi %get3A_174, %and3A_176 : vector<16xi32>
      %swap3A_178 = arith.constant 16 : index
      %swap3A_179 = tpu.vector_load %arg17[%swap3A_178] {strides = array<i32>} : memref<32xi32, #tpu.memory_space<vmem>>, vector<16xi32>,
      %swap3A_180 = vector.shape_cast %swap3A_179 : vector<16xi32> to vector<16xi32>
      %swap3A_181 = vector.shape_cast %and3A_177 : vector<16xi32> to vector<16xi32>
      tpu.vector_store %arg17[%swap3A_178], %swap3A_181 {strides = array<i32>} : memref<32xi32, #tpu.memory_space<vmem>>, vector<16xi32>,
      %shift_right_logical3A_182 = arith.constant 16 : i32
      %shift_right_logical3A_183 = vector.broadcast %shift_right_logical3A_182 : i32 to vector<16xi32>
      %shift_right_logical3A_184 = arith.shrui %get3A_174, %shift_right_logical3A_183 : vector<16xi32>
      %swap3A_185 = arith.constant 16 : index
      %swap3A_186 = tpu.vector_load %arg25[%swap3A_185] {strides = array<i32>} : memref<32xi32, #tpu.memory_space<vmem>>, vector<16xi32>,
      %swap3A_187 = vector.shape_cast %swap3A_186 : vector<16xi32> to vector<16xi32>
      %swap3A_188 = vector.shape_cast %shift_right_logical3A_184 : vector<16xi32> to vector<16xi32>
      tpu.vector_store %arg25[%swap3A_185], %swap3A_188 {strides = array<i32>} : memref<32xi32, #tpu.memory_space<vmem>>, vector<16xi32>,
      %dma_start3A_189 = arith.constant 0 : i32
      %dma_start3A_190 = arith.constant 0 : i32
      %dma_start3A_191 = tpu.memref_slice %arg2[%dma_start3A_189, %dma_start3A_190] : memref<10112x128xf32, #tpu.memory_space<hbm>> -> memref<10112x128xf32, #tpu.memory_space<hbm>>
      tpu.enqueue_indirect_dma source(%dma_start3A_191 : memref<10112x128xf32, #tpu.memory_space<hbm>>) target(%arg9 : memref<32x128xf32, #tpu.memory_space<vmem>>) offsets(%arg17 : memref<32xi32, #tpu.memory_space<vmem>>) semaphore(%arg34 : memref<!tpu.dma_semaphore, #tpu.memory_space<semaphore_mem>>)
      %mul3A_192 = arith.constant 2 : i32
      %mul3A_193 = arith.muli %scan3A_54, %mul3A_192 : i32
      %add3A_194 = arith.constant 0 : i32
      %add3A_195 = arith.addi %mul3A_193, %add3A_194 : i32
      %gt3A_196 = arith.constant 0 : i32
      %gt3A_197 = arith.cmpi sgt, %scan3A_54, %gt3A_196 : i32
      %convert_element_type3A_198 = arith.extui %gt3A_197 : i1 to i32
      %cond3A_199 = arith.constant 0 : i32
      %cond3A_200 = arith.cmpi ne, %convert_element_type3A_198, %cond3A_199 : i32
      scf.if %cond3A_200 {
        %dma_wait3A_480 = arith.constant 0 : i32
        %dma_wait3A_481 = arith.constant 0 : i32
        %dma_wait3A_482 = tpu.memref_slice %arg31[%dma_wait3A_480, %dma_wait3A_481] : memref<10112x128xf32, #tpu.memory_space<vmem_shared>> -> memref<10112x128xf32, #tpu.memory_space<vmem_shared>>
        tpu.wait_indirect_dma semaphore(%arg43 : memref<!tpu.dma_semaphore, #tpu.memory_space<semaphore_mem>>) src(%arg10 : memref<32x128xf32, #tpu.memory_space<vmem>>) dst(%dma_wait3A_482 : memref<10112x128xf32, #tpu.memory_space<vmem_shared>>)
      } else {
      }
      %get3A_201 = arith.index_cast %add3A_195 : i32 to index
      %get3A_202 = arith.constant 96 : index
      %get3A_203 = tpu.vector_load %arg6[%get3A_201, %get3A_202] {strides = array<i32>} : memref<80x128xi32, #tpu.memory_space<vmem>>, vector<1x16xi32>,
      %get3A_204 = vector.shape_cast %get3A_203 : vector<1x16xi32> to vector<16xi32>
      %and3A_205 = arith.constant 65535 : i32
      %and3A_206 = vector.broadcast %and3A_205 : i32 to vector<16xi32>
      %and3A_207 = arith.andi %get3A_204, %and3A_206 : vector<16xi32>
      %swap3A_208 = arith.constant 0 : index
      %swap3A_209 = tpu.vector_load %arg18[%swap3A_208] {strides = array<i32>} : memref<32xi32, #tpu.memory_space<vmem>>, vector<16xi32>,
      %swap3A_210 = vector.shape_cast %swap3A_209 : vector<16xi32> to vector<16xi32>
      %swap3A_211 = vector.shape_cast %and3A_207 : vector<16xi32> to vector<16xi32>
      tpu.vector_store %arg18[%swap3A_208], %swap3A_211 {strides = array<i32>} : memref<32xi32, #tpu.memory_space<vmem>>, vector<16xi32>,
      %shift_right_logical3A_212 = arith.constant 16 : i32
      %shift_right_logical3A_213 = vector.broadcast %shift_right_logical3A_212 : i32 to vector<16xi32>
      %shift_right_logical3A_214 = arith.shrui %get3A_204, %shift_right_logical3A_213 : vector<16xi32>
      %swap3A_215 = arith.constant 0 : index
      %swap3A_216 = tpu.vector_load %arg26[%swap3A_215] {strides = array<i32>} : memref<32xi32, #tpu.memory_space<vmem>>, vector<16xi32>,
      %swap3A_217 = vector.shape_cast %swap3A_216 : vector<16xi32> to vector<16xi32>
      %swap3A_218 = vector.shape_cast %shift_right_logical3A_214 : vector<16xi32> to vector<16xi32>
      tpu.vector_store %arg26[%swap3A_215], %swap3A_218 {strides = array<i32>} : memref<32xi32, #tpu.memory_space<vmem>>, vector<16xi32>,
      %get3A_219 = arith.index_cast %add3A_195 : i32 to index
      %get3A_220 = arith.constant 112 : index
      %get3A_221 = tpu.vector_load %arg6[%get3A_219, %get3A_220] {strides = array<i32>} : memref<80x128xi32, #tpu.memory_space<vmem>>, vector<1x16xi32>,
      %get3A_222 = vector.shape_cast %get3A_221 : vector<1x16xi32> to vector<16xi32>
      %and3A_223 = arith.constant 65535 : i32
      %and3A_224 = vector.broadcast %and3A_223 : i32 to vector<16xi32>
      %and3A_225 = arith.andi %get3A_222, %and3A_224 : vector<16xi32>
      %swap3A_226 = arith.constant 16 : index
      %swap3A_227 = tpu.vector_load %arg18[%swap3A_226] {strides = array<i32>} : memref<32xi32, #tpu.memory_space<vmem>>, vector<16xi32>,
      %swap3A_228 = vector.shape_cast %swap3A_227 : vector<16xi32> to vector<16xi32>
      %swap3A_229 = vector.shape_cast %and3A_225 : vector<16xi32> to vector<16xi32>
      tpu.vector_store %arg18[%swap3A_226], %swap3A_229 {strides = array<i32>} : memref<32xi32, #tpu.memory_space<vmem>>, vector<16xi32>,
      %shift_right_logical3A_230 = arith.constant 16 : i32
      %shift_right_logical3A_231 = vector.broadcast %shift_right_logical3A_230 : i32 to vector<16xi32>
      %shift_right_logical3A_232 = arith.shrui %get3A_222, %shift_right_logical3A_231 : vector<16xi32>
      %swap3A_233 = arith.constant 16 : index
      %swap3A_234 = tpu.vector_load %arg26[%swap3A_233] {strides = array<i32>} : memref<32xi32, #tpu.memory_space<vmem>>, vector<16xi32>,
      %swap3A_235 = vector.shape_cast %swap3A_234 : vector<16xi32> to vector<16xi32>
      %swap3A_236 = vector.shape_cast %shift_right_logical3A_232 : vector<16xi32> to vector<16xi32>
      tpu.vector_store %arg26[%swap3A_233], %swap3A_236 {strides = array<i32>} : memref<32xi32, #tpu.memory_space<vmem>>, vector<16xi32>,
      %dma_start3A_237 = arith.constant 0 : i32
      %dma_start3A_238 = arith.constant 0 : i32
      %dma_start3A_239 = tpu.memref_slice %arg2[%dma_start3A_237, %dma_start3A_238] : memref<10112x128xf32, #tpu.memory_space<hbm>> -> memref<10112x128xf32, #tpu.memory_space<hbm>>
      tpu.enqueue_indirect_dma source(%dma_start3A_239 : memref<10112x128xf32, #tpu.memory_space<hbm>>) target(%arg10 : memref<32x128xf32, #tpu.memory_space<vmem>>) offsets(%arg18 : memref<32xi32, #tpu.memory_space<vmem>>) semaphore(%arg35 : memref<!tpu.dma_semaphore, #tpu.memory_space<semaphore_mem>>)
      %mul3A_240 = arith.constant 2 : i32
      %mul3A_241 = arith.muli %scan3A_54, %mul3A_240 : i32
      %add3A_242 = arith.constant 1 : i32
      %add3A_243 = arith.addi %mul3A_241, %add3A_242 : i32
      %gt3A_244 = arith.constant 0 : i32
      %gt3A_245 = arith.cmpi sgt, %scan3A_54, %gt3A_244 : i32
      %convert_element_type3A_246 = arith.extui %gt3A_245 : i1 to i32
      %cond3A_247 = arith.constant 0 : i32
      %cond3A_248 = arith.cmpi ne, %convert_element_type3A_246, %cond3A_247 : i32
      scf.if %cond3A_248 {
        %dma_wait3A_480 = arith.constant 0 : i32
        %dma_wait3A_481 = arith.constant 0 : i32
        %dma_wait3A_482 = tpu.memref_slice %arg31[%dma_wait3A_480, %dma_wait3A_481] : memref<10112x128xf32, #tpu.memory_space<vmem_shared>> -> memref<10112x128xf32, #tpu.memory_space<vmem_shared>>
        tpu.wait_indirect_dma semaphore(%arg44 : memref<!tpu.dma_semaphore, #tpu.memory_space<semaphore_mem>>) src(%arg11 : memref<32x128xf32, #tpu.memory_space<vmem>>) dst(%dma_wait3A_482 : memref<10112x128xf32, #tpu.memory_space<vmem_shared>>)
      } else {
      }
      %get3A_249 = arith.index_cast %add3A_243 : i32 to index
      %get3A_250 = arith.constant 0 : index
      %get3A_251 = tpu.vector_load %arg6[%get3A_249, %get3A_250] {strides = array<i32>} : memref<80x128xi32, #tpu.memory_space<vmem>>, vector<1x16xi32>,
      %get3A_252 = vector.shape_cast %get3A_251 : vector<1x16xi32> to vector<16xi32>
      %and3A_253 = arith.constant 65535 : i32
      %and3A_254 = vector.broadcast %and3A_253 : i32 to vector<16xi32>
      %and3A_255 = arith.andi %get3A_252, %and3A_254 : vector<16xi32>
      %swap3A_256 = arith.constant 0 : index
      %swap3A_257 = tpu.vector_load %arg19[%swap3A_256] {strides = array<i32>} : memref<32xi32, #tpu.memory_space<vmem>>, vector<16xi32>,
      %swap3A_258 = vector.shape_cast %swap3A_257 : vector<16xi32> to vector<16xi32>
      %swap3A_259 = vector.shape_cast %and3A_255 : vector<16xi32> to vector<16xi32>
      tpu.vector_store %arg19[%swap3A_256], %swap3A_259 {strides = array<i32>} : memref<32xi32, #tpu.memory_space<vmem>>, vector<16xi32>,
      %shift_right_logical3A_260 = arith.constant 16 : i32
      %shift_right_logical3A_261 = vector.broadcast %shift_right_logical3A_260 : i32 to vector<16xi32>
      %shift_right_logical3A_262 = arith.shrui %get3A_252, %shift_right_logical3A_261 : vector<16xi32>
      %swap3A_263 = arith.constant 0 : index
      %swap3A_264 = tpu.vector_load %arg27[%swap3A_263] {strides = array<i32>} : memref<32xi32, #tpu.memory_space<vmem>>, vector<16xi32>,
      %swap3A_265 = vector.shape_cast %swap3A_264 : vector<16xi32> to vector<16xi32>
      %swap3A_266 = vector.shape_cast %shift_right_logical3A_262 : vector<16xi32> to vector<16xi32>
      tpu.vector_store %arg27[%swap3A_263], %swap3A_266 {strides = array<i32>} : memref<32xi32, #tpu.memory_space<vmem>>, vector<16xi32>,
      %get3A_267 = arith.index_cast %add3A_243 : i32 to index
      %get3A_268 = arith.constant 16 : index
      %get3A_269 = tpu.vector_load %arg6[%get3A_267, %get3A_268] {strides = array<i32>} : memref<80x128xi32, #tpu.memory_space<vmem>>, vector<1x16xi32>,
      %get3A_270 = vector.shape_cast %get3A_269 : vector<1x16xi32> to vector<16xi32>
      %and3A_271 = arith.constant 65535 : i32
      %and3A_272 = vector.broadcast %and3A_271 : i32 to vector<16xi32>
      %and3A_273 = arith.andi %get3A_270, %and3A_272 : vector<16xi32>
      %swap3A_274 = arith.constant 16 : index
      %swap3A_275 = tpu.vector_load %arg19[%swap3A_274] {strides = array<i32>} : memref<32xi32, #tpu.memory_space<vmem>>, vector<16xi32>,
      %swap3A_276 = vector.shape_cast %swap3A_275 : vector<16xi32> to vector<16xi32>
      %swap3A_277 = vector.shape_cast %and3A_273 : vector<16xi32> to vector<16xi32>
      tpu.vector_store %arg19[%swap3A_274], %swap3A_277 {strides = array<i32>} : memref<32xi32, #tpu.memory_space<vmem>>, vector<16xi32>,
      %shift_right_logical3A_278 = arith.constant 16 : i32
      %shift_right_logical3A_279 = vector.broadcast %shift_right_logical3A_278 : i32 to vector<16xi32>
      %shift_right_logical3A_280 = arith.shrui %get3A_270, %shift_right_logical3A_279 : vector<16xi32>
      %swap3A_281 = arith.constant 16 : index
      %swap3A_282 = tpu.vector_load %arg27[%swap3A_281] {strides = array<i32>} : memref<32xi32, #tpu.memory_space<vmem>>, vector<16xi32>,
      %swap3A_283 = vector.shape_cast %swap3A_282 : vector<16xi32> to vector<16xi32>
      %swap3A_284 = vector.shape_cast %shift_right_logical3A_280 : vector<16xi32> to vector<16xi32>
      tpu.vector_store %arg27[%swap3A_281], %swap3A_284 {strides = array<i32>} : memref<32xi32, #tpu.memory_space<vmem>>, vector<16xi32>,
      %dma_start3A_285 = arith.constant 0 : i32
      %dma_start3A_286 = arith.constant 0 : i32
      %dma_start3A_287 = tpu.memref_slice %arg2[%dma_start3A_285, %dma_start3A_286] : memref<10112x128xf32, #tpu.memory_space<hbm>> -> memref<10112x128xf32, #tpu.memory_space<hbm>>
      tpu.enqueue_indirect_dma source(%dma_start3A_287 : memref<10112x128xf32, #tpu.memory_space<hbm>>) target(%arg11 : memref<32x128xf32, #tpu.memory_space<vmem>>) offsets(%arg19 : memref<32xi32, #tpu.memory_space<vmem>>) semaphore(%arg36 : memref<!tpu.dma_semaphore, #tpu.memory_space<semaphore_mem>>)
      %mul3A_288 = arith.constant 2 : i32
      %mul3A_289 = arith.muli %scan3A_54, %mul3A_288 : i32
      %add3A_290 = arith.constant 1 : i32
      %add3A_291 = arith.addi %mul3A_289, %add3A_290 : i32
      %gt3A_292 = arith.constant 0 : i32
      %gt3A_293 = arith.cmpi sgt, %scan3A_54, %gt3A_292 : i32
      %convert_element_type3A_294 = arith.extui %gt3A_293 : i1 to i32
      %cond3A_295 = arith.constant 0 : i32
      %cond3A_296 = arith.cmpi ne, %convert_element_type3A_294, %cond3A_295 : i32
      scf.if %cond3A_296 {
        %dma_wait3A_480 = arith.constant 0 : i32
        %dma_wait3A_481 = arith.constant 0 : i32
        %dma_wait3A_482 = tpu.memref_slice %arg31[%dma_wait3A_480, %dma_wait3A_481] : memref<10112x128xf32, #tpu.memory_space<vmem_shared>> -> memref<10112x128xf32, #tpu.memory_space<vmem_shared>>
        tpu.wait_indirect_dma semaphore(%arg45 : memref<!tpu.dma_semaphore, #tpu.memory_space<semaphore_mem>>) src(%arg12 : memref<32x128xf32, #tpu.memory_space<vmem>>) dst(%dma_wait3A_482 : memref<10112x128xf32, #tpu.memory_space<vmem_shared>>)
      } else {
      }
      %get3A_297 = arith.index_cast %add3A_291 : i32 to index
      %get3A_298 = arith.constant 32 : index
      %get3A_299 = tpu.vector_load %arg6[%get3A_297, %get3A_298] {strides = array<i32>} : memref<80x128xi32, #tpu.memory_space<vmem>>, vector<1x16xi32>,
      %get3A_300 = vector.shape_cast %get3A_299 : vector<1x16xi32> to vector<16xi32>
      %and3A_301 = arith.constant 65535 : i32
      %and3A_302 = vector.broadcast %and3A_301 : i32 to vector<16xi32>
      %and3A_303 = arith.andi %get3A_300, %and3A_302 : vector<16xi32>
      %swap3A_304 = arith.constant 0 : index
      %swap3A_305 = tpu.vector_load %arg20[%swap3A_304] {strides = array<i32>} : memref<32xi32, #tpu.memory_space<vmem>>, vector<16xi32>,
      %swap3A_306 = vector.shape_cast %swap3A_305 : vector<16xi32> to vector<16xi32>
      %swap3A_307 = vector.shape_cast %and3A_303 : vector<16xi32> to vector<16xi32>
      tpu.vector_store %arg20[%swap3A_304], %swap3A_307 {strides = array<i32>} : memref<32xi32, #tpu.memory_space<vmem>>, vector<16xi32>,
      %shift_right_logical3A_308 = arith.constant 16 : i32
      %shift_right_logical3A_309 = vector.broadcast %shift_right_logical3A_308 : i32 to vector<16xi32>
      %shift_right_logical3A_310 = arith.shrui %get3A_300, %shift_right_logical3A_309 : vector<16xi32>
      %swap3A_311 = arith.constant 0 : index
      %swap3A_312 = tpu.vector_load %arg28[%swap3A_311] {strides = array<i32>} : memref<32xi32, #tpu.memory_space<vmem>>, vector<16xi32>,
      %swap3A_313 = vector.shape_cast %swap3A_312 : vector<16xi32> to vector<16xi32>
      %swap3A_314 = vector.shape_cast %shift_right_logical3A_310 : vector<16xi32> to vector<16xi32>
      tpu.vector_store %arg28[%swap3A_311], %swap3A_314 {strides = array<i32>} : memref<32xi32, #tpu.memory_space<vmem>>, vector<16xi32>,
      %get3A_315 = arith.index_cast %add3A_291 : i32 to index
      %get3A_316 = arith.constant 48 : index
      %get3A_317 = tpu.vector_load %arg6[%get3A_315, %get3A_316] {strides = array<i32>} : memref<80x128xi32, #tpu.memory_space<vmem>>, vector<1x16xi32>,
      %get3A_318 = vector.shape_cast %get3A_317 : vector<1x16xi32> to vector<16xi32>
      %and3A_319 = arith.constant 65535 : i32
      %and3A_320 = vector.broadcast %and3A_319 : i32 to vector<16xi32>
      %and3A_321 = arith.andi %get3A_318, %and3A_320 : vector<16xi32>
      %swap3A_322 = arith.constant 16 : index
      %swap3A_323 = tpu.vector_load %arg20[%swap3A_322] {strides = array<i32>} : memref<32xi32, #tpu.memory_space<vmem>>, vector<16xi32>,
      %swap3A_324 = vector.shape_cast %swap3A_323 : vector<16xi32> to vector<16xi32>
      %swap3A_325 = vector.shape_cast %and3A_321 : vector<16xi32> to vector<16xi32>
      tpu.vector_store %arg20[%swap3A_322], %swap3A_325 {strides = array<i32>} : memref<32xi32, #tpu.memory_space<vmem>>, vector<16xi32>,
      %shift_right_logical3A_326 = arith.constant 16 : i32
      %shift_right_logical3A_327 = vector.broadcast %shift_right_logical3A_326 : i32 to vector<16xi32>
      %shift_right_logical3A_328 = arith.shrui %get3A_318, %shift_right_logical3A_327 : vector<16xi32>
      %swap3A_329 = arith.constant 16 : index
      %swap3A_330 = tpu.vector_load %arg28[%swap3A_329] {strides = array<i32>} : memref<32xi32, #tpu.memory_space<vmem>>, vector<16xi32>,
      %swap3A_331 = vector.shape_cast %swap3A_330 : vector<16xi32> to vector<16xi32>
      %swap3A_332 = vector.shape_cast %shift_right_logical3A_328 : vector<16xi32> to vector<16xi32>
      tpu.vector_store %arg28[%swap3A_329], %swap3A_332 {strides = array<i32>} : memref<32xi32, #tpu.memory_space<vmem>>, vector<16xi32>,
      %dma_start3A_333 = arith.constant 0 : i32
      %dma_start3A_334 = arith.constant 0 : i32
      %dma_start3A_335 = tpu.memref_slice %arg2[%dma_start3A_333, %dma_start3A_334] : memref<10112x128xf32, #tpu.memory_space<hbm>> -> memref<10112x128xf32, #tpu.memory_space<hbm>>
      tpu.enqueue_indirect_dma source(%dma_start3A_335 : memref<10112x128xf32, #tpu.memory_space<hbm>>) target(%arg12 : memref<32x128xf32, #tpu.memory_space<vmem>>) offsets(%arg20 : memref<32xi32, #tpu.memory_space<vmem>>) semaphore(%arg37 : memref<!tpu.dma_semaphore, #tpu.memory_space<semaphore_mem>>)
      %mul3A_336 = arith.constant 2 : i32
      %mul3A_337 = arith.muli %scan3A_54, %mul3A_336 : i32
      %add3A_338 = arith.constant 1 : i32
      %add3A_339 = arith.addi %mul3A_337, %add3A_338 : i32
      %gt3A_340 = arith.constant 0 : i32
      %gt3A_341 = arith.cmpi sgt, %scan3A_54, %gt3A_340 : i32
      %convert_element_type3A_342 = arith.extui %gt3A_341 : i1 to i32
      %cond3A_343 = arith.constant 0 : i32
      %cond3A_344 = arith.cmpi ne, %convert_element_type3A_342, %cond3A_343 : i32
      scf.if %cond3A_344 {
        %dma_wait3A_480 = arith.constant 0 : i32
        %dma_wait3A_481 = arith.constant 0 : i32
        %dma_wait3A_482 = tpu.memref_slice %arg31[%dma_wait3A_480, %dma_wait3A_481] : memref<10112x128xf32, #tpu.memory_space<vmem_shared>> -> memref<10112x128xf32, #tpu.memory_space<vmem_shared>>
        tpu.wait_indirect_dma semaphore(%arg46 : memref<!tpu.dma_semaphore, #tpu.memory_space<semaphore_mem>>) src(%arg13 : memref<32x128xf32, #tpu.memory_space<vmem>>) dst(%dma_wait3A_482 : memref<10112x128xf32, #tpu.memory_space<vmem_shared>>)
      } else {
      }
      %get3A_345 = arith.index_cast %add3A_339 : i32 to index
      %get3A_346 = arith.constant 64 : index
      %get3A_347 = tpu.vector_load %arg6[%get3A_345, %get3A_346] {strides = array<i32>} : memref<80x128xi32, #tpu.memory_space<vmem>>, vector<1x16xi32>,
      %get3A_348 = vector.shape_cast %get3A_347 : vector<1x16xi32> to vector<16xi32>
      %and3A_349 = arith.constant 65535 : i32
      %and3A_350 = vector.broadcast %and3A_349 : i32 to vector<16xi32>
      %and3A_351 = arith.andi %get3A_348, %and3A_350 : vector<16xi32>
      %swap3A_352 = arith.constant 0 : index
      %swap3A_353 = tpu.vector_load %arg21[%swap3A_352] {strides = array<i32>} : memref<32xi32, #tpu.memory_space<vmem>>, vector<16xi32>,
      %swap3A_354 = vector.shape_cast %swap3A_353 : vector<16xi32> to vector<16xi32>
      %swap3A_355 = vector.shape_cast %and3A_351 : vector<16xi32> to vector<16xi32>
      tpu.vector_store %arg21[%swap3A_352], %swap3A_355 {strides = array<i32>} : memref<32xi32, #tpu.memory_space<vmem>>, vector<16xi32>,
      %shift_right_logical3A_356 = arith.constant 16 : i32
      %shift_right_logical3A_357 = vector.broadcast %shift_right_logical3A_356 : i32 to vector<16xi32>
      %shift_right_logical3A_358 = arith.shrui %get3A_348, %shift_right_logical3A_357 : vector<16xi32>
      %swap3A_359 = arith.constant 0 : index
      %swap3A_360 = tpu.vector_load %arg29[%swap3A_359] {strides = array<i32>} : memref<32xi32, #tpu.memory_space<vmem>>, vector<16xi32>,
      %swap3A_361 = vector.shape_cast %swap3A_360 : vector<16xi32> to vector<16xi32>
      %swap3A_362 = vector.shape_cast %shift_right_logical3A_358 : vector<16xi32> to vector<16xi32>
      tpu.vector_store %arg29[%swap3A_359], %swap3A_362 {strides = array<i32>} : memref<32xi32, #tpu.memory_space<vmem>>, vector<16xi32>,
      %get3A_363 = arith.index_cast %add3A_339 : i32 to index
      %get3A_364 = arith.constant 80 : index
      %get3A_365 = tpu.vector_load %arg6[%get3A_363, %get3A_364] {strides = array<i32>} : memref<80x128xi32, #tpu.memory_space<vmem>>, vector<1x16xi32>,
      %get3A_366 = vector.shape_cast %get3A_365 : vector<1x16xi32> to vector<16xi32>
      %and3A_367 = arith.constant 65535 : i32
      %and3A_368 = vector.broadcast %and3A_367 : i32 to vector<16xi32>
      %and3A_369 = arith.andi %get3A_366, %and3A_368 : vector<16xi32>
      %swap3A_370 = arith.constant 16 : index
      %swap3A_371 = tpu.vector_load %arg21[%swap3A_370] {strides = array<i32>} : memref<32xi32, #tpu.memory_space<vmem>>, vector<16xi32>,
      %swap3A_372 = vector.shape_cast %swap3A_371 : vector<16xi32> to vector<16xi32>
      %swap3A_373 = vector.shape_cast %and3A_369 : vector<16xi32> to vector<16xi32>
      tpu.vector_store %arg21[%swap3A_370], %swap3A_373 {strides = array<i32>} : memref<32xi32, #tpu.memory_space<vmem>>, vector<16xi32>,
      %shift_right_logical3A_374 = arith.constant 16 : i32
      %shift_right_logical3A_375 = vector.broadcast %shift_right_logical3A_374 : i32 to vector<16xi32>
      %shift_right_logical3A_376 = arith.shrui %get3A_366, %shift_right_logical3A_375 : vector<16xi32>
      %swap3A_377 = arith.constant 16 : index
      %swap3A_378 = tpu.vector_load %arg29[%swap3A_377] {strides = array<i32>} : memref<32xi32, #tpu.memory_space<vmem>>, vector<16xi32>,
      %swap3A_379 = vector.shape_cast %swap3A_378 : vector<16xi32> to vector<16xi32>
      %swap3A_380 = vector.shape_cast %shift_right_logical3A_376 : vector<16xi32> to vector<16xi32>
      tpu.vector_store %arg29[%swap3A_377], %swap3A_380 {strides = array<i32>} : memref<32xi32, #tpu.memory_space<vmem>>, vector<16xi32>,
      %dma_start3A_381 = arith.constant 0 : i32
      %dma_start3A_382 = arith.constant 0 : i32
      %dma_start3A_383 = tpu.memref_slice %arg2[%dma_start3A_381, %dma_start3A_382] : memref<10112x128xf32, #tpu.memory_space<hbm>> -> memref<10112x128xf32, #tpu.memory_space<hbm>>
      tpu.enqueue_indirect_dma source(%dma_start3A_383 : memref<10112x128xf32, #tpu.memory_space<hbm>>) target(%arg13 : memref<32x128xf32, #tpu.memory_space<vmem>>) offsets(%arg21 : memref<32xi32, #tpu.memory_space<vmem>>) semaphore(%arg38 : memref<!tpu.dma_semaphore, #tpu.memory_space<semaphore_mem>>)
      %mul3A_384 = arith.constant 2 : i32
      %mul3A_385 = arith.muli %scan3A_54, %mul3A_384 : i32
      %add3A_386 = arith.constant 1 : i32
      %add3A_387 = arith.addi %mul3A_385, %add3A_386 : i32
      %gt3A_388 = arith.constant 0 : i32
      %gt3A_389 = arith.cmpi sgt, %scan3A_54, %gt3A_388 : i32
      %convert_element_type3A_390 = arith.extui %gt3A_389 : i1 to i32
      %cond3A_391 = arith.constant 0 : i32
      %cond3A_392 = arith.cmpi ne, %convert_element_type3A_390, %cond3A_391 : i32
      scf.if %cond3A_392 {
        %dma_wait3A_480 = arith.constant 0 : i32
        %dma_wait3A_481 = arith.constant 0 : i32
        %dma_wait3A_482 = tpu.memref_slice %arg31[%dma_wait3A_480, %dma_wait3A_481] : memref<10112x128xf32, #tpu.memory_space<vmem_shared>> -> memref<10112x128xf32, #tpu.memory_space<vmem_shared>>
        tpu.wait_indirect_dma semaphore(%arg47 : memref<!tpu.dma_semaphore, #tpu.memory_space<semaphore_mem>>) src(%arg14 : memref<32x128xf32, #tpu.memory_space<vmem>>) dst(%dma_wait3A_482 : memref<10112x128xf32, #tpu.memory_space<vmem_shared>>)
      } else {
      }
      %get3A_393 = arith.index_cast %add3A_387 : i32 to index
      %get3A_394 = arith.constant 96 : index
      %get3A_395 = tpu.vector_load %arg6[%get3A_393, %get3A_394] {strides = array<i32>} : memref<80x128xi32, #tpu.memory_space<vmem>>, vector<1x16xi32>,
      %get3A_396 = vector.shape_cast %get3A_395 : vector<1x16xi32> to vector<16xi32>
      %and3A_397 = arith.constant 65535 : i32
      %and3A_398 = vector.broadcast %and3A_397 : i32 to vector<16xi32>
      %and3A_399 = arith.andi %get3A_396, %and3A_398 : vector<16xi32>
      %swap3A_400 = arith.constant 0 : index
      %swap3A_401 = tpu.vector_load %arg22[%swap3A_400] {strides = array<i32>} : memref<32xi32, #tpu.memory_space<vmem>>, vector<16xi32>,
      %swap3A_402 = vector.shape_cast %swap3A_401 : vector<16xi32> to vector<16xi32>
      %swap3A_403 = vector.shape_cast %and3A_399 : vector<16xi32> to vector<16xi32>
      tpu.vector_store %arg22[%swap3A_400], %swap3A_403 {strides = array<i32>} : memref<32xi32, #tpu.memory_space<vmem>>, vector<16xi32>,
      %shift_right_logical3A_404 = arith.constant 16 : i32
      %shift_right_logical3A_405 = vector.broadcast %shift_right_logical3A_404 : i32 to vector<16xi32>
      %shift_right_logical3A_406 = arith.shrui %get3A_396, %shift_right_logical3A_405 : vector<16xi32>
      %swap3A_407 = arith.constant 0 : index
      %swap3A_408 = tpu.vector_load %arg30[%swap3A_407] {strides = array<i32>} : memref<32xi32, #tpu.memory_space<vmem>>, vector<16xi32>,
      %swap3A_409 = vector.shape_cast %swap3A_408 : vector<16xi32> to vector<16xi32>
      %swap3A_410 = vector.shape_cast %shift_right_logical3A_406 : vector<16xi32> to vector<16xi32>
      tpu.vector_store %arg30[%swap3A_407], %swap3A_410 {strides = array<i32>} : memref<32xi32, #tpu.memory_space<vmem>>, vector<16xi32>,
      %get3A_411 = arith.index_cast %add3A_387 : i32 to index
      %get3A_412 = arith.constant 112 : index
      %get3A_413 = tpu.vector_load %arg6[%get3A_411, %get3A_412] {strides = array<i32>} : memref<80x128xi32, #tpu.memory_space<vmem>>, vector<1x16xi32>,
      %get3A_414 = vector.shape_cast %get3A_413 : vector<1x16xi32> to vector<16xi32>
      %and3A_415 = arith.constant 65535 : i32
      %and3A_416 = vector.broadcast %and3A_415 : i32 to vector<16xi32>
      %and3A_417 = arith.andi %get3A_414, %and3A_416 : vector<16xi32>
      %swap3A_418 = arith.constant 16 : index
      %swap3A_419 = tpu.vector_load %arg22[%swap3A_418] {strides = array<i32>} : memref<32xi32, #tpu.memory_space<vmem>>, vector<16xi32>,
      %swap3A_420 = vector.shape_cast %swap3A_419 : vector<16xi32> to vector<16xi32>
      %swap3A_421 = vector.shape_cast %and3A_417 : vector<16xi32> to vector<16xi32>
      tpu.vector_store %arg22[%swap3A_418], %swap3A_421 {strides = array<i32>} : memref<32xi32, #tpu.memory_space<vmem>>, vector<16xi32>,
      %shift_right_logical3A_422 = arith.constant 16 : i32
      %shift_right_logical3A_423 = vector.broadcast %shift_right_logical3A_422 : i32 to vector<16xi32>
      %shift_right_logical3A_424 = arith.shrui %get3A_414, %shift_right_logical3A_423 : vector<16xi32>
      %swap3A_425 = arith.constant 16 : index
      %swap3A_426 = tpu.vector_load %arg30[%swap3A_425] {strides = array<i32>} : memref<32xi32, #tpu.memory_space<vmem>>, vector<16xi32>,
      %swap3A_427 = vector.shape_cast %swap3A_426 : vector<16xi32> to vector<16xi32>
      %swap3A_428 = vector.shape_cast %shift_right_logical3A_424 : vector<16xi32> to vector<16xi32>
      tpu.vector_store %arg30[%swap3A_425], %swap3A_428 {strides = array<i32>} : memref<32xi32, #tpu.memory_space<vmem>>, vector<16xi32>,
      %dma_start3A_429 = arith.constant 0 : i32
      %dma_start3A_430 = arith.constant 0 : i32
      %dma_start3A_431 = tpu.memref_slice %arg2[%dma_start3A_429, %dma_start3A_430] : memref<10112x128xf32, #tpu.memory_space<hbm>> -> memref<10112x128xf32, #tpu.memory_space<hbm>>
      tpu.enqueue_indirect_dma source(%dma_start3A_431 : memref<10112x128xf32, #tpu.memory_space<hbm>>) target(%arg14 : memref<32x128xf32, #tpu.memory_space<vmem>>) offsets(%arg22 : memref<32xi32, #tpu.memory_space<vmem>>) semaphore(%arg39 : memref<!tpu.dma_semaphore, #tpu.memory_space<semaphore_mem>>)
      %dma_wait3A_432 = arith.constant 0 : i32
      %dma_wait3A_433 = arith.constant 0 : i32
      %dma_wait3A_434 = tpu.memref_slice %arg2[%dma_wait3A_432, %dma_wait3A_433] : memref<10112x128xf32, #tpu.memory_space<hbm>> -> memref<10112x128xf32, #tpu.memory_space<hbm>>
      tpu.wait_indirect_dma semaphore(%arg32 : memref<!tpu.dma_semaphore, #tpu.memory_space<semaphore_mem>>) src(%dma_wait3A_434 : memref<10112x128xf32, #tpu.memory_space<hbm>>) dst(%arg7 : memref<32x128xf32, #tpu.memory_space<vmem>>)
      %dma_start3A_435 = arith.constant 0 : i32
      %dma_start3A_436 = arith.constant 0 : i32
      %dma_start3A_437 = tpu.memref_slice %arg31[%dma_start3A_435, %dma_start3A_436] : memref<10112x128xf32, #tpu.memory_space<vmem_shared>> -> memref<10112x128xf32, #tpu.memory_space<vmem_shared>>
      tpu.enqueue_indirect_dma source(%arg7 : memref<32x128xf32, #tpu.memory_space<vmem>>) target(%dma_start3A_437 : memref<10112x128xf32, #tpu.memory_space<vmem_shared>>) offsets(%arg23 : memref<32xi32, #tpu.memory_space<vmem>>) semaphore(%arg40 : memref<!tpu.dma_semaphore, #tpu.memory_space<semaphore_mem>>) {add = true}
      %dma_wait3A_438 = arith.constant 0 : i32
      %dma_wait3A_439 = arith.constant 0 : i32
      %dma_wait3A_440 = tpu.memref_slice %arg2[%dma_wait3A_438, %dma_wait3A_439] : memref<10112x128xf32, #tpu.memory_space<hbm>> -> memref<10112x128xf32, #tpu.memory_space<hbm>>
      tpu.wait_indirect_dma semaphore(%arg33 : memref<!tpu.dma_semaphore, #tpu.memory_space<semaphore_mem>>) src(%dma_wait3A_440 : memref<10112x128xf32, #tpu.memory_space<hbm>>) dst(%arg8 : memref<32x128xf32, #tpu.memory_space<vmem>>)
      %dma_start3A_441 = arith.constant 0 : i32
      %dma_start3A_442 = arith.constant 0 : i32
      %dma_start3A_443 = tpu.memref_slice %arg31[%dma_start3A_441, %dma_start3A_442] : memref<10112x128xf32, #tpu.memory_space<vmem_shared>> -> memref<10112x128xf32, #tpu.memory_space<vmem_shared>>
      tpu.enqueue_indirect_dma source(%arg8 : memref<32x128xf32, #tpu.memory_space<vmem>>) target(%dma_start3A_443 : memref<10112x128xf32, #tpu.memory_space<vmem_shared>>) offsets(%arg24 : memref<32xi32, #tpu.memory_space<vmem>>) semaphore(%arg41 : memref<!tpu.dma_semaphore, #tpu.memory_space<semaphore_mem>>) {add = true}
      %dma_wait3A_444 = arith.constant 0 : i32
      %dma_wait3A_445 = arith.constant 0 : i32
      %dma_wait3A_446 = tpu.memref_slice %arg2[%dma_wait3A_444, %dma_wait3A_445] : memref<10112x128xf32, #tpu.memory_space<hbm>> -> memref<10112x128xf32, #tpu.memory_space<hbm>>
      tpu.wait_indirect_dma semaphore(%arg34 : memref<!tpu.dma_semaphore, #tpu.memory_space<semaphore_mem>>) src(%dma_wait3A_446 : memref<10112x128xf32, #tpu.memory_space<hbm>>) dst(%arg9 : memref<32x128xf32, #tpu.memory_space<vmem>>)
      %dma_start3A_447 = arith.constant 0 : i32
      %dma_start3A_448 = arith.constant 0 : i32
      %dma_start3A_449 = tpu.memref_slice %arg31[%dma_start3A_447, %dma_start3A_448] : memref<10112x128xf32, #tpu.memory_space<vmem_shared>> -> memref<10112x128xf32, #tpu.memory_space<vmem_shared>>
      tpu.enqueue_indirect_dma source(%arg9 : memref<32x128xf32, #tpu.memory_space<vmem>>) target(%dma_start3A_449 : memref<10112x128xf32, #tpu.memory_space<vmem_shared>>) offsets(%arg25 : memref<32xi32, #tpu.memory_space<vmem>>) semaphore(%arg42 : memref<!tpu.dma_semaphore, #tpu.memory_space<semaphore_mem>>) {add = true}
      %dma_wait3A_450 = arith.constant 0 : i32
      %dma_wait3A_451 = arith.constant 0 : i32
      %dma_wait3A_452 = tpu.memref_slice %arg2[%dma_wait3A_450, %dma_wait3A_451] : memref<10112x128xf32, #tpu.memory_space<hbm>> -> memref<10112x128xf32, #tpu.memory_space<hbm>>
      tpu.wait_indirect_dma semaphore(%arg35 : memref<!tpu.dma_semaphore, #tpu.memory_space<semaphore_mem>>) src(%dma_wait3A_452 : memref<10112x128xf32, #tpu.memory_space<hbm>>) dst(%arg10 : memref<32x128xf32, #tpu.memory_space<vmem>>)
      %dma_start3A_453 = arith.constant 0 : i32
      %dma_start3A_454 = arith.constant 0 : i32
      %dma_start3A_455 = tpu.memref_slice %arg31[%dma_start3A_453, %dma_start3A_454] : memref<10112x128xf32, #tpu.memory_space<vmem_shared>> -> memref<10112x128xf32, #tpu.memory_space<vmem_shared>>
      tpu.enqueue_indirect_dma source(%arg10 : memref<32x128xf32, #tpu.memory_space<vmem>>) target(%dma_start3A_455 : memref<10112x128xf32, #tpu.memory_space<vmem_shared>>) offsets(%arg26 : memref<32xi32, #tpu.memory_space<vmem>>) semaphore(%arg43 : memref<!tpu.dma_semaphore, #tpu.memory_space<semaphore_mem>>) {add = true}
      %dma_wait3A_456 = arith.constant 0 : i32
      %dma_wait3A_457 = arith.constant 0 : i32
      %dma_wait3A_458 = tpu.memref_slice %arg2[%dma_wait3A_456, %dma_wait3A_457] : memref<10112x128xf32, #tpu.memory_space<hbm>> -> memref<10112x128xf32, #tpu.memory_space<hbm>>
      tpu.wait_indirect_dma semaphore(%arg36 : memref<!tpu.dma_semaphore, #tpu.memory_space<semaphore_mem>>) src(%dma_wait3A_458 : memref<10112x128xf32, #tpu.memory_space<hbm>>) dst(%arg11 : memref<32x128xf32, #tpu.memory_space<vmem>>)
      %dma_start3A_459 = arith.constant 0 : i32
      %dma_start3A_460 = arith.constant 0 : i32
      %dma_start3A_461 = tpu.memref_slice %arg31[%dma_start3A_459, %dma_start3A_460] : memref<10112x128xf32, #tpu.memory_space<vmem_shared>> -> memref<10112x128xf32, #tpu.memory_space<vmem_shared>>
      tpu.enqueue_indirect_dma source(%arg11 : memref<32x128xf32, #tpu.memory_space<vmem>>) target(%dma_start3A_461 : memref<10112x128xf32, #tpu.memory_space<vmem_shared>>) offsets(%arg27 : memref<32xi32, #tpu.memory_space<vmem>>) semaphore(%arg44 : memref<!tpu.dma_semaphore, #tpu.memory_space<semaphore_mem>>) {add = true}
      %dma_wait3A_462 = arith.constant 0 : i32
      %dma_wait3A_463 = arith.constant 0 : i32
      %dma_wait3A_464 = tpu.memref_slice %arg2[%dma_wait3A_462, %dma_wait3A_463] : memref<10112x128xf32, #tpu.memory_space<hbm>> -> memref<10112x128xf32, #tpu.memory_space<hbm>>
      tpu.wait_indirect_dma semaphore(%arg37 : memref<!tpu.dma_semaphore, #tpu.memory_space<semaphore_mem>>) src(%dma_wait3A_464 : memref<10112x128xf32, #tpu.memory_space<hbm>>) dst(%arg12 : memref<32x128xf32, #tpu.memory_space<vmem>>)
      %dma_start3A_465 = arith.constant 0 : i32
      %dma_start3A_466 = arith.constant 0 : i32
      %dma_start3A_467 = tpu.memref_slice %arg31[%dma_start3A_465, %dma_start3A_466] : memref<10112x128xf32, #tpu.memory_space<vmem_shared>> -> memref<10112x128xf32, #tpu.memory_space<vmem_shared>>
      tpu.enqueue_indirect_dma source(%arg12 : memref<32x128xf32, #tpu.memory_space<vmem>>) target(%dma_start3A_467 : memref<10112x128xf32, #tpu.memory_space<vmem_shared>>) offsets(%arg28 : memref<32xi32, #tpu.memory_space<vmem>>) semaphore(%arg45 : memref<!tpu.dma_semaphore, #tpu.memory_space<semaphore_mem>>) {add = true}
      %dma_wait3A_468 = arith.constant 0 : i32
      %dma_wait3A_469 = arith.constant 0 : i32
      %dma_wait3A_470 = tpu.memref_slice %arg2[%dma_wait3A_468, %dma_wait3A_469] : memref<10112x128xf32, #tpu.memory_space<hbm>> -> memref<10112x128xf32, #tpu.memory_space<hbm>>
      tpu.wait_indirect_dma semaphore(%arg38 : memref<!tpu.dma_semaphore, #tpu.memory_space<semaphore_mem>>) src(%dma_wait3A_470 : memref<10112x128xf32, #tpu.memory_space<hbm>>) dst(%arg13 : memref<32x128xf32, #tpu.memory_space<vmem>>)
      %dma_start3A_471 = arith.constant 0 : i32
      %dma_start3A_472 = arith.constant 0 : i32
      %dma_start3A_473 = tpu.memref_slice %arg31[%dma_start3A_471, %dma_start3A_472] : memref<10112x128xf32, #tpu.memory_space<vmem_shared>> -> memref<10112x128xf32, #tpu.memory_space<vmem_shared>>
      tpu.enqueue_indirect_dma source(%arg13 : memref<32x128xf32, #tpu.memory_space<vmem>>) target(%dma_start3A_473 : memref<10112x128xf32, #tpu.memory_space<vmem_shared>>) offsets(%arg29 : memref<32xi32, #tpu.memory_space<vmem>>) semaphore(%arg46 : memref<!tpu.dma_semaphore, #tpu.memory_space<semaphore_mem>>) {add = true}
      %dma_wait3A_474 = arith.constant 0 : i32
      %dma_wait3A_475 = arith.constant 0 : i32
      %dma_wait3A_476 = tpu.memref_slice %arg2[%dma_wait3A_474, %dma_wait3A_475] : memref<10112x128xf32, #tpu.memory_space<hbm>> -> memref<10112x128xf32, #tpu.memory_space<hbm>>
      tpu.wait_indirect_dma semaphore(%arg39 : memref<!tpu.dma_semaphore, #tpu.memory_space<semaphore_mem>>) src(%dma_wait3A_476 : memref<10112x128xf32, #tpu.memory_space<hbm>>) dst(%arg14 : memref<32x128xf32, #tpu.memory_space<vmem>>)
      %dma_start3A_477 = arith.constant 0 : i32
      %dma_start3A_478 = arith.constant 0 : i32
      %dma_start3A_479 = tpu.memref_slice %arg31[%dma_start3A_477, %dma_start3A_478] : memref<10112x128xf32, #tpu.memory_space<vmem_shared>> -> memref<10112x128xf32, #tpu.memory_space<vmem_shared>>
      tpu.enqueue_indirect_dma source(%arg14 : memref<32x128xf32, #tpu.memory_space<vmem>>) target(%dma_start3A_479 : memref<10112x128xf32, #tpu.memory_space<vmem_shared>>) offsets(%arg30 : memref<32xi32, #tpu.memory_space<vmem>>) semaphore(%arg47 : memref<!tpu.dma_semaphore, #tpu.memory_space<semaphore_mem>>) {add = true}
    }
    %scan3A_25 = arith.constant 40 : i32
    %dma_wait3A_26 = arith.constant 0 : i32
    %dma_wait3A_27 = arith.constant 0 : i32
    %dma_wait3A_28 = tpu.memref_slice %arg31[%dma_wait3A_26, %dma_wait3A_27] : memref<10112x128xf32, #tpu.memory_space<vmem_shared>> -> memref<10112x128xf32, #tpu.memory_space<vmem_shared>>
    tpu.wait_indirect_dma semaphore(%arg40 : memref<!tpu.dma_semaphore, #tpu.memory_space<semaphore_mem>>) src(%arg7 : memref<32x128xf32, #tpu.memory_space<vmem>>) dst(%dma_wait3A_28 : memref<10112x128xf32, #tpu.memory_space<vmem_shared>>)
    %dma_wait3A_29 = arith.constant 0 : i32
    %dma_wait3A_30 = arith.constant 0 : i32
    %dma_wait3A_31 = tpu.memref_slice %arg31[%dma_wait3A_29, %dma_wait3A_30] : memref<10112x128xf32, #tpu.memory_space<vmem_shared>> -> memref<10112x128xf32, #tpu.memory_space<vmem_shared>>
    tpu.wait_indirect_dma semaphore(%arg41 : memref<!tpu.dma_semaphore, #tpu.memory_space<semaphore_mem>>) src(%arg8 : memref<32x128xf32, #tpu.memory_space<vmem>>) dst(%dma_wait3A_31 : memref<10112x128xf32, #tpu.memory_space<vmem_shared>>)
    %dma_wait3A_32 = arith.constant 0 : i32
    %dma_wait3A_33 = arith.constant 0 : i32
    %dma_wait3A_34 = tpu.memref_slice %arg31[%dma_wait3A_32, %dma_wait3A_33] : memref<10112x128xf32, #tpu.memory_space<vmem_shared>> -> memref<10112x128xf32, #tpu.memory_space<vmem_shared>>
    tpu.wait_indirect_dma semaphore(%arg42 : memref<!tpu.dma_semaphore, #tpu.memory_space<semaphore_mem>>) src(%arg9 : memref<32x128xf32, #tpu.memory_space<vmem>>) dst(%dma_wait3A_34 : memref<10112x128xf32, #tpu.memory_space<vmem_shared>>)
    %dma_wait3A_35 = arith.constant 0 : i32
    %dma_wait3A_36 = arith.constant 0 : i32
    %dma_wait3A_37 = tpu.memref_slice %arg31[%dma_wait3A_35, %dma_wait3A_36] : memref<10112x128xf32, #tpu.memory_space<vmem_shared>> -> memref<10112x128xf32, #tpu.memory_space<vmem_shared>>
    tpu.wait_indirect_dma semaphore(%arg43 : memref<!tpu.dma_semaphore, #tpu.memory_space<semaphore_mem>>) src(%arg10 : memref<32x128xf32, #tpu.memory_space<vmem>>) dst(%dma_wait3A_37 : memref<10112x128xf32, #tpu.memory_space<vmem_shared>>)
    %dma_wait3A_38 = arith.constant 0 : i32
    %dma_wait3A_39 = arith.constant 0 : i32
    %dma_wait3A_40 = tpu.memref_slice %arg31[%dma_wait3A_38, %dma_wait3A_39] : memref<10112x128xf32, #tpu.memory_space<vmem_shared>> -> memref<10112x128xf32, #tpu.memory_space<vmem_shared>>
    tpu.wait_indirect_dma semaphore(%arg44 : memref<!tpu.dma_semaphore, #tpu.memory_space<semaphore_mem>>) src(%arg11 : memref<32x128xf32, #tpu.memory_space<vmem>>) dst(%dma_wait3A_40 : memref<10112x128xf32, #tpu.memory_space<vmem_shared>>)
    %dma_wait3A_41 = arith.constant 0 : i32
    %dma_wait3A_42 = arith.constant 0 : i32
    %dma_wait3A_43 = tpu.memref_slice %arg31[%dma_wait3A_41, %dma_wait3A_42] : memref<10112x128xf32, #tpu.memory_space<vmem_shared>> -> memref<10112x128xf32, #tpu.memory_space<vmem_shared>>
    tpu.wait_indirect_dma semaphore(%arg45 : memref<!tpu.dma_semaphore, #tpu.memory_space<semaphore_mem>>) src(%arg12 : memref<32x128xf32, #tpu.memory_space<vmem>>) dst(%dma_wait3A_43 : memref<10112x128xf32, #tpu.memory_space<vmem_shared>>)
    %dma_wait3A_44 = arith.constant 0 : i32
    %dma_wait3A_45 = arith.constant 0 : i32
    %dma_wait3A_46 = tpu.memref_slice %arg31[%dma_wait3A_44, %dma_wait3A_45] : memref<10112x128xf32, #tpu.memory_space<vmem_shared>> -> memref<10112x128xf32, #tpu.memory_space<vmem_shared>>
    tpu.wait_indirect_dma semaphore(%arg46 : memref<!tpu.dma_semaphore, #tpu.memory_space<semaphore_mem>>) src(%arg13 : memref<32x128xf32, #tpu.memory_space<vmem>>) dst(%dma_wait3A_46 : memref<10112x128xf32, #tpu.memory_space<vmem_shared>>)
    %dma_wait3A_47 = arith.constant 0 : i32
    %dma_wait3A_48 = arith.constant 0 : i32
    %dma_wait3A_49 = tpu.memref_slice %arg31[%dma_wait3A_47, %dma_wait3A_48] : memref<10112x128xf32, #tpu.memory_space<vmem_shared>> -> memref<10112x128xf32, #tpu.memory_space<vmem_shared>>
    tpu.wait_indirect_dma semaphore(%arg47 : memref<!tpu.dma_semaphore, #tpu.memory_space<semaphore_mem>>) src(%arg14 : memref<32x128xf32, #tpu.memory_space<vmem>>) dst(%dma_wait3A_49 : memref<10112x128xf32, #tpu.memory_space<vmem_shared>>)
    %barrier3A_50 = arith.constant 0 : index
    tpu.barrier barrier_id(%barrier3A_50)
    %mul3A_51 = arith.constant 10112 : i32
    %mul3A_52 = arith.muli %arg0, %mul3A_51 : i32
    %add3A_53 = arith.addi %mul3A_52, %mul3A_2 : i32
    "tpu.region"() ({
      %run_scoped3A = tpu.sem_alloc : memref<!tpu.dma_semaphore, #tpu.memory_space<semaphore_mem>>
      %dma_start3A_54 = arith.constant 0 : i32
      %dma_start3A_55 = tpu.memref_slice %arg5[%add3A_53, %dma_start3A_54] : memref<20224x128xf32, #tpu.memory_space<hbm>> -> memref<632x128xf32, #tpu.memory_space<hbm>>
      %dma_start3A_56 = arith.constant 0 : i32
      %dma_start3A_57 = tpu.memref_slice %arg31[%mul3A_2, %dma_start3A_56] : memref<10112x128xf32, #tpu.memory_space<vmem_shared>> -> memref<632x128xf32, #tpu.memory_space<vmem_shared>>
      tpu.enqueue_dma source(%dma_start3A_57 : memref<632x128xf32, #tpu.memory_space<vmem_shared>>) target(%dma_start3A_55 : memref<632x128xf32, #tpu.memory_space<hbm>>) target_semaphore(%run_scoped3A : memref<!tpu.dma_semaphore, #tpu.memory_space<semaphore_mem>>)
      %dma_wait3A_58 = arith.constant 0 : i32
      %dma_wait3A_59 = tpu.memref_slice %arg5[%add3A_53, %dma_wait3A_58] : memref<20224x128xf32, #tpu.memory_space<hbm>> -> memref<632x128xf32, #tpu.memory_space<hbm>>
      %dma_wait3A_60 = arith.constant 0 : i32
      %dma_wait3A_61 = tpu.memref_slice %arg31[%mul3A_2, %dma_wait3A_60] : memref<10112x128xf32, #tpu.memory_space<vmem_shared>> -> memref<632x128xf32, #tpu.memory_space<vmem_shared>>
      tpu.wait_dma2 semaphore(%run_scoped3A : memref<!tpu.dma_semaphore, #tpu.memory_space<semaphore_mem>>) src(%dma_wait3A_61 : memref<632x128xf32, #tpu.memory_space<vmem_shared>>) dst(%dma_wait3A_59 : memref<632x128xf32, #tpu.memory_space<hbm>>)
      tpu.yield
    }) : () -> ()
    return
  }
}

module attributes {stable_mosaic.version = 14 : i64} {
  func.func @_dense_body(%arg0: memref<1xf32, #tpu.memory_space<smem>>, %arg1: memref<10112x128xf32, #tpu.memory_space<vmem>>, %arg2: memref<20224x128xf32, #tpu.memory_space<vmem>>, %arg3: memref<2x128x128xf32, #tpu.memory_space<vmem>>, %arg4: memref<2x1x128xf32, #tpu.memory_space<vmem>>, %arg5: memref<2x1x128xf32, #tpu.memory_space<vmem>>, %arg6: memref<1x128xf32, #tpu.memory_space<vmem>>, %arg7: memref<1x128xf32, #tpu.memory_space<vmem>>, %arg8: memref<10112x128xf32, #tpu.memory_space<vmem>>) attributes {dimension_semantics = [], scalar_prefetch = 0 : i64, scratch_operands = 0 : i64, tpu.core_type = #tpu.core_type<tc>} {
    %get3A = arith.constant 0 : index
    %get3A_0 = arith.constant 0 : index
    %get3A_1 = vector.load %arg1[%get3A, %get3A_0] : memref<10112x128xf32, #tpu.memory_space<vmem>>, vector<10000x128xf32>
    %get3A_2 = arith.constant 0 : index
    %get3A_3 = arith.constant 0 : index
    %get3A_4 = vector.load %arg2[%get3A_2, %get3A_3] : memref<20224x128xf32, #tpu.memory_space<vmem>>, vector<10000x128xf32>
    %get3A_5 = arith.constant 10112 : index
    %get3A_6 = arith.constant 0 : index
    %get3A_7 = vector.load %arg2[%get3A_5, %get3A_6] : memref<20224x128xf32, #tpu.memory_space<vmem>>, vector<10000x128xf32>
    %add3A = arith.addf %get3A_4, %get3A_7 : vector<10000x128xf32>
    %get3A_8 = arith.constant 0 : index
    %get3A_9 = memref.load %arg0[%get3A_8] : memref<1xf32, #tpu.memory_space<smem>>
    %add3A_10 = arith.constant 1.000000e+00 : f32
    %add3A_11 = arith.addf %add3A_10, %get3A_9 : f32
    %mul3A = vector.broadcast %add3A_11 : f32 to vector<10000x128xf32>
    %mul3A_12 = arith.mulf %mul3A, %get3A_1 : vector<10000x128xf32>
    %add3A_13 = arith.addf %mul3A_12, %add3A : vector<10000x128xf32>
    %get3A_14 = arith.constant 0 : index
    %get3A_15 = arith.constant 0 : index
    %get3A_16 = arith.constant 0 : index
    %get3A_17 = vector.load %arg3[%get3A_14, %get3A_15, %get3A_16] : memref<2x128x128xf32, #tpu.memory_space<vmem>>, vector<1x128x128xf32>
    %get3A_18 = vector.shape_cast %get3A_17 : vector<1x128x128xf32> to vector<128x128xf32>
    %dot_general3A = arith.constant dense<0.000000e+00> : vector<10000x128xf32>
    %dot_general3A_19 = tpu.matmul %add3A_13, %get3A_18, %dot_general3A {dimension_numbers = #tpu.dot_dimension_numbers<[1], [1], [0], [0], [0, 0, 1, 0], [], []>, transpose_lhs_hint = false} : vector<10000x128xf32>, vector<128x128xf32>, vector<10000x128xf32> -> vector<10000x128xf32>
    %get3A_20 = arith.constant 0 : index
    %get3A_21 = arith.constant 0 : index
    %get3A_22 = arith.constant 0 : index
    %get3A_23 = vector.load %arg4[%get3A_20, %get3A_21, %get3A_22] : memref<2x1x128xf32, #tpu.memory_space<vmem>>, vector<1x1x128xf32>
    %get3A_24 = vector.shape_cast %get3A_23 : vector<1x1x128xf32> to vector<1x128xf32>
    %get3A_25 = arith.constant 0 : index
    %get3A_26 = arith.constant 0 : index
    %get3A_27 = arith.constant 0 : index
    %get3A_28 = vector.load %arg5[%get3A_25, %get3A_26, %get3A_27] : memref<2x1x128xf32, #tpu.memory_space<vmem>>, vector<1x1x128xf32>
    %get3A_29 = vector.shape_cast %get3A_28 : vector<1x1x128xf32> to vector<1x128xf32>
    %reduce_sum3A = arith.constant dense<0.000000e+00> : vector<128xf32>
    %reduce_sum3A_30 = vector.multi_reduction <add>, %dot_general3A_19, %reduce_sum3A [0] : vector<10000x128xf32> to vector<128xf32>
    %broadcast_in_dim3A = vector.shape_cast %reduce_sum3A_30 : vector<128xf32> to vector<1x128xf32>
    %mul3A_31 = arith.mulf %dot_general3A_19, %dot_general3A_19 : vector<10000x128xf32>
    %reduce_sum3A_32 = arith.constant dense<0.000000e+00> : vector<128xf32>
    %reduce_sum3A_33 = vector.multi_reduction <add>, %mul3A_31, %reduce_sum3A_32 [0] : vector<10000x128xf32> to vector<128xf32>
    %broadcast_in_dim3A_34 = vector.shape_cast %reduce_sum3A_33 : vector<128xf32> to vector<1x128xf32>
    %mul3A_35 = arith.constant 9.99999974E-5 : f32
    %mul3A_36 = vector.broadcast %mul3A_35 : f32 to vector<1x128xf32>
    %mul3A_37 = arith.mulf %broadcast_in_dim3A, %mul3A_36 : vector<1x128xf32>
    %mul3A_38 = arith.constant 9.99999974E-5 : f32
    %mul3A_39 = vector.broadcast %mul3A_38 : f32 to vector<1x128xf32>
    %mul3A_40 = arith.mulf %broadcast_in_dim3A_34, %mul3A_39 : vector<1x128xf32>
    %mul3A_41 = arith.mulf %mul3A_37, %mul3A_37 : vector<1x128xf32>
    %sub3A = arith.subf %mul3A_40, %mul3A_41 : vector<1x128xf32>
    %add3A_42 = arith.constant 9.99999974E-6 : f32
    %add3A_43 = vector.broadcast %add3A_42 : f32 to vector<1x128xf32>
    %add3A_44 = arith.addf %sub3A, %add3A_43 : vector<1x128xf32>
    %rsqrt3A = math.rsqrt %add3A_44 : vector<1x128xf32>
    %mul3A_45 = arith.mulf %get3A_24, %rsqrt3A : vector<1x128xf32>
    %mul3A_46 = arith.mulf %mul3A_45, %mul3A_37 : vector<1x128xf32>
    %sub3A_47 = arith.subf %get3A_29, %mul3A_46 : vector<1x128xf32>
    %mul3A_48 = vector.broadcast %mul3A_45 : vector<1x128xf32> to vector<10000x128xf32>
    %mul3A_49 = arith.mulf %mul3A_48, %dot_general3A_19 : vector<10000x128xf32>
    %add3A_50 = vector.broadcast %sub3A_47 : vector<1x128xf32> to vector<10000x128xf32>
    %add3A_51 = arith.addf %mul3A_49, %add3A_50 : vector<10000x128xf32>
    %max3A = arith.constant 0.000000e+00 : f32
    %max3A_52 = vector.broadcast %max3A : f32 to vector<10000x128xf32>
    %max3A_53 = arith.maximumf %add3A_51, %max3A_52 : vector<10000x128xf32>
    %get3A_54 = arith.constant 1 : index
    %get3A_55 = arith.constant 0 : index
    %get3A_56 = arith.constant 0 : index
    %get3A_57 = vector.load %arg3[%get3A_54, %get3A_55, %get3A_56] : memref<2x128x128xf32, #tpu.memory_space<vmem>>, vector<1x128x128xf32>
    %get3A_58 = vector.shape_cast %get3A_57 : vector<1x128x128xf32> to vector<128x128xf32>
    %dot_general3A_59 = arith.constant dense<0.000000e+00> : vector<10000x128xf32>
    %dot_general3A_60 = tpu.matmul %max3A_53, %get3A_58, %dot_general3A_59 {dimension_numbers = #tpu.dot_dimension_numbers<[1], [1], [0], [0], [0, 0, 1, 0], [], []>, transpose_lhs_hint = false} : vector<10000x128xf32>, vector<128x128xf32>, vector<10000x128xf32> -> vector<10000x128xf32>
    %get3A_61 = arith.constant 1 : index
    %get3A_62 = arith.constant 0 : index
    %get3A_63 = arith.constant 0 : index
    %get3A_64 = vector.load %arg4[%get3A_61, %get3A_62, %get3A_63] : memref<2x1x128xf32, #tpu.memory_space<vmem>>, vector<1x1x128xf32>
    %get3A_65 = vector.shape_cast %get3A_64 : vector<1x1x128xf32> to vector<1x128xf32>
    %get3A_66 = arith.constant 1 : index
    %get3A_67 = arith.constant 0 : index
    %get3A_68 = arith.constant 0 : index
    %get3A_69 = vector.load %arg5[%get3A_66, %get3A_67, %get3A_68] : memref<2x1x128xf32, #tpu.memory_space<vmem>>, vector<1x1x128xf32>
    %get3A_70 = vector.shape_cast %get3A_69 : vector<1x1x128xf32> to vector<1x128xf32>
    %reduce_sum3A_71 = arith.constant dense<0.000000e+00> : vector<128xf32>
    %reduce_sum3A_72 = vector.multi_reduction <add>, %dot_general3A_60, %reduce_sum3A_71 [0] : vector<10000x128xf32> to vector<128xf32>
    %broadcast_in_dim3A_73 = vector.shape_cast %reduce_sum3A_72 : vector<128xf32> to vector<1x128xf32>
    %mul3A_74 = arith.mulf %dot_general3A_60, %dot_general3A_60 : vector<10000x128xf32>
    %reduce_sum3A_75 = arith.constant dense<0.000000e+00> : vector<128xf32>
    %reduce_sum3A_76 = vector.multi_reduction <add>, %mul3A_74, %reduce_sum3A_75 [0] : vector<10000x128xf32> to vector<128xf32>
    %broadcast_in_dim3A_77 = vector.shape_cast %reduce_sum3A_76 : vector<128xf32> to vector<1x128xf32>
    %mul3A_78 = arith.constant 9.99999974E-5 : f32
    %mul3A_79 = vector.broadcast %mul3A_78 : f32 to vector<1x128xf32>
    %mul3A_80 = arith.mulf %broadcast_in_dim3A_73, %mul3A_79 : vector<1x128xf32>
    %mul3A_81 = arith.constant 9.99999974E-5 : f32
    %mul3A_82 = vector.broadcast %mul3A_81 : f32 to vector<1x128xf32>
    %mul3A_83 = arith.mulf %broadcast_in_dim3A_77, %mul3A_82 : vector<1x128xf32>
    %mul3A_84 = arith.mulf %mul3A_80, %mul3A_80 : vector<1x128xf32>
    %sub3A_85 = arith.subf %mul3A_83, %mul3A_84 : vector<1x128xf32>
    %add3A_86 = arith.constant 9.99999974E-6 : f32
    %add3A_87 = vector.broadcast %add3A_86 : f32 to vector<1x128xf32>
    %add3A_88 = arith.addf %sub3A_85, %add3A_87 : vector<1x128xf32>
    %rsqrt3A_89 = math.rsqrt %add3A_88 : vector<1x128xf32>
    %mul3A_90 = arith.mulf %get3A_65, %rsqrt3A_89 : vector<1x128xf32>
    %mul3A_91 = arith.mulf %mul3A_90, %mul3A_80 : vector<1x128xf32>
    %sub3A_92 = arith.subf %get3A_70, %mul3A_91 : vector<1x128xf32>
    %mul3A_93 = vector.broadcast %mul3A_90 : vector<1x128xf32> to vector<10000x128xf32>
    %mul3A_94 = arith.mulf %mul3A_93, %dot_general3A_60 : vector<10000x128xf32>
    %add3A_95 = vector.broadcast %sub3A_92 : vector<1x128xf32> to vector<10000x128xf32>
    %add3A_96 = arith.addf %mul3A_94, %add3A_95 : vector<10000x128xf32>
    %max3A_97 = arith.constant 0.000000e+00 : f32
    %max3A_98 = vector.broadcast %max3A_97 : f32 to vector<10000x128xf32>
    %max3A_99 = arith.maximumf %add3A_96, %max3A_98 : vector<10000x128xf32>
    %get3A_100 = arith.constant 0 : index
    %get3A_101 = arith.constant 0 : index
    %get3A_102 = vector.load %arg6[%get3A_100, %get3A_101] : memref<1x128xf32, #tpu.memory_space<vmem>>, vector<1x128xf32>
    %get3A_103 = arith.constant 0 : index
    %get3A_104 = arith.constant 0 : index
    %get3A_105 = vector.load %arg7[%get3A_103, %get3A_104] : memref<1x128xf32, #tpu.memory_space<vmem>>, vector<1x128xf32>
    %reduce_sum3A_106 = arith.constant dense<0.000000e+00> : vector<128xf32>
    %reduce_sum3A_107 = vector.multi_reduction <add>, %max3A_99, %reduce_sum3A_106 [0] : vector<10000x128xf32> to vector<128xf32>
    %broadcast_in_dim3A_108 = vector.shape_cast %reduce_sum3A_107 : vector<128xf32> to vector<1x128xf32>
    %mul3A_109 = arith.mulf %max3A_99, %max3A_99 : vector<10000x128xf32>
    %reduce_sum3A_110 = arith.constant dense<0.000000e+00> : vector<128xf32>
    %reduce_sum3A_111 = vector.multi_reduction <add>, %mul3A_109, %reduce_sum3A_110 [0] : vector<10000x128xf32> to vector<128xf32>
    %broadcast_in_dim3A_112 = vector.shape_cast %reduce_sum3A_111 : vector<128xf32> to vector<1x128xf32>
    %mul3A_113 = arith.constant 9.99999974E-5 : f32
    %mul3A_114 = vector.broadcast %mul3A_113 : f32 to vector<1x128xf32>
    %mul3A_115 = arith.mulf %broadcast_in_dim3A_108, %mul3A_114 : vector<1x128xf32>
    %mul3A_116 = arith.constant 9.99999974E-5 : f32
    %mul3A_117 = vector.broadcast %mul3A_116 : f32 to vector<1x128xf32>
    %mul3A_118 = arith.mulf %broadcast_in_dim3A_112, %mul3A_117 : vector<1x128xf32>
    %mul3A_119 = arith.mulf %mul3A_115, %mul3A_115 : vector<1x128xf32>
    %sub3A_120 = arith.subf %mul3A_118, %mul3A_119 : vector<1x128xf32>
    %add3A_121 = arith.constant 9.99999974E-6 : f32
    %add3A_122 = vector.broadcast %add3A_121 : f32 to vector<1x128xf32>
    %add3A_123 = arith.addf %sub3A_120, %add3A_122 : vector<1x128xf32>
    %rsqrt3A_124 = math.rsqrt %add3A_123 : vector<1x128xf32>
    %mul3A_125 = arith.mulf %get3A_102, %rsqrt3A_124 : vector<1x128xf32>
    %mul3A_126 = arith.mulf %mul3A_125, %mul3A_115 : vector<1x128xf32>
    %sub3A_127 = arith.subf %get3A_105, %mul3A_126 : vector<1x128xf32>
    %mul3A_128 = vector.broadcast %mul3A_125 : vector<1x128xf32> to vector<10000x128xf32>
    %mul3A_129 = arith.mulf %mul3A_128, %max3A_99 : vector<10000x128xf32>
    %add3A_130 = vector.broadcast %sub3A_127 : vector<1x128xf32> to vector<10000x128xf32>
    %add3A_131 = arith.addf %mul3A_129, %add3A_130 : vector<10000x128xf32>
    %max3A_132 = arith.constant 0.000000e+00 : f32
    %max3A_133 = vector.broadcast %max3A_132 : f32 to vector<10000x128xf32>
    %max3A_134 = arith.maximumf %add3A_131, %max3A_133 : vector<10000x128xf32>
    %add3A_135 = arith.addf %max3A_134, %get3A_1 : vector<10000x128xf32>
    %swap3A = arith.constant 0 : index
    %swap3A_136 = arith.constant 0 : index
    %swap3A_137 = vector.load %arg8[%swap3A, %swap3A_136] : memref<10112x128xf32, #tpu.memory_space<vmem>>, vector<10000x128xf32>
    tpu.vector_store %arg8[%swap3A, %swap3A_136], %add3A_135 {strides = array<i32>} : memref<10112x128xf32, #tpu.memory_space<vmem>>, vector<10000x128xf32>,
    %broadcast_in_dim3A_138 = arith.constant 0.000000e+00 : f32
    %broadcast_in_dim3A_139 = vector.broadcast %broadcast_in_dim3A_138 : f32 to vector<112x128xf32>
    %swap3A_140 = arith.constant 10000 : index
    %swap3A_141 = arith.constant 0 : index
    %swap3A_142 = vector.load %arg8[%swap3A_140, %swap3A_141] : memref<10112x128xf32, #tpu.memory_space<vmem>>, vector<112x128xf32>
    tpu.vector_store %arg8[%swap3A_140, %swap3A_141], %broadcast_in_dim3A_139 {strides = array<i32>} : memref<10112x128xf32, #tpu.memory_space<vmem>>, vector<112x128xf32>,
    return
  }
}

module attributes {stable_mosaic.version = 14 : i64} {
  func.func @_dense_body(%arg0: memref<1xf32, #tpu.memory_space<smem>>, %arg1: memref<10112x128xf32, #tpu.memory_space<vmem>>, %arg2: memref<20224x128xf32, #tpu.memory_space<vmem>>, %arg3: memref<2x128x128xf32, #tpu.memory_space<vmem>>, %arg4: memref<2x1x128xf32, #tpu.memory_space<vmem>>, %arg5: memref<2x1x128xf32, #tpu.memory_space<vmem>>, %arg6: memref<1x128xf32, #tpu.memory_space<vmem>>, %arg7: memref<1x128xf32, #tpu.memory_space<vmem>>, %arg8: memref<10112x128xf32, #tpu.memory_space<vmem>>) attributes {dimension_semantics = [], scalar_prefetch = 0 : i64, scratch_operands = 0 : i64, tpu.core_type = #tpu.core_type<tc>} {
    %get3A = arith.constant 0 : index
    %get3A_0 = arith.constant 0 : index
    %get3A_1 = vector.load %arg1[%get3A, %get3A_0] : memref<10112x128xf32, #tpu.memory_space<vmem>>, vector<10000x128xf32>
    %get3A_2 = arith.constant 0 : index
    %get3A_3 = arith.constant 0 : index
    %get3A_4 = vector.load %arg2[%get3A_2, %get3A_3] : memref<20224x128xf32, #tpu.memory_space<vmem>>, vector<10000x128xf32>
    %get3A_5 = arith.constant 10112 : index
    %get3A_6 = arith.constant 0 : index
    %get3A_7 = vector.load %arg2[%get3A_5, %get3A_6] : memref<20224x128xf32, #tpu.memory_space<vmem>>, vector<10000x128xf32>
    %add3A = arith.addf %get3A_4, %get3A_7 : vector<10000x128xf32>
    %get3A_8 = arith.constant 0 : index
    %get3A_9 = memref.load %arg0[%get3A_8] : memref<1xf32, #tpu.memory_space<smem>>
    %add3A_10 = arith.constant 1.000000e+00 : f32
    %add3A_11 = arith.addf %add3A_10, %get3A_9 : f32
    %mul3A = vector.broadcast %add3A_11 : f32 to vector<10000x128xf32>
    %mul3A_12 = arith.mulf %mul3A, %get3A_1 : vector<10000x128xf32>
    %add3A_13 = arith.addf %mul3A_12, %add3A : vector<10000x128xf32>
    %get3A_14 = arith.constant 0 : index
    %get3A_15 = arith.constant 0 : index
    %get3A_16 = arith.constant 0 : index
    %get3A_17 = vector.load %arg3[%get3A_14, %get3A_15, %get3A_16] : memref<2x128x128xf32, #tpu.memory_space<vmem>>, vector<1x128x128xf32>
    %get3A_18 = vector.shape_cast %get3A_17 : vector<1x128x128xf32> to vector<128x128xf32>
    %dot_general3A = arith.constant dense<0.000000e+00> : vector<10000x128xf32>
    %dot_general3A_19 = tpu.matmul %add3A_13, %get3A_18, %dot_general3A {dimension_numbers = #tpu.dot_dimension_numbers<[1], [1], [0], [0], [0, 0, 1, 0], [], []>, transpose_lhs_hint = false} : vector<10000x128xf32>, vector<128x128xf32>, vector<10000x128xf32> -> vector<10000x128xf32>
    %get3A_20 = arith.constant 0 : index
    %get3A_21 = arith.constant 0 : index
    %get3A_22 = arith.constant 0 : index
    %get3A_23 = vector.load %arg4[%get3A_20, %get3A_21, %get3A_22] : memref<2x1x128xf32, #tpu.memory_space<vmem>>, vector<1x1x128xf32>
    %get3A_24 = vector.shape_cast %get3A_23 : vector<1x1x128xf32> to vector<1x128xf32>
    %get3A_25 = arith.constant 0 : index
    %get3A_26 = arith.constant 0 : index
    %get3A_27 = arith.constant 0 : index
    %get3A_28 = vector.load %arg5[%get3A_25, %get3A_26, %get3A_27] : memref<2x1x128xf32, #tpu.memory_space<vmem>>, vector<1x1x128xf32>
    %get3A_29 = vector.shape_cast %get3A_28 : vector<1x1x128xf32> to vector<1x128xf32>
    %reduce_sum3A = arith.constant dense<0.000000e+00> : vector<128xf32>
    %reduce_sum3A_30 = vector.multi_reduction <add>, %dot_general3A_19, %reduce_sum3A [0] : vector<10000x128xf32> to vector<128xf32>
    %broadcast_in_dim3A = vector.shape_cast %reduce_sum3A_30 : vector<128xf32> to vector<1x128xf32>
    %mul3A_31 = arith.mulf %dot_general3A_19, %dot_general3A_19 : vector<10000x128xf32>
    %reduce_sum3A_32 = arith.constant dense<0.000000e+00> : vector<128xf32>
    %reduce_sum3A_33 = vector.multi_reduction <add>, %mul3A_31, %reduce_sum3A_32 [0] : vector<10000x128xf32> to vector<128xf32>
    %broadcast_in_dim3A_34 = vector.shape_cast %reduce_sum3A_33 : vector<128xf32> to vector<1x128xf32>
    %mul3A_35 = arith.constant 9.99999974E-5 : f32
    %mul3A_36 = vector.broadcast %mul3A_35 : f32 to vector<1x128xf32>
    %mul3A_37 = arith.mulf %broadcast_in_dim3A, %mul3A_36 : vector<1x128xf32>
    %mul3A_38 = arith.constant 9.99999974E-5 : f32
    %mul3A_39 = vector.broadcast %mul3A_38 : f32 to vector<1x128xf32>
    %mul3A_40 = arith.mulf %broadcast_in_dim3A_34, %mul3A_39 : vector<1x128xf32>
    %mul3A_41 = arith.mulf %mul3A_37, %mul3A_37 : vector<1x128xf32>
    %sub3A = arith.subf %mul3A_40, %mul3A_41 : vector<1x128xf32>
    %add3A_42 = arith.constant 9.99999974E-6 : f32
    %add3A_43 = vector.broadcast %add3A_42 : f32 to vector<1x128xf32>
    %add3A_44 = arith.addf %sub3A, %add3A_43 : vector<1x128xf32>
    %rsqrt3A = math.rsqrt %add3A_44 : vector<1x128xf32>
    %mul3A_45 = arith.mulf %get3A_24, %rsqrt3A : vector<1x128xf32>
    %mul3A_46 = arith.mulf %mul3A_45, %mul3A_37 : vector<1x128xf32>
    %sub3A_47 = arith.subf %get3A_29, %mul3A_46 : vector<1x128xf32>
    %mul3A_48 = vector.broadcast %mul3A_45 : vector<1x128xf32> to vector<10000x128xf32>
    %mul3A_49 = arith.mulf %mul3A_48, %dot_general3A_19 : vector<10000x128xf32>
    %add3A_50 = vector.broadcast %sub3A_47 : vector<1x128xf32> to vector<10000x128xf32>
    %add3A_51 = arith.addf %mul3A_49, %add3A_50 : vector<10000x128xf32>
    %max3A = arith.constant 0.000000e+00 : f32
    %max3A_52 = vector.broadcast %max3A : f32 to vector<10000x128xf32>
    %max3A_53 = arith.maximumf %add3A_51, %max3A_52 : vector<10000x128xf32>
    %get3A_54 = arith.constant 1 : index
    %get3A_55 = arith.constant 0 : index
    %get3A_56 = arith.constant 0 : index
    %get3A_57 = vector.load %arg3[%get3A_54, %get3A_55, %get3A_56] : memref<2x128x128xf32, #tpu.memory_space<vmem>>, vector<1x128x128xf32>
    %get3A_58 = vector.shape_cast %get3A_57 : vector<1x128x128xf32> to vector<128x128xf32>
    %dot_general3A_59 = arith.constant dense<0.000000e+00> : vector<10000x128xf32>
    %dot_general3A_60 = tpu.matmul %max3A_53, %get3A_58, %dot_general3A_59 {dimension_numbers = #tpu.dot_dimension_numbers<[1], [1], [0], [0], [0, 0, 1, 0], [], []>, transpose_lhs_hint = false} : vector<10000x128xf32>, vector<128x128xf32>, vector<10000x128xf32> -> vector<10000x128xf32>
    %get3A_61 = arith.constant 1 : index
    %get3A_62 = arith.constant 0 : index
    %get3A_63 = arith.constant 0 : index
    %get3A_64 = vector.load %arg4[%get3A_61, %get3A_62, %get3A_63] : memref<2x1x128xf32, #tpu.memory_space<vmem>>, vector<1x1x128xf32>
    %get3A_65 = vector.shape_cast %get3A_64 : vector<1x1x128xf32> to vector<1x128xf32>
    %get3A_66 = arith.constant 1 : index
    %get3A_67 = arith.constant 0 : index
    %get3A_68 = arith.constant 0 : index
    %get3A_69 = vector.load %arg5[%get3A_66, %get3A_67, %get3A_68] : memref<2x1x128xf32, #tpu.memory_space<vmem>>, vector<1x1x128xf32>
    %get3A_70 = vector.shape_cast %get3A_69 : vector<1x1x128xf32> to vector<1x128xf32>
    %reduce_sum3A_71 = arith.constant dense<0.000000e+00> : vector<128xf32>
    %reduce_sum3A_72 = vector.multi_reduction <add>, %dot_general3A_60, %reduce_sum3A_71 [0] : vector<10000x128xf32> to vector<128xf32>
    %broadcast_in_dim3A_73 = vector.shape_cast %reduce_sum3A_72 : vector<128xf32> to vector<1x128xf32>
    %mul3A_74 = arith.mulf %dot_general3A_60, %dot_general3A_60 : vector<10000x128xf32>
    %reduce_sum3A_75 = arith.constant dense<0.000000e+00> : vector<128xf32>
    %reduce_sum3A_76 = vector.multi_reduction <add>, %mul3A_74, %reduce_sum3A_75 [0] : vector<10000x128xf32> to vector<128xf32>
    %broadcast_in_dim3A_77 = vector.shape_cast %reduce_sum3A_76 : vector<128xf32> to vector<1x128xf32>
    %mul3A_78 = arith.constant 9.99999974E-5 : f32
    %mul3A_79 = vector.broadcast %mul3A_78 : f32 to vector<1x128xf32>
    %mul3A_80 = arith.mulf %broadcast_in_dim3A_73, %mul3A_79 : vector<1x128xf32>
    %mul3A_81 = arith.constant 9.99999974E-5 : f32
    %mul3A_82 = vector.broadcast %mul3A_81 : f32 to vector<1x128xf32>
    %mul3A_83 = arith.mulf %broadcast_in_dim3A_77, %mul3A_82 : vector<1x128xf32>
    %mul3A_84 = arith.mulf %mul3A_80, %mul3A_80 : vector<1x128xf32>
    %sub3A_85 = arith.subf %mul3A_83, %mul3A_84 : vector<1x128xf32>
    %add3A_86 = arith.constant 9.99999974E-6 : f32
    %add3A_87 = vector.broadcast %add3A_86 : f32 to vector<1x128xf32>
    %add3A_88 = arith.addf %sub3A_85, %add3A_87 : vector<1x128xf32>
    %rsqrt3A_89 = math.rsqrt %add3A_88 : vector<1x128xf32>
    %mul3A_90 = arith.mulf %get3A_65, %rsqrt3A_89 : vector<1x128xf32>
    %mul3A_91 = arith.mulf %mul3A_90, %mul3A_80 : vector<1x128xf32>
    %sub3A_92 = arith.subf %get3A_70, %mul3A_91 : vector<1x128xf32>
    %mul3A_93 = vector.broadcast %mul3A_90 : vector<1x128xf32> to vector<10000x128xf32>
    %mul3A_94 = arith.mulf %mul3A_93, %dot_general3A_60 : vector<10000x128xf32>
    %add3A_95 = vector.broadcast %sub3A_92 : vector<1x128xf32> to vector<10000x128xf32>
    %add3A_96 = arith.addf %mul3A_94, %add3A_95 : vector<10000x128xf32>
    %max3A_97 = arith.constant 0.000000e+00 : f32
    %max3A_98 = vector.broadcast %max3A_97 : f32 to vector<10000x128xf32>
    %max3A_99 = arith.maximumf %add3A_96, %max3A_98 : vector<10000x128xf32>
    %get3A_100 = arith.constant 0 : index
    %get3A_101 = arith.constant 0 : index
    %get3A_102 = vector.load %arg6[%get3A_100, %get3A_101] : memref<1x128xf32, #tpu.memory_space<vmem>>, vector<1x128xf32>
    %get3A_103 = arith.constant 0 : index
    %get3A_104 = arith.constant 0 : index
    %get3A_105 = vector.load %arg7[%get3A_103, %get3A_104] : memref<1x128xf32, #tpu.memory_space<vmem>>, vector<1x128xf32>
    %reduce_sum3A_106 = arith.constant dense<0.000000e+00> : vector<128xf32>
    %reduce_sum3A_107 = vector.multi_reduction <add>, %max3A_99, %reduce_sum3A_106 [0] : vector<10000x128xf32> to vector<128xf32>
    %broadcast_in_dim3A_108 = vector.shape_cast %reduce_sum3A_107 : vector<128xf32> to vector<1x128xf32>
    %mul3A_109 = arith.mulf %max3A_99, %max3A_99 : vector<10000x128xf32>
    %reduce_sum3A_110 = arith.constant dense<0.000000e+00> : vector<128xf32>
    %reduce_sum3A_111 = vector.multi_reduction <add>, %mul3A_109, %reduce_sum3A_110 [0] : vector<10000x128xf32> to vector<128xf32>
    %broadcast_in_dim3A_112 = vector.shape_cast %reduce_sum3A_111 : vector<128xf32> to vector<1x128xf32>
    %mul3A_113 = arith.constant 9.99999974E-5 : f32
    %mul3A_114 = vector.broadcast %mul3A_113 : f32 to vector<1x128xf32>
    %mul3A_115 = arith.mulf %broadcast_in_dim3A_108, %mul3A_114 : vector<1x128xf32>
    %mul3A_116 = arith.constant 9.99999974E-5 : f32
    %mul3A_117 = vector.broadcast %mul3A_116 : f32 to vector<1x128xf32>
    %mul3A_118 = arith.mulf %broadcast_in_dim3A_112, %mul3A_117 : vector<1x128xf32>
    %mul3A_119 = arith.mulf %mul3A_115, %mul3A_115 : vector<1x128xf32>
    %sub3A_120 = arith.subf %mul3A_118, %mul3A_119 : vector<1x128xf32>
    %add3A_121 = arith.constant 9.99999974E-6 : f32
    %add3A_122 = vector.broadcast %add3A_121 : f32 to vector<1x128xf32>
    %add3A_123 = arith.addf %sub3A_120, %add3A_122 : vector<1x128xf32>
    %rsqrt3A_124 = math.rsqrt %add3A_123 : vector<1x128xf32>
    %mul3A_125 = arith.mulf %get3A_102, %rsqrt3A_124 : vector<1x128xf32>
    %mul3A_126 = arith.mulf %mul3A_125, %mul3A_115 : vector<1x128xf32>
    %sub3A_127 = arith.subf %get3A_105, %mul3A_126 : vector<1x128xf32>
    %mul3A_128 = vector.broadcast %mul3A_125 : vector<1x128xf32> to vector<10000x128xf32>
    %mul3A_129 = arith.mulf %mul3A_128, %max3A_99 : vector<10000x128xf32>
    %add3A_130 = vector.broadcast %sub3A_127 : vector<1x128xf32> to vector<10000x128xf32>
    %add3A_131 = arith.addf %mul3A_129, %add3A_130 : vector<10000x128xf32>
    %max3A_132 = arith.constant 0.000000e+00 : f32
    %max3A_133 = vector.broadcast %max3A_132 : f32 to vector<10000x128xf32>
    %max3A_134 = arith.maximumf %add3A_131, %max3A_133 : vector<10000x128xf32>
    %swap3A = arith.constant 0 : index
    %swap3A_135 = arith.constant 0 : index
    %swap3A_136 = vector.load %arg8[%swap3A, %swap3A_135] : memref<10112x128xf32, #tpu.memory_space<vmem>>, vector<10000x128xf32>
    tpu.vector_store %arg8[%swap3A, %swap3A_135], %max3A_134 {strides = array<i32>} : memref<10112x128xf32, #tpu.memory_space<vmem>>, vector<10000x128xf32>,
    %broadcast_in_dim3A_137 = arith.constant 0.000000e+00 : f32
    %broadcast_in_dim3A_138 = vector.broadcast %broadcast_in_dim3A_137 : f32 to vector<112x128xf32>
    %swap3A_139 = arith.constant 10000 : index
    %swap3A_140 = arith.constant 0 : index
    %swap3A_141 = vector.load %arg8[%swap3A_139, %swap3A_140] : memref<10112x128xf32, #tpu.memory_space<vmem>>, vector<112x128xf32>
    tpu.vector_store %arg8[%swap3A_139, %swap3A_140], %broadcast_in_dim3A_138 {strides = array<i32>} : memref<10112x128xf32, #tpu.memory_space<vmem>>, vector<112x128xf32>,
    return
  }
}

</mosaic_0001>

<sc_bundles>
// kernel: kernel.10.cloned.1.call-start
scs
__scs_entry_jumppad:
0x0: {  	(pc) =	sbr.rel $0x88, $3  }
0x1: {  	(tag) =	ssettag $0x0;
	lr =	simm.s32 $0x1  }
0x2: {  	[smem:$0x3F99] =	sst lr;
	_ =	strace $0xD0000000  }
0x3: {  	_ = 	snop  }
0x4: {  	_ = 	snop  }
0x5: {  	_ = 	snop  }
0x6: {  	_ = 	snop  }
0x7: {  	_ = 	snop  }
__scs_overlays_trampoline_lowered:
0x8: {  	[smem:$0x3FA8] =	sst s0  }
0x9: {  	[smem:$0x3FA9] =	sst s1  }
0xa: {  	[smem:$0x3FAA] =	sst s2  }
0xb: {  	[smem:$0x3FAB] =	sst s3  }
0xc: {  	[smem:$0x3FAC] =	sst s4  }
0xd: {  	[smem:$0x3FAD] =	sst s5  }
0xe: {  	[smem:$0x3FAE] =	sst s6  }
0xf: {  	[smem:$0x3FAF] =	sst s7  }
0x10: {  	[smem:$0x3FB0] =	sst s8  }
0x11: {  	[smem:$0x3FB1] =	sst s9;
	s0 =	simm.s32 @!p0 $0x0  }
0x12: {  	s1 =	sld [smem:$0x3F97];
	s0 =	simm.s32 @p0 $0x1  }
0x13: {  	[smem:$0x3FB2] =	sst s0;
	s0 =	simm.s32 @!p1 $0x0  }
0x14: {  	s2 =	sld [smem:$0x3F96];
	s0 =	simm.s32 @p1 $0x1  }
0x15: {  	[smem:$0x3FB3] =	sst s0;
	s0 =	simm.s32 @!p2 $0x0  }
0x16: {  	s3 =	sld [smem:$0x3FDB];
	s0 =	simm.s32 @p2 $0x1  }
0x17: {  	s4 =	simm.s32 $0x1BF5;
	[smem:$0x3FB5] =	sst s0  }
0x18: {  	s0 =	sld [smem:$0x3F98];
	_ =	swait.ge [sflag:s4], $0x0  }
0x19: {  	s7 =	sld [smem:$0x3F99]  }
0x1a: {  	s8 =	sadd.s32 $0xFFFFE003, lr  }
0x1b: {  	s9 =	sadd.s32 $0xFFFFFEF7, lr;
	s5 =	simm.s32 $0xFFFFFFFF;
	p2 =	slt.u32 s8, $0xFFFFF086  }
0x1c: {  	p1 =	slt.u32 s9, $0xF7A;
	s5 =	simm.s32 @!p2 $0x0  }
0x1d: {  	s5 =	simm.s32 @p1 $0x1;
	p0 =	seq.s32 s7, s2  }
0x1e: {  	s7 =	smul.u32 @!p0 $0xF7A, s2;
	p2 =	seq.s32 @!p0 s5, $0x0  }
0x1f: {  	s9 =	smul.u32 $0xF7A, s1;
	s8 =	simm.s32 @!p0 $0x1BF5;
	p2 =	por !p2, p0  }
0x20: {  	[sflag:s8] =	ssyncset.s32 @!p0 $0xFFFFF086;
	s6 =	sadd.s32 @!p0 s3, s7;
	s7 =	simm.s32 @!p0 $0x108  }
0x21: {  	s3 =	sadd.s32 s3, s9;
	s6 =	sadd.s32 @!p0 $0x88, s6;
	s7 =	simm.s32 @p2 $0x1082  }
0x22: {  	[simem:s7], [sflag:s8] =	dma.local @!p0 [hbm:s6], $0xF7A  }
0x23: {  	s9 =	sor.u32 $0xD0000000, s2;
	s6 =	simm.s32 $0x108;
	_ =	swait.ge @!p0 [sflag:s8], $0x0  }
0x24: {  	s3 =	sadd.s32 $0x88, s3;
	s6 =	simm.s32 @!p1 $0x1082;
	[sflag:s4] =	ssyncset.s32 $0xFFFFF086  }
0x25: {  	[simem:s6], [sflag:s4] =	dma.local [hbm:s3], $0xF7A  }
0x26: {  	[smem:$0x3F99] =	sst s1;
	(tag) =	ssettag s2;
	_ =	strace s9  }
0x27: {  	s1 =	sld [smem:$0x3FA9]  }
0x28: {  	s2 =	sld [smem:$0x3FAA]  }
0x29: {  	s4 =	sld [smem:$0x3FAC]  }
0x2a: {  	p0 =	seq.s32 s5, $0x0;
	s5 =	sld [smem:$0x3FAD]  }
0x2b: {  	s6 =	sld [smem:$0x3FAE]  }
0x2c: {  	s7 =	sld [smem:$0x3FAF]  }
0x2d: {  	s3 =	simm.s32 $0x108;
	s8 =	sld [smem:$0x3FB0]  }
0x2e: {  	s3 =	simm.s32 @!p0 $0x1082;
	s9 =	sld [smem:$0x3FB1]  }
0x2f: {  	lr =	sadd.s32 s0, s3;
	s0 =	sld [smem:$0x3FA8]  }
0x30: {  	s3 =	sld [smem:$0x3FAB]  }
0x31: {  	[smem:$0x3FB4] =	sst s10  }
0x32: {  	s10 =	sld [smem:$0x3FB2];
	_ =	sdelay $0x3  }
0x33: {  	p0 =	seq.s32 s10, $0x1;
	s10 =	sld [smem:$0x3FB4];
	_ =	sdelay $0x3  }
0x34: {  	[smem:$0x3FB4] =	sst s10  }
0x35: {  	s10 =	sld [smem:$0x3FB3];
	_ =	sdelay $0x3  }
0x36: {  	p1 =	seq.s32 s10, $0x1;
	s10 =	sld [smem:$0x3FB4];
	_ =	sdelay $0x3  }
0x37: {  	[smem:$0x3FB4] =	sst s10  }
0x38: {  	s10 =	sld [smem:$0x3FB5]  }
0x39: {  	_ = 	snop;
	(pc) =	sbr.ind lr, $3  }
0x3a: {  	_ = 	snop  }
0x3b: {  	_ = 	snop  }
0x3c: {  	p2 =	seq.s32 s10, $0x1;
	s10 =	sld [smem:$0x3FB4]  }
0x3d: {  	_ =	shalt  }
0x3e: {  	_ =	shalt  }
0x3f: {  	_ =	shalt  }
0x40: {  	_ =	shalt  }
0x41: {  	_ =	shalt  }
0x42: {  	_ =	shalt  }
0x43: {  	_ =	shalt  }
0x44: {  	_ =	shalt  }
0x45: {  	_ =	shalt  }
0x46: {  	_ =	shalt  }
0x47: {  	_ =	shalt  }
0x48: {  	_ =	shalt  }
0x49: {  	_ =	shalt  }
0x4a: {  	_ =	shalt  }
0x4b: {  	_ =	shalt  }
0x4c: {  	_ =	shalt  }
0x4d: {  	_ =	shalt  }
0x4e: {  	_ =	shalt  }
0x4f: {  	_ =	shalt  }
0x50: {  	_ =	shalt  }
0x51: {  	_ =	shalt  }
0x52: {  	_ =	shalt  }
0x53: {  	_ =	shalt  }
0x54: {  	_ =	shalt  }
0x55: {  	_ =	shalt  }
0x56: {  	_ =	shalt  }
0x57: {  	_ =	shalt  }
0x58: {  	_ =	shalt  }
0x59: {  	_ =	shalt  }
0x5a: {  	_ =	shalt  }
0x5b: {  	_ =	shalt  }
0x5c: {  	_ =	shalt  }
0x5d: {  	_ =	shalt  }
0x5e: {  	_ =	shalt  }
0x5f: {  	_ =	shalt  }
0x60: {  	_ =	shalt  }
0x61: {  	_ =	shalt  }
0x62: {  	_ =	shalt  }
0x63: {  	_ =	shalt  }
0x64: {  	_ =	shalt  }
0x65: {  	_ =	shalt  }
0x66: {  	_ =	shalt  }
0x67: {  	_ =	shalt  }
0x68: {  	_ =	shalt  }
0x69: {  	_ =	shalt  }
0x6a: {  	_ =	shalt  }
0x6b: {  	_ =	shalt  }
0x6c: {  	_ =	shalt  }
0x6d: {  	_ =	shalt  }
0x6e: {  	_ =	shalt  }
0x6f: {  	_ =	shalt  }
0x70: {  	_ =	shalt  }
0x71: {  	_ =	shalt  }
0x72: {  	_ =	shalt  }
0x73: {  	_ =	shalt  }
0x74: {  	_ =	shalt  }
0x75: {  	_ =	shalt  }
0x76: {  	_ =	shalt  }
0x77: {  	_ =	shalt  }
0x78: {  	_ =	shalt  }
0x79: {  	_ =	shalt  }
0x7a: {  	_ =	shalt  }
0x7b: {  	_ =	shalt  }
0x7c: {  	_ =	shalt  }
0x7d: {  	_ =	shalt  }
0x7e: {  	_ =	shalt  }
0x7f: {  	_ =	shalt  }
0x80: {  	_ =	shalt  }
0x81: {  	_ =	shalt  }
0x82: {  	_ =	shalt  }
0x83: {  	_ =	shalt  }
0x84: {  	_ =	shalt  }
0x85: {  	_ =	shalt  }
0x86: {  	_ =	shalt  }
0x87: {  	_ =	shalt  }
.Lfunc_end0:
.L_simem_size_0:
called_computation_lowered:
.L_overlay_start_0:
0x88: {  	s2 =	sld [smem:$0x3FD9]  }
0x89: {  	s3 =	sld [smem:$0x3FFE];
	_ =	sdelay $0x1  }
0x8a: {  	s1 =	srdreg.scid  }
0x8b: {  	s0 =	sand.u32 $0x1, s1  }
0x8c: {  	s17 =	sshll.u32 s0, $0xA;
	s2 =	sadd.s32 s3, s2  }
0x8d: {  	s2 =	sadd.s32 s2, s17  }
0x8e: {  	[smem:$0x3FC0] =	sst s2  }
0x8f: {  	_ = 	snop  }
0x90: {  	s2 =	sld [smem:$0x3FD0];
	(tm) =	ssettm $0x1  }
0x91: {  	s18 =	sld [smem:$0x3FFB];
	_ =	sdelay $0x3  }
0x92: {  	_ =	strace s18  }
0x93: {  	s3 =	sld [smem:$0x3FFC];
	_ =	sdelay $0x3  }
0x94: {  	_ =	strace s3  }
0x95: {  	s3 =	sld [smem:$0x3FFD];
	_ =	sdelay $0x3  }
0x96: {  	_ =	strace s3  }
0x97: {  	_ =	strace $0x8FFFFFFF  }
0x98: {  	s19 =	sld [smem:$0x3FDB];
	_ =	sdelay $0x1  }
0x99: {  	s4 =	simm.s32 $_scs_section_size  }
0x9a: {  	s5 =	simm.s32 $_size__tile_overlayer_lowered;
	s6 =	simm.s32 $_tile_overlayer_lowered  }
0x9b: {  	s22 =	simm.s32 $0x1BFF;
	s21 =	sshll.u32 s6, $0x1;
	s3 =	sadd.s32 s4, s19  }
0x9c: {  	s7 =	simm.s32 $0x0;
	s20 =	sshll.u32 s5, $0x1;
	s5 =	sadd.s32 s21, s3  }
0x9d: {  	[timem:s7], [sflag:s22] =	dma.local [hbm:s5], s20  }
0x9e: {  	_ =	swait.ge [sflag:s22], s20  }
0x9f: {  	s4 =	ssub.s32 $0x0, s20;
	[sflag:s22] =	ssyncset.done $0x0  }
0xa0: {  	[sflag:s22] =	ssyncadd.s32 s4;
	_ =	sdelay $0x1  }
0xa1: {  	s23 =	simm.s32 $0x1B8B  }
0xa2: {  	_ =	swait.ge [sflag:s23], $0x1  }
0xa3: {  	[sflag:s23] =	ssyncset.done $0x0  }
0xa4: {  	s25 =	simm.s32 $0x1B8E;
	s24 =	sld [smem:$0x3FFE];
	[sflag:s23] =	ssyncadd.s32 $0xFFFFFFFF  }
0xa5: {  	s26 =	simm.s32 $execute0_lowered;
	[smem:$0x3FD2] =	sst s25  }
0xa6: {  	s5 =	sshll.u32 s26, $0x1;
	_ =	strace $0x80000046;
	[dreg:$0x1] =	wrdreg $0xFFFFFFFF  }
0xa7: {  	s28 =	simm.s32 $_size_execute0_lowered;
	s3 =	sadd.s32 s3, s5;
	[dreg:$0x0] =	wrdreg $0x0  }
0xa8: {  	s5 =	sshll.u32 s28, $0x1;
	[dreg:$0x2] =	wrdreg s3  }
0xa9: {  	[dreg:$0x3] =	wrdreg s5  }
0xaa: {  	[dreg:$0x4] =	wrdreg $0xC0  }
0xab: {  	_ =	task [dreg:s7], $0x5FFFF  }
0xac: {  	[dreg:$0x1] =	wrdreg $0xFFFFFFFF  }
0xad: {  	[dreg:$0x0] =	wrdreg $0x60  }
0xae: {  	[dreg:$0x2] =	wrdreg s24  }
0xaf: {  	[dreg:$0x3] =	wrdreg s2  }
0xb0: {  	[dreg:$0x4] =	wrdreg $0xB0000  }
0xb1: {  	[dreg:$0x5] =	wrdreg $0x9  }
0xb2: {  	_ =	task.clear_ibuf [dreg:s7], $0x6FFFF;
	_ =	strace $0x90000046  }
0xb3: {  	s29 =	simm.s32 $0x9;
	_ =	strace $0x80000048  }
0xb4: {  	_ =	swait.ge [sflag:s29], $0x1  }
0xb5: {  	[sflag:s29] =	ssyncadd.s32 $0xFFFFFFFF  }
0xb6: {  	_ =	strace $0x90000048  }
0xb7: {  	_ =	sfence  }
0xb8: {  	s30 =	sld [smem:$0x0];
	_ =	sdelay $0x2  }
0xb9: {  	s31 =	sshll.u32 s1, $0xD;
	s1 =	sshrl.u32 s1, $0x2  }
0xba: {  	s3 =	sand.u32 $0x4000, s31;
	s1 =	sadd.s32 s1, s30  }
0xbb: {  	s0 =	sor.u32 s3, s0;
	s1 =	sshll.u32 s1, $0x11  }
0xbc: {  	s0 =	sor.u32 s1, s0  }
0xbd: {  	s0 =	sadd.s32 $0x8F2B, s0  }
0xbe: {  	[sflag:s0] =	ssyncadd.remote.s32 $0x1  }
0xbf: {  	_ =	sfence.sel $0xFFFF  }
0xc0: {  	[dreg:$0x0] =	wrdreg $0xFFFFFFFF;
	(pc) =	sbr.abs _section_cstart, $3  }
0xc1: {  	[dreg:$0x1] =	wrdreg $0xFFFFFFFF  }
0xc2: {  	_ =	task.clear_ibuf [dreg:s7], $0x2FFFF;
	_ =	strace $0x9FFFFFFF  }
0xc3: {  	(tm) =	ssettm $0x7FFFFFFF  }
tec
execute0_lowered:
.L_overlay_start_1:
0x0: {  	(tag) =	ssettag $0x1  }
0x1: {  	s0 =	rddreg [dreg:$0x0]  }
0x2: {  	s1 =	rddreg [dreg:$0x1]  }
0x3: {  	s2 =	rddreg [dreg:$0x2];
	s3 =	simm.s32 $0x0;
	s10 =	stileid.u32  }
0x4: {  	s8 =	srdreg.scid;
	s13 =	simm.s32 $0xA800;
	s14 =	simm.s32 $0xA880  }
0x5: {  	s15 =	simm.s32 $0xA900;
	s16 =	simm.s32 $0xA980;
	s17 =	simm.s32 $0xAA00  }
0x6: {  	s18 =	simm.s32 $0xAA80;
	s19 =	simm.s32 $0xAB00;
	s20 =	simm.s32 $0xAB80  }
0x7: {  	s21 =	simm.s32 $0xAC00;
	[smem:$0x7FF] =	sst s3;
	s5 =	smul.u32 $0x2780, s10  }
0x8: {  	s4 =	sshll.u32 s10, $0x1;
	s9 =	smul.u32 $0x4F000, s10;
	s10 =	sshll.u32 s10, $0x6  }
0x9: {  	s22 =	simm.s32 $0xAC80;
	_ =	strace $0x80000047;
	[dreg:$0x13] =	wrdreg s10  }
0xa: {  	s23 =	simm.s32 $0xAD00;
	s24 =	simm.s32 $0xAD80;
	[dreg:$0x4] =	wrdreg s13  }
0xb: {  	s25 =	simm.s32 $0xAE00;
	s26 =	simm.s32 $0xAE80;
	[dreg:$0x5] =	wrdreg s14  }
0xc: {  	s28 =	simm.s32 $0x6;
	s29 =	simm.s32 $0x7;
	[dreg:$0x6] =	wrdreg s15  }
0xd: {  	s30 =	simm.s32 $0xAF00;
	s3 =	sand.u32 $0x1, s8;
	[dreg:$0x7] =	wrdreg s16  }
0xe: {  	s31 =	simm.s32 $0x8;
	s6 =	smul.u32 $0x27800, s3;
	[dreg:$0x8] =	wrdreg s17  }
0xf: {  	s7 =	sor.u32 s3, s4;
	s4 =	sadd.s32 $0x3C00, s0;
	[dreg:$0x9] =	wrdreg s18  }
0x10: {  	s3 =	ssub.s32 $0x2, s3;
	s11 =	sor.u32 $0x1C09, s10;
	[dreg:$0xa] =	wrdreg s19  }
0x11: {  	s13 =	simm.s32 $0x9;
	s14 =	simm.s32 $0x20;
	[dreg:$0xb] =	wrdreg s20  }
0x12: {  	s15 =	simm.s32 $0x2800;
	s16 =	simm.s32 $0x3800;
	[dreg:$0xc] =	wrdreg s21  }
0x13: {  	s17 =	simm.s32 $0x4800;
	s18 =	simm.s32 $0x5800;
	[dreg:$0xd] =	wrdreg s22  }
0x14: {  	s19 =	simm.s32 $0x6800;
	s20 =	simm.s32 $0x7800;
	[dreg:$0xe] =	wrdreg s23  }
0x15: {  	s21 =	simm.s32 $0x8800;
	s22 =	simm.s32 $0x9800;
	[dreg:$0xf] =	wrdreg s24  }
0x16: {  	s23 =	simm.s32 $0x2;
	[dreg:$0x10] =	wrdreg s25;
	s24 =	simm.s32 $0x3  }
0x17: {  	[dreg:$0x11] =	wrdreg s26;
	s25 =	simm.s32 $0x4;
	s26 =	simm.s32 $0x5  }
0x18: {  	s10 =	simm.s32 $0x10;
	s7 =	smul.u32 $0x500, s7;
	s8 =	sshrl.u32 s3, $0x1  }
0x19: {  	s9 =	sshrl.u32 s9, $0x2;
	[dreg:$0x15] =	wrdreg s11;
	s6 =	sadd.s32 s5, s6  }
0x1a: {  	s5 =	sadd.s32 s5, s0;
	s3 =	ssub.s32 s3, s8;
	s1 =	sadd.s32 s1, s7  }
0x1b: {  	s0 =	sadd.s32 s6, s0;
	s5 =	sadd.s32 $0x2B400, s5;
	[dreg:$0x12] =	wrdreg s1  }
0x1c: {  	s12 =	smax.u32 s3, $0x1;
	s6 =	simm.s32 $0x11;
	[dreg:$0x14] =	wrdreg s5  }
0x1d: {  	s1 =	sadd.s32 s9, s2;
	s0 =	sadd.s32 $0x52C00, s0;
	[dreg:$0x17] =	wrdreg s12  }
0x1e: {  	s12 =	simm.s32 $0x1;
	s9 =	simm.s32 $0xF;
	[dreg:$0x16] =	wrdreg s0  }
0x1f: {  	s11 =	sshrl.u32 s1, $0x3;
	s0 =	simm.s32 $0xAF80;
	s1 =	simm.s32 $0x0  }
.LBB2_1:
0x20: {  	s5 =	rddreg [dreg:$0x12]  }
0x21: {  	s3 =	simm.s32 $0x0;
	s7 =	rddreg [dreg:$0x15]  }
0x22: {  	[tilespmem:s3], [sflag:$0x1] =	stream.linear.gather [hbm4b:s5+s3], $0x2800, $0x38;
	[tilespmem:$0x1EC00] =	vst v63  }
0x23: {  	s5 =	rddreg [dreg:$0x14]  }
0x24: {  	[spmem:s11], [sflag:s7] =	dma.local [hbm:s5], $0x2780  }
0x25: {  	_ =	swait.ge [sflag:s12], $0x2800  }
0x26: {  	[sflag:s12] =	ssyncset.done $0x0  }
0x27: {  	[sflag:s12] =	ssyncadd.s32 $0xFFFFD800  }
0x28: {  	_ =	swait.ge [sflag:s13], $0x2780  }
0x29: {  	[sflag:s13] =	ssyncset.done $0x0  }
0x2a: {  	p0 =	por $0x1, $0x1;
	[sflag:s13] =	ssyncadd.s32 $0xFFFFD880  }
0x2b: {  	s3 =	simm.s32 @!p0 $0x9;
	[bflag:$0x0] =	sbarrier.arrive $0xFFFF  }
0x2c: {  	_ =	swait.ge @!p0 [sflag:s3], $0x1000  }
0x2d: {  	[sflag:s3] =	ssyncset.done @!p0 $0x0  }
0x2e: {  	[sflag:s3] =	ssyncadd.s32 @!p0 $0xFFFFF000;
	s3 =	simm.s32 $0x0  }
0x2f: {  	v0 =	vld [tilespmem:s3+$0x0];
	_ =	sdelay $0x4  }
0x30: {  	v1 =	vand.u32 $0xFFFF, v0  }
0x31: {  	v0 =	vshrl.u32 v0, $0x10;
	[tilespmem:$0xA800] =	vst v1  }
0x32: {  	[tilespmem:$0xAC00] =	vst v0  }
0x33: {  	v0 =	vld [tilespmem:s3+$0x10];
	_ =	sdelay $0x4  }
0x34: {  	v42 =	vand.u32 $0xFFFF, v0  }
0x35: {  	v0 =	vshrl.u32 v0, $0x10;
	[tilespmem:$0xA810] =	vst v42  }
0x36: {  	s7 =	simm.s32 @!p0 $0xA;
	s8 =	rddreg [dreg:$0x4];
	[tilespmem:$0xAC10] =	vst v0  }
0x37: {  	[tilespmem:s15], [sflag:$0x1] =	stream.indirect.gather [hbm4b:s4+s14], $0x80, s8, s14, $0xb8;
	[tilespmem:$0x1EC00] =	vst v63  }
0x38: {  	_ =	swait.ge @!p0 [sflag:s7], $0x1000  }
0x39: {  	[sflag:s7] =	ssyncset.done @!p0 $0x0  }
0x3a: {  	[sflag:s7] =	ssyncadd.s32 @!p0 $0xFFFFF000  }
0x3b: {  	v43 =	vld [tilespmem:s3+$0x20];
	_ =	sdelay $0x4  }
0x3c: {  	v44 =	vand.u32 $0xFFFF, v43  }
0x3d: {  	v0 =	vshrl.u32 v43, $0x10;
	[tilespmem:$0xA880] =	vst v44  }
0x3e: {  	[tilespmem:$0xAC80] =	vst v0  }
0x3f: {  	v0 =	vld [tilespmem:s3+$0x30];
	_ =	sdelay $0x4  }
0x40: {  	v45 =	vand.u32 $0xFFFF, v0  }
0x41: {  	v0 =	vshrl.u32 v0, $0x10;
	[tilespmem:$0xA890] =	vst v45  }
0x42: {  	s8 =	rddreg [dreg:$0x5];
	s7 =	simm.s32 @!p0 $0xB;
	[tilespmem:$0xAC90] =	vst v0  }
0x43: {  	[tilespmem:s16], [sflag:$0x2] =	stream.indirect.gather [hbm4b:s4+s14], $0x80, s8, s14, $0xb8;
	[tilespmem:$0x1EC00] =	vst v63  }
0x44: {  	_ =	swait.ge @!p0 [sflag:s7], $0x1000  }
0x45: {  	[sflag:s7] =	ssyncset.done @!p0 $0x0  }
0x46: {  	[sflag:s7] =	ssyncadd.s32 @!p0 $0xFFFFF000  }
0x47: {  	v46 =	vld [tilespmem:s3+$0x40];
	_ =	sdelay $0x4  }
0x48: {  	v47 =	vand.u32 $0xFFFF, v46  }
0x49: {  	v0 =	vshrl.u32 v46, $0x10;
	[tilespmem:$0xA900] =	vst v47  }
0x4a: {  	[tilespmem:$0xAD00] =	vst v0  }
0x4b: {  	v0 =	vld [tilespmem:s3+$0x50];
	_ =	sdelay $0x4  }
0x4c: {  	v48 =	vand.u32 $0xFFFF, v0  }
0x4d: {  	v0 =	vshrl.u32 v0, $0x10;
	[tilespmem:$0xA910] =	vst v48  }
0x4e: {  	s8 =	rddreg [dreg:$0x6];
	s7 =	simm.s32 @!p0 $0xC;
	[tilespmem:$0xAD10] =	vst v0  }
0x4f: {  	[tilespmem:s17], [sflag:$0x3] =	stream.indirect.gather [hbm4b:s4+s14], $0x80, s8, s14, $0xb8;
	[tilespmem:$0x1EC00] =	vst v63  }
0x50: {  	_ =	swait.ge @!p0 [sflag:s7], $0x1000  }
0x51: {  	[sflag:s7] =	ssyncset.done @!p0 $0x0  }
0x52: {  	[sflag:s7] =	ssyncadd.s32 @!p0 $0xFFFFF000  }
0x53: {  	v49 =	vld [tilespmem:s3+$0x60];
	_ =	sdelay $0x4  }
0x54: {  	v50 =	vand.u32 $0xFFFF, v49  }
0x55: {  	v0 =	vshrl.u32 v49, $0x10;
	[tilespmem:$0xA980] =	vst v50  }
0x56: {  	[tilespmem:$0xAD80] =	vst v0  }
0x57: {  	v0 =	vld [tilespmem:s3+$0x70];
	_ =	sdelay $0x4  }
0x58: {  	v51 =	vand.u32 $0xFFFF, v0  }
0x59: {  	v0 =	vshrl.u32 v0, $0x10;
	[tilespmem:$0xA990] =	vst v51  }
0x5a: {  	s8 =	rddreg [dreg:$0x7];
	s7 =	simm.s32 @!p0 $0xD;
	[tilespmem:$0xAD90] =	vst v0  }
0x5b: {  	[tilespmem:s18], [sflag:$0x4] =	stream.indirect.gather [hbm4b:s4+s14], $0x80, s8, s14, $0xb8;
	[tilespmem:$0x1EC00] =	vst v63  }
0x5c: {  	_ =	swait.ge @!p0 [sflag:s7], $0x1000  }
0x5d: {  	[sflag:s7] =	ssyncset.done @!p0 $0x0  }
0x5e: {  	[sflag:s7] =	ssyncadd.s32 @!p0 $0xFFFFF000  }
0x5f: {  	v52 =	vld [tilespmem:s3+$0x80];
	_ =	sdelay $0x4  }
0x60: {  	v53 =	vand.u32 $0xFFFF, v52  }
0x61: {  	v0 =	vshrl.u32 v52, $0x10;
	[tilespmem:$0xAA00] =	vst v53  }
0x62: {  	[tilespmem:$0xAE00] =	vst v0  }
0x63: {  	v0 =	vld [tilespmem:s3+$0x90];
	_ =	sdelay $0x4  }
0x64: {  	v54 =	vand.u32 $0xFFFF, v0  }
0x65: {  	v0 =	vshrl.u32 v0, $0x10;
	[tilespmem:$0xAA10] =	vst v54  }
0x66: {  	s8 =	rddreg [dreg:$0x8];
	s7 =	simm.s32 @!p0 $0xE;
	[tilespmem:$0xAE10] =	vst v0  }
0x67: {  	[tilespmem:s19], [sflag:$0x5] =	stream.indirect.gather [hbm4b:s4+s14], $0x80, s8, s14, $0xb8;
	[tilespmem:$0x1EC00] =	vst v63  }
0x68: {  	_ =	swait.ge @!p0 [sflag:s7], $0x1000  }
0x69: {  	[sflag:s7] =	ssyncset.done @!p0 $0x0  }
0x6a: {  	[sflag:s7] =	ssyncadd.s32 @!p0 $0xFFFFF000  }
0x6b: {  	v55 =	vld [tilespmem:s3+$0xA0];
	_ =	sdelay $0x4  }
0x6c: {  	v56 =	vand.u32 $0xFFFF, v55  }
0x6d: {  	v0 =	vshrl.u32 v55, $0x10;
	[tilespmem:$0xAA80] =	vst v56  }
0x6e: {  	[tilespmem:$0xAE80] =	vst v0  }
0x6f: {  	v0 =	vld [tilespmem:s3+$0xB0];
	_ =	sdelay $0x4  }
0x70: {  	v57 =	vand.u32 $0xFFFF, v0  }
0x71: {  	v0 =	vshrl.u32 v0, $0x10;
	[tilespmem:$0xAA90] =	vst v57  }
0x72: {  	s8 =	rddreg [dreg:$0x9];
	s7 =	simm.s32 @!p0 $0xF;
	[tilespmem:$0xAE90] =	vst v0  }
0x73: {  	[tilespmem:s20], [sflag:$0x6] =	stream.indirect.gather [hbm4b:s4+s14], $0x80, s8, s14, $0xb8;
	[tilespmem:$0x1EC00] =	vst v63  }
0x74: {  	_ =	swait.ge @!p0 [sflag:s7], $0x1000  }
0x75: {  	[sflag:s7] =	ssyncset.done @!p0 $0x0  }
0x76: {  	[sflag:s7] =	ssyncadd.s32 @!p0 $0xFFFFF000  }
0x77: {  	v58 =	vld [tilespmem:s3+$0xC0];
	_ =	sdelay $0x4  }
0x78: {  	v59 =	vand.u32 $0xFFFF, v58  }
0x79: {  	v0 =	vshrl.u32 v58, $0x10;
	[tilespmem:$0xAB00] =	vst v59  }
0x7a: {  	[tilespmem:$0xAF00] =	vst v0  }
0x7b: {  	v0 =	vld [tilespmem:s3+$0xD0];
	_ =	sdelay $0x4  }
0x7c: {  	v60 =	vand.u32 $0xFFFF, v0  }
0x7d: {  	v0 =	vshrl.u32 v0, $0x10;
	[tilespmem:$0xAB10] =	vst v60  }
0x7e: {  	s8 =	rddreg [dreg:$0xa];
	s7 =	simm.s32 @!p0 $0x10;
	[tilespmem:$0xAF10] =	vst v0  }
0x7f: {  	[tilespmem:s21], [sflag:$0x7] =	stream.indirect.gather [hbm4b:s4+s14], $0x80, s8, s14, $0xb8;
	[tilespmem:$0x1EC00] =	vst v63  }
0x80: {  	_ =	swait.ge @!p0 [sflag:s7], $0x1000  }
0x81: {  	[sflag:s7] =	ssyncset.done @!p0 $0x0  }
0x82: {  	[sflag:s7] =	ssyncadd.s32 @!p0 $0xFFFFF000  }
0x83: {  	v61 =	vld [tilespmem:s3+$0xE0];
	_ =	sdelay $0x4  }
0x84: {  	v62 =	vand.u32 $0xFFFF, v61  }
0x85: {  	v0 =	vshrl.u32 v61, $0x10;
	[tilespmem:$0xAB80] =	vst v62  }
0x86: {  	[tilespmem:$0xAF80] =	vst v0  }
0x87: {  	v0 =	vld [tilespmem:s3+$0xF0];
	_ =	sdelay $0x4  }
0x88: {  	v63 =	vand.u32 $0xFFFF, v0  }
0x89: {  	v0 =	vshrl.u32 v0, $0x10;
	[tilespmem:$0xAB90] =	vst v63  }
0x8a: {  	s7 =	rddreg [dreg:$0xb];
	[tilespmem:$0xAF90] =	vst v0  }
0x8b: {  	[tilespmem:s22], [sflag:$0x8] =	stream.indirect.gather [hbm4b:s4+s14], $0x80, s7, s14, $0xb8;
	[tilespmem:$0x1EC00] =	vst v63  }
0x8c: {  	_ =	swait.ge [sflag:s12], $0x1000  }
0x8d: {  	[sflag:s12] =	ssyncset.done $0x0  }
0x8e: {  	s8 =	rddreg [dreg:$0xc];
	[sflag:s12] =	ssyncadd.s32 $0xFFFFF000  }
0x8f: {  	[spmem:s2] =	stream.indirect.scatter.add.f32 [tilespmem:s15], [sflag:$0x9], $0x80, s8, s14, $0xb8;
	[tilespmem:$0x1EC00] =	vst v63  }
0x90: {  	_ =	swait.ge [sflag:s23], $0x1000  }
0x91: {  	[sflag:s23] =	ssyncset.done $0x0  }
0x92: {  	s5 =	rddreg [dreg:$0xd];
	[sflag:s23] =	ssyncadd.s32 $0xFFFFF000  }
0x93: {  	[spmem:s2] =	stream.indirect.scatter.add.f32 [tilespmem:s16], [sflag:$0xA], $0x80, s5, s14, $0xb8;
	[tilespmem:$0x1EC00] =	vst v63  }
0x94: {  	_ =	swait.ge [sflag:s24], $0x1000  }
0x95: {  	[sflag:s24] =	ssyncset.done $0x0  }
0x96: {  	s7 =	rddreg [dreg:$0xe];
	[sflag:s24] =	ssyncadd.s32 $0xFFFFF000  }
0x97: {  	[spmem:s2] =	stream.indirect.scatter.add.f32 [tilespmem:s17], [sflag:$0xB], $0x80, s7, s14, $0xb8;
	[tilespmem:$0x1EC00] =	vst v63  }
0x98: {  	_ =	swait.ge [sflag:s25], $0x1000  }
0x99: {  	[sflag:s25] =	ssyncset.done $0x0  }
0x9a: {  	s3 =	simm.s32 $0x400;
	s8 =	rddreg [dreg:$0xf];
	[sflag:s25] =	ssyncadd.s32 $0xFFFFF000  }
0x9b: {  	[spmem:s2] =	stream.indirect.scatter.add.f32 [tilespmem:s18], [sflag:$0xC], $0x80, s8, s14, $0xb8;
	[tilespmem:$0x1EC00] =	vst v63  }
.LBB2_2:
0x9c: {  	_ =	swait.ge [sflag:s26], $0x1000  }
0x9d: {  	[sflag:s26] =	ssyncset.done $0x0  }
0x9e: {  	s7 =	rddreg [dreg:$0x10];
	[sflag:s26] =	ssyncadd.s32 $0xFFFFF000  }
0x9f: {  	[spmem:s2] =	stream.indirect.scatter.add.f32 [tilespmem:s19], [sflag:$0xD], $0x80, s7, s14, $0xb8;
	[tilespmem:$0x1EC00] =	vst v63  }
0xa0: {  	_ =	swait.ge [sflag:s28], $0x1000  }
0xa1: {  	[sflag:s28] =	ssyncset.done $0x0  }
0xa2: {  	s8 =	rddreg [dreg:$0x11];
	[sflag:s28] =	ssyncadd.s32 $0xFFFFF000  }
0xa3: {  	[spmem:s2] =	stream.indirect.scatter.add.f32 [tilespmem:s20], [sflag:$0xE], $0x80, s8, s14, $0xb8;
	[tilespmem:$0x1EC00] =	vst v63  }
0xa4: {  	_ =	swait.ge [sflag:s29], $0x1000  }
0xa5: {  	[sflag:s29] =	ssyncset.done $0x0  }
0xa6: {  	[sflag:s29] =	ssyncadd.s32 $0xFFFFF000  }
0xa7: {  	[spmem:s2] =	stream.indirect.scatter.add.f32 [tilespmem:s21], [sflag:$0xF], $0x80, s30, s14, $0xb8;
	[tilespmem:$0x1EC00] =	vst v63  }
0xa8: {  	s5 =	smov.u32 s3;
	_ =	swait.ge [sflag:s31], $0x1000  }
0xa9: {  	p1 =	seq.s32 s5, $0x0;
	[sflag:s31] =	ssyncset.done $0x0  }
0xaa: {  	s7 =	simm.s32 @!p1 $0x9;
	[sflag:s31] =	ssyncadd.s32 $0xFFFFF000  }
0xab: {  	[spmem:s2] =	stream.indirect.scatter.add.f32 [tilespmem:s22], [sflag:$0x10], $0x80, s0, s14, $0xb8;
	[tilespmem:$0x1EC00] =	vst v63  }
0xac: {  	_ =	swait.ge @!p1 [sflag:s7], $0x1000  }
0xad: {  	[sflag:s7] =	ssyncset.done @!p1 $0x0  }
0xae: {  	s5 =	sshra.s32 s5, $0x2;
	[sflag:s7] =	ssyncadd.s32 @!p1 $0xFFFFF000  }
0xaf: {  	v0 =	vld [tilespmem:s5+$0x0];
	_ =	sdelay $0x4  }
0xb0: {  	v1 =	vand.u32 $0xFFFF, v0  }
0xb1: {  	v0 =	vshrl.u32 v0, $0x10;
	[tilespmem:$0xA800] =	vst v1  }
0xb2: {  	[tilespmem:$0xAC00] =	vst v0  }
0xb3: {  	v0 =	vld [tilespmem:s5+$0x10];
	_ =	sdelay $0x4  }
0xb4: {  	v42 =	vand.u32 $0xFFFF, v0  }
0xb5: {  	v0 =	vshrl.u32 v0, $0x10;
	[tilespmem:$0xA810] =	vst v42  }
0xb6: {  	s8 =	simm.s32 @!p1 $0xA;
	s7 =	rddreg [dreg:$0x4];
	[tilespmem:$0xAC10] =	vst v0  }
0xb7: {  	[tilespmem:s15], [sflag:$0x1] =	stream.indirect.gather [hbm4b:s4+s14], $0x80, s7, s14, $0xb8;
	[tilespmem:$0x1EC00] =	vst v63  }
0xb8: {  	_ =	swait.ge @!p1 [sflag:s8], $0x1000  }
0xb9: {  	[sflag:s8] =	ssyncset.done @!p1 $0x0  }
0xba: {  	[sflag:s8] =	ssyncadd.s32 @!p1 $0xFFFFF000  }
0xbb: {  	v43 =	vld [tilespmem:s5+$0x20];
	_ =	sdelay $0x4  }
0xbc: {  	v44 =	vand.u32 $0xFFFF, v43  }
0xbd: {  	v0 =	vshrl.u32 v43, $0x10;
	[tilespmem:$0xA880] =	vst v44  }
0xbe: {  	[tilespmem:$0xAC80] =	vst v0  }
0xbf: {  	v0 =	vld [tilespmem:s5+$0x30];
	_ =	sdelay $0x4  }
0xc0: {  	v45 =	vand.u32 $0xFFFF, v0  }
0xc1: {  	v0 =	vshrl.u32 v0, $0x10;
	[tilespmem:$0xA890] =	vst v45  }
0xc2: {  	s7 =	rddreg [dreg:$0x5];
	s8 =	simm.s32 @!p1 $0xB;
	[tilespmem:$0xAC90] =	vst v0  }
0xc3: {  	[tilespmem:s16], [sflag:$0x2] =	stream.indirect.gather [hbm4b:s4+s14], $0x80, s7, s14, $0xb8;
	[tilespmem:$0x1EC00] =	vst v63  }
0xc4: {  	_ =	swait.ge @!p1 [sflag:s8], $0x1000  }
0xc5: {  	[sflag:s8] =	ssyncset.done @!p1 $0x0  }
0xc6: {  	[sflag:s8] =	ssyncadd.s32 @!p1 $0xFFFFF000  }
0xc7: {  	v46 =	vld [tilespmem:s5+$0x40];
	_ =	sdelay $0x4  }
0xc8: {  	v47 =	vand.u32 $0xFFFF, v46  }
0xc9: {  	v0 =	vshrl.u32 v46, $0x10;
	[tilespmem:$0xA900] =	vst v47  }
0xca: {  	[tilespmem:$0xAD00] =	vst v0  }
0xcb: {  	v0 =	vld [tilespmem:s5+$0x50];
	_ =	sdelay $0x4  }
0xcc: {  	v48 =	vand.u32 $0xFFFF, v0  }
0xcd: {  	v0 =	vshrl.u32 v0, $0x10;
	[tilespmem:$0xA910] =	vst v48  }
0xce: {  	s7 =	rddreg [dreg:$0x6];
	s8 =	simm.s32 @!p1 $0xC;
	[tilespmem:$0xAD10] =	vst v0  }
0xcf: {  	[tilespmem:s17], [sflag:$0x3] =	stream.indirect.gather [hbm4b:s4+s14], $0x80, s7, s14, $0xb8;
	[tilespmem:$0x1EC00] =	vst v63  }
0xd0: {  	_ =	swait.ge @!p1 [sflag:s8], $0x1000  }
0xd1: {  	[sflag:s8] =	ssyncset.done @!p1 $0x0  }
0xd2: {  	[sflag:s8] =	ssyncadd.s32 @!p1 $0xFFFFF000  }
0xd3: {  	v49 =	vld [tilespmem:s5+$0x60];
	_ =	sdelay $0x4  }
0xd4: {  	v50 =	vand.u32 $0xFFFF, v49  }
0xd5: {  	v0 =	vshrl.u32 v49, $0x10;
	[tilespmem:$0xA980] =	vst v50  }
0xd6: {  	[tilespmem:$0xAD80] =	vst v0  }
0xd7: {  	v0 =	vld [tilespmem:s5+$0x70];
	_ =	sdelay $0x4  }
0xd8: {  	v51 =	vand.u32 $0xFFFF, v0  }
0xd9: {  	v0 =	vshrl.u32 v0, $0x10;
	[tilespmem:$0xA990] =	vst v51  }
0xda: {  	s7 =	rddreg [dreg:$0x7];
	s8 =	simm.s32 @!p1 $0xD;
	[tilespmem:$0xAD90] =	vst v0  }
0xdb: {  	[tilespmem:s18], [sflag:$0x4] =	stream.indirect.gather [hbm4b:s4+s14], $0x80, s7, s14, $0xb8;
	[tilespmem:$0x1EC00] =	vst v63  }
0xdc: {  	_ =	swait.ge @!p1 [sflag:s8], $0x1000  }
0xdd: {  	[sflag:s8] =	ssyncset.done @!p1 $0x0  }
0xde: {  	[sflag:s8] =	ssyncadd.s32 @!p1 $0xFFFFF000  }
0xdf: {  	v52 =	vld [tilespmem:s5+$0x80];
	_ =	sdelay $0x4  }
0xe0: {  	v53 =	vand.u32 $0xFFFF, v52  }
0xe1: {  	v0 =	vshrl.u32 v52, $0x10;
	[tilespmem:$0xAA00] =	vst v53  }
0xe2: {  	[tilespmem:$0xAE00] =	vst v0  }
0xe3: {  	v0 =	vld [tilespmem:s5+$0x90];
	_ =	sdelay $0x4  }
0xe4: {  	v54 =	vand.u32 $0xFFFF, v0  }
0xe5: {  	v0 =	vshrl.u32 v0, $0x10;
	[tilespmem:$0xAA10] =	vst v54  }
0xe6: {  	s7 =	rddreg [dreg:$0x8];
	s8 =	simm.s32 @!p1 $0xE;
	[tilespmem:$0xAE10] =	vst v0  }
0xe7: {  	[tilespmem:s19], [sflag:$0x5] =	stream.indirect.gather [hbm4b:s4+s14], $0x80, s7, s14, $0xb8;
	[tilespmem:$0x1EC00] =	vst v63  }
0xe8: {  	_ =	swait.ge @!p1 [sflag:s8], $0x1000  }
0xe9: {  	[sflag:s8] =	ssyncset.done @!p1 $0x0  }
0xea: {  	[sflag:s8] =	ssyncadd.s32 @!p1 $0xFFFFF000  }
0xeb: {  	v55 =	vld [tilespmem:s5+$0xA0];
	_ =	sdelay $0x4  }
0xec: {  	v56 =	vand.u32 $0xFFFF, v55  }
0xed: {  	v0 =	vshrl.u32 v55, $0x10;
	[tilespmem:$0xAA80] =	vst v56  }
0xee: {  	[tilespmem:$0xAE80] =	vst v0  }
0xef: {  	v0 =	vld [tilespmem:s5+$0xB0];
	_ =	sdelay $0x4  }
0xf0: {  	v57 =	vand.u32 $0xFFFF, v0  }
0xf1: {  	v0 =	vshrl.u32 v0, $0x10;
	[tilespmem:$0xAA90] =	vst v57  }
0xf2: {  	s7 =	rddreg [dreg:$0x9];
	s8 =	simm.s32 @!p1 $0xF;
	[tilespmem:$0xAE90] =	vst v0  }
0xf3: {  	[tilespmem:s20], [sflag:$0x6] =	stream.indirect.gather [hbm4b:s4+s14], $0x80, s7, s14, $0xb8;
	[tilespmem:$0x1EC00] =	vst v63  }
0xf4: {  	_ =	swait.ge @!p1 [sflag:s8], $0x1000  }
0xf5: {  	[sflag:s8] =	ssyncset.done @!p1 $0x0  }
0xf6: {  	[sflag:s8] =	ssyncadd.s32 @!p1 $0xFFFFF000  }
0xf7: {  	v58 =	vld [tilespmem:s5+$0xC0];
	_ =	sdelay $0x4  }
0xf8: {  	v59 =	vand.u32 $0xFFFF, v58  }
0xf9: {  	v0 =	vshrl.u32 v58, $0x10;
	[tilespmem:$0xAB00] =	vst v59  }
0xfa: {  	[tilespmem:$0xAF00] =	vst v0  }
0xfb: {  	v0 =	vld [tilespmem:s5+$0xD0];
	_ =	sdelay $0x4  }
0xfc: {  	v60 =	vand.u32 $0xFFFF, v0  }
0xfd: {  	v0 =	vshrl.u32 v0, $0x10;
	[tilespmem:$0xAB10] =	vst v60  }
0xfe: {  	s7 =	rddreg [dreg:$0xa];
	s8 =	simm.s32 @!p1 $0x10;
	[tilespmem:$0xAF10] =	vst v0  }
0xff: {  	[tilespmem:s21], [sflag:$0x7] =	stream.indirect.gather [hbm4b:s4+s14], $0x80, s7, s14, $0xb8;
	[tilespmem:$0x1EC00] =	vst v63  }
0x100: {  	_ =	swait.ge @!p1 [sflag:s8], $0x1000  }
0x101: {  	[sflag:s8] =	ssyncset.done @!p1 $0x0  }
0x102: {  	[sflag:s8] =	ssyncadd.s32 @!p1 $0xFFFFF000  }
0x103: {  	v61 =	vld [tilespmem:s5+$0xE0];
	_ =	sdelay $0x4  }
0x104: {  	v62 =	vand.u32 $0xFFFF, v61  }
0x105: {  	v0 =	vshrl.u32 v61, $0x10;
	[tilespmem:$0xAB80] =	vst v62  }
0x106: {  	[tilespmem:$0xAF80] =	vst v0  }
0x107: {  	v0 =	vld [tilespmem:s5+$0xF0];
	_ =	sdelay $0x4  }
0x108: {  	v63 =	vand.u32 $0xFFFF, v0  }
0x109: {  	v0 =	vshrl.u32 v0, $0x10;
	[tilespmem:$0xAB90] =	vst v63  }
0x10a: {  	s8 =	rddreg [dreg:$0xb];
	[tilespmem:$0xAF90] =	vst v0  }
0x10b: {  	[tilespmem:s22], [sflag:$0x8] =	stream.indirect.gather [hbm4b:s4+s14], $0x80, s8, s14, $0xb8;
	[tilespmem:$0x1EC00] =	vst v63  }
0x10c: {  	_ =	swait.ge [sflag:s12], $0x1000  }
0x10d: {  	[sflag:s12] =	ssyncset.done $0x0  }
0x10e: {  	s7 =	rddreg [dreg:$0xc];
	[sflag:s12] =	ssyncadd.s32 $0xFFFFF000  }
0x10f: {  	[spmem:s2] =	stream.indirect.scatter.add.f32 [tilespmem:s15], [sflag:$0x9], $0x80, s7, s14, $0xb8;
	[tilespmem:$0x1EC00] =	vst v63  }
0x110: {  	_ =	swait.ge [sflag:s23], $0x1000  }
0x111: {  	[sflag:s23] =	ssyncset.done $0x0  }
0x112: {  	s8 =	rddreg [dreg:$0xd];
	[sflag:s23] =	ssyncadd.s32 $0xFFFFF000  }
0x113: {  	[spmem:s2] =	stream.indirect.scatter.add.f32 [tilespmem:s16], [sflag:$0xA], $0x80, s8, s14, $0xb8;
	[tilespmem:$0x1EC00] =	vst v63  }
0x114: {  	_ =	swait.ge [sflag:s24], $0x1000  }
0x115: {  	s3 =	sadd.s32 $0x400, s3;
	[sflag:s24] =	ssyncset.done $0x0  }
0x116: {  	p0 =	sne.s32 s3, $0xA000;
	s7 =	rddreg [dreg:$0xe];
	[sflag:s24] =	ssyncadd.s32 $0xFFFFF000  }
0x117: {  	[spmem:s2] =	stream.indirect.scatter.add.f32 [tilespmem:s17], [sflag:$0xB], $0x80, s7, s14, $0xb8;
	[tilespmem:$0x1EC00] =	vst v63  }
.Ltmp0:
0x118: {  	_ = 	snop;
	(pc) =	sbr.rel @p0 .LBB2_2-.Ltmp0, $4  }
0x119: {  	_ =	swait.ge [sflag:s25], $0x1000  }
0x11a: {  	[sflag:s25] =	ssyncset.done $0x0  }
0x11b: {  	s8 =	rddreg [dreg:$0xf];
	[sflag:s25] =	ssyncadd.s32 $0xFFFFF000  }
0x11c: {  	[spmem:s2] =	stream.indirect.scatter.add.f32 [tilespmem:s18], [sflag:$0xC], $0x80, s8, s14, $0xb8;
	[tilespmem:$0x1EC00] =	vst v63  }
0x11d: {  	_ =	swait.ge [sflag:s26], $0x1000  }
0x11e: {  	[sflag:s26] =	ssyncset.done $0x0  }
0x11f: {  	s3 =	rddreg [dreg:$0x10];
	[sflag:s26] =	ssyncadd.s32 $0xFFFFF000  }
0x120: {  	[spmem:s2] =	stream.indirect.scatter.add.f32 [tilespmem:s19], [sflag:$0xD], $0x80, s3, s14, $0xb8;
	[tilespmem:$0x1EC00] =	vst v63  }
0x121: {  	_ =	swait.ge [sflag:s28], $0x1000  }
0x122: {  	[sflag:s28] =	ssyncset.done $0x0  }
0x123: {  	s7 =	rddreg [dreg:$0x11];
	[sflag:s28] =	ssyncadd.s32 $0xFFFFF000  }
0x124: {  	[spmem:s2] =	stream.indirect.scatter.add.f32 [tilespmem:s20], [sflag:$0xE], $0x80, s7, s14, $0xb8;
	[tilespmem:$0x1EC00] =	vst v63  }
0x125: {  	_ =	swait.ge [sflag:s29], $0x1000  }
0x126: {  	[sflag:s29] =	ssyncset.done $0x0  }
0x127: {  	[sflag:s29] =	ssyncadd.s32 $0xFFFFF000  }
0x128: {  	[spmem:s2] =	stream.indirect.scatter.add.f32 [tilespmem:s21], [sflag:$0xF], $0x80, s30, s14, $0xb8;
	[tilespmem:$0x1EC00] =	vst v63  }
0x129: {  	_ =	swait.ge [sflag:s31], $0x1000  }
0x12a: {  	[sflag:s31] =	ssyncset.done $0x0  }
0x12b: {  	[sflag:s31] =	ssyncadd.s32 $0xFFFFF000  }
0x12c: {  	[spmem:s2] =	stream.indirect.scatter.add.f32 [tilespmem:s22], [sflag:$0x10], $0x80, s0, s14, $0xb8;
	[tilespmem:$0x1EC00] =	vst v63  }
0x12d: {  	_ =	swait.ge [sflag:s13], $0x1000  }
0x12e: {  	[sflag:s13] =	ssyncset.done $0x0  }
0x12f: {  	s8 =	simm.s32 $0xA;
	[sflag:s13] =	ssyncadd.s32 $0xFFFFF000  }
0x130: {  	_ =	swait.ge [sflag:s8], $0x1000  }
0x131: {  	[sflag:s8] =	ssyncset.done $0x0  }
0x132: {  	s5 =	simm.s32 $0xB;
	[sflag:s8] =	ssyncadd.s32 $0xFFFFF000  }
0x133: {  	_ =	swait.ge [sflag:s5], $0x1000  }
0x134: {  	[sflag:s5] =	ssyncset.done $0x0  }
0x135: {  	s7 =	simm.s32 $0xC;
	[sflag:s5] =	ssyncadd.s32 $0xFFFFF000  }
0x136: {  	_ =	swait.ge [sflag:s7], $0x1000  }
0x137: {  	[sflag:s7] =	ssyncset.done $0x0  }
0x138: {  	s8 =	simm.s32 $0xD;
	[sflag:s7] =	ssyncadd.s32 $0xFFFFF000  }
0x139: {  	_ =	swait.ge [sflag:s8], $0x1000  }
0x13a: {  	[sflag:s8] =	ssyncset.done $0x0  }
0x13b: {  	s5 =	simm.s32 $0xE;
	[sflag:s8] =	ssyncadd.s32 $0xFFFFF000  }
0x13c: {  	_ =	swait.ge [sflag:s5], $0x1000  }
0x13d: {  	[sflag:s5] =	ssyncset.done $0x0  }
0x13e: {  	[sflag:s5] =	ssyncadd.s32 $0xFFFFF000  }
0x13f: {  	_ =	swait.ge [sflag:s9], $0x1000  }
0x140: {  	[sflag:s9] =	ssyncset.done $0x0  }
0x141: {  	[sflag:s9] =	ssyncadd.s32 $0xFFFFF000  }
0x142: {  	_ =	swait.ge [sflag:s10], $0x1000  }
0x143: {  	[sflag:s10] =	ssyncset.done $0x0  }
0x144: {  	[sflag:s10] =	ssyncadd.s32 $0xFFFFF000  }
0x145: {  	[bflag:$0x0] =	sbarrier.arrive $0xFFFF  }
0x146: {  	s7 =	rddreg [dreg:$0x13]  }
0x147: {  	s5 =	rddreg [dreg:$0x16];
	s3 =	sor.u32 $0x1C11, s7  }
0x148: {  	[hbm:s5], [sflag:s3] =	dma.local [spmem:s11], $0x2780  }
0x149: {  	_ =	swait.ge [sflag:s6], $0x2780  }
0x14a: {  	s1 =	sadd.s32 $0x1, s1;
	s8 =	rddreg [dreg:$0x17]  }
0x14b: {  	p0 =	sne.s32 s1, s8  }
.Ltmp1:
0x14c: {  	_ = 	snop;
	(pc) =	sbr.rel @p0 .LBB2_1-.Ltmp1, $3  }
0x14d: {  	_ =	sdelay $0x1  }
0x14e: {  	[sflag:s6] =	ssyncset.done $0x0  }
0x14f: {  	[sflag:s6] =	ssyncadd.s32 $0xFFFFD880  }
0x150: {  	_ =	sfence.sel $0x180000  }
0x151: {  	[bflag:$0x0] =	sbarrier.arrive $0xFFFF  }
0x152: {  	_ =	strace $0x90000047  }
0x153: {  	s0 =	stileid.u32;
	[bflag:$0x2] =	sbarrier.arrive $0xFFFF  }
0x154: {  	p0 =	sne.s32 s0, $0x0;
	s0 =	rddreg [dreg:$0x3]  }
0x155: {  	s0 =	sadd.s32 @!p0 $0x100000, s0  }
0x156: {  	[sflag:s0] =	ssyncadd.tile.s32 @!p0 $0x1;
	_ =	shalt  }
.Lfunc_end2:
_tile_overlayer_lowered:
.L_overlay_start_2:
0x157: {  	(tag) =	ssettag $0x2  }
0x158: {  	s0 =	rddreg [dreg:$0x0];
	s2 =	stileid.u32  }
0x159: {  	s1 =	rddreg [dreg:$0x1];
	p0 =	sne.s32 s2, $0x0  }
0x15a: {  	s3 =	rddreg [dreg:$0x2];
	[bflag:$0x3] =	sbarrier.arrive $0xFFFF;
	s2 =	simm.s32 @!p0 $0x1C11  }
0x15b: {  	[timem:s3], [sflag:s2] =	dma.local @!p0 [hbm:s0], s1  }
0x15c: {  	s0 =	simm.s32 @!p0 $0x11  }
0x15d: {  	_ =	swait.ge @!p0 [sflag:s0], s1  }
0x15e: {  	s1 =	ssub.s32 @!p0 $0x0, s1;
	[sflag:s0] =	ssyncset.done @!p0 $0x0  }
0x15f: {  	[sflag:s0] =	ssyncadd.s32 @!p0 s1  }
0x160: {  	[bflag:$0x3] =	sbarrier.arrive $0xFFFF  }
0x161: {  	_ =	shalt  }

// kernel: kernel.13.cloned.1.call-start
scs
__scs_entry_jumppad:
0x0: {  	(pc) =	sbr.rel $0x88, $3  }
0x1: {  	(tag) =	ssettag $0x0;
	lr =	simm.s32 $0x1  }
0x2: {  	[smem:$0x3F99] =	sst lr;
	_ =	strace $0xD0000000  }
0x3: {  	_ = 	snop  }
0x4: {  	_ = 	snop  }
0x5: {  	_ = 	snop  }
0x6: {  	_ = 	snop  }
0x7: {  	_ = 	snop  }
__scs_overlays_trampoline_lowered:
0x8: {  	[smem:$0x3FA8] =	sst s0  }
0x9: {  	[smem:$0x3FA9] =	sst s1  }
0xa: {  	[smem:$0x3FAA] =	sst s2  }
0xb: {  	[smem:$0x3FAB] =	sst s3  }
0xc: {  	[smem:$0x3FAC] =	sst s4  }
0xd: {  	[smem:$0x3FAD] =	sst s5  }
0xe: {  	[smem:$0x3FAE] =	sst s6  }
0xf: {  	[smem:$0x3FAF] =	sst s7  }
0x10: {  	[smem:$0x3FB0] =	sst s8  }
0x11: {  	[smem:$0x3FB1] =	sst s9;
	s0 =	simm.s32 @!p0 $0x0  }
0x12: {  	s1 =	sld [smem:$0x3F97];
	s0 =	simm.s32 @p0 $0x1  }
0x13: {  	[smem:$0x3FB2] =	sst s0;
	s0 =	simm.s32 @!p1 $0x0  }
0x14: {  	s2 =	sld [smem:$0x3F96];
	s0 =	simm.s32 @p1 $0x1  }
0x15: {  	[smem:$0x3FB3] =	sst s0;
	s0 =	simm.s32 @!p2 $0x0  }
0x16: {  	s3 =	sld [smem:$0x3FDB];
	s0 =	simm.s32 @p2 $0x1  }
0x17: {  	s4 =	simm.s32 $0x1BF5;
	[smem:$0x3FB5] =	sst s0  }
0x18: {  	s0 =	sld [smem:$0x3F98];
	_ =	swait.ge [sflag:s4], $0x0  }
0x19: {  	s7 =	sld [smem:$0x3F99]  }
0x1a: {  	s8 =	sadd.s32 $0xFFFFE003, lr  }
0x1b: {  	s9 =	sadd.s32 $0xFFFFFEF7, lr;
	s5 =	simm.s32 $0xFFFFFFFF;
	p2 =	slt.u32 s8, $0xFFFFF086  }
0x1c: {  	p1 =	slt.u32 s9, $0xF7A;
	s5 =	simm.s32 @!p2 $0x0  }
0x1d: {  	s5 =	simm.s32 @p1 $0x1;
	p0 =	seq.s32 s7, s2  }
0x1e: {  	s7 =	smul.u32 @!p0 $0xF7A, s2;
	p2 =	seq.s32 @!p0 s5, $0x0  }
0x1f: {  	s9 =	smul.u32 $0xF7A, s1;
	s8 =	simm.s32 @!p0 $0x1BF5;
	p2 =	por !p2, p0  }
0x20: {  	[sflag:s8] =	ssyncset.s32 @!p0 $0xFFFFF086;
	s6 =	sadd.s32 @!p0 s3, s7;
	s7 =	simm.s32 @!p0 $0x108  }
0x21: {  	s3 =	sadd.s32 s3, s9;
	s6 =	sadd.s32 @!p0 $0x88, s6;
	s7 =	simm.s32 @p2 $0x1082  }
0x22: {  	[simem:s7], [sflag:s8] =	dma.local @!p0 [hbm:s6], $0xF7A  }
0x23: {  	s9 =	sor.u32 $0xD0000000, s2;
	s6 =	simm.s32 $0x108;
	_ =	swait.ge @!p0 [sflag:s8], $0x0  }
0x24: {  	s3 =	sadd.s32 $0x88, s3;
	s6 =	simm.s32 @!p1 $0x1082;
	[sflag:s4] =	ssyncset.s32 $0xFFFFF086  }
0x25: {  	[simem:s6], [sflag:s4] =	dma.local [hbm:s3], $0xF7A  }
0x26: {  	[smem:$0x3F99] =	sst s1;
	(tag) =	ssettag s2;
	_ =	strace s9  }
0x27: {  	s1 =	sld [smem:$0x3FA9]  }
0x28: {  	s2 =	sld [smem:$0x3FAA]  }
0x29: {  	s4 =	sld [smem:$0x3FAC]  }
0x2a: {  	p0 =	seq.s32 s5, $0x0;
	s5 =	sld [smem:$0x3FAD]  }
0x2b: {  	s6 =	sld [smem:$0x3FAE]  }
0x2c: {  	s7 =	sld [smem:$0x3FAF]  }
0x2d: {  	s3 =	simm.s32 $0x108;
	s8 =	sld [smem:$0x3FB0]  }
0x2e: {  	s3 =	simm.s32 @!p0 $0x1082;
	s9 =	sld [smem:$0x3FB1]  }
0x2f: {  	lr =	sadd.s32 s0, s3;
	s0 =	sld [smem:$0x3FA8]  }
0x30: {  	s3 =	sld [smem:$0x3FAB]  }
0x31: {  	[smem:$0x3FB4] =	sst s10  }
0x32: {  	s10 =	sld [smem:$0x3FB2];
	_ =	sdelay $0x3  }
0x33: {  	p0 =	seq.s32 s10, $0x1;
	s10 =	sld [smem:$0x3FB4];
	_ =	sdelay $0x3  }
0x34: {  	[smem:$0x3FB4] =	sst s10  }
0x35: {  	s10 =	sld [smem:$0x3FB3];
	_ =	sdelay $0x3  }
0x36: {  	p1 =	seq.s32 s10, $0x1;
	s10 =	sld [smem:$0x3FB4];
	_ =	sdelay $0x3  }
0x37: {  	[smem:$0x3FB4] =	sst s10  }
0x38: {  	s10 =	sld [smem:$0x3FB5]  }
0x39: {  	_ = 	snop;
	(pc) =	sbr.ind lr, $3  }
0x3a: {  	_ = 	snop  }
0x3b: {  	_ = 	snop  }
0x3c: {  	p2 =	seq.s32 s10, $0x1;
	s10 =	sld [smem:$0x3FB4]  }
0x3d: {  	_ =	shalt  }
0x3e: {  	_ =	shalt  }
0x3f: {  	_ =	shalt  }
0x40: {  	_ =	shalt  }
0x41: {  	_ =	shalt  }
0x42: {  	_ =	shalt  }
0x43: {  	_ =	shalt  }
0x44: {  	_ =	shalt  }
0x45: {  	_ =	shalt  }
0x46: {  	_ =	shalt  }
0x47: {  	_ =	shalt  }
0x48: {  	_ =	shalt  }
0x49: {  	_ =	shalt  }
0x4a: {  	_ =	shalt  }
0x4b: {  	_ =	shalt  }
0x4c: {  	_ =	shalt  }
0x4d: {  	_ =	shalt  }
0x4e: {  	_ =	shalt  }
0x4f: {  	_ =	shalt  }
0x50: {  	_ =	shalt  }
0x51: {  	_ =	shalt  }
0x52: {  	_ =	shalt  }
0x53: {  	_ =	shalt  }
0x54: {  	_ =	shalt  }
0x55: {  	_ =	shalt  }
0x56: {  	_ =	shalt  }
0x57: {  	_ =	shalt  }
0x58: {  	_ =	shalt  }
0x59: {  	_ =	shalt  }
0x5a: {  	_ =	shalt  }
0x5b: {  	_ =	shalt  }
0x5c: {  	_ =	shalt  }
0x5d: {  	_ =	shalt  }
0x5e: {  	_ =	shalt  }
0x5f: {  	_ =	shalt  }
0x60: {  	_ =	shalt  }
0x61: {  	_ =	shalt  }
0x62: {  	_ =	shalt  }
0x63: {  	_ =	shalt  }
0x64: {  	_ =	shalt  }
0x65: {  	_ =	shalt  }
0x66: {  	_ =	shalt  }
0x67: {  	_ =	shalt  }
0x68: {  	_ =	shalt  }
0x69: {  	_ =	shalt  }
0x6a: {  	_ =	shalt  }
0x6b: {  	_ =	shalt  }
0x6c: {  	_ =	shalt  }
0x6d: {  	_ =	shalt  }
0x6e: {  	_ =	shalt  }
0x6f: {  	_ =	shalt  }
0x70: {  	_ =	shalt  }
0x71: {  	_ =	shalt  }
0x72: {  	_ =	shalt  }
0x73: {  	_ =	shalt  }
0x74: {  	_ =	shalt  }
0x75: {  	_ =	shalt  }
0x76: {  	_ =	shalt  }
0x77: {  	_ =	shalt  }
0x78: {  	_ =	shalt  }
0x79: {  	_ =	shalt  }
0x7a: {  	_ =	shalt  }
0x7b: {  	_ =	shalt  }
0x7c: {  	_ =	shalt  }
0x7d: {  	_ =	shalt  }
0x7e: {  	_ =	shalt  }
0x7f: {  	_ =	shalt  }
0x80: {  	_ =	shalt  }
0x81: {  	_ =	shalt  }
0x82: {  	_ =	shalt  }
0x83: {  	_ =	shalt  }
0x84: {  	_ =	shalt  }
0x85: {  	_ =	shalt  }
0x86: {  	_ =	shalt  }
0x87: {  	_ =	shalt  }
.Lfunc_end0:
.L_simem_size_0:
called_computation.1_lowered:
.L_overlay_start_0:
0x88: {  	s2 =	sld [smem:$0x3FD9]  }
0x89: {  	s3 =	sld [smem:$0x3FFE];
	_ =	sdelay $0x1  }
0x8a: {  	s1 =	srdreg.scid  }
0x8b: {  	s0 =	sand.u32 $0x1, s1  }
0x8c: {  	s17 =	sshll.u32 s0, $0xA;
	s2 =	sadd.s32 s3, s2  }
0x8d: {  	s2 =	sadd.s32 s2, s17  }
0x8e: {  	[smem:$0x3FC0] =	sst s2  }
0x8f: {  	_ = 	snop  }
0x90: {  	s2 =	sld [smem:$0x3FD0];
	(tm) =	ssettm $0x1  }
0x91: {  	s18 =	sld [smem:$0x3FFB];
	_ =	sdelay $0x3  }
0x92: {  	_ =	strace s18  }
0x93: {  	s3 =	sld [smem:$0x3FFC];
	_ =	sdelay $0x3  }
0x94: {  	_ =	strace s3  }
0x95: {  	s3 =	sld [smem:$0x3FFD];
	_ =	sdelay $0x3  }
0x96: {  	_ =	strace s3  }
0x97: {  	_ =	strace $0x8FFFFFFF  }
0x98: {  	s19 =	sld [smem:$0x3FDB];
	_ =	sdelay $0x1  }
0x99: {  	s4 =	simm.s32 $_scs_section_size  }
0x9a: {  	s5 =	simm.s32 $_size__tile_overlayer_lowered;
	s6 =	simm.s32 $_tile_overlayer_lowered  }
0x9b: {  	s22 =	simm.s32 $0x1BFF;
	s21 =	sshll.u32 s6, $0x1;
	s3 =	sadd.s32 s4, s19  }
0x9c: {  	s7 =	simm.s32 $0x0;
	s20 =	sshll.u32 s5, $0x1;
	s5 =	sadd.s32 s21, s3  }
0x9d: {  	[timem:s7], [sflag:s22] =	dma.local [hbm:s5], s20  }
0x9e: {  	_ =	swait.ge [sflag:s22], s20  }
0x9f: {  	s4 =	ssub.s32 $0x0, s20;
	[sflag:s22] =	ssyncset.done $0x0  }
0xa0: {  	[sflag:s22] =	ssyncadd.s32 s4;
	_ =	sdelay $0x1  }
0xa1: {  	s23 =	simm.s32 $0x1B8B  }
0xa2: {  	_ =	swait.ge [sflag:s23], $0x1  }
0xa3: {  	[sflag:s23] =	ssyncset.done $0x0  }
0xa4: {  	s25 =	simm.s32 $0x1B8E;
	s24 =	sld [smem:$0x3FFE];
	[sflag:s23] =	ssyncadd.s32 $0xFFFFFFFF  }
0xa5: {  	s26 =	simm.s32 $execute0_lowered;
	[smem:$0x3FD2] =	sst s25  }
0xa6: {  	s5 =	sshll.u32 s26, $0x1;
	_ =	strace $0x80000049;
	[dreg:$0x1] =	wrdreg $0xFFFFFFFF  }
0xa7: {  	s28 =	simm.s32 $_size_execute0_lowered;
	s3 =	sadd.s32 s3, s5;
	[dreg:$0x0] =	wrdreg $0x0  }
0xa8: {  	s5 =	sshll.u32 s28, $0x1;
	[dreg:$0x2] =	wrdreg s3  }
0xa9: {  	[dreg:$0x3] =	wrdreg s5  }
0xaa: {  	[dreg:$0x4] =	wrdreg $0xC0  }
0xab: {  	_ =	task [dreg:s7], $0x5FFFF  }
0xac: {  	[dreg:$0x1] =	wrdreg $0xFFFFFFFF  }
0xad: {  	[dreg:$0x0] =	wrdreg $0x60  }
0xae: {  	[dreg:$0x2] =	wrdreg s24  }
0xaf: {  	[dreg:$0x3] =	wrdreg s2  }
0xb0: {  	[dreg:$0x4] =	wrdreg $0xB0000  }
0xb1: {  	[dreg:$0x5] =	wrdreg $0x9  }
0xb2: {  	_ =	task.clear_ibuf [dreg:s7], $0x6FFFF;
	_ =	strace $0x90000049  }
0xb3: {  	s29 =	simm.s32 $0x9;
	_ =	strace $0x8000004B  }
0xb4: {  	_ =	swait.ge [sflag:s29], $0x1  }
0xb5: {  	[sflag:s29] =	ssyncadd.s32 $0xFFFFFFFF  }
0xb6: {  	_ =	strace $0x9000004B  }
0xb7: {  	_ =	sfence  }
0xb8: {  	s30 =	sld [smem:$0x0];
	_ =	sdelay $0x2  }
0xb9: {  	s31 =	sshll.u32 s1, $0xD;
	s1 =	sshrl.u32 s1, $0x2  }
0xba: {  	s3 =	sand.u32 $0x4000, s31;
	s1 =	sadd.s32 s1, s30  }
0xbb: {  	s0 =	sor.u32 s3, s0;
	s1 =	sshll.u32 s1, $0x11  }
0xbc: {  	s0 =	sor.u32 s1, s0  }
0xbd: {  	s0 =	sadd.s32 $0x8F2B, s0  }
0xbe: {  	[sflag:s0] =	ssyncadd.remote.s32 $0x1  }
0xbf: {  	_ =	sfence.sel $0xFFFF  }
0xc0: {  	[dreg:$0x0] =	wrdreg $0xFFFFFFFF;
	(pc) =	sbr.abs _section_cstart, $3  }
0xc1: {  	[dreg:$0x1] =	wrdreg $0xFFFFFFFF  }
0xc2: {  	_ =	task.clear_ibuf [dreg:s7], $0x2FFFF;
	_ =	strace $0x9FFFFFFF  }
0xc3: {  	(tm) =	ssettm $0x7FFFFFFF  }
tec
execute0_lowered:
.L_overlay_start_1:
0x0: {  	(tag) =	ssettag $0x1  }
0x1: {  	s0 =	rddreg [dreg:$0x0]  }
0x2: {  	s1 =	rddreg [dreg:$0x1]  }
0x3: {  	s2 =	rddreg [dreg:$0x2];
	s3 =	simm.s32 $0x0;
	s10 =	stileid.u32  }
0x4: {  	s8 =	srdreg.scid;
	s13 =	simm.s32 $0xA800;
	s14 =	simm.s32 $0xA880  }
0x5: {  	s15 =	simm.s32 $0xA900;
	s16 =	simm.s32 $0xA980;
	s17 =	simm.s32 $0xAA00  }
0x6: {  	s18 =	simm.s32 $0xAA80;
	s19 =	simm.s32 $0xAB00;
	s20 =	simm.s32 $0xAB80  }
0x7: {  	s21 =	simm.s32 $0xAC00;
	[smem:$0x7FF] =	sst s3;
	s5 =	smul.u32 $0x2780, s10  }
0x8: {  	s4 =	sshll.u32 s10, $0x1;
	s9 =	smul.u32 $0x4F000, s10;
	s10 =	sshll.u32 s10, $0x6  }
0x9: {  	s22 =	simm.s32 $0xAC80;
	_ =	strace $0x8000004A;
	[dreg:$0x13] =	wrdreg s10  }
0xa: {  	s23 =	simm.s32 $0xAD00;
	s24 =	simm.s32 $0xAD80;
	[dreg:$0x4] =	wrdreg s13  }
0xb: {  	s25 =	simm.s32 $0xAE00;
	s26 =	simm.s32 $0xAE80;
	[dreg:$0x5] =	wrdreg s14  }
0xc: {  	s28 =	simm.s32 $0x6;
	s29 =	simm.s32 $0x7;
	[dreg:$0x6] =	wrdreg s15  }
0xd: {  	s30 =	simm.s32 $0xAF00;
	s3 =	sand.u32 $0x1, s8;
	[dreg:$0x7] =	wrdreg s16  }
0xe: {  	s31 =	simm.s32 $0x8;
	s6 =	smul.u32 $0x27800, s3;
	[dreg:$0x8] =	wrdreg s17  }
0xf: {  	s7 =	sor.u32 s3, s4;
	s4 =	sadd.s32 $0x3C00, s0;
	[dreg:$0x9] =	wrdreg s18  }
0x10: {  	s3 =	ssub.s32 $0x2, s3;
	s11 =	sor.u32 $0x1C09, s10;
	[dreg:$0xa] =	wrdreg s19  }
0x11: {  	s13 =	simm.s32 $0x9;
	s14 =	simm.s32 $0x20;
	[dreg:$0xb] =	wrdreg s20  }
0x12: {  	s15 =	simm.s32 $0x2800;
	s16 =	simm.s32 $0x3800;
	[dreg:$0xc] =	wrdreg s21  }
0x13: {  	s17 =	simm.s32 $0x4800;
	s18 =	simm.s32 $0x5800;
	[dreg:$0xd] =	wrdreg s22  }
0x14: {  	s19 =	simm.s32 $0x6800;
	s20 =	simm.s32 $0x7800;
	[dreg:$0xe] =	wrdreg s23  }
0x15: {  	s21 =	simm.s32 $0x8800;
	s22 =	simm.s32 $0x9800;
	[dreg:$0xf] =	wrdreg s24  }
0x16: {  	s23 =	simm.s32 $0x2;
	[dreg:$0x10] =	wrdreg s25;
	s24 =	simm.s32 $0x3  }
0x17: {  	[dreg:$0x11] =	wrdreg s26;
	s25 =	simm.s32 $0x4;
	s26 =	simm.s32 $0x5  }
0x18: {  	s10 =	simm.s32 $0x10;
	s7 =	smul.u32 $0x500, s7;
	s8 =	sshrl.u32 s3, $0x1  }
0x19: {  	s9 =	sshrl.u32 s9, $0x2;
	[dreg:$0x15] =	wrdreg s11;
	s6 =	sadd.s32 s5, s6  }
0x1a: {  	s5 =	sadd.s32 s5, s0;
	s3 =	ssub.s32 s3, s8;
	s1 =	sadd.s32 s1, s7  }
0x1b: {  	s0 =	sadd.s32 s6, s0;
	s5 =	sadd.s32 $0x2B400, s5;
	[dreg:$0x12] =	wrdreg s1  }
0x1c: {  	s12 =	smax.u32 s3, $0x1;
	s6 =	simm.s32 $0x11;
	[dreg:$0x14] =	wrdreg s5  }
0x1d: {  	s1 =	sadd.s32 s9, s2;
	s0 =	sadd.s32 $0x52C00, s0;
	[dreg:$0x17] =	wrdreg s12  }
0x1e: {  	s12 =	simm.s32 $0x1;
	s9 =	simm.s32 $0xF;
	[dreg:$0x16] =	wrdreg s0  }
0x1f: {  	s11 =	sshrl.u32 s1, $0x3;
	s0 =	simm.s32 $0xAF80;
	s1 =	simm.s32 $0x0  }
.LBB2_1:
0x20: {  	s5 =	rddreg [dreg:$0x12]  }
0x21: {  	s3 =	simm.s32 $0x0;
	s7 =	rddreg [dreg:$0x15]  }
0x22: {  	[tilespmem:s3], [sflag:$0x1] =	stream.linear.gather [hbm4b:s5+s3], $0x2800, $0x38;
	[tilespmem:$0x1EC00] =	vst v63  }
0x23: {  	s5 =	rddreg [dreg:$0x14]  }
0x24: {  	[spmem:s11], [sflag:s7] =	dma.local [hbm:s5], $0x2780  }
0x25: {  	_ =	swait.ge [sflag:s12], $0x2800  }
0x26: {  	[sflag:s12] =	ssyncset.done $0x0  }
0x27: {  	[sflag:s12] =	ssyncadd.s32 $0xFFFFD800  }
0x28: {  	_ =	swait.ge [sflag:s13], $0x2780  }
0x29: {  	[sflag:s13] =	ssyncset.done $0x0  }
0x2a: {  	p0 =	por $0x1, $0x1;
	[sflag:s13] =	ssyncadd.s32 $0xFFFFD880  }
0x2b: {  	s3 =	simm.s32 @!p0 $0x9;
	[bflag:$0x0] =	sbarrier.arrive $0xFFFF  }
0x2c: {  	_ =	swait.ge @!p0 [sflag:s3], $0x1000  }
0x2d: {  	[sflag:s3] =	ssyncset.done @!p0 $0x0  }
0x2e: {  	[sflag:s3] =	ssyncadd.s32 @!p0 $0xFFFFF000;
	s3 =	simm.s32 $0x0  }
0x2f: {  	v0 =	vld [tilespmem:s3+$0x0];
	_ =	sdelay $0x4  }
0x30: {  	v1 =	vand.u32 $0xFFFF, v0  }
0x31: {  	v0 =	vshrl.u32 v0, $0x10;
	[tilespmem:$0xA800] =	vst v1  }
0x32: {  	[tilespmem:$0xAC00] =	vst v0  }
0x33: {  	v0 =	vld [tilespmem:s3+$0x10];
	_ =	sdelay $0x4  }
0x34: {  	v42 =	vand.u32 $0xFFFF, v0  }
0x35: {  	v0 =	vshrl.u32 v0, $0x10;
	[tilespmem:$0xA810] =	vst v42  }
0x36: {  	s7 =	simm.s32 @!p0 $0xA;
	s8 =	rddreg [dreg:$0x4];
	[tilespmem:$0xAC10] =	vst v0  }
0x37: {  	[tilespmem:s15], [sflag:$0x1] =	stream.indirect.gather [hbm4b:s4+s14], $0x80, s8, s14, $0xb8;
	[tilespmem:$0x1EC00] =	vst v63  }
0x38: {  	_ =	swait.ge @!p0 [sflag:s7], $0x1000  }
0x39: {  	[sflag:s7] =	ssyncset.done @!p0 $0x0  }
0x3a: {  	[sflag:s7] =	ssyncadd.s32 @!p0 $0xFFFFF000  }
0x3b: {  	v43 =	vld [tilespmem:s3+$0x20];
	_ =	sdelay $0x4  }
0x3c: {  	v44 =	vand.u32 $0xFFFF, v43  }
0x3d: {  	v0 =	vshrl.u32 v43, $0x10;
	[tilespmem:$0xA880] =	vst v44  }
0x3e: {  	[tilespmem:$0xAC80] =	vst v0  }
0x3f: {  	v0 =	vld [tilespmem:s3+$0x30];
	_ =	sdelay $0x4  }
0x40: {  	v45 =	vand.u32 $0xFFFF, v0  }
0x41: {  	v0 =	vshrl.u32 v0, $0x10;
	[tilespmem:$0xA890] =	vst v45  }
0x42: {  	s8 =	rddreg [dreg:$0x5];
	s7 =	simm.s32 @!p0 $0xB;
	[tilespmem:$0xAC90] =	vst v0  }
0x43: {  	[tilespmem:s16], [sflag:$0x2] =	stream.indirect.gather [hbm4b:s4+s14], $0x80, s8, s14, $0xb8;
	[tilespmem:$0x1EC00] =	vst v63  }
0x44: {  	_ =	swait.ge @!p0 [sflag:s7], $0x1000  }
0x45: {  	[sflag:s7] =	ssyncset.done @!p0 $0x0  }
0x46: {  	[sflag:s7] =	ssyncadd.s32 @!p0 $0xFFFFF000  }
0x47: {  	v46 =	vld [tilespmem:s3+$0x40];
	_ =	sdelay $0x4  }
0x48: {  	v47 =	vand.u32 $0xFFFF, v46  }
0x49: {  	v0 =	vshrl.u32 v46, $0x10;
	[tilespmem:$0xA900] =	vst v47  }
0x4a: {  	[tilespmem:$0xAD00] =	vst v0  }
0x4b: {  	v0 =	vld [tilespmem:s3+$0x50];
	_ =	sdelay $0x4  }
0x4c: {  	v48 =	vand.u32 $0xFFFF, v0  }
0x4d: {  	v0 =	vshrl.u32 v0, $0x10;
	[tilespmem:$0xA910] =	vst v48  }
0x4e: {  	s8 =	rddreg [dreg:$0x6];
	s7 =	simm.s32 @!p0 $0xC;
	[tilespmem:$0xAD10] =	vst v0  }
0x4f: {  	[tilespmem:s17], [sflag:$0x3] =	stream.indirect.gather [hbm4b:s4+s14], $0x80, s8, s14, $0xb8;
	[tilespmem:$0x1EC00] =	vst v63  }
0x50: {  	_ =	swait.ge @!p0 [sflag:s7], $0x1000  }
0x51: {  	[sflag:s7] =	ssyncset.done @!p0 $0x0  }
0x52: {  	[sflag:s7] =	ssyncadd.s32 @!p0 $0xFFFFF000  }
0x53: {  	v49 =	vld [tilespmem:s3+$0x60];
	_ =	sdelay $0x4  }
0x54: {  	v50 =	vand.u32 $0xFFFF, v49  }
0x55: {  	v0 =	vshrl.u32 v49, $0x10;
	[tilespmem:$0xA980] =	vst v50  }
0x56: {  	[tilespmem:$0xAD80] =	vst v0  }
0x57: {  	v0 =	vld [tilespmem:s3+$0x70];
	_ =	sdelay $0x4  }
0x58: {  	v51 =	vand.u32 $0xFFFF, v0  }
0x59: {  	v0 =	vshrl.u32 v0, $0x10;
	[tilespmem:$0xA990] =	vst v51  }
0x5a: {  	s8 =	rddreg [dreg:$0x7];
	s7 =	simm.s32 @!p0 $0xD;
	[tilespmem:$0xAD90] =	vst v0  }
0x5b: {  	[tilespmem:s18], [sflag:$0x4] =	stream.indirect.gather [hbm4b:s4+s14], $0x80, s8, s14, $0xb8;
	[tilespmem:$0x1EC00] =	vst v63  }
0x5c: {  	_ =	swait.ge @!p0 [sflag:s7], $0x1000  }
0x5d: {  	[sflag:s7] =	ssyncset.done @!p0 $0x0  }
0x5e: {  	[sflag:s7] =	ssyncadd.s32 @!p0 $0xFFFFF000  }
0x5f: {  	v52 =	vld [tilespmem:s3+$0x80];
	_ =	sdelay $0x4  }
0x60: {  	v53 =	vand.u32 $0xFFFF, v52  }
0x61: {  	v0 =	vshrl.u32 v52, $0x10;
	[tilespmem:$0xAA00] =	vst v53  }
0x62: {  	[tilespmem:$0xAE00] =	vst v0  }
0x63: {  	v0 =	vld [tilespmem:s3+$0x90];
	_ =	sdelay $0x4  }
0x64: {  	v54 =	vand.u32 $0xFFFF, v0  }
0x65: {  	v0 =	vshrl.u32 v0, $0x10;
	[tilespmem:$0xAA10] =	vst v54  }
0x66: {  	s8 =	rddreg [dreg:$0x8];
	s7 =	simm.s32 @!p0 $0xE;
	[tilespmem:$0xAE10] =	vst v0  }
0x67: {  	[tilespmem:s19], [sflag:$0x5] =	stream.indirect.gather [hbm4b:s4+s14], $0x80, s8, s14, $0xb8;
	[tilespmem:$0x1EC00] =	vst v63  }
0x68: {  	_ =	swait.ge @!p0 [sflag:s7], $0x1000  }
0x69: {  	[sflag:s7] =	ssyncset.done @!p0 $0x0  }
0x6a: {  	[sflag:s7] =	ssyncadd.s32 @!p0 $0xFFFFF000  }
0x6b: {  	v55 =	vld [tilespmem:s3+$0xA0];
	_ =	sdelay $0x4  }
0x6c: {  	v56 =	vand.u32 $0xFFFF, v55  }
0x6d: {  	v0 =	vshrl.u32 v55, $0x10;
	[tilespmem:$0xAA80] =	vst v56  }
0x6e: {  	[tilespmem:$0xAE80] =	vst v0  }
0x6f: {  	v0 =	vld [tilespmem:s3+$0xB0];
	_ =	sdelay $0x4  }
0x70: {  	v57 =	vand.u32 $0xFFFF, v0  }
0x71: {  	v0 =	vshrl.u32 v0, $0x10;
	[tilespmem:$0xAA90] =	vst v57  }
0x72: {  	s8 =	rddreg [dreg:$0x9];
	s7 =	simm.s32 @!p0 $0xF;
	[tilespmem:$0xAE90] =	vst v0  }
0x73: {  	[tilespmem:s20], [sflag:$0x6] =	stream.indirect.gather [hbm4b:s4+s14], $0x80, s8, s14, $0xb8;
	[tilespmem:$0x1EC00] =	vst v63  }
0x74: {  	_ =	swait.ge @!p0 [sflag:s7], $0x1000  }
0x75: {  	[sflag:s7] =	ssyncset.done @!p0 $0x0  }
0x76: {  	[sflag:s7] =	ssyncadd.s32 @!p0 $0xFFFFF000  }
0x77: {  	v58 =	vld [tilespmem:s3+$0xC0];
	_ =	sdelay $0x4  }
0x78: {  	v59 =	vand.u32 $0xFFFF, v58  }
0x79: {  	v0 =	vshrl.u32 v58, $0x10;
	[tilespmem:$0xAB00] =	vst v59  }
0x7a: {  	[tilespmem:$0xAF00] =	vst v0  }
0x7b: {  	v0 =	vld [tilespmem:s3+$0xD0];
	_ =	sdelay $0x4  }
0x7c: {  	v60 =	vand.u32 $0xFFFF, v0  }
0x7d: {  	v0 =	vshrl.u32 v0, $0x10;
	[tilespmem:$0xAB10] =	vst v60  }
0x7e: {  	s8 =	rddreg [dreg:$0xa];
	s7 =	simm.s32 @!p0 $0x10;
	[tilespmem:$0xAF10] =	vst v0  }
0x7f: {  	[tilespmem:s21], [sflag:$0x7] =	stream.indirect.gather [hbm4b:s4+s14], $0x80, s8, s14, $0xb8;
	[tilespmem:$0x1EC00] =	vst v63  }
0x80: {  	_ =	swait.ge @!p0 [sflag:s7], $0x1000  }
0x81: {  	[sflag:s7] =	ssyncset.done @!p0 $0x0  }
0x82: {  	[sflag:s7] =	ssyncadd.s32 @!p0 $0xFFFFF000  }
0x83: {  	v61 =	vld [tilespmem:s3+$0xE0];
	_ =	sdelay $0x4  }
0x84: {  	v62 =	vand.u32 $0xFFFF, v61  }
0x85: {  	v0 =	vshrl.u32 v61, $0x10;
	[tilespmem:$0xAB80] =	vst v62  }
0x86: {  	[tilespmem:$0xAF80] =	vst v0  }
0x87: {  	v0 =	vld [tilespmem:s3+$0xF0];
	_ =	sdelay $0x4  }
0x88: {  	v63 =	vand.u32 $0xFFFF, v0  }
0x89: {  	v0 =	vshrl.u32 v0, $0x10;
	[tilespmem:$0xAB90] =	vst v63  }
0x8a: {  	s7 =	rddreg [dreg:$0xb];
	[tilespmem:$0xAF90] =	vst v0  }
0x8b: {  	[tilespmem:s22], [sflag:$0x8] =	stream.indirect.gather [hbm4b:s4+s14], $0x80, s7, s14, $0xb8;
	[tilespmem:$0x1EC00] =	vst v63  }
0x8c: {  	_ =	swait.ge [sflag:s12], $0x1000  }
0x8d: {  	[sflag:s12] =	ssyncset.done $0x0  }
0x8e: {  	s8 =	rddreg [dreg:$0xc];
	[sflag:s12] =	ssyncadd.s32 $0xFFFFF000  }
0x8f: {  	[spmem:s2] =	stream.indirect.scatter.add.f32 [tilespmem:s15], [sflag:$0x9], $0x80, s8, s14, $0xb8;
	[tilespmem:$0x1EC00] =	vst v63  }
0x90: {  	_ =	swait.ge [sflag:s23], $0x1000  }
0x91: {  	[sflag:s23] =	ssyncset.done $0x0  }
0x92: {  	s5 =	rddreg [dreg:$0xd];
	[sflag:s23] =	ssyncadd.s32 $0xFFFFF000  }
0x93: {  	[spmem:s2] =	stream.indirect.scatter.add.f32 [tilespmem:s16], [sflag:$0xA], $0x80, s5, s14, $0xb8;
	[tilespmem:$0x1EC00] =	vst v63  }
0x94: {  	_ =	swait.ge [sflag:s24], $0x1000  }
0x95: {  	[sflag:s24] =	ssyncset.done $0x0  }
0x96: {  	s7 =	rddreg [dreg:$0xe];
	[sflag:s24] =	ssyncadd.s32 $0xFFFFF000  }
0x97: {  	[spmem:s2] =	stream.indirect.scatter.add.f32 [tilespmem:s17], [sflag:$0xB], $0x80, s7, s14, $0xb8;
	[tilespmem:$0x1EC00] =	vst v63  }
0x98: {  	_ =	swait.ge [sflag:s25], $0x1000  }
0x99: {  	[sflag:s25] =	ssyncset.done $0x0  }
0x9a: {  	s3 =	simm.s32 $0x400;
	s8 =	rddreg [dreg:$0xf];
	[sflag:s25] =	ssyncadd.s32 $0xFFFFF000  }
0x9b: {  	[spmem:s2] =	stream.indirect.scatter.add.f32 [tilespmem:s18], [sflag:$0xC], $0x80, s8, s14, $0xb8;
	[tilespmem:$0x1EC00] =	vst v63  }
.LBB2_2:
0x9c: {  	_ =	swait.ge [sflag:s26], $0x1000  }
0x9d: {  	[sflag:s26] =	ssyncset.done $0x0  }
0x9e: {  	s7 =	rddreg [dreg:$0x10];
	[sflag:s26] =	ssyncadd.s32 $0xFFFFF000  }
0x9f: {  	[spmem:s2] =	stream.indirect.scatter.add.f32 [tilespmem:s19], [sflag:$0xD], $0x80, s7, s14, $0xb8;
	[tilespmem:$0x1EC00] =	vst v63  }
0xa0: {  	_ =	swait.ge [sflag:s28], $0x1000  }
0xa1: {  	[sflag:s28] =	ssyncset.done $0x0  }
0xa2: {  	s8 =	rddreg [dreg:$0x11];
	[sflag:s28] =	ssyncadd.s32 $0xFFFFF000  }
0xa3: {  	[spmem:s2] =	stream.indirect.scatter.add.f32 [tilespmem:s20], [sflag:$0xE], $0x80, s8, s14, $0xb8;
	[tilespmem:$0x1EC00] =	vst v63  }
0xa4: {  	_ =	swait.ge [sflag:s29], $0x1000  }
0xa5: {  	[sflag:s29] =	ssyncset.done $0x0  }
0xa6: {  	[sflag:s29] =	ssyncadd.s32 $0xFFFFF000  }
0xa7: {  	[spmem:s2] =	stream.indirect.scatter.add.f32 [tilespmem:s21], [sflag:$0xF], $0x80, s30, s14, $0xb8;
	[tilespmem:$0x1EC00] =	vst v63  }
0xa8: {  	s5 =	smov.u32 s3;
	_ =	swait.ge [sflag:s31], $0x1000  }
0xa9: {  	p1 =	seq.s32 s5, $0x0;
	[sflag:s31] =	ssyncset.done $0x0  }
0xaa: {  	s7 =	simm.s32 @!p1 $0x9;
	[sflag:s31] =	ssyncadd.s32 $0xFFFFF000  }
0xab: {  	[spmem:s2] =	stream.indirect.scatter.add.f32 [tilespmem:s22], [sflag:$0x10], $0x80, s0, s14, $0xb8;
	[tilespmem:$0x1EC00] =	vst v63  }
0xac: {  	_ =	swait.ge @!p1 [sflag:s7], $0x1000  }
0xad: {  	[sflag:s7] =	ssyncset.done @!p1 $0x0  }
0xae: {  	s5 =	sshra.s32 s5, $0x2;
	[sflag:s7] =	ssyncadd.s32 @!p1 $0xFFFFF000  }
0xaf: {  	v0 =	vld [tilespmem:s5+$0x0];
	_ =	sdelay $0x4  }
0xb0: {  	v1 =	vand.u32 $0xFFFF, v0  }
0xb1: {  	v0 =	vshrl.u32 v0, $0x10;
	[tilespmem:$0xA800] =	vst v1  }
0xb2: {  	[tilespmem:$0xAC00] =	vst v0  }
0xb3: {  	v0 =	vld [tilespmem:s5+$0x10];
	_ =	sdelay $0x4  }
0xb4: {  	v42 =	vand.u32 $0xFFFF, v0  }
0xb5: {  	v0 =	vshrl.u32 v0, $0x10;
	[tilespmem:$0xA810] =	vst v42  }
0xb6: {  	s8 =	simm.s32 @!p1 $0xA;
	s7 =	rddreg [dreg:$0x4];
	[tilespmem:$0xAC10] =	vst v0  }
0xb7: {  	[tilespmem:s15], [sflag:$0x1] =	stream.indirect.gather [hbm4b:s4+s14], $0x80, s7, s14, $0xb8;
	[tilespmem:$0x1EC00] =	vst v63  }
0xb8: {  	_ =	swait.ge @!p1 [sflag:s8], $0x1000  }
0xb9: {  	[sflag:s8] =	ssyncset.done @!p1 $0x0  }
0xba: {  	[sflag:s8] =	ssyncadd.s32 @!p1 $0xFFFFF000  }
0xbb: {  	v43 =	vld [tilespmem:s5+$0x20];
	_ =	sdelay $0x4  }
0xbc: {  	v44 =	vand.u32 $0xFFFF, v43  }
0xbd: {  	v0 =	vshrl.u32 v43, $0x10;
	[tilespmem:$0xA880] =	vst v44  }
0xbe: {  	[tilespmem:$0xAC80] =	vst v0  }
0xbf: {  	v0 =	vld [tilespmem:s5+$0x30];
	_ =	sdelay $0x4  }
0xc0: {  	v45 =	vand.u32 $0xFFFF, v0  }
0xc1: {  	v0 =	vshrl.u32 v0, $0x10;
	[tilespmem:$0xA890] =	vst v45  }
0xc2: {  	s7 =	rddreg [dreg:$0x5];
	s8 =	simm.s32 @!p1 $0xB;
	[tilespmem:$0xAC90] =	vst v0  }
0xc3: {  	[tilespmem:s16], [sflag:$0x2] =	stream.indirect.gather [hbm4b:s4+s14], $0x80, s7, s14, $0xb8;
	[tilespmem:$0x1EC00] =	vst v63  }
0xc4: {  	_ =	swait.ge @!p1 [sflag:s8], $0x1000  }
0xc5: {  	[sflag:s8] =	ssyncset.done @!p1 $0x0  }
0xc6: {  	[sflag:s8] =	ssyncadd.s32 @!p1 $0xFFFFF000  }
0xc7: {  	v46 =	vld [tilespmem:s5+$0x40];
	_ =	sdelay $0x4  }
0xc8: {  	v47 =	vand.u32 $0xFFFF, v46  }
0xc9: {  	v0 =	vshrl.u32 v46, $0x10;
	[tilespmem:$0xA900] =	vst v47  }
0xca: {  	[tilespmem:$0xAD00] =	vst v0  }
0xcb: {  	v0 =	vld [tilespmem:s5+$0x50];
	_ =	sdelay $0x4  }
0xcc: {  	v48 =	vand.u32 $0xFFFF, v0  }
0xcd: {  	v0 =	vshrl.u32 v0, $0x10;
	[tilespmem:$0xA910] =	vst v48  }
0xce: {  	s7 =	rddreg [dreg:$0x6];
	s8 =	simm.s32 @!p1 $0xC;
	[tilespmem:$0xAD10] =	vst v0  }
0xcf: {  	[tilespmem:s17], [sflag:$0x3] =	stream.indirect.gather [hbm4b:s4+s14], $0x80, s7, s14, $0xb8;
	[tilespmem:$0x1EC00] =	vst v63  }
0xd0: {  	_ =	swait.ge @!p1 [sflag:s8], $0x1000  }
0xd1: {  	[sflag:s8] =	ssyncset.done @!p1 $0x0  }
0xd2: {  	[sflag:s8] =	ssyncadd.s32 @!p1 $0xFFFFF000  }
0xd3: {  	v49 =	vld [tilespmem:s5+$0x60];
	_ =	sdelay $0x4  }
0xd4: {  	v50 =	vand.u32 $0xFFFF, v49  }
0xd5: {  	v0 =	vshrl.u32 v49, $0x10;
	[tilespmem:$0xA980] =	vst v50  }
0xd6: {  	[tilespmem:$0xAD80] =	vst v0  }
0xd7: {  	v0 =	vld [tilespmem:s5+$0x70];
	_ =	sdelay $0x4  }
0xd8: {  	v51 =	vand.u32 $0xFFFF, v0  }
0xd9: {  	v0 =	vshrl.u32 v0, $0x10;
	[tilespmem:$0xA990] =	vst v51  }
0xda: {  	s7 =	rddreg [dreg:$0x7];
	s8 =	simm.s32 @!p1 $0xD;
	[tilespmem:$0xAD90] =	vst v0  }
0xdb: {  	[tilespmem:s18], [sflag:$0x4] =	stream.indirect.gather [hbm4b:s4+s14], $0x80, s7, s14, $0xb8;
	[tilespmem:$0x1EC00] =	vst v63  }
0xdc: {  	_ =	swait.ge @!p1 [sflag:s8], $0x1000  }
0xdd: {  	[sflag:s8] =	ssyncset.done @!p1 $0x0  }
0xde: {  	[sflag:s8] =	ssyncadd.s32 @!p1 $0xFFFFF000  }
0xdf: {  	v52 =	vld [tilespmem:s5+$0x80];
	_ =	sdelay $0x4  }
0xe0: {  	v53 =	vand.u32 $0xFFFF, v52  }
0xe1: {  	v0 =	vshrl.u32 v52, $0x10;
	[tilespmem:$0xAA00] =	vst v53  }
0xe2: {  	[tilespmem:$0xAE00] =	vst v0  }
0xe3: {  	v0 =	vld [tilespmem:s5+$0x90];
	_ =	sdelay $0x4  }
0xe4: {  	v54 =	vand.u32 $0xFFFF, v0  }
0xe5: {  	v0 =	vshrl.u32 v0, $0x10;
	[tilespmem:$0xAA10] =	vst v54  }
0xe6: {  	s7 =	rddreg [dreg:$0x8];
	s8 =	simm.s32 @!p1 $0xE;
	[tilespmem:$0xAE10] =	vst v0  }
0xe7: {  	[tilespmem:s19], [sflag:$0x5] =	stream.indirect.gather [hbm4b:s4+s14], $0x80, s7, s14, $0xb8;
	[tilespmem:$0x1EC00] =	vst v63  }
0xe8: {  	_ =	swait.ge @!p1 [sflag:s8], $0x1000  }
0xe9: {  	[sflag:s8] =	ssyncset.done @!p1 $0x0  }
0xea: {  	[sflag:s8] =	ssyncadd.s32 @!p1 $0xFFFFF000  }
0xeb: {  	v55 =	vld [tilespmem:s5+$0xA0];
	_ =	sdelay $0x4  }
0xec: {  	v56 =	vand.u32 $0xFFFF, v55  }
0xed: {  	v0 =	vshrl.u32 v55, $0x10;
	[tilespmem:$0xAA80] =	vst v56  }
0xee: {  	[tilespmem:$0xAE80] =	vst v0  }
0xef: {  	v0 =	vld [tilespmem:s5+$0xB0];
	_ =	sdelay $0x4  }
0xf0: {  	v57 =	vand.u32 $0xFFFF, v0  }
0xf1: {  	v0 =	vshrl.u32 v0, $0x10;
	[tilespmem:$0xAA90] =	vst v57  }
0xf2: {  	s7 =	rddreg [dreg:$0x9];
	s8 =	simm.s32 @!p1 $0xF;
	[tilespmem:$0xAE90] =	vst v0  }
0xf3: {  	[tilespmem:s20], [sflag:$0x6] =	stream.indirect.gather [hbm4b:s4+s14], $0x80, s7, s14, $0xb8;
	[tilespmem:$0x1EC00] =	vst v63  }
0xf4: {  	_ =	swait.ge @!p1 [sflag:s8], $0x1000  }
0xf5: {  	[sflag:s8] =	ssyncset.done @!p1 $0x0  }
0xf6: {  	[sflag:s8] =	ssyncadd.s32 @!p1 $0xFFFFF000  }
0xf7: {  	v58 =	vld [tilespmem:s5+$0xC0];
	_ =	sdelay $0x4  }
0xf8: {  	v59 =	vand.u32 $0xFFFF, v58  }
0xf9: {  	v0 =	vshrl.u32 v58, $0x10;
	[tilespmem:$0xAB00] =	vst v59  }
0xfa: {  	[tilespmem:$0xAF00] =	vst v0  }
0xfb: {  	v0 =	vld [tilespmem:s5+$0xD0];
	_ =	sdelay $0x4  }
0xfc: {  	v60 =	vand.u32 $0xFFFF, v0  }
0xfd: {  	v0 =	vshrl.u32 v0, $0x10;
	[tilespmem:$0xAB10] =	vst v60  }
0xfe: {  	s7 =	rddreg [dreg:$0xa];
	s8 =	simm.s32 @!p1 $0x10;
	[tilespmem:$0xAF10] =	vst v0  }
0xff: {  	[tilespmem:s21], [sflag:$0x7] =	stream.indirect.gather [hbm4b:s4+s14], $0x80, s7, s14, $0xb8;
	[tilespmem:$0x1EC00] =	vst v63  }
0x100: {  	_ =	swait.ge @!p1 [sflag:s8], $0x1000  }
0x101: {  	[sflag:s8] =	ssyncset.done @!p1 $0x0  }
0x102: {  	[sflag:s8] =	ssyncadd.s32 @!p1 $0xFFFFF000  }
0x103: {  	v61 =	vld [tilespmem:s5+$0xE0];
	_ =	sdelay $0x4  }
0x104: {  	v62 =	vand.u32 $0xFFFF, v61  }
0x105: {  	v0 =	vshrl.u32 v61, $0x10;
	[tilespmem:$0xAB80] =	vst v62  }
0x106: {  	[tilespmem:$0xAF80] =	vst v0  }
0x107: {  	v0 =	vld [tilespmem:s5+$0xF0];
	_ =	sdelay $0x4  }
0x108: {  	v63 =	vand.u32 $0xFFFF, v0  }
0x109: {  	v0 =	vshrl.u32 v0, $0x10;
	[tilespmem:$0xAB90] =	vst v63  }
0x10a: {  	s8 =	rddreg [dreg:$0xb];
	[tilespmem:$0xAF90] =	vst v0  }
0x10b: {  	[tilespmem:s22], [sflag:$0x8] =	stream.indirect.gather [hbm4b:s4+s14], $0x80, s8, s14, $0xb8;
	[tilespmem:$0x1EC00] =	vst v63  }
0x10c: {  	_ =	swait.ge [sflag:s12], $0x1000  }
0x10d: {  	[sflag:s12] =	ssyncset.done $0x0  }
0x10e: {  	s7 =	rddreg [dreg:$0xc];
	[sflag:s12] =	ssyncadd.s32 $0xFFFFF000  }
0x10f: {  	[spmem:s2] =	stream.indirect.scatter.add.f32 [tilespmem:s15], [sflag:$0x9], $0x80, s7, s14, $0xb8;
	[tilespmem:$0x1EC00] =	vst v63  }
0x110: {  	_ =	swait.ge [sflag:s23], $0x1000  }
0x111: {  	[sflag:s23] =	ssyncset.done $0x0  }
0x112: {  	s8 =	rddreg [dreg:$0xd];
	[sflag:s23] =	ssyncadd.s32 $0xFFFFF000  }
0x113: {  	[spmem:s2] =	stream.indirect.scatter.add.f32 [tilespmem:s16], [sflag:$0xA], $0x80, s8, s14, $0xb8;
	[tilespmem:$0x1EC00] =	vst v63  }
0x114: {  	_ =	swait.ge [sflag:s24], $0x1000  }
0x115: {  	s3 =	sadd.s32 $0x400, s3;
	[sflag:s24] =	ssyncset.done $0x0  }
0x116: {  	p0 =	sne.s32 s3, $0xA000;
	s7 =	rddreg [dreg:$0xe];
	[sflag:s24] =	ssyncadd.s32 $0xFFFFF000  }
0x117: {  	[spmem:s2] =	stream.indirect.scatter.add.f32 [tilespmem:s17], [sflag:$0xB], $0x80, s7, s14, $0xb8;
	[tilespmem:$0x1EC00] =	vst v63  }
.Ltmp0:
0x118: {  	_ = 	snop;
	(pc) =	sbr.rel @p0 .LBB2_2-.Ltmp0, $4  }
0x119: {  	_ =	swait.ge [sflag:s25], $0x1000  }
0x11a: {  	[sflag:s25] =	ssyncset.done $0x0  }
0x11b: {  	s8 =	rddreg [dreg:$0xf];
	[sflag:s25] =	ssyncadd.s32 $0xFFFFF000  }
0x11c: {  	[spmem:s2] =	stream.indirect.scatter.add.f32 [tilespmem:s18], [sflag:$0xC], $0x80, s8, s14, $0xb8;
	[tilespmem:$0x1EC00] =	vst v63  }
0x11d: {  	_ =	swait.ge [sflag:s26], $0x1000  }
0x11e: {  	[sflag:s26] =	ssyncset.done $0x0  }
0x11f: {  	s3 =	rddreg [dreg:$0x10];
	[sflag:s26] =	ssyncadd.s32 $0xFFFFF000  }
0x120: {  	[spmem:s2] =	stream.indirect.scatter.add.f32 [tilespmem:s19], [sflag:$0xD], $0x80, s3, s14, $0xb8;
	[tilespmem:$0x1EC00] =	vst v63  }
0x121: {  	_ =	swait.ge [sflag:s28], $0x1000  }
0x122: {  	[sflag:s28] =	ssyncset.done $0x0  }
0x123: {  	s7 =	rddreg [dreg:$0x11];
	[sflag:s28] =	ssyncadd.s32 $0xFFFFF000  }
0x124: {  	[spmem:s2] =	stream.indirect.scatter.add.f32 [tilespmem:s20], [sflag:$0xE], $0x80, s7, s14, $0xb8;
	[tilespmem:$0x1EC00] =	vst v63  }
0x125: {  	_ =	swait.ge [sflag:s29], $0x1000  }
0x126: {  	[sflag:s29] =	ssyncset.done $0x0  }
0x127: {  	[sflag:s29] =	ssyncadd.s32 $0xFFFFF000  }
0x128: {  	[spmem:s2] =	stream.indirect.scatter.add.f32 [tilespmem:s21], [sflag:$0xF], $0x80, s30, s14, $0xb8;
	[tilespmem:$0x1EC00] =	vst v63  }
0x129: {  	_ =	swait.ge [sflag:s31], $0x1000  }
0x12a: {  	[sflag:s31] =	ssyncset.done $0x0  }
0x12b: {  	[sflag:s31] =	ssyncadd.s32 $0xFFFFF000  }
0x12c: {  	[spmem:s2] =	stream.indirect.scatter.add.f32 [tilespmem:s22], [sflag:$0x10], $0x80, s0, s14, $0xb8;
	[tilespmem:$0x1EC00] =	vst v63  }
0x12d: {  	_ =	swait.ge [sflag:s13], $0x1000  }
0x12e: {  	[sflag:s13] =	ssyncset.done $0x0  }
0x12f: {  	s8 =	simm.s32 $0xA;
	[sflag:s13] =	ssyncadd.s32 $0xFFFFF000  }
0x130: {  	_ =	swait.ge [sflag:s8], $0x1000  }
0x131: {  	[sflag:s8] =	ssyncset.done $0x0  }
0x132: {  	s5 =	simm.s32 $0xB;
	[sflag:s8] =	ssyncadd.s32 $0xFFFFF000  }
0x133: {  	_ =	swait.ge [sflag:s5], $0x1000  }
0x134: {  	[sflag:s5] =	ssyncset.done $0x0  }
0x135: {  	s7 =	simm.s32 $0xC;
	[sflag:s5] =	ssyncadd.s32 $0xFFFFF000  }
0x136: {  	_ =	swait.ge [sflag:s7], $0x1000  }
0x137: {  	[sflag:s7] =	ssyncset.done $0x0  }
0x138: {  	s8 =	simm.s32 $0xD;
	[sflag:s7] =	ssyncadd.s32 $0xFFFFF000  }
0x139: {  	_ =	swait.ge [sflag:s8], $0x1000  }
0x13a: {  	[sflag:s8] =	ssyncset.done $0x0  }
0x13b: {  	s5 =	simm.s32 $0xE;
	[sflag:s8] =	ssyncadd.s32 $0xFFFFF000  }
0x13c: {  	_ =	swait.ge [sflag:s5], $0x1000  }
0x13d: {  	[sflag:s5] =	ssyncset.done $0x0  }
0x13e: {  	[sflag:s5] =	ssyncadd.s32 $0xFFFFF000  }
0x13f: {  	_ =	swait.ge [sflag:s9], $0x1000  }
0x140: {  	[sflag:s9] =	ssyncset.done $0x0  }
0x141: {  	[sflag:s9] =	ssyncadd.s32 $0xFFFFF000  }
0x142: {  	_ =	swait.ge [sflag:s10], $0x1000  }
0x143: {  	[sflag:s10] =	ssyncset.done $0x0  }
0x144: {  	[sflag:s10] =	ssyncadd.s32 $0xFFFFF000  }
0x145: {  	[bflag:$0x0] =	sbarrier.arrive $0xFFFF  }
0x146: {  	s7 =	rddreg [dreg:$0x13]  }
0x147: {  	s5 =	rddreg [dreg:$0x16];
	s3 =	sor.u32 $0x1C11, s7  }
0x148: {  	[hbm:s5], [sflag:s3] =	dma.local [spmem:s11], $0x2780  }
0x149: {  	_ =	swait.ge [sflag:s6], $0x2780  }
0x14a: {  	s1 =	sadd.s32 $0x1, s1;
	s8 =	rddreg [dreg:$0x17]  }
0x14b: {  	p0 =	sne.s32 s1, s8  }
.Ltmp1:
0x14c: {  	_ = 	snop;
	(pc) =	sbr.rel @p0 .LBB2_1-.Ltmp1, $3  }
0x14d: {  	_ =	sdelay $0x1  }
0x14e: {  	[sflag:s6] =	ssyncset.done $0x0  }
0x14f: {  	[sflag:s6] =	ssyncadd.s32 $0xFFFFD880  }
0x150: {  	_ =	sfence.sel $0x180000  }
0x151: {  	[bflag:$0x0] =	sbarrier.arrive $0xFFFF  }
0x152: {  	_ =	strace $0x9000004A  }
0x153: {  	s0 =	stileid.u32;
	[bflag:$0x2] =	sbarrier.arrive $0xFFFF  }
0x154: {  	p0 =	sne.s32 s0, $0x0;
	s0 =	rddreg [dreg:$0x3]  }
0x155: {  	s0 =	sadd.s32 @!p0 $0x100000, s0  }
0x156: {  	[sflag:s0] =	ssyncadd.tile.s32 @!p0 $0x1;
	_ =	shalt  }
.Lfunc_end2:
_tile_overlayer_lowered:
.L_overlay_start_2:
0x157: {  	(tag) =	ssettag $0x2  }
0x158: {  	s0 =	rddreg [dreg:$0x0];
	s2 =	stileid.u32  }
0x159: {  	s1 =	rddreg [dreg:$0x1];
	p0 =	sne.s32 s2, $0x0  }
0x15a: {  	s3 =	rddreg [dreg:$0x2];
	[bflag:$0x3] =	sbarrier.arrive $0xFFFF;
	s2 =	simm.s32 @!p0 $0x1C11  }
0x15b: {  	[timem:s3], [sflag:s2] =	dma.local @!p0 [hbm:s0], s1  }
0x15c: {  	s0 =	simm.s32 @!p0 $0x11  }
0x15d: {  	_ =	swait.ge @!p0 [sflag:s0], s1  }
0x15e: {  	s1 =	ssub.s32 @!p0 $0x0, s1;
	[sflag:s0] =	ssyncset.done @!p0 $0x0  }
0x15f: {  	[sflag:s0] =	ssyncadd.s32 @!p0 s1  }
0x160: {  	[bflag:$0x3] =	sbarrier.arrive $0xFFFF  }
0x161: {  	_ =	shalt  }

// kernel: kernel.16.cloned.1.call-start
scs
__scs_entry_jumppad:
0x0: {  	(pc) =	sbr.rel $0x88, $3  }
0x1: {  	(tag) =	ssettag $0x0;
	lr =	simm.s32 $0x1  }
0x2: {  	[smem:$0x3F99] =	sst lr;
	_ =	strace $0xD0000000  }
0x3: {  	_ = 	snop  }
0x4: {  	_ = 	snop  }
0x5: {  	_ = 	snop  }
0x6: {  	_ = 	snop  }
0x7: {  	_ = 	snop  }
__scs_overlays_trampoline_lowered:
0x8: {  	[smem:$0x3FA8] =	sst s0  }
0x9: {  	[smem:$0x3FA9] =	sst s1  }
0xa: {  	[smem:$0x3FAA] =	sst s2  }
0xb: {  	[smem:$0x3FAB] =	sst s3  }
0xc: {  	[smem:$0x3FAC] =	sst s4  }
0xd: {  	[smem:$0x3FAD] =	sst s5  }
0xe: {  	[smem:$0x3FAE] =	sst s6  }
0xf: {  	[smem:$0x3FAF] =	sst s7  }
0x10: {  	[smem:$0x3FB0] =	sst s8  }
0x11: {  	[smem:$0x3FB1] =	sst s9;
	s0 =	simm.s32 @!p0 $0x0  }
0x12: {  	s1 =	sld [smem:$0x3F97];
	s0 =	simm.s32 @p0 $0x1  }
0x13: {  	[smem:$0x3FB2] =	sst s0;
	s0 =	simm.s32 @!p1 $0x0  }
0x14: {  	s2 =	sld [smem:$0x3F96];
	s0 =	simm.s32 @p1 $0x1  }
0x15: {  	[smem:$0x3FB3] =	sst s0;
	s0 =	simm.s32 @!p2 $0x0  }
0x16: {  	s3 =	sld [smem:$0x3FDB];
	s0 =	simm.s32 @p2 $0x1  }
0x17: {  	s4 =	simm.s32 $0x1BF5;
	[smem:$0x3FB5] =	sst s0  }
0x18: {  	s0 =	sld [smem:$0x3F98];
	_ =	swait.ge [sflag:s4], $0x0  }
0x19: {  	s7 =	sld [smem:$0x3F99]  }
0x1a: {  	s8 =	sadd.s32 $0xFFFFE003, lr  }
0x1b: {  	s9 =	sadd.s32 $0xFFFFFEF7, lr;
	s5 =	simm.s32 $0xFFFFFFFF;
	p2 =	slt.u32 s8, $0xFFFFF086  }
0x1c: {  	p1 =	slt.u32 s9, $0xF7A;
	s5 =	simm.s32 @!p2 $0x0  }
0x1d: {  	s5 =	simm.s32 @p1 $0x1;
	p0 =	seq.s32 s7, s2  }
0x1e: {  	s7 =	smul.u32 @!p0 $0xF7A, s2;
	p2 =	seq.s32 @!p0 s5, $0x0  }
0x1f: {  	s9 =	smul.u32 $0xF7A, s1;
	s8 =	simm.s32 @!p0 $0x1BF5;
	p2 =	por !p2, p0  }
0x20: {  	[sflag:s8] =	ssyncset.s32 @!p0 $0xFFFFF086;
	s6 =	sadd.s32 @!p0 s3, s7;
	s7 =	simm.s32 @!p0 $0x108  }
0x21: {  	s3 =	sadd.s32 s3, s9;
	s6 =	sadd.s32 @!p0 $0x88, s6;
	s7 =	simm.s32 @p2 $0x1082  }
0x22: {  	[simem:s7], [sflag:s8] =	dma.local @!p0 [hbm:s6], $0xF7A  }
0x23: {  	s9 =	sor.u32 $0xD0000000, s2;
	s6 =	simm.s32 $0x108;
	_ =	swait.ge @!p0 [sflag:s8], $0x0  }
0x24: {  	s3 =	sadd.s32 $0x88, s3;
	s6 =	simm.s32 @!p1 $0x1082;
	[sflag:s4] =	ssyncset.s32 $0xFFFFF086  }
0x25: {  	[simem:s6], [sflag:s4] =	dma.local [hbm:s3], $0xF7A  }
0x26: {  	[smem:$0x3F99] =	sst s1;
	(tag) =	ssettag s2;
	_ =	strace s9  }
0x27: {  	s1 =	sld [smem:$0x3FA9]  }
0x28: {  	s2 =	sld [smem:$0x3FAA]  }
0x29: {  	s4 =	sld [smem:$0x3FAC]  }
0x2a: {  	p0 =	seq.s32 s5, $0x0;
	s5 =	sld [smem:$0x3FAD]  }
0x2b: {  	s6 =	sld [smem:$0x3FAE]  }
0x2c: {  	s7 =	sld [smem:$0x3FAF]  }
0x2d: {  	s3 =	simm.s32 $0x108;
	s8 =	sld [smem:$0x3FB0]  }
0x2e: {  	s3 =	simm.s32 @!p0 $0x1082;
	s9 =	sld [smem:$0x3FB1]  }
0x2f: {  	lr =	sadd.s32 s0, s3;
	s0 =	sld [smem:$0x3FA8]  }
0x30: {  	s3 =	sld [smem:$0x3FAB]  }
0x31: {  	[smem:$0x3FB4] =	sst s10  }
0x32: {  	s10 =	sld [smem:$0x3FB2];
	_ =	sdelay $0x3  }
0x33: {  	p0 =	seq.s32 s10, $0x1;
	s10 =	sld [smem:$0x3FB4];
	_ =	sdelay $0x3  }
0x34: {  	[smem:$0x3FB4] =	sst s10  }
0x35: {  	s10 =	sld [smem:$0x3FB3];
	_ =	sdelay $0x3  }
0x36: {  	p1 =	seq.s32 s10, $0x1;
	s10 =	sld [smem:$0x3FB4];
	_ =	sdelay $0x3  }
0x37: {  	[smem:$0x3FB4] =	sst s10  }
0x38: {  	s10 =	sld [smem:$0x3FB5]  }
0x39: {  	_ = 	snop;
	(pc) =	sbr.ind lr, $3  }
0x3a: {  	_ = 	snop  }
0x3b: {  	_ = 	snop  }
0x3c: {  	p2 =	seq.s32 s10, $0x1;
	s10 =	sld [smem:$0x3FB4]  }
0x3d: {  	_ =	shalt  }
0x3e: {  	_ =	shalt  }
0x3f: {  	_ =	shalt  }
0x40: {  	_ =	shalt  }
0x41: {  	_ =	shalt  }
0x42: {  	_ =	shalt  }
0x43: {  	_ =	shalt  }
0x44: {  	_ =	shalt  }
0x45: {  	_ =	shalt  }
0x46: {  	_ =	shalt  }
0x47: {  	_ =	shalt  }
0x48: {  	_ =	shalt  }
0x49: {  	_ =	shalt  }
0x4a: {  	_ =	shalt  }
0x4b: {  	_ =	shalt  }
0x4c: {  	_ =	shalt  }
0x4d: {  	_ =	shalt  }
0x4e: {  	_ =	shalt  }
0x4f: {  	_ =	shalt  }
0x50: {  	_ =	shalt  }
0x51: {  	_ =	shalt  }
0x52: {  	_ =	shalt  }
0x53: {  	_ =	shalt  }
0x54: {  	_ =	shalt  }
0x55: {  	_ =	shalt  }
0x56: {  	_ =	shalt  }
0x57: {  	_ =	shalt  }
0x58: {  	_ =	shalt  }
0x59: {  	_ =	shalt  }
0x5a: {  	_ =	shalt  }
0x5b: {  	_ =	shalt  }
0x5c: {  	_ =	shalt  }
0x5d: {  	_ =	shalt  }
0x5e: {  	_ =	shalt  }
0x5f: {  	_ =	shalt  }
0x60: {  	_ =	shalt  }
0x61: {  	_ =	shalt  }
0x62: {  	_ =	shalt  }
0x63: {  	_ =	shalt  }
0x64: {  	_ =	shalt  }
0x65: {  	_ =	shalt  }
0x66: {  	_ =	shalt  }
0x67: {  	_ =	shalt  }
0x68: {  	_ =	shalt  }
0x69: {  	_ =	shalt  }
0x6a: {  	_ =	shalt  }
0x6b: {  	_ =	shalt  }
0x6c: {  	_ =	shalt  }
0x6d: {  	_ =	shalt  }
0x6e: {  	_ =	shalt  }
0x6f: {  	_ =	shalt  }
0x70: {  	_ =	shalt  }
0x71: {  	_ =	shalt  }
0x72: {  	_ =	shalt  }
0x73: {  	_ =	shalt  }
0x74: {  	_ =	shalt  }
0x75: {  	_ =	shalt  }
0x76: {  	_ =	shalt  }
0x77: {  	_ =	shalt  }
0x78: {  	_ =	shalt  }
0x79: {  	_ =	shalt  }
0x7a: {  	_ =	shalt  }
0x7b: {  	_ =	shalt  }
0x7c: {  	_ =	shalt  }
0x7d: {  	_ =	shalt  }
0x7e: {  	_ =	shalt  }
0x7f: {  	_ =	shalt  }
0x80: {  	_ =	shalt  }
0x81: {  	_ =	shalt  }
0x82: {  	_ =	shalt  }
0x83: {  	_ =	shalt  }
0x84: {  	_ =	shalt  }
0x85: {  	_ =	shalt  }
0x86: {  	_ =	shalt  }
0x87: {  	_ =	shalt  }
.Lfunc_end0:
.L_simem_size_0:
called_computation.2_lowered:
.L_overlay_start_0:
0x88: {  	s2 =	sld [smem:$0x3FD9]  }
0x89: {  	s3 =	sld [smem:$0x3FFE];
	_ =	sdelay $0x1  }
0x8a: {  	s1 =	srdreg.scid  }
0x8b: {  	s0 =	sand.u32 $0x1, s1  }
0x8c: {  	s17 =	sshll.u32 s0, $0xA;
	s2 =	sadd.s32 s3, s2  }
0x8d: {  	s2 =	sadd.s32 s2, s17  }
0x8e: {  	[smem:$0x3FC0] =	sst s2  }
0x8f: {  	_ = 	snop  }
0x90: {  	s2 =	sld [smem:$0x3FD0];
	(tm) =	ssettm $0x1  }
0x91: {  	s18 =	sld [smem:$0x3FFB];
	_ =	sdelay $0x3  }
0x92: {  	_ =	strace s18  }
0x93: {  	s3 =	sld [smem:$0x3FFC];
	_ =	sdelay $0x3  }
0x94: {  	_ =	strace s3  }
0x95: {  	s3 =	sld [smem:$0x3FFD];
	_ =	sdelay $0x3  }
0x96: {  	_ =	strace s3  }
0x97: {  	_ =	strace $0x8FFFFFFF  }
0x98: {  	s19 =	sld [smem:$0x3FDB];
	_ =	sdelay $0x1  }
0x99: {  	s4 =	simm.s32 $_scs_section_size  }
0x9a: {  	s5 =	simm.s32 $_size__tile_overlayer_lowered;
	s6 =	simm.s32 $_tile_overlayer_lowered  }
0x9b: {  	s22 =	simm.s32 $0x1BFF;
	s21 =	sshll.u32 s6, $0x1;
	s3 =	sadd.s32 s4, s19  }
0x9c: {  	s7 =	simm.s32 $0x0;
	s20 =	sshll.u32 s5, $0x1;
	s5 =	sadd.s32 s21, s3  }
0x9d: {  	[timem:s7], [sflag:s22] =	dma.local [hbm:s5], s20  }
0x9e: {  	_ =	swait.ge [sflag:s22], s20  }
0x9f: {  	s4 =	ssub.s32 $0x0, s20;
	[sflag:s22] =	ssyncset.done $0x0  }
0xa0: {  	[sflag:s22] =	ssyncadd.s32 s4;
	_ =	sdelay $0x1  }
0xa1: {  	s23 =	simm.s32 $0x1B8B  }
0xa2: {  	_ =	swait.ge [sflag:s23], $0x1  }
0xa3: {  	[sflag:s23] =	ssyncset.done $0x0  }
0xa4: {  	s25 =	simm.s32 $0x1B8E;
	s24 =	sld [smem:$0x3FFE];
	[sflag:s23] =	ssyncadd.s32 $0xFFFFFFFF  }
0xa5: {  	s26 =	simm.s32 $execute0_lowered;
	[smem:$0x3FD2] =	sst s25  }
0xa6: {  	s5 =	sshll.u32 s26, $0x1;
	_ =	strace $0x8000004C;
	[dreg:$0x1] =	wrdreg $0xFFFFFFFF  }
0xa7: {  	s28 =	simm.s32 $_size_execute0_lowered;
	s3 =	sadd.s32 s3, s5;
	[dreg:$0x0] =	wrdreg $0x0  }
0xa8: {  	s5 =	sshll.u32 s28, $0x1;
	[dreg:$0x2] =	wrdreg s3  }
0xa9: {  	[dreg:$0x3] =	wrdreg s5  }
0xaa: {  	[dreg:$0x4] =	wrdreg $0xC0  }
0xab: {  	_ =	task [dreg:s7], $0x5FFFF  }
0xac: {  	[dreg:$0x1] =	wrdreg $0xFFFFFFFF  }
0xad: {  	[dreg:$0x0] =	wrdreg $0x60  }
0xae: {  	[dreg:$0x2] =	wrdreg s24  }
0xaf: {  	[dreg:$0x3] =	wrdreg s2  }
0xb0: {  	[dreg:$0x4] =	wrdreg $0xB0000  }
0xb1: {  	[dreg:$0x5] =	wrdreg $0x9  }
0xb2: {  	_ =	task.clear_ibuf [dreg:s7], $0x6FFFF;
	_ =	strace $0x9000004C  }
0xb3: {  	s29 =	simm.s32 $0x9;
	_ =	strace $0x8000004E  }
0xb4: {  	_ =	swait.ge [sflag:s29], $0x1  }
0xb5: {  	[sflag:s29] =	ssyncadd.s32 $0xFFFFFFFF  }
0xb6: {  	_ =	strace $0x9000004E  }
0xb7: {  	_ =	sfence  }
0xb8: {  	s30 =	sld [smem:$0x0];
	_ =	sdelay $0x2  }
0xb9: {  	s31 =	sshll.u32 s1, $0xD;
	s1 =	sshrl.u32 s1, $0x2  }
0xba: {  	s3 =	sand.u32 $0x4000, s31;
	s1 =	sadd.s32 s1, s30  }
0xbb: {  	s0 =	sor.u32 s3, s0;
	s1 =	sshll.u32 s1, $0x11  }
0xbc: {  	s0 =	sor.u32 s1, s0  }
0xbd: {  	s0 =	sadd.s32 $0x8F2B, s0  }
0xbe: {  	[sflag:s0] =	ssyncadd.remote.s32 $0x1  }
0xbf: {  	_ =	sfence.sel $0xFFFF  }
0xc0: {  	[dreg:$0x0] =	wrdreg $0xFFFFFFFF;
	(pc) =	sbr.abs _section_cstart, $3  }
0xc1: {  	[dreg:$0x1] =	wrdreg $0xFFFFFFFF  }
0xc2: {  	_ =	task.clear_ibuf [dreg:s7], $0x2FFFF;
	_ =	strace $0x9FFFFFFF  }
0xc3: {  	(tm) =	ssettm $0x7FFFFFFF  }
tec
execute0_lowered:
.L_overlay_start_1:
0x0: {  	(tag) =	ssettag $0x1  }
0x1: {  	s0 =	rddreg [dreg:$0x0]  }
0x2: {  	s1 =	rddreg [dreg:$0x1]  }
0x3: {  	s2 =	rddreg [dreg:$0x2];
	s3 =	simm.s32 $0x0;
	s10 =	stileid.u32  }
0x4: {  	s8 =	srdreg.scid;
	s13 =	simm.s32 $0xA800;
	s14 =	simm.s32 $0xA880  }
0x5: {  	s15 =	simm.s32 $0xA900;
	s16 =	simm.s32 $0xA980;
	s17 =	simm.s32 $0xAA00  }
0x6: {  	s18 =	simm.s32 $0xAA80;
	s19 =	simm.s32 $0xAB00;
	s20 =	simm.s32 $0xAB80  }
0x7: {  	s21 =	simm.s32 $0xAC00;
	[smem:$0x7FF] =	sst s3;
	s5 =	smul.u32 $0x2780, s10  }
0x8: {  	s4 =	sshll.u32 s10, $0x1;
	s9 =	smul.u32 $0x4F000, s10;
	s10 =	sshll.u32 s10, $0x6  }
0x9: {  	s22 =	simm.s32 $0xAC80;
	_ =	strace $0x8000004D;
	[dreg:$0x13] =	wrdreg s10  }
0xa: {  	s23 =	simm.s32 $0xAD00;
	s24 =	simm.s32 $0xAD80;
	[dreg:$0x4] =	wrdreg s13  }
0xb: {  	s25 =	simm.s32 $0xAE00;
	s26 =	simm.s32 $0xAE80;
	[dreg:$0x5] =	wrdreg s14  }
0xc: {  	s28 =	simm.s32 $0x6;
	s29 =	simm.s32 $0x7;
	[dreg:$0x6] =	wrdreg s15  }
0xd: {  	s30 =	simm.s32 $0xAF00;
	s3 =	sand.u32 $0x1, s8;
	[dreg:$0x7] =	wrdreg s16  }
0xe: {  	s31 =	simm.s32 $0x8;
	s6 =	smul.u32 $0x27800, s3;
	[dreg:$0x8] =	wrdreg s17  }
0xf: {  	s7 =	sor.u32 s3, s4;
	s4 =	sadd.s32 $0x3C00, s0;
	[dreg:$0x9] =	wrdreg s18  }
0x10: {  	s3 =	ssub.s32 $0x2, s3;
	s11 =	sor.u32 $0x1C09, s10;
	[dreg:$0xa] =	wrdreg s19  }
0x11: {  	s13 =	simm.s32 $0x9;
	s14 =	simm.s32 $0x20;
	[dreg:$0xb] =	wrdreg s20  }
0x12: {  	s15 =	simm.s32 $0x2800;
	s16 =	simm.s32 $0x3800;
	[dreg:$0xc] =	wrdreg s21  }
0x13: {  	s17 =	simm.s32 $0x4800;
	s18 =	simm.s32 $0x5800;
	[dreg:$0xd] =	wrdreg s22  }
0x14: {  	s19 =	simm.s32 $0x6800;
	s20 =	simm.s32 $0x7800;
	[dreg:$0xe] =	wrdreg s23  }
0x15: {  	s21 =	simm.s32 $0x8800;
	s22 =	simm.s32 $0x9800;
	[dreg:$0xf] =	wrdreg s24  }
0x16: {  	s23 =	simm.s32 $0x2;
	[dreg:$0x10] =	wrdreg s25;
	s24 =	simm.s32 $0x3  }
0x17: {  	[dreg:$0x11] =	wrdreg s26;
	s25 =	simm.s32 $0x4;
	s26 =	simm.s32 $0x5  }
0x18: {  	s10 =	simm.s32 $0x10;
	s7 =	smul.u32 $0x500, s7;
	s8 =	sshrl.u32 s3, $0x1  }
0x19: {  	s9 =	sshrl.u32 s9, $0x2;
	[dreg:$0x15] =	wrdreg s11;
	s6 =	sadd.s32 s5, s6  }
0x1a: {  	s5 =	sadd.s32 s5, s0;
	s3 =	ssub.s32 s3, s8;
	s1 =	sadd.s32 s1, s7  }
0x1b: {  	s0 =	sadd.s32 s6, s0;
	s5 =	sadd.s32 $0x2B400, s5;
	[dreg:$0x12] =	wrdreg s1  }
0x1c: {  	s12 =	smax.u32 s3, $0x1;
	s6 =	simm.s32 $0x11;
	[dreg:$0x14] =	wrdreg s5  }
0x1d: {  	s1 =	sadd.s32 s9, s2;
	s0 =	sadd.s32 $0x52C00, s0;
	[dreg:$0x17] =	wrdreg s12  }
0x1e: {  	s12 =	simm.s32 $0x1;
	s9 =	simm.s32 $0xF;
	[dreg:$0x16] =	wrdreg s0  }
0x1f: {  	s11 =	sshrl.u32 s1, $0x3;
	s0 =	simm.s32 $0xAF80;
	s1 =	simm.s32 $0x0  }
.LBB2_1:
0x20: {  	s5 =	rddreg [dreg:$0x12]  }
0x21: {  	s3 =	simm.s32 $0x0;
	s7 =	rddreg [dreg:$0x15]  }
0x22: {  	[tilespmem:s3], [sflag:$0x1] =	stream.linear.gather [hbm4b:s5+s3], $0x2800, $0x38;
	[tilespmem:$0x1EC00] =	vst v63  }
0x23: {  	s5 =	rddreg [dreg:$0x14]  }
0x24: {  	[spmem:s11], [sflag:s7] =	dma.local [hbm:s5], $0x2780  }
0x25: {  	_ =	swait.ge [sflag:s12], $0x2800  }
0x26: {  	[sflag:s12] =	ssyncset.done $0x0  }
0x27: {  	[sflag:s12] =	ssyncadd.s32 $0xFFFFD800  }
0x28: {  	_ =	swait.ge [sflag:s13], $0x2780  }
0x29: {  	[sflag:s13] =	ssyncset.done $0x0  }
0x2a: {  	p0 =	por $0x1, $0x1;
	[sflag:s13] =	ssyncadd.s32 $0xFFFFD880  }
0x2b: {  	s3 =	simm.s32 @!p0 $0x9;
	[bflag:$0x0] =	sbarrier.arrive $0xFFFF  }
0x2c: {  	_ =	swait.ge @!p0 [sflag:s3], $0x1000  }
0x2d: {  	[sflag:s3] =	ssyncset.done @!p0 $0x0  }
0x2e: {  	[sflag:s3] =	ssyncadd.s32 @!p0 $0xFFFFF000;
	s3 =	simm.s32 $0x0  }
0x2f: {  	v0 =	vld [tilespmem:s3+$0x0];
	_ =	sdelay $0x4  }
0x30: {  	v1 =	vand.u32 $0xFFFF, v0  }
0x31: {  	v0 =	vshrl.u32 v0, $0x10;
	[tilespmem:$0xA800] =	vst v1  }
0x32: {  	[tilespmem:$0xAC00] =	vst v0  }
0x33: {  	v0 =	vld [tilespmem:s3+$0x10];
	_ =	sdelay $0x4  }
0x34: {  	v42 =	vand.u32 $0xFFFF, v0  }
0x35: {  	v0 =	vshrl.u32 v0, $0x10;
	[tilespmem:$0xA810] =	vst v42  }
0x36: {  	s7 =	simm.s32 @!p0 $0xA;
	s8 =	rddreg [dreg:$0x4];
	[tilespmem:$0xAC10] =	vst v0  }
0x37: {  	[tilespmem:s15], [sflag:$0x1] =	stream.indirect.gather [hbm4b:s4+s14], $0x80, s8, s14, $0xb8;
	[tilespmem:$0x1EC00] =	vst v63  }
0x38: {  	_ =	swait.ge @!p0 [sflag:s7], $0x1000  }
0x39: {  	[sflag:s7] =	ssyncset.done @!p0 $0x0  }
0x3a: {  	[sflag:s7] =	ssyncadd.s32 @!p0 $0xFFFFF000  }
0x3b: {  	v43 =	vld [tilespmem:s3+$0x20];
	_ =	sdelay $0x4  }
0x3c: {  	v44 =	vand.u32 $0xFFFF, v43  }
0x3d: {  	v0 =	vshrl.u32 v43, $0x10;
	[tilespmem:$0xA880] =	vst v44  }
0x3e: {  	[tilespmem:$0xAC80] =	vst v0  }
0x3f: {  	v0 =	vld [tilespmem:s3+$0x30];
	_ =	sdelay $0x4  }
0x40: {  	v45 =	vand.u32 $0xFFFF, v0  }
0x41: {  	v0 =	vshrl.u32 v0, $0x10;
	[tilespmem:$0xA890] =	vst v45  }
0x42: {  	s8 =	rddreg [dreg:$0x5];
	s7 =	simm.s32 @!p0 $0xB;
	[tilespmem:$0xAC90] =	vst v0  }
0x43: {  	[tilespmem:s16], [sflag:$0x2] =	stream.indirect.gather [hbm4b:s4+s14], $0x80, s8, s14, $0xb8;
	[tilespmem:$0x1EC00] =	vst v63  }
0x44: {  	_ =	swait.ge @!p0 [sflag:s7], $0x1000  }
0x45: {  	[sflag:s7] =	ssyncset.done @!p0 $0x0  }
0x46: {  	[sflag:s7] =	ssyncadd.s32 @!p0 $0xFFFFF000  }
0x47: {  	v46 =	vld [tilespmem:s3+$0x40];
	_ =	sdelay $0x4  }
0x48: {  	v47 =	vand.u32 $0xFFFF, v46  }
0x49: {  	v0 =	vshrl.u32 v46, $0x10;
	[tilespmem:$0xA900] =	vst v47  }
0x4a: {  	[tilespmem:$0xAD00] =	vst v0  }
0x4b: {  	v0 =	vld [tilespmem:s3+$0x50];
	_ =	sdelay $0x4  }
0x4c: {  	v48 =	vand.u32 $0xFFFF, v0  }
0x4d: {  	v0 =	vshrl.u32 v0, $0x10;
	[tilespmem:$0xA910] =	vst v48  }
0x4e: {  	s8 =	rddreg [dreg:$0x6];
	s7 =	simm.s32 @!p0 $0xC;
	[tilespmem:$0xAD10] =	vst v0  }
0x4f: {  	[tilespmem:s17], [sflag:$0x3] =	stream.indirect.gather [hbm4b:s4+s14], $0x80, s8, s14, $0xb8;
	[tilespmem:$0x1EC00] =	vst v63  }
0x50: {  	_ =	swait.ge @!p0 [sflag:s7], $0x1000  }
0x51: {  	[sflag:s7] =	ssyncset.done @!p0 $0x0  }
0x52: {  	[sflag:s7] =	ssyncadd.s32 @!p0 $0xFFFFF000  }
0x53: {  	v49 =	vld [tilespmem:s3+$0x60];
	_ =	sdelay $0x4  }
0x54: {  	v50 =	vand.u32 $0xFFFF, v49  }
0x55: {  	v0 =	vshrl.u32 v49, $0x10;
	[tilespmem:$0xA980] =	vst v50  }
0x56: {  	[tilespmem:$0xAD80] =	vst v0  }
0x57: {  	v0 =	vld [tilespmem:s3+$0x70];
	_ =	sdelay $0x4  }
0x58: {  	v51 =	vand.u32 $0xFFFF, v0  }
0x59: {  	v0 =	vshrl.u32 v0, $0x10;
	[tilespmem:$0xA990] =	vst v51  }
0x5a: {  	s8 =	rddreg [dreg:$0x7];
	s7 =	simm.s32 @!p0 $0xD;
	[tilespmem:$0xAD90] =	vst v0  }
0x5b: {  	[tilespmem:s18], [sflag:$0x4] =	stream.indirect.gather [hbm4b:s4+s14], $0x80, s8, s14, $0xb8;
	[tilespmem:$0x1EC00] =	vst v63  }
0x5c: {  	_ =	swait.ge @!p0 [sflag:s7], $0x1000  }
0x5d: {  	[sflag:s7] =	ssyncset.done @!p0 $0x0  }
0x5e: {  	[sflag:s7] =	ssyncadd.s32 @!p0 $0xFFFFF000  }
0x5f: {  	v52 =	vld [tilespmem:s3+$0x80];
	_ =	sdelay $0x4  }
0x60: {  	v53 =	vand.u32 $0xFFFF, v52  }
0x61: {  	v0 =	vshrl.u32 v52, $0x10;
	[tilespmem:$0xAA00] =	vst v53  }
0x62: {  	[tilespmem:$0xAE00] =	vst v0  }
0x63: {  	v0 =	vld [tilespmem:s3+$0x90];
	_ =	sdelay $0x4  }
0x64: {  	v54 =	vand.u32 $0xFFFF, v0  }
0x65: {  	v0 =	vshrl.u32 v0, $0x10;
	[tilespmem:$0xAA10] =	vst v54  }
0x66: {  	s8 =	rddreg [dreg:$0x8];
	s7 =	simm.s32 @!p0 $0xE;
	[tilespmem:$0xAE10] =	vst v0  }
0x67: {  	[tilespmem:s19], [sflag:$0x5] =	stream.indirect.gather [hbm4b:s4+s14], $0x80, s8, s14, $0xb8;
	[tilespmem:$0x1EC00] =	vst v63  }
0x68: {  	_ =	swait.ge @!p0 [sflag:s7], $0x1000  }
0x69: {  	[sflag:s7] =	ssyncset.done @!p0 $0x0  }
0x6a: {  	[sflag:s7] =	ssyncadd.s32 @!p0 $0xFFFFF000  }
0x6b: {  	v55 =	vld [tilespmem:s3+$0xA0];
	_ =	sdelay $0x4  }
0x6c: {  	v56 =	vand.u32 $0xFFFF, v55  }
0x6d: {  	v0 =	vshrl.u32 v55, $0x10;
	[tilespmem:$0xAA80] =	vst v56  }
0x6e: {  	[tilespmem:$0xAE80] =	vst v0  }
0x6f: {  	v0 =	vld [tilespmem:s3+$0xB0];
	_ =	sdelay $0x4  }
0x70: {  	v57 =	vand.u32 $0xFFFF, v0  }
0x71: {  	v0 =	vshrl.u32 v0, $0x10;
	[tilespmem:$0xAA90] =	vst v57  }
0x72: {  	s8 =	rddreg [dreg:$0x9];
	s7 =	simm.s32 @!p0 $0xF;
	[tilespmem:$0xAE90] =	vst v0  }
0x73: {  	[tilespmem:s20], [sflag:$0x6] =	stream.indirect.gather [hbm4b:s4+s14], $0x80, s8, s14, $0xb8;
	[tilespmem:$0x1EC00] =	vst v63  }
0x74: {  	_ =	swait.ge @!p0 [sflag:s7], $0x1000  }
0x75: {  	[sflag:s7] =	ssyncset.done @!p0 $0x0  }
0x76: {  	[sflag:s7] =	ssyncadd.s32 @!p0 $0xFFFFF000  }
0x77: {  	v58 =	vld [tilespmem:s3+$0xC0];
	_ =	sdelay $0x4  }
0x78: {  	v59 =	vand.u32 $0xFFFF, v58  }
0x79: {  	v0 =	vshrl.u32 v58, $0x10;
	[tilespmem:$0xAB00] =	vst v59  }
0x7a: {  	[tilespmem:$0xAF00] =	vst v0  }
0x7b: {  	v0 =	vld [tilespmem:s3+$0xD0];
	_ =	sdelay $0x4  }
0x7c: {  	v60 =	vand.u32 $0xFFFF, v0  }
0x7d: {  	v0 =	vshrl.u32 v0, $0x10;
	[tilespmem:$0xAB10] =	vst v60  }
0x7e: {  	s8 =	rddreg [dreg:$0xa];
	s7 =	simm.s32 @!p0 $0x10;
	[tilespmem:$0xAF10] =	vst v0  }
0x7f: {  	[tilespmem:s21], [sflag:$0x7] =	stream.indirect.gather [hbm4b:s4+s14], $0x80, s8, s14, $0xb8;
	[tilespmem:$0x1EC00] =	vst v63  }
0x80: {  	_ =	swait.ge @!p0 [sflag:s7], $0x1000  }
0x81: {  	[sflag:s7] =	ssyncset.done @!p0 $0x0  }
0x82: {  	[sflag:s7] =	ssyncadd.s32 @!p0 $0xFFFFF000  }
0x83: {  	v61 =	vld [tilespmem:s3+$0xE0];
	_ =	sdelay $0x4  }
0x84: {  	v62 =	vand.u32 $0xFFFF, v61  }
0x85: {  	v0 =	vshrl.u32 v61, $0x10;
	[tilespmem:$0xAB80] =	vst v62  }
0x86: {  	[tilespmem:$0xAF80] =	vst v0  }
0x87: {  	v0 =	vld [tilespmem:s3+$0xF0];
	_ =	sdelay $0x4  }
0x88: {  	v63 =	vand.u32 $0xFFFF, v0  }
0x89: {  	v0 =	vshrl.u32 v0, $0x10;
	[tilespmem:$0xAB90] =	vst v63  }
0x8a: {  	s7 =	rddreg [dreg:$0xb];
	[tilespmem:$0xAF90] =	vst v0  }
0x8b: {  	[tilespmem:s22], [sflag:$0x8] =	stream.indirect.gather [hbm4b:s4+s14], $0x80, s7, s14, $0xb8;
	[tilespmem:$0x1EC00] =	vst v63  }
0x8c: {  	_ =	swait.ge [sflag:s12], $0x1000  }
0x8d: {  	[sflag:s12] =	ssyncset.done $0x0  }
0x8e: {  	s8 =	rddreg [dreg:$0xc];
	[sflag:s12] =	ssyncadd.s32 $0xFFFFF000  }
0x8f: {  	[spmem:s2] =	stream.indirect.scatter.add.f32 [tilespmem:s15], [sflag:$0x9], $0x80, s8, s14, $0xb8;
	[tilespmem:$0x1EC00] =	vst v63  }
0x90: {  	_ =	swait.ge [sflag:s23], $0x1000  }
0x91: {  	[sflag:s23] =	ssyncset.done $0x0  }
0x92: {  	s5 =	rddreg [dreg:$0xd];
	[sflag:s23] =	ssyncadd.s32 $0xFFFFF000  }
0x93: {  	[spmem:s2] =	stream.indirect.scatter.add.f32 [tilespmem:s16], [sflag:$0xA], $0x80, s5, s14, $0xb8;
	[tilespmem:$0x1EC00] =	vst v63  }
0x94: {  	_ =	swait.ge [sflag:s24], $0x1000  }
0x95: {  	[sflag:s24] =	ssyncset.done $0x0  }
0x96: {  	s7 =	rddreg [dreg:$0xe];
	[sflag:s24] =	ssyncadd.s32 $0xFFFFF000  }
0x97: {  	[spmem:s2] =	stream.indirect.scatter.add.f32 [tilespmem:s17], [sflag:$0xB], $0x80, s7, s14, $0xb8;
	[tilespmem:$0x1EC00] =	vst v63  }
0x98: {  	_ =	swait.ge [sflag:s25], $0x1000  }
0x99: {  	[sflag:s25] =	ssyncset.done $0x0  }
0x9a: {  	s3 =	simm.s32 $0x400;
	s8 =	rddreg [dreg:$0xf];
	[sflag:s25] =	ssyncadd.s32 $0xFFFFF000  }
0x9b: {  	[spmem:s2] =	stream.indirect.scatter.add.f32 [tilespmem:s18], [sflag:$0xC], $0x80, s8, s14, $0xb8;
	[tilespmem:$0x1EC00] =	vst v63  }
.LBB2_2:
0x9c: {  	_ =	swait.ge [sflag:s26], $0x1000  }
0x9d: {  	[sflag:s26] =	ssyncset.done $0x0  }
0x9e: {  	s7 =	rddreg [dreg:$0x10];
	[sflag:s26] =	ssyncadd.s32 $0xFFFFF000  }
0x9f: {  	[spmem:s2] =	stream.indirect.scatter.add.f32 [tilespmem:s19], [sflag:$0xD], $0x80, s7, s14, $0xb8;
	[tilespmem:$0x1EC00] =	vst v63  }
0xa0: {  	_ =	swait.ge [sflag:s28], $0x1000  }
0xa1: {  	[sflag:s28] =	ssyncset.done $0x0  }
0xa2: {  	s8 =	rddreg [dreg:$0x11];
	[sflag:s28] =	ssyncadd.s32 $0xFFFFF000  }
0xa3: {  	[spmem:s2] =	stream.indirect.scatter.add.f32 [tilespmem:s20], [sflag:$0xE], $0x80, s8, s14, $0xb8;
	[tilespmem:$0x1EC00] =	vst v63  }
0xa4: {  	_ =	swait.ge [sflag:s29], $0x1000  }
0xa5: {  	[sflag:s29] =	ssyncset.done $0x0  }
0xa6: {  	[sflag:s29] =	ssyncadd.s32 $0xFFFFF000  }
0xa7: {  	[spmem:s2] =	stream.indirect.scatter.add.f32 [tilespmem:s21], [sflag:$0xF], $0x80, s30, s14, $0xb8;
	[tilespmem:$0x1EC00] =	vst v63  }
0xa8: {  	s5 =	smov.u32 s3;
	_ =	swait.ge [sflag:s31], $0x1000  }
0xa9: {  	p1 =	seq.s32 s5, $0x0;
	[sflag:s31] =	ssyncset.done $0x0  }
0xaa: {  	s7 =	simm.s32 @!p1 $0x9;
	[sflag:s31] =	ssyncadd.s32 $0xFFFFF000  }
0xab: {  	[spmem:s2] =	stream.indirect.scatter.add.f32 [tilespmem:s22], [sflag:$0x10], $0x80, s0, s14, $0xb8;
	[tilespmem:$0x1EC00] =	vst v63  }
0xac: {  	_ =	swait.ge @!p1 [sflag:s7], $0x1000  }
0xad: {  	[sflag:s7] =	ssyncset.done @!p1 $0x0  }
0xae: {  	s5 =	sshra.s32 s5, $0x2;
	[sflag:s7] =	ssyncadd.s32 @!p1 $0xFFFFF000  }
0xaf: {  	v0 =	vld [tilespmem:s5+$0x0];
	_ =	sdelay $0x4  }
0xb0: {  	v1 =	vand.u32 $0xFFFF, v0  }
0xb1: {  	v0 =	vshrl.u32 v0, $0x10;
	[tilespmem:$0xA800] =	vst v1  }
0xb2: {  	[tilespmem:$0xAC00] =	vst v0  }
0xb3: {  	v0 =	vld [tilespmem:s5+$0x10];
	_ =	sdelay $0x4  }
0xb4: {  	v42 =	vand.u32 $0xFFFF, v0  }
0xb5: {  	v0 =	vshrl.u32 v0, $0x10;
	[tilespmem:$0xA810] =	vst v42  }
0xb6: {  	s8 =	simm.s32 @!p1 $0xA;
	s7 =	rddreg [dreg:$0x4];
	[tilespmem:$0xAC10] =	vst v0  }
0xb7: {  	[tilespmem:s15], [sflag:$0x1] =	stream.indirect.gather [hbm4b:s4+s14], $0x80, s7, s14, $0xb8;
	[tilespmem:$0x1EC00] =	vst v63  }
0xb8: {  	_ =	swait.ge @!p1 [sflag:s8], $0x1000  }
0xb9: {  	[sflag:s8] =	ssyncset.done @!p1 $0x0  }
0xba: {  	[sflag:s8] =	ssyncadd.s32 @!p1 $0xFFFFF000  }
0xbb: {  	v43 =	vld [tilespmem:s5+$0x20];
	_ =	sdelay $0x4  }
0xbc: {  	v44 =	vand.u32 $0xFFFF, v43  }
0xbd: {  	v0 =	vshrl.u32 v43, $0x10;
	[tilespmem:$0xA880] =	vst v44  }
0xbe: {  	[tilespmem:$0xAC80] =	vst v0  }
0xbf: {  	v0 =	vld [tilespmem:s5+$0x30];
	_ =	sdelay $0x4  }
0xc0: {  	v45 =	vand.u32 $0xFFFF, v0  }
0xc1: {  	v0 =	vshrl.u32 v0, $0x10;
	[tilespmem:$0xA890] =	vst v45  }
0xc2: {  	s7 =	rddreg [dreg:$0x5];
	s8 =	simm.s32 @!p1 $0xB;
	[tilespmem:$0xAC90] =	vst v0  }
0xc3: {  	[tilespmem:s16], [sflag:$0x2] =	stream.indirect.gather [hbm4b:s4+s14], $0x80, s7, s14, $0xb8;
	[tilespmem:$0x1EC00] =	vst v63  }
0xc4: {  	_ =	swait.ge @!p1 [sflag:s8], $0x1000  }
0xc5: {  	[sflag:s8] =	ssyncset.done @!p1 $0x0  }
0xc6: {  	[sflag:s8] =	ssyncadd.s32 @!p1 $0xFFFFF000  }
0xc7: {  	v46 =	vld [tilespmem:s5+$0x40];
	_ =	sdelay $0x4  }
0xc8: {  	v47 =	vand.u32 $0xFFFF, v46  }
0xc9: {  	v0 =	vshrl.u32 v46, $0x10;
	[tilespmem:$0xA900] =	vst v47  }
0xca: {  	[tilespmem:$0xAD00] =	vst v0  }
0xcb: {  	v0 =	vld [tilespmem:s5+$0x50];
	_ =	sdelay $0x4  }
0xcc: {  	v48 =	vand.u32 $0xFFFF, v0  }
0xcd: {  	v0 =	vshrl.u32 v0, $0x10;
	[tilespmem:$0xA910] =	vst v48  }
0xce: {  	s7 =	rddreg [dreg:$0x6];
	s8 =	simm.s32 @!p1 $0xC;
	[tilespmem:$0xAD10] =	vst v0  }
0xcf: {  	[tilespmem:s17], [sflag:$0x3] =	stream.indirect.gather [hbm4b:s4+s14], $0x80, s7, s14, $0xb8;
	[tilespmem:$0x1EC00] =	vst v63  }
0xd0: {  	_ =	swait.ge @!p1 [sflag:s8], $0x1000  }
0xd1: {  	[sflag:s8] =	ssyncset.done @!p1 $0x0  }
0xd2: {  	[sflag:s8] =	ssyncadd.s32 @!p1 $0xFFFFF000  }
0xd3: {  	v49 =	vld [tilespmem:s5+$0x60];
	_ =	sdelay $0x4  }
0xd4: {  	v50 =	vand.u32 $0xFFFF, v49  }
0xd5: {  	v0 =	vshrl.u32 v49, $0x10;
	[tilespmem:$0xA980] =	vst v50  }
0xd6: {  	[tilespmem:$0xAD80] =	vst v0  }
0xd7: {  	v0 =	vld [tilespmem:s5+$0x70];
	_ =	sdelay $0x4  }
0xd8: {  	v51 =	vand.u32 $0xFFFF, v0  }
0xd9: {  	v0 =	vshrl.u32 v0, $0x10;
	[tilespmem:$0xA990] =	vst v51  }
0xda: {  	s7 =	rddreg [dreg:$0x7];
	s8 =	simm.s32 @!p1 $0xD;
	[tilespmem:$0xAD90] =	vst v0  }
0xdb: {  	[tilespmem:s18], [sflag:$0x4] =	stream.indirect.gather [hbm4b:s4+s14], $0x80, s7, s14, $0xb8;
	[tilespmem:$0x1EC00] =	vst v63  }
0xdc: {  	_ =	swait.ge @!p1 [sflag:s8], $0x1000  }
0xdd: {  	[sflag:s8] =	ssyncset.done @!p1 $0x0  }
0xde: {  	[sflag:s8] =	ssyncadd.s32 @!p1 $0xFFFFF000  }
0xdf: {  	v52 =	vld [tilespmem:s5+$0x80];
	_ =	sdelay $0x4  }
0xe0: {  	v53 =	vand.u32 $0xFFFF, v52  }
0xe1: {  	v0 =	vshrl.u32 v52, $0x10;
	[tilespmem:$0xAA00] =	vst v53  }
0xe2: {  	[tilespmem:$0xAE00] =	vst v0  }
0xe3: {  	v0 =	vld [tilespmem:s5+$0x90];
	_ =	sdelay $0x4  }
0xe4: {  	v54 =	vand.u32 $0xFFFF, v0  }
0xe5: {  	v0 =	vshrl.u32 v0, $0x10;
	[tilespmem:$0xAA10] =	vst v54  }
0xe6: {  	s7 =	rddreg [dreg:$0x8];
	s8 =	simm.s32 @!p1 $0xE;
	[tilespmem:$0xAE10] =	vst v0  }
0xe7: {  	[tilespmem:s19], [sflag:$0x5] =	stream.indirect.gather [hbm4b:s4+s14], $0x80, s7, s14, $0xb8;
	[tilespmem:$0x1EC00] =	vst v63  }
0xe8: {  	_ =	swait.ge @!p1 [sflag:s8], $0x1000  }
0xe9: {  	[sflag:s8] =	ssyncset.done @!p1 $0x0  }
0xea: {  	[sflag:s8] =	ssyncadd.s32 @!p1 $0xFFFFF000  }
0xeb: {  	v55 =	vld [tilespmem:s5+$0xA0];
	_ =	sdelay $0x4  }
0xec: {  	v56 =	vand.u32 $0xFFFF, v55  }
0xed: {  	v0 =	vshrl.u32 v55, $0x10;
	[tilespmem:$0xAA80] =	vst v56  }
0xee: {  	[tilespmem:$0xAE80] =	vst v0  }
0xef: {  	v0 =	vld [tilespmem:s5+$0xB0];
	_ =	sdelay $0x4  }
0xf0: {  	v57 =	vand.u32 $0xFFFF, v0  }
0xf1: {  	v0 =	vshrl.u32 v0, $0x10;
	[tilespmem:$0xAA90] =	vst v57  }
0xf2: {  	s7 =	rddreg [dreg:$0x9];
	s8 =	simm.s32 @!p1 $0xF;
	[tilespmem:$0xAE90] =	vst v0  }
0xf3: {  	[tilespmem:s20], [sflag:$0x6] =	stream.indirect.gather [hbm4b:s4+s14], $0x80, s7, s14, $0xb8;
	[tilespmem:$0x1EC00] =	vst v63  }
0xf4: {  	_ =	swait.ge @!p1 [sflag:s8], $0x1000  }
0xf5: {  	[sflag:s8] =	ssyncset.done @!p1 $0x0  }
0xf6: {  	[sflag:s8] =	ssyncadd.s32 @!p1 $0xFFFFF000  }
0xf7: {  	v58 =	vld [tilespmem:s5+$0xC0];
	_ =	sdelay $0x4  }
0xf8: {  	v59 =	vand.u32 $0xFFFF, v58  }
0xf9: {  	v0 =	vshrl.u32 v58, $0x10;
	[tilespmem:$0xAB00] =	vst v59  }
0xfa: {  	[tilespmem:$0xAF00] =	vst v0  }
0xfb: {  	v0 =	vld [tilespmem:s5+$0xD0];
	_ =	sdelay $0x4  }
0xfc: {  	v60 =	vand.u32 $0xFFFF, v0  }
0xfd: {  	v0 =	vshrl.u32 v0, $0x10;
	[tilespmem:$0xAB10] =	vst v60  }
0xfe: {  	s7 =	rddreg [dreg:$0xa];
	s8 =	simm.s32 @!p1 $0x10;
	[tilespmem:$0xAF10] =	vst v0  }
0xff: {  	[tilespmem:s21], [sflag:$0x7] =	stream.indirect.gather [hbm4b:s4+s14], $0x80, s7, s14, $0xb8;
	[tilespmem:$0x1EC00] =	vst v63  }
0x100: {  	_ =	swait.ge @!p1 [sflag:s8], $0x1000  }
0x101: {  	[sflag:s8] =	ssyncset.done @!p1 $0x0  }
0x102: {  	[sflag:s8] =	ssyncadd.s32 @!p1 $0xFFFFF000  }
0x103: {  	v61 =	vld [tilespmem:s5+$0xE0];
	_ =	sdelay $0x4  }
0x104: {  	v62 =	vand.u32 $0xFFFF, v61  }
0x105: {  	v0 =	vshrl.u32 v61, $0x10;
	[tilespmem:$0xAB80] =	vst v62  }
0x106: {  	[tilespmem:$0xAF80] =	vst v0  }
0x107: {  	v0 =	vld [tilespmem:s5+$0xF0];
	_ =	sdelay $0x4  }
0x108: {  	v63 =	vand.u32 $0xFFFF, v0  }
0x109: {  	v0 =	vshrl.u32 v0, $0x10;
	[tilespmem:$0xAB90] =	vst v63  }
0x10a: {  	s8 =	rddreg [dreg:$0xb];
	[tilespmem:$0xAF90] =	vst v0  }
0x10b: {  	[tilespmem:s22], [sflag:$0x8] =	stream.indirect.gather [hbm4b:s4+s14], $0x80, s8, s14, $0xb8;
	[tilespmem:$0x1EC00] =	vst v63  }
0x10c: {  	_ =	swait.ge [sflag:s12], $0x1000  }
0x10d: {  	[sflag:s12] =	ssyncset.done $0x0  }
0x10e: {  	s7 =	rddreg [dreg:$0xc];
	[sflag:s12] =	ssyncadd.s32 $0xFFFFF000  }
0x10f: {  	[spmem:s2] =	stream.indirect.scatter.add.f32 [tilespmem:s15], [sflag:$0x9], $0x80, s7, s14, $0xb8;
	[tilespmem:$0x1EC00] =	vst v63  }
0x110: {  	_ =	swait.ge [sflag:s23], $0x1000  }
0x111: {  	[sflag:s23] =	ssyncset.done $0x0  }
0x112: {  	s8 =	rddreg [dreg:$0xd];
	[sflag:s23] =	ssyncadd.s32 $0xFFFFF000  }
0x113: {  	[spmem:s2] =	stream.indirect.scatter.add.f32 [tilespmem:s16], [sflag:$0xA], $0x80, s8, s14, $0xb8;
	[tilespmem:$0x1EC00] =	vst v63  }
0x114: {  	_ =	swait.ge [sflag:s24], $0x1000  }
0x115: {  	s3 =	sadd.s32 $0x400, s3;
	[sflag:s24] =	ssyncset.done $0x0  }
0x116: {  	p0 =	sne.s32 s3, $0xA000;
	s7 =	rddreg [dreg:$0xe];
	[sflag:s24] =	ssyncadd.s32 $0xFFFFF000  }
0x117: {  	[spmem:s2] =	stream.indirect.scatter.add.f32 [tilespmem:s17], [sflag:$0xB], $0x80, s7, s14, $0xb8;
	[tilespmem:$0x1EC00] =	vst v63  }
.Ltmp0:
0x118: {  	_ = 	snop;
	(pc) =	sbr.rel @p0 .LBB2_2-.Ltmp0, $4  }
0x119: {  	_ =	swait.ge [sflag:s25], $0x1000  }
0x11a: {  	[sflag:s25] =	ssyncset.done $0x0  }
0x11b: {  	s8 =	rddreg [dreg:$0xf];
	[sflag:s25] =	ssyncadd.s32 $0xFFFFF000  }
0x11c: {  	[spmem:s2] =	stream.indirect.scatter.add.f32 [tilespmem:s18], [sflag:$0xC], $0x80, s8, s14, $0xb8;
	[tilespmem:$0x1EC00] =	vst v63  }
0x11d: {  	_ =	swait.ge [sflag:s26], $0x1000  }
0x11e: {  	[sflag:s26] =	ssyncset.done $0x0  }
0x11f: {  	s3 =	rddreg [dreg:$0x10];
	[sflag:s26] =	ssyncadd.s32 $0xFFFFF000  }
0x120: {  	[spmem:s2] =	stream.indirect.scatter.add.f32 [tilespmem:s19], [sflag:$0xD], $0x80, s3, s14, $0xb8;
	[tilespmem:$0x1EC00] =	vst v63  }
0x121: {  	_ =	swait.ge [sflag:s28], $0x1000  }
0x122: {  	[sflag:s28] =	ssyncset.done $0x0  }
0x123: {  	s7 =	rddreg [dreg:$0x11];
	[sflag:s28] =	ssyncadd.s32 $0xFFFFF000  }
0x124: {  	[spmem:s2] =	stream.indirect.scatter.add.f32 [tilespmem:s20], [sflag:$0xE], $0x80, s7, s14, $0xb8;
	[tilespmem:$0x1EC00] =	vst v63  }
0x125: {  	_ =	swait.ge [sflag:s29], $0x1000  }
0x126: {  	[sflag:s29] =	ssyncset.done $0x0  }
0x127: {  	[sflag:s29] =	ssyncadd.s32 $0xFFFFF000  }
0x128: {  	[spmem:s2] =	stream.indirect.scatter.add.f32 [tilespmem:s21], [sflag:$0xF], $0x80, s30, s14, $0xb8;
	[tilespmem:$0x1EC00] =	vst v63  }
0x129: {  	_ =	swait.ge [sflag:s31], $0x1000  }
0x12a: {  	[sflag:s31] =	ssyncset.done $0x0  }
0x12b: {  	[sflag:s31] =	ssyncadd.s32 $0xFFFFF000  }
0x12c: {  	[spmem:s2] =	stream.indirect.scatter.add.f32 [tilespmem:s22], [sflag:$0x10], $0x80, s0, s14, $0xb8;
	[tilespmem:$0x1EC00] =	vst v63  }
0x12d: {  	_ =	swait.ge [sflag:s13], $0x1000  }
0x12e: {  	[sflag:s13] =	ssyncset.done $0x0  }
0x12f: {  	s8 =	simm.s32 $0xA;
	[sflag:s13] =	ssyncadd.s32 $0xFFFFF000  }
0x130: {  	_ =	swait.ge [sflag:s8], $0x1000  }
0x131: {  	[sflag:s8] =	ssyncset.done $0x0  }
0x132: {  	s5 =	simm.s32 $0xB;
	[sflag:s8] =	ssyncadd.s32 $0xFFFFF000  }
0x133: {  	_ =	swait.ge [sflag:s5], $0x1000  }
0x134: {  	[sflag:s5] =	ssyncset.done $0x0  }
0x135: {  	s7 =	simm.s32 $0xC;
	[sflag:s5] =	ssyncadd.s32 $0xFFFFF000  }
0x136: {  	_ =	swait.ge [sflag:s7], $0x1000  }
0x137: {  	[sflag:s7] =	ssyncset.done $0x0  }
0x138: {  	s8 =	simm.s32 $0xD;
	[sflag:s7] =	ssyncadd.s32 $0xFFFFF000  }
0x139: {  	_ =	swait.ge [sflag:s8], $0x1000  }
0x13a: {  	[sflag:s8] =	ssyncset.done $0x0  }
0x13b: {  	s5 =	simm.s32 $0xE;
	[sflag:s8] =	ssyncadd.s32 $0xFFFFF000  }
0x13c: {  	_ =	swait.ge [sflag:s5], $0x1000  }
0x13d: {  	[sflag:s5] =	ssyncset.done $0x0  }
0x13e: {  	[sflag:s5] =	ssyncadd.s32 $0xFFFFF000  }
0x13f: {  	_ =	swait.ge [sflag:s9], $0x1000  }
0x140: {  	[sflag:s9] =	ssyncset.done $0x0  }
0x141: {  	[sflag:s9] =	ssyncadd.s32 $0xFFFFF000  }
0x142: {  	_ =	swait.ge [sflag:s10], $0x1000  }
0x143: {  	[sflag:s10] =	ssyncset.done $0x0  }
0x144: {  	[sflag:s10] =	ssyncadd.s32 $0xFFFFF000  }
0x145: {  	[bflag:$0x0] =	sbarrier.arrive $0xFFFF  }
0x146: {  	s7 =	rddreg [dreg:$0x13]  }
0x147: {  	s5 =	rddreg [dreg:$0x16];
	s3 =	sor.u32 $0x1C11, s7  }
0x148: {  	[hbm:s5], [sflag:s3] =	dma.local [spmem:s11], $0x2780  }
0x149: {  	_ =	swait.ge [sflag:s6], $0x2780  }
0x14a: {  	s1 =	sadd.s32 $0x1, s1;
	s8 =	rddreg [dreg:$0x17]  }
0x14b: {  	p0 =	sne.s32 s1, s8  }
.Ltmp1:
0x14c: {  	_ = 	snop;
	(pc) =	sbr.rel @p0 .LBB2_1-.Ltmp1, $3  }
0x14d: {  	_ =	sdelay $0x1  }
0x14e: {  	[sflag:s6] =	ssyncset.done $0x0  }
0x14f: {  	[sflag:s6] =	ssyncadd.s32 $0xFFFFD880  }
0x150: {  	_ =	sfence.sel $0x180000  }
0x151: {  	[bflag:$0x0] =	sbarrier.arrive $0xFFFF  }
0x152: {  	_ =	strace $0x9000004D  }
0x153: {  	s0 =	stileid.u32;
	[bflag:$0x2] =	sbarrier.arrive $0xFFFF  }
0x154: {  	p0 =	sne.s32 s0, $0x0;
	s0 =	rddreg [dreg:$0x3]  }
0x155: {  	s0 =	sadd.s32 @!p0 $0x100000, s0  }
0x156: {  	[sflag:s0] =	ssyncadd.tile.s32 @!p0 $0x1;
	_ =	shalt  }
.Lfunc_end2:
_tile_overlayer_lowered:
.L_overlay_start_2:
0x157: {  	(tag) =	ssettag $0x2  }
0x158: {  	s0 =	rddreg [dreg:$0x0];
	s2 =	stileid.u32  }
0x159: {  	s1 =	rddreg [dreg:$0x1];
	p0 =	sne.s32 s2, $0x0  }
0x15a: {  	s3 =	rddreg [dreg:$0x2];
	[bflag:$0x3] =	sbarrier.arrive $0xFFFF;
	s2 =	simm.s32 @!p0 $0x1C11  }
0x15b: {  	[timem:s3], [sflag:s2] =	dma.local @!p0 [hbm:s0], s1  }
0x15c: {  	s0 =	simm.s32 @!p0 $0x11  }
0x15d: {  	_ =	swait.ge @!p0 [sflag:s0], s1  }
0x15e: {  	s1 =	ssub.s32 @!p0 $0x0, s1;
	[sflag:s0] =	ssyncset.done @!p0 $0x0  }
0x15f: {  	[sflag:s0] =	ssyncadd.s32 @!p0 s1  }
0x160: {  	[bflag:$0x3] =	sbarrier.arrive $0xFFFF  }
0x161: {  	_ =	shalt  }

// kernel: kernel.19.cloned.1.call-start
scs
__scs_entry_jumppad:
0x0: {  	(pc) =	sbr.rel $0x88, $3  }
0x1: {  	(tag) =	ssettag $0x0;
	lr =	simm.s32 $0x1  }
0x2: {  	[smem:$0x3F99] =	sst lr;
	_ =	strace $0xD0000000  }
0x3: {  	_ = 	snop  }
0x4: {  	_ = 	snop  }
0x5: {  	_ = 	snop  }
0x6: {  	_ = 	snop  }
0x7: {  	_ = 	snop  }
__scs_overlays_trampoline_lowered:
0x8: {  	[smem:$0x3FA8] =	sst s0  }
0x9: {  	[smem:$0x3FA9] =	sst s1  }
0xa: {  	[smem:$0x3FAA] =	sst s2  }
0xb: {  	[smem:$0x3FAB] =	sst s3  }
0xc: {  	[smem:$0x3FAC] =	sst s4  }
0xd: {  	[smem:$0x3FAD] =	sst s5  }
0xe: {  	[smem:$0x3FAE] =	sst s6  }
0xf: {  	[smem:$0x3FAF] =	sst s7  }
0x10: {  	[smem:$0x3FB0] =	sst s8  }
0x11: {  	[smem:$0x3FB1] =	sst s9;
	s0 =	simm.s32 @!p0 $0x0  }
0x12: {  	s1 =	sld [smem:$0x3F97];
	s0 =	simm.s32 @p0 $0x1  }
0x13: {  	[smem:$0x3FB2] =	sst s0;
	s0 =	simm.s32 @!p1 $0x0  }
0x14: {  	s2 =	sld [smem:$0x3F96];
	s0 =	simm.s32 @p1 $0x1  }
0x15: {  	[smem:$0x3FB3] =	sst s0;
	s0 =	simm.s32 @!p2 $0x0  }
0x16: {  	s3 =	sld [smem:$0x3FDB];
	s0 =	simm.s32 @p2 $0x1  }
0x17: {  	s4 =	simm.s32 $0x1BF5;
	[smem:$0x3FB5] =	sst s0  }
0x18: {  	s0 =	sld [smem:$0x3F98];
	_ =	swait.ge [sflag:s4], $0x0  }
0x19: {  	s7 =	sld [smem:$0x3F99]  }
0x1a: {  	s8 =	sadd.s32 $0xFFFFE003, lr  }
0x1b: {  	s9 =	sadd.s32 $0xFFFFFEF7, lr;
	s5 =	simm.s32 $0xFFFFFFFF;
	p2 =	slt.u32 s8, $0xFFFFF086  }
0x1c: {  	p1 =	slt.u32 s9, $0xF7A;
	s5 =	simm.s32 @!p2 $0x0  }
0x1d: {  	s5 =	simm.s32 @p1 $0x1;
	p0 =	seq.s32 s7, s2  }
0x1e: {  	s7 =	smul.u32 @!p0 $0xF7A, s2;
	p2 =	seq.s32 @!p0 s5, $0x0  }
0x1f: {  	s9 =	smul.u32 $0xF7A, s1;
	s8 =	simm.s32 @!p0 $0x1BF5;
	p2 =	por !p2, p0  }
0x20: {  	[sflag:s8] =	ssyncset.s32 @!p0 $0xFFFFF086;
	s6 =	sadd.s32 @!p0 s3, s7;
	s7 =	simm.s32 @!p0 $0x108  }
0x21: {  	s3 =	sadd.s32 s3, s9;
	s6 =	sadd.s32 @!p0 $0x88, s6;
	s7 =	simm.s32 @p2 $0x1082  }
0x22: {  	[simem:s7], [sflag:s8] =	dma.local @!p0 [hbm:s6], $0xF7A  }
0x23: {  	s9 =	sor.u32 $0xD0000000, s2;
	s6 =	simm.s32 $0x108;
	_ =	swait.ge @!p0 [sflag:s8], $0x0  }
0x24: {  	s3 =	sadd.s32 $0x88, s3;
	s6 =	simm.s32 @!p1 $0x1082;
	[sflag:s4] =	ssyncset.s32 $0xFFFFF086  }
0x25: {  	[simem:s6], [sflag:s4] =	dma.local [hbm:s3], $0xF7A  }
0x26: {  	[smem:$0x3F99] =	sst s1;
	(tag) =	ssettag s2;
	_ =	strace s9  }
0x27: {  	s1 =	sld [smem:$0x3FA9]  }
0x28: {  	s2 =	sld [smem:$0x3FAA]  }
0x29: {  	s4 =	sld [smem:$0x3FAC]  }
0x2a: {  	p0 =	seq.s32 s5, $0x0;
	s5 =	sld [smem:$0x3FAD]  }
0x2b: {  	s6 =	sld [smem:$0x3FAE]  }
0x2c: {  	s7 =	sld [smem:$0x3FAF]  }
0x2d: {  	s3 =	simm.s32 $0x108;
	s8 =	sld [smem:$0x3FB0]  }
0x2e: {  	s3 =	simm.s32 @!p0 $0x1082;
	s9 =	sld [smem:$0x3FB1]  }
0x2f: {  	lr =	sadd.s32 s0, s3;
	s0 =	sld [smem:$0x3FA8]  }
0x30: {  	s3 =	sld [smem:$0x3FAB]  }
0x31: {  	[smem:$0x3FB4] =	sst s10  }
0x32: {  	s10 =	sld [smem:$0x3FB2];
	_ =	sdelay $0x3  }
0x33: {  	p0 =	seq.s32 s10, $0x1;
	s10 =	sld [smem:$0x3FB4];
	_ =	sdelay $0x3  }
0x34: {  	[smem:$0x3FB4] =	sst s10  }
0x35: {  	s10 =	sld [smem:$0x3FB3];
	_ =	sdelay $0x3  }
0x36: {  	p1 =	seq.s32 s10, $0x1;
	s10 =	sld [smem:$0x3FB4];
	_ =	sdelay $0x3  }
0x37: {  	[smem:$0x3FB4] =	sst s10  }
0x38: {  	s10 =	sld [smem:$0x3FB5]  }
0x39: {  	_ = 	snop;
	(pc) =	sbr.ind lr, $3  }
0x3a: {  	_ = 	snop  }
0x3b: {  	_ = 	snop  }
0x3c: {  	p2 =	seq.s32 s10, $0x1;
	s10 =	sld [smem:$0x3FB4]  }
0x3d: {  	_ =	shalt  }
0x3e: {  	_ =	shalt  }
0x3f: {  	_ =	shalt  }
0x40: {  	_ =	shalt  }
0x41: {  	_ =	shalt  }
0x42: {  	_ =	shalt  }
0x43: {  	_ =	shalt  }
0x44: {  	_ =	shalt  }
0x45: {  	_ =	shalt  }
0x46: {  	_ =	shalt  }
0x47: {  	_ =	shalt  }
0x48: {  	_ =	shalt  }
0x49: {  	_ =	shalt  }
0x4a: {  	_ =	shalt  }
0x4b: {  	_ =	shalt  }
0x4c: {  	_ =	shalt  }
0x4d: {  	_ =	shalt  }
0x4e: {  	_ =	shalt  }
0x4f: {  	_ =	shalt  }
0x50: {  	_ =	shalt  }
0x51: {  	_ =	shalt  }
0x52: {  	_ =	shalt  }
0x53: {  	_ =	shalt  }
0x54: {  	_ =	shalt  }
0x55: {  	_ =	shalt  }
0x56: {  	_ =	shalt  }
0x57: {  	_ =	shalt  }
0x58: {  	_ =	shalt  }
0x59: {  	_ =	shalt  }
0x5a: {  	_ =	shalt  }
0x5b: {  	_ =	shalt  }
0x5c: {  	_ =	shalt  }
0x5d: {  	_ =	shalt  }
0x5e: {  	_ =	shalt  }
0x5f: {  	_ =	shalt  }
0x60: {  	_ =	shalt  }
0x61: {  	_ =	shalt  }
0x62: {  	_ =	shalt  }
0x63: {  	_ =	shalt  }
0x64: {  	_ =	shalt  }
0x65: {  	_ =	shalt  }
0x66: {  	_ =	shalt  }
0x67: {  	_ =	shalt  }
0x68: {  	_ =	shalt  }
0x69: {  	_ =	shalt  }
0x6a: {  	_ =	shalt  }
0x6b: {  	_ =	shalt  }
0x6c: {  	_ =	shalt  }
0x6d: {  	_ =	shalt  }
0x6e: {  	_ =	shalt  }
0x6f: {  	_ =	shalt  }
0x70: {  	_ =	shalt  }
0x71: {  	_ =	shalt  }
0x72: {  	_ =	shalt  }
0x73: {  	_ =	shalt  }
0x74: {  	_ =	shalt  }
0x75: {  	_ =	shalt  }
0x76: {  	_ =	shalt  }
0x77: {  	_ =	shalt  }
0x78: {  	_ =	shalt  }
0x79: {  	_ =	shalt  }
0x7a: {  	_ =	shalt  }
0x7b: {  	_ =	shalt  }
0x7c: {  	_ =	shalt  }
0x7d: {  	_ =	shalt  }
0x7e: {  	_ =	shalt  }
0x7f: {  	_ =	shalt  }
0x80: {  	_ =	shalt  }
0x81: {  	_ =	shalt  }
0x82: {  	_ =	shalt  }
0x83: {  	_ =	shalt  }
0x84: {  	_ =	shalt  }
0x85: {  	_ =	shalt  }
0x86: {  	_ =	shalt  }
0x87: {  	_ =	shalt  }
.Lfunc_end0:
.L_simem_size_0:
called_computation.3_lowered:
.L_overlay_start_0:
0x88: {  	s2 =	sld [smem:$0x3FD9]  }
0x89: {  	s3 =	sld [smem:$0x3FFE];
	_ =	sdelay $0x1  }
0x8a: {  	s1 =	srdreg.scid  }
0x8b: {  	s0 =	sand.u32 $0x1, s1  }
0x8c: {  	s17 =	sshll.u32 s0, $0xA;
	s2 =	sadd.s32 s3, s2  }
0x8d: {  	s2 =	sadd.s32 s2, s17  }
0x8e: {  	[smem:$0x3FC0] =	sst s2  }
0x8f: {  	_ = 	snop  }
0x90: {  	s2 =	sld [smem:$0x3FD0];
	(tm) =	ssettm $0x1  }
0x91: {  	s18 =	sld [smem:$0x3FFB];
	_ =	sdelay $0x3  }
0x92: {  	_ =	strace s18  }
0x93: {  	s3 =	sld [smem:$0x3FFC];
	_ =	sdelay $0x3  }
0x94: {  	_ =	strace s3  }
0x95: {  	s3 =	sld [smem:$0x3FFD];
	_ =	sdelay $0x3  }
0x96: {  	_ =	strace s3  }
0x97: {  	_ =	strace $0x8FFFFFFF  }
0x98: {  	s19 =	sld [smem:$0x3FDB];
	_ =	sdelay $0x1  }
0x99: {  	s4 =	simm.s32 $_scs_section_size  }
0x9a: {  	s5 =	simm.s32 $_size__tile_overlayer_lowered;
	s6 =	simm.s32 $_tile_overlayer_lowered  }
0x9b: {  	s22 =	simm.s32 $0x1BFF;
	s21 =	sshll.u32 s6, $0x1;
	s3 =	sadd.s32 s4, s19  }
0x9c: {  	s7 =	simm.s32 $0x0;
	s20 =	sshll.u32 s5, $0x1;
	s5 =	sadd.s32 s21, s3  }
0x9d: {  	[timem:s7], [sflag:s22] =	dma.local [hbm:s5], s20  }
0x9e: {  	_ =	swait.ge [sflag:s22], s20  }
0x9f: {  	s4 =	ssub.s32 $0x0, s20;
	[sflag:s22] =	ssyncset.done $0x0  }
0xa0: {  	[sflag:s22] =	ssyncadd.s32 s4;
	_ =	sdelay $0x1  }
0xa1: {  	s23 =	simm.s32 $0x1B8B  }
0xa2: {  	_ =	swait.ge [sflag:s23], $0x1  }
0xa3: {  	[sflag:s23] =	ssyncset.done $0x0  }
0xa4: {  	s25 =	simm.s32 $0x1B8E;
	s24 =	sld [smem:$0x3FFE];
	[sflag:s23] =	ssyncadd.s32 $0xFFFFFFFF  }
0xa5: {  	s26 =	simm.s32 $execute0_lowered;
	[smem:$0x3FD2] =	sst s25  }
0xa6: {  	s5 =	sshll.u32 s26, $0x1;
	_ =	strace $0x8000004F;
	[dreg:$0x1] =	wrdreg $0xFFFFFFFF  }
0xa7: {  	s28 =	simm.s32 $_size_execute0_lowered;
	s3 =	sadd.s32 s3, s5;
	[dreg:$0x0] =	wrdreg $0x0  }
0xa8: {  	s5 =	sshll.u32 s28, $0x1;
	[dreg:$0x2] =	wrdreg s3  }
0xa9: {  	[dreg:$0x3] =	wrdreg s5  }
0xaa: {  	[dreg:$0x4] =	wrdreg $0xC0  }
0xab: {  	_ =	task [dreg:s7], $0x5FFFF  }
0xac: {  	[dreg:$0x1] =	wrdreg $0xFFFFFFFF  }
0xad: {  	[dreg:$0x0] =	wrdreg $0x60  }
0xae: {  	[dreg:$0x2] =	wrdreg s24  }
0xaf: {  	[dreg:$0x3] =	wrdreg s2  }
0xb0: {  	[dreg:$0x4] =	wrdreg $0xB0000  }
0xb1: {  	[dreg:$0x5] =	wrdreg $0x9  }
0xb2: {  	_ =	task.clear_ibuf [dreg:s7], $0x6FFFF;
	_ =	strace $0x9000004F  }
0xb3: {  	s29 =	simm.s32 $0x9;
	_ =	strace $0x80000051  }
0xb4: {  	_ =	swait.ge [sflag:s29], $0x1  }
0xb5: {  	[sflag:s29] =	ssyncadd.s32 $0xFFFFFFFF  }
0xb6: {  	_ =	strace $0x90000051  }
0xb7: {  	_ =	sfence  }
0xb8: {  	s30 =	sld [smem:$0x0];
	_ =	sdelay $0x2  }
0xb9: {  	s31 =	sshll.u32 s1, $0xD;
	s1 =	sshrl.u32 s1, $0x2  }
0xba: {  	s3 =	sand.u32 $0x4000, s31;
	s1 =	sadd.s32 s1, s30  }
0xbb: {  	s0 =	sor.u32 s3, s0;
	s1 =	sshll.u32 s1, $0x11  }
0xbc: {  	s0 =	sor.u32 s1, s0  }
0xbd: {  	s0 =	sadd.s32 $0x8F2B, s0  }
0xbe: {  	[sflag:s0] =	ssyncadd.remote.s32 $0x1  }
0xbf: {  	_ =	sfence.sel $0xFFFF  }
0xc0: {  	[dreg:$0x0] =	wrdreg $0xFFFFFFFF;
	(pc) =	sbr.abs _section_cstart, $3  }
0xc1: {  	[dreg:$0x1] =	wrdreg $0xFFFFFFFF  }
0xc2: {  	_ =	task.clear_ibuf [dreg:s7], $0x2FFFF;
	_ =	strace $0x9FFFFFFF  }
0xc3: {  	(tm) =	ssettm $0x7FFFFFFF  }
tec
execute0_lowered:
.L_overlay_start_1:
0x0: {  	(tag) =	ssettag $0x1  }
0x1: {  	s0 =	rddreg [dreg:$0x0]  }
0x2: {  	s1 =	rddreg [dreg:$0x1]  }
0x3: {  	s2 =	rddreg [dreg:$0x2];
	s3 =	simm.s32 $0x0;
	s10 =	stileid.u32  }
0x4: {  	s8 =	srdreg.scid;
	s13 =	simm.s32 $0xA800;
	s14 =	simm.s32 $0xA880  }
0x5: {  	s15 =	simm.s32 $0xA900;
	s16 =	simm.s32 $0xA980;
	s17 =	simm.s32 $0xAA00  }
0x6: {  	s18 =	simm.s32 $0xAA80;
	s19 =	simm.s32 $0xAB00;
	s20 =	simm.s32 $0xAB80  }
0x7: {  	s21 =	simm.s32 $0xAC00;
	[smem:$0x7FF] =	sst s3;
	s5 =	smul.u32 $0x2780, s10  }
0x8: {  	s4 =	sshll.u32 s10, $0x1;
	s9 =	smul.u32 $0x4F000, s10;
	s10 =	sshll.u32 s10, $0x6  }
0x9: {  	s22 =	simm.s32 $0xAC80;
	_ =	strace $0x80000050;
	[dreg:$0x13] =	wrdreg s10  }
0xa: {  	s23 =	simm.s32 $0xAD00;
	s24 =	simm.s32 $0xAD80;
	[dreg:$0x4] =	wrdreg s13  }
0xb: {  	s25 =	simm.s32 $0xAE00;
	s26 =	simm.s32 $0xAE80;
	[dreg:$0x5] =	wrdreg s14  }
0xc: {  	s28 =	simm.s32 $0x6;
	s29 =	simm.s32 $0x7;
	[dreg:$0x6] =	wrdreg s15  }
0xd: {  	s30 =	simm.s32 $0xAF00;
	s3 =	sand.u32 $0x1, s8;
	[dreg:$0x7] =	wrdreg s16  }
0xe: {  	s31 =	simm.s32 $0x8;
	s6 =	smul.u32 $0x27800, s3;
	[dreg:$0x8] =	wrdreg s17  }
0xf: {  	s7 =	sor.u32 s3, s4;
	s4 =	sadd.s32 $0x3C00, s0;
	[dreg:$0x9] =	wrdreg s18  }
0x10: {  	s3 =	ssub.s32 $0x2, s3;
	s11 =	sor.u32 $0x1C09, s10;
	[dreg:$0xa] =	wrdreg s19  }
0x11: {  	s13 =	simm.s32 $0x9;
	s14 =	simm.s32 $0x20;
	[dreg:$0xb] =	wrdreg s20  }
0x12: {  	s15 =	simm.s32 $0x2800;
	s16 =	simm.s32 $0x3800;
	[dreg:$0xc] =	wrdreg s21  }
0x13: {  	s17 =	simm.s32 $0x4800;
	s18 =	simm.s32 $0x5800;
	[dreg:$0xd] =	wrdreg s22  }
0x14: {  	s19 =	simm.s32 $0x6800;
	s20 =	simm.s32 $0x7800;
	[dreg:$0xe] =	wrdreg s23  }
0x15: {  	s21 =	simm.s32 $0x8800;
	s22 =	simm.s32 $0x9800;
	[dreg:$0xf] =	wrdreg s24  }
0x16: {  	s23 =	simm.s32 $0x2;
	[dreg:$0x10] =	wrdreg s25;
	s24 =	simm.s32 $0x3  }
0x17: {  	[dreg:$0x11] =	wrdreg s26;
	s25 =	simm.s32 $0x4;
	s26 =	simm.s32 $0x5  }
0x18: {  	s10 =	simm.s32 $0x10;
	s7 =	smul.u32 $0x500, s7;
	s8 =	sshrl.u32 s3, $0x1  }
0x19: {  	s9 =	sshrl.u32 s9, $0x2;
	[dreg:$0x15] =	wrdreg s11;
	s6 =	sadd.s32 s5, s6  }
0x1a: {  	s5 =	sadd.s32 s5, s0;
	s3 =	ssub.s32 s3, s8;
	s1 =	sadd.s32 s1, s7  }
0x1b: {  	s0 =	sadd.s32 s6, s0;
	s5 =	sadd.s32 $0x2B400, s5;
	[dreg:$0x12] =	wrdreg s1  }
0x1c: {  	s12 =	smax.u32 s3, $0x1;
	s6 =	simm.s32 $0x11;
	[dreg:$0x14] =	wrdreg s5  }
0x1d: {  	s1 =	sadd.s32 s9, s2;
	s0 =	sadd.s32 $0x52C00, s0;
	[dreg:$0x17] =	wrdreg s12  }
0x1e: {  	s12 =	simm.s32 $0x1;
	s9 =	simm.s32 $0xF;
	[dreg:$0x16] =	wrdreg s0  }
0x1f: {  	s11 =	sshrl.u32 s1, $0x3;
	s0 =	simm.s32 $0xAF80;
	s1 =	simm.s32 $0x0  }
.LBB2_1:
0x20: {  	s5 =	rddreg [dreg:$0x12]  }
0x21: {  	s3 =	simm.s32 $0x0;
	s7 =	rddreg [dreg:$0x15]  }
0x22: {  	[tilespmem:s3], [sflag:$0x1] =	stream.linear.gather [hbm4b:s5+s3], $0x2800, $0x38;
	[tilespmem:$0x1EC00] =	vst v63  }
0x23: {  	s5 =	rddreg [dreg:$0x14]  }
0x24: {  	[spmem:s11], [sflag:s7] =	dma.local [hbm:s5], $0x2780  }
0x25: {  	_ =	swait.ge [sflag:s12], $0x2800  }
0x26: {  	[sflag:s12] =	ssyncset.done $0x0  }
0x27: {  	[sflag:s12] =	ssyncadd.s32 $0xFFFFD800  }
0x28: {  	_ =	swait.ge [sflag:s13], $0x2780  }
0x29: {  	[sflag:s13] =	ssyncset.done $0x0  }
0x2a: {  	p0 =	por $0x1, $0x1;
	[sflag:s13] =	ssyncadd.s32 $0xFFFFD880  }
0x2b: {  	s3 =	simm.s32 @!p0 $0x9;
	[bflag:$0x0] =	sbarrier.arrive $0xFFFF  }
0x2c: {  	_ =	swait.ge @!p0 [sflag:s3], $0x1000  }
0x2d: {  	[sflag:s3] =	ssyncset.done @!p0 $0x0  }
0x2e: {  	[sflag:s3] =	ssyncadd.s32 @!p0 $0xFFFFF000;
	s3 =	simm.s32 $0x0  }
0x2f: {  	v0 =	vld [tilespmem:s3+$0x0];
	_ =	sdelay $0x4  }
0x30: {  	v1 =	vand.u32 $0xFFFF, v0  }
0x31: {  	v0 =	vshrl.u32 v0, $0x10;
	[tilespmem:$0xA800] =	vst v1  }
0x32: {  	[tilespmem:$0xAC00] =	vst v0  }
0x33: {  	v0 =	vld [tilespmem:s3+$0x10];
	_ =	sdelay $0x4  }
0x34: {  	v42 =	vand.u32 $0xFFFF, v0  }
0x35: {  	v0 =	vshrl.u32 v0, $0x10;
	[tilespmem:$0xA810] =	vst v42  }
0x36: {  	s7 =	simm.s32 @!p0 $0xA;
	s8 =	rddreg [dreg:$0x4];
	[tilespmem:$0xAC10] =	vst v0  }
0x37: {  	[tilespmem:s15], [sflag:$0x1] =	stream.indirect.gather [hbm4b:s4+s14], $0x80, s8, s14, $0xb8;
	[tilespmem:$0x1EC00] =	vst v63  }
0x38: {  	_ =	swait.ge @!p0 [sflag:s7], $0x1000  }
0x39: {  	[sflag:s7] =	ssyncset.done @!p0 $0x0  }
0x3a: {  	[sflag:s7] =	ssyncadd.s32 @!p0 $0xFFFFF000  }
0x3b: {  	v43 =	vld [tilespmem:s3+$0x20];
	_ =	sdelay $0x4  }
0x3c: {  	v44 =	vand.u32 $0xFFFF, v43  }
0x3d: {  	v0 =	vshrl.u32 v43, $0x10;
	[tilespmem:$0xA880] =	vst v44  }
0x3e: {  	[tilespmem:$0xAC80] =	vst v0  }
0x3f: {  	v0 =	vld [tilespmem:s3+$0x30];
	_ =	sdelay $0x4  }
0x40: {  	v45 =	vand.u32 $0xFFFF, v0  }
0x41: {  	v0 =	vshrl.u32 v0, $0x10;
	[tilespmem:$0xA890] =	vst v45  }
0x42: {  	s8 =	rddreg [dreg:$0x5];
	s7 =	simm.s32 @!p0 $0xB;
	[tilespmem:$0xAC90] =	vst v0  }
0x43: {  	[tilespmem:s16], [sflag:$0x2] =	stream.indirect.gather [hbm4b:s4+s14], $0x80, s8, s14, $0xb8;
	[tilespmem:$0x1EC00] =	vst v63  }
0x44: {  	_ =	swait.ge @!p0 [sflag:s7], $0x1000  }
0x45: {  	[sflag:s7] =	ssyncset.done @!p0 $0x0  }
0x46: {  	[sflag:s7] =	ssyncadd.s32 @!p0 $0xFFFFF000  }
0x47: {  	v46 =	vld [tilespmem:s3+$0x40];
	_ =	sdelay $0x4  }
0x48: {  	v47 =	vand.u32 $0xFFFF, v46  }
0x49: {  	v0 =	vshrl.u32 v46, $0x10;
	[tilespmem:$0xA900] =	vst v47  }
0x4a: {  	[tilespmem:$0xAD00] =	vst v0  }
0x4b: {  	v0 =	vld [tilespmem:s3+$0x50];
	_ =	sdelay $0x4  }
0x4c: {  	v48 =	vand.u32 $0xFFFF, v0  }
0x4d: {  	v0 =	vshrl.u32 v0, $0x10;
	[tilespmem:$0xA910] =	vst v48  }
0x4e: {  	s8 =	rddreg [dreg:$0x6];
	s7 =	simm.s32 @!p0 $0xC;
	[tilespmem:$0xAD10] =	vst v0  }
0x4f: {  	[tilespmem:s17], [sflag:$0x3] =	stream.indirect.gather [hbm4b:s4+s14], $0x80, s8, s14, $0xb8;
	[tilespmem:$0x1EC00] =	vst v63  }
0x50: {  	_ =	swait.ge @!p0 [sflag:s7], $0x1000  }
0x51: {  	[sflag:s7] =	ssyncset.done @!p0 $0x0  }
0x52: {  	[sflag:s7] =	ssyncadd.s32 @!p0 $0xFFFFF000  }
0x53: {  	v49 =	vld [tilespmem:s3+$0x60];
	_ =	sdelay $0x4  }
0x54: {  	v50 =	vand.u32 $0xFFFF, v49  }
0x55: {  	v0 =	vshrl.u32 v49, $0x10;
	[tilespmem:$0xA980] =	vst v50  }
0x56: {  	[tilespmem:$0xAD80] =	vst v0  }
0x57: {  	v0 =	vld [tilespmem:s3+$0x70];
	_ =	sdelay $0x4  }
0x58: {  	v51 =	vand.u32 $0xFFFF, v0  }
0x59: {  	v0 =	vshrl.u32 v0, $0x10;
	[tilespmem:$0xA990] =	vst v51  }
0x5a: {  	s8 =	rddreg [dreg:$0x7];
	s7 =	simm.s32 @!p0 $0xD;
	[tilespmem:$0xAD90] =	vst v0  }
0x5b: {  	[tilespmem:s18], [sflag:$0x4] =	stream.indirect.gather [hbm4b:s4+s14], $0x80, s8, s14, $0xb8;
	[tilespmem:$0x1EC00] =	vst v63  }
0x5c: {  	_ =	swait.ge @!p0 [sflag:s7], $0x1000  }
0x5d: {  	[sflag:s7] =	ssyncset.done @!p0 $0x0  }
0x5e: {  	[sflag:s7] =	ssyncadd.s32 @!p0 $0xFFFFF000  }
0x5f: {  	v52 =	vld [tilespmem:s3+$0x80];
	_ =	sdelay $0x4  }
0x60: {  	v53 =	vand.u32 $0xFFFF, v52  }
0x61: {  	v0 =	vshrl.u32 v52, $0x10;
	[tilespmem:$0xAA00] =	vst v53  }
0x62: {  	[tilespmem:$0xAE00] =	vst v0  }
0x63: {  	v0 =	vld [tilespmem:s3+$0x90];
	_ =	sdelay $0x4  }
0x64: {  	v54 =	vand.u32 $0xFFFF, v0  }
0x65: {  	v0 =	vshrl.u32 v0, $0x10;
	[tilespmem:$0xAA10] =	vst v54  }
0x66: {  	s8 =	rddreg [dreg:$0x8];
	s7 =	simm.s32 @!p0 $0xE;
	[tilespmem:$0xAE10] =	vst v0  }
0x67: {  	[tilespmem:s19], [sflag:$0x5] =	stream.indirect.gather [hbm4b:s4+s14], $0x80, s8, s14, $0xb8;
	[tilespmem:$0x1EC00] =	vst v63  }
0x68: {  	_ =	swait.ge @!p0 [sflag:s7], $0x1000  }
0x69: {  	[sflag:s7] =	ssyncset.done @!p0 $0x0  }
0x6a: {  	[sflag:s7] =	ssyncadd.s32 @!p0 $0xFFFFF000  }
0x6b: {  	v55 =	vld [tilespmem:s3+$0xA0];
	_ =	sdelay $0x4  }
0x6c: {  	v56 =	vand.u32 $0xFFFF, v55  }
0x6d: {  	v0 =	vshrl.u32 v55, $0x10;
	[tilespmem:$0xAA80] =	vst v56  }
0x6e: {  	[tilespmem:$0xAE80] =	vst v0  }
0x6f: {  	v0 =	vld [tilespmem:s3+$0xB0];
	_ =	sdelay $0x4  }
0x70: {  	v57 =	vand.u32 $0xFFFF, v0  }
0x71: {  	v0 =	vshrl.u32 v0, $0x10;
	[tilespmem:$0xAA90] =	vst v57  }
0x72: {  	s8 =	rddreg [dreg:$0x9];
	s7 =	simm.s32 @!p0 $0xF;
	[tilespmem:$0xAE90] =	vst v0  }
0x73: {  	[tilespmem:s20], [sflag:$0x6] =	stream.indirect.gather [hbm4b:s4+s14], $0x80, s8, s14, $0xb8;
	[tilespmem:$0x1EC00] =	vst v63  }
0x74: {  	_ =	swait.ge @!p0 [sflag:s7], $0x1000  }
0x75: {  	[sflag:s7] =	ssyncset.done @!p0 $0x0  }
0x76: {  	[sflag:s7] =	ssyncadd.s32 @!p0 $0xFFFFF000  }
0x77: {  	v58 =	vld [tilespmem:s3+$0xC0];
	_ =	sdelay $0x4  }
0x78: {  	v59 =	vand.u32 $0xFFFF, v58  }
0x79: {  	v0 =	vshrl.u32 v58, $0x10;
	[tilespmem:$0xAB00] =	vst v59  }
0x7a: {  	[tilespmem:$0xAF00] =	vst v0  }
0x7b: {  	v0 =	vld [tilespmem:s3+$0xD0];
	_ =	sdelay $0x4  }
0x7c: {  	v60 =	vand.u32 $0xFFFF, v0  }
0x7d: {  	v0 =	vshrl.u32 v0, $0x10;
	[tilespmem:$0xAB10] =	vst v60  }
0x7e: {  	s8 =	rddreg [dreg:$0xa];
	s7 =	simm.s32 @!p0 $0x10;
	[tilespmem:$0xAF10] =	vst v0  }
0x7f: {  	[tilespmem:s21], [sflag:$0x7] =	stream.indirect.gather [hbm4b:s4+s14], $0x80, s8, s14, $0xb8;
	[tilespmem:$0x1EC00] =	vst v63  }
0x80: {  	_ =	swait.ge @!p0 [sflag:s7], $0x1000  }
0x81: {  	[sflag:s7] =	ssyncset.done @!p0 $0x0  }
0x82: {  	[sflag:s7] =	ssyncadd.s32 @!p0 $0xFFFFF000  }
0x83: {  	v61 =	vld [tilespmem:s3+$0xE0];
	_ =	sdelay $0x4  }
0x84: {  	v62 =	vand.u32 $0xFFFF, v61  }
0x85: {  	v0 =	vshrl.u32 v61, $0x10;
	[tilespmem:$0xAB80] =	vst v62  }
0x86: {  	[tilespmem:$0xAF80] =	vst v0  }
0x87: {  	v0 =	vld [tilespmem:s3+$0xF0];
	_ =	sdelay $0x4  }
0x88: {  	v63 =	vand.u32 $0xFFFF, v0  }
0x89: {  	v0 =	vshrl.u32 v0, $0x10;
	[tilespmem:$0xAB90] =	vst v63  }
0x8a: {  	s7 =	rddreg [dreg:$0xb];
	[tilespmem:$0xAF90] =	vst v0  }
0x8b: {  	[tilespmem:s22], [sflag:$0x8] =	stream.indirect.gather [hbm4b:s4+s14], $0x80, s7, s14, $0xb8;
	[tilespmem:$0x1EC00] =	vst v63  }
0x8c: {  	_ =	swait.ge [sflag:s12], $0x1000  }
0x8d: {  	[sflag:s12] =	ssyncset.done $0x0  }
0x8e: {  	s8 =	rddreg [dreg:$0xc];
	[sflag:s12] =	ssyncadd.s32 $0xFFFFF000  }
0x8f: {  	[spmem:s2] =	stream.indirect.scatter.add.f32 [tilespmem:s15], [sflag:$0x9], $0x80, s8, s14, $0xb8;
	[tilespmem:$0x1EC00] =	vst v63  }
0x90: {  	_ =	swait.ge [sflag:s23], $0x1000  }
0x91: {  	[sflag:s23] =	ssyncset.done $0x0  }
0x92: {  	s5 =	rddreg [dreg:$0xd];
	[sflag:s23] =	ssyncadd.s32 $0xFFFFF000  }
0x93: {  	[spmem:s2] =	stream.indirect.scatter.add.f32 [tilespmem:s16], [sflag:$0xA], $0x80, s5, s14, $0xb8;
	[tilespmem:$0x1EC00] =	vst v63  }
0x94: {  	_ =	swait.ge [sflag:s24], $0x1000  }
0x95: {  	[sflag:s24] =	ssyncset.done $0x0  }
0x96: {  	s7 =	rddreg [dreg:$0xe];
	[sflag:s24] =	ssyncadd.s32 $0xFFFFF000  }
0x97: {  	[spmem:s2] =	stream.indirect.scatter.add.f32 [tilespmem:s17], [sflag:$0xB], $0x80, s7, s14, $0xb8;
	[tilespmem:$0x1EC00] =	vst v63  }
0x98: {  	_ =	swait.ge [sflag:s25], $0x1000  }
0x99: {  	[sflag:s25] =	ssyncset.done $0x0  }
0x9a: {  	s3 =	simm.s32 $0x400;
	s8 =	rddreg [dreg:$0xf];
	[sflag:s25] =	ssyncadd.s32 $0xFFFFF000  }
0x9b: {  	[spmem:s2] =	stream.indirect.scatter.add.f32 [tilespmem:s18], [sflag:$0xC], $0x80, s8, s14, $0xb8;
	[tilespmem:$0x1EC00] =	vst v63  }
.LBB2_2:
0x9c: {  	_ =	swait.ge [sflag:s26], $0x1000  }
0x9d: {  	[sflag:s26] =	ssyncset.done $0x0  }
0x9e: {  	s7 =	rddreg [dreg:$0x10];
	[sflag:s26] =	ssyncadd.s32 $0xFFFFF000  }
0x9f: {  	[spmem:s2] =	stream.indirect.scatter.add.f32 [tilespmem:s19], [sflag:$0xD], $0x80, s7, s14, $0xb8;
	[tilespmem:$0x1EC00] =	vst v63  }
0xa0: {  	_ =	swait.ge [sflag:s28], $0x1000  }
0xa1: {  	[sflag:s28] =	ssyncset.done $0x0  }
0xa2: {  	s8 =	rddreg [dreg:$0x11];
	[sflag:s28] =	ssyncadd.s32 $0xFFFFF000  }
0xa3: {  	[spmem:s2] =	stream.indirect.scatter.add.f32 [tilespmem:s20], [sflag:$0xE], $0x80, s8, s14, $0xb8;
	[tilespmem:$0x1EC00] =	vst v63  }
0xa4: {  	_ =	swait.ge [sflag:s29], $0x1000  }
0xa5: {  	[sflag:s29] =	ssyncset.done $0x0  }
0xa6: {  	[sflag:s29] =	ssyncadd.s32 $0xFFFFF000  }
0xa7: {  	[spmem:s2] =	stream.indirect.scatter.add.f32 [tilespmem:s21], [sflag:$0xF], $0x80, s30, s14, $0xb8;
	[tilespmem:$0x1EC00] =	vst v63  }
0xa8: {  	s5 =	smov.u32 s3;
	_ =	swait.ge [sflag:s31], $0x1000  }
0xa9: {  	p1 =	seq.s32 s5, $0x0;
	[sflag:s31] =	ssyncset.done $0x0  }
0xaa: {  	s7 =	simm.s32 @!p1 $0x9;
	[sflag:s31] =	ssyncadd.s32 $0xFFFFF000  }
0xab: {  	[spmem:s2] =	stream.indirect.scatter.add.f32 [tilespmem:s22], [sflag:$0x10], $0x80, s0, s14, $0xb8;
	[tilespmem:$0x1EC00] =	vst v63  }
0xac: {  	_ =	swait.ge @!p1 [sflag:s7], $0x1000  }
0xad: {  	[sflag:s7] =	ssyncset.done @!p1 $0x0  }
0xae: {  	s5 =	sshra.s32 s5, $0x2;
	[sflag:s7] =	ssyncadd.s32 @!p1 $0xFFFFF000  }
0xaf: {  	v0 =	vld [tilespmem:s5+$0x0];
	_ =	sdelay $0x4  }
0xb0: {  	v1 =	vand.u32 $0xFFFF, v0  }
0xb1: {  	v0 =	vshrl.u32 v0, $0x10;
	[tilespmem:$0xA800] =	vst v1  }
0xb2: {  	[tilespmem:$0xAC00] =	vst v0  }
0xb3: {  	v0 =	vld [tilespmem:s5+$0x10];
	_ =	sdelay $0x4  }
0xb4: {  	v42 =	vand.u32 $0xFFFF, v0  }
0xb5: {  	v0 =	vshrl.u32 v0, $0x10;
	[tilespmem:$0xA810] =	vst v42  }
0xb6: {  	s8 =	simm.s32 @!p1 $0xA;
	s7 =	rddreg [dreg:$0x4];
	[tilespmem:$0xAC10] =	vst v0  }
0xb7: {  	[tilespmem:s15], [sflag:$0x1] =	stream.indirect.gather [hbm4b:s4+s14], $0x80, s7, s14, $0xb8;
	[tilespmem:$0x1EC00] =	vst v63  }
0xb8: {  	_ =	swait.ge @!p1 [sflag:s8], $0x1000  }
0xb9: {  	[sflag:s8] =	ssyncset.done @!p1 $0x0  }
0xba: {  	[sflag:s8] =	ssyncadd.s32 @!p1 $0xFFFFF000  }
0xbb: {  	v43 =	vld [tilespmem:s5+$0x20];
	_ =	sdelay $0x4  }
0xbc: {  	v44 =	vand.u32 $0xFFFF, v43  }
0xbd: {  	v0 =	vshrl.u32 v43, $0x10;
	[tilespmem:$0xA880] =	vst v44  }
0xbe: {  	[tilespmem:$0xAC80] =	vst v0  }
0xbf: {  	v0 =	vld [tilespmem:s5+$0x30];
	_ =	sdelay $0x4  }
0xc0: {  	v45 =	vand.u32 $0xFFFF, v0  }
0xc1: {  	v0 =	vshrl.u32 v0, $0x10;
	[tilespmem:$0xA890] =	vst v45  }
0xc2: {  	s7 =	rddreg [dreg:$0x5];
	s8 =	simm.s32 @!p1 $0xB;
	[tilespmem:$0xAC90] =	vst v0  }
0xc3: {  	[tilespmem:s16], [sflag:$0x2] =	stream.indirect.gather [hbm4b:s4+s14], $0x80, s7, s14, $0xb8;
	[tilespmem:$0x1EC00] =	vst v63  }
0xc4: {  	_ =	swait.ge @!p1 [sflag:s8], $0x1000  }
0xc5: {  	[sflag:s8] =	ssyncset.done @!p1 $0x0  }
0xc6: {  	[sflag:s8] =	ssyncadd.s32 @!p1 $0xFFFFF000  }
0xc7: {  	v46 =	vld [tilespmem:s5+$0x40];
	_ =	sdelay $0x4  }
0xc8: {  	v47 =	vand.u32 $0xFFFF, v46  }
0xc9: {  	v0 =	vshrl.u32 v46, $0x10;
	[tilespmem:$0xA900] =	vst v47  }
0xca: {  	[tilespmem:$0xAD00] =	vst v0  }
0xcb: {  	v0 =	vld [tilespmem:s5+$0x50];
	_ =	sdelay $0x4  }
0xcc: {  	v48 =	vand.u32 $0xFFFF, v0  }
0xcd: {  	v0 =	vshrl.u32 v0, $0x10;
	[tilespmem:$0xA910] =	vst v48  }
0xce: {  	s7 =	rddreg [dreg:$0x6];
	s8 =	simm.s32 @!p1 $0xC;
	[tilespmem:$0xAD10] =	vst v0  }
0xcf: {  	[tilespmem:s17], [sflag:$0x3] =	stream.indirect.gather [hbm4b:s4+s14], $0x80, s7, s14, $0xb8;
	[tilespmem:$0x1EC00] =	vst v63  }
0xd0: {  	_ =	swait.ge @!p1 [sflag:s8], $0x1000  }
0xd1: {  	[sflag:s8] =	ssyncset.done @!p1 $0x0  }
0xd2: {  	[sflag:s8] =	ssyncadd.s32 @!p1 $0xFFFFF000  }
0xd3: {  	v49 =	vld [tilespmem:s5+$0x60];
	_ =	sdelay $0x4  }
0xd4: {  	v50 =	vand.u32 $0xFFFF, v49  }
0xd5: {  	v0 =	vshrl.u32 v49, $0x10;
	[tilespmem:$0xA980] =	vst v50  }
0xd6: {  	[tilespmem:$0xAD80] =	vst v0  }
0xd7: {  	v0 =	vld [tilespmem:s5+$0x70];
	_ =	sdelay $0x4  }
0xd8: {  	v51 =	vand.u32 $0xFFFF, v0  }
0xd9: {  	v0 =	vshrl.u32 v0, $0x10;
	[tilespmem:$0xA990] =	vst v51  }
0xda: {  	s7 =	rddreg [dreg:$0x7];
	s8 =	simm.s32 @!p1 $0xD;
	[tilespmem:$0xAD90] =	vst v0  }
0xdb: {  	[tilespmem:s18], [sflag:$0x4] =	stream.indirect.gather [hbm4b:s4+s14], $0x80, s7, s14, $0xb8;
	[tilespmem:$0x1EC00] =	vst v63  }
0xdc: {  	_ =	swait.ge @!p1 [sflag:s8], $0x1000  }
0xdd: {  	[sflag:s8] =	ssyncset.done @!p1 $0x0  }
0xde: {  	[sflag:s8] =	ssyncadd.s32 @!p1 $0xFFFFF000  }
0xdf: {  	v52 =	vld [tilespmem:s5+$0x80];
	_ =	sdelay $0x4  }
0xe0: {  	v53 =	vand.u32 $0xFFFF, v52  }
0xe1: {  	v0 =	vshrl.u32 v52, $0x10;
	[tilespmem:$0xAA00] =	vst v53  }
0xe2: {  	[tilespmem:$0xAE00] =	vst v0  }
0xe3: {  	v0 =	vld [tilespmem:s5+$0x90];
	_ =	sdelay $0x4  }
0xe4: {  	v54 =	vand.u32 $0xFFFF, v0  }
0xe5: {  	v0 =	vshrl.u32 v0, $0x10;
	[tilespmem:$0xAA10] =	vst v54  }
0xe6: {  	s7 =	rddreg [dreg:$0x8];
	s8 =	simm.s32 @!p1 $0xE;
	[tilespmem:$0xAE10] =	vst v0  }
0xe7: {  	[tilespmem:s19], [sflag:$0x5] =	stream.indirect.gather [hbm4b:s4+s14], $0x80, s7, s14, $0xb8;
	[tilespmem:$0x1EC00] =	vst v63  }
0xe8: {  	_ =	swait.ge @!p1 [sflag:s8], $0x1000  }
0xe9: {  	[sflag:s8] =	ssyncset.done @!p1 $0x0  }
0xea: {  	[sflag:s8] =	ssyncadd.s32 @!p1 $0xFFFFF000  }
0xeb: {  	v55 =	vld [tilespmem:s5+$0xA0];
	_ =	sdelay $0x4  }
0xec: {  	v56 =	vand.u32 $0xFFFF, v55  }
0xed: {  	v0 =	vshrl.u32 v55, $0x10;
	[tilespmem:$0xAA80] =	vst v56  }
0xee: {  	[tilespmem:$0xAE80] =	vst v0  }
0xef: {  	v0 =	vld [tilespmem:s5+$0xB0];
	_ =	sdelay $0x4  }
0xf0: {  	v57 =	vand.u32 $0xFFFF, v0  }
0xf1: {  	v0 =	vshrl.u32 v0, $0x10;
	[tilespmem:$0xAA90] =	vst v57  }
0xf2: {  	s7 =	rddreg [dreg:$0x9];
	s8 =	simm.s32 @!p1 $0xF;
	[tilespmem:$0xAE90] =	vst v0  }
0xf3: {  	[tilespmem:s20], [sflag:$0x6] =	stream.indirect.gather [hbm4b:s4+s14], $0x80, s7, s14, $0xb8;
	[tilespmem:$0x1EC00] =	vst v63  }
0xf4: {  	_ =	swait.ge @!p1 [sflag:s8], $0x1000  }
0xf5: {  	[sflag:s8] =	ssyncset.done @!p1 $0x0  }
0xf6: {  	[sflag:s8] =	ssyncadd.s32 @!p1 $0xFFFFF000  }
0xf7: {  	v58 =	vld [tilespmem:s5+$0xC0];
	_ =	sdelay $0x4  }
0xf8: {  	v59 =	vand.u32 $0xFFFF, v58  }
0xf9: {  	v0 =	vshrl.u32 v58, $0x10;
	[tilespmem:$0xAB00] =	vst v59  }
0xfa: {  	[tilespmem:$0xAF00] =	vst v0  }
0xfb: {  	v0 =	vld [tilespmem:s5+$0xD0];
	_ =	sdelay $0x4  }
0xfc: {  	v60 =	vand.u32 $0xFFFF, v0  }
0xfd: {  	v0 =	vshrl.u32 v0, $0x10;
	[tilespmem:$0xAB10] =	vst v60  }
0xfe: {  	s7 =	rddreg [dreg:$0xa];
	s8 =	simm.s32 @!p1 $0x10;
	[tilespmem:$0xAF10] =	vst v0  }
0xff: {  	[tilespmem:s21], [sflag:$0x7] =	stream.indirect.gather [hbm4b:s4+s14], $0x80, s7, s14, $0xb8;
	[tilespmem:$0x1EC00] =	vst v63  }
0x100: {  	_ =	swait.ge @!p1 [sflag:s8], $0x1000  }
0x101: {  	[sflag:s8] =	ssyncset.done @!p1 $0x0  }
0x102: {  	[sflag:s8] =	ssyncadd.s32 @!p1 $0xFFFFF000  }
0x103: {  	v61 =	vld [tilespmem:s5+$0xE0];
	_ =	sdelay $0x4  }
0x104: {  	v62 =	vand.u32 $0xFFFF, v61  }
0x105: {  	v0 =	vshrl.u32 v61, $0x10;
	[tilespmem:$0xAB80] =	vst v62  }
0x106: {  	[tilespmem:$0xAF80] =	vst v0  }
0x107: {  	v0 =	vld [tilespmem:s5+$0xF0];
	_ =	sdelay $0x4  }
0x108: {  	v63 =	vand.u32 $0xFFFF, v0  }
0x109: {  	v0 =	vshrl.u32 v0, $0x10;
	[tilespmem:$0xAB90] =	vst v63  }
0x10a: {  	s8 =	rddreg [dreg:$0xb];
	[tilespmem:$0xAF90] =	vst v0  }
0x10b: {  	[tilespmem:s22], [sflag:$0x8] =	stream.indirect.gather [hbm4b:s4+s14], $0x80, s8, s14, $0xb8;
	[tilespmem:$0x1EC00] =	vst v63  }
0x10c: {  	_ =	swait.ge [sflag:s12], $0x1000  }
0x10d: {  	[sflag:s12] =	ssyncset.done $0x0  }
0x10e: {  	s7 =	rddreg [dreg:$0xc];
	[sflag:s12] =	ssyncadd.s32 $0xFFFFF000  }
0x10f: {  	[spmem:s2] =	stream.indirect.scatter.add.f32 [tilespmem:s15], [sflag:$0x9], $0x80, s7, s14, $0xb8;
	[tilespmem:$0x1EC00] =	vst v63  }
0x110: {  	_ =	swait.ge [sflag:s23], $0x1000  }
0x111: {  	[sflag:s23] =	ssyncset.done $0x0  }
0x112: {  	s8 =	rddreg [dreg:$0xd];
	[sflag:s23] =	ssyncadd.s32 $0xFFFFF000  }
0x113: {  	[spmem:s2] =	stream.indirect.scatter.add.f32 [tilespmem:s16], [sflag:$0xA], $0x80, s8, s14, $0xb8;
	[tilespmem:$0x1EC00] =	vst v63  }
0x114: {  	_ =	swait.ge [sflag:s24], $0x1000  }
0x115: {  	s3 =	sadd.s32 $0x400, s3;
	[sflag:s24] =	ssyncset.done $0x0  }
0x116: {  	p0 =	sne.s32 s3, $0xA000;
	s7 =	rddreg [dreg:$0xe];
	[sflag:s24] =	ssyncadd.s32 $0xFFFFF000  }
0x117: {  	[spmem:s2] =	stream.indirect.scatter.add.f32 [tilespmem:s17], [sflag:$0xB], $0x80, s7, s14, $0xb8;
	[tilespmem:$0x1EC00] =	vst v63  }
.Ltmp0:
0x118: {  	_ = 	snop;
	(pc) =	sbr.rel @p0 .LBB2_2-.Ltmp0, $4  }
0x119: {  	_ =	swait.ge [sflag:s25], $0x1000  }
0x11a: {  	[sflag:s25] =	ssyncset.done $0x0  }
0x11b: {  	s8 =	rddreg [dreg:$0xf];
	[sflag:s25] =	ssyncadd.s32 $0xFFFFF000  }
0x11c: {  	[spmem:s2] =	stream.indirect.scatter.add.f32 [tilespmem:s18], [sflag:$0xC], $0x80, s8, s14, $0xb8;
	[tilespmem:$0x1EC00] =	vst v63  }
0x11d: {  	_ =	swait.ge [sflag:s26], $0x1000  }
0x11e: {  	[sflag:s26] =	ssyncset.done $0x0  }
0x11f: {  	s3 =	rddreg [dreg:$0x10];
	[sflag:s26] =	ssyncadd.s32 $0xFFFFF000  }
0x120: {  	[spmem:s2] =	stream.indirect.scatter.add.f32 [tilespmem:s19], [sflag:$0xD], $0x80, s3, s14, $0xb8;
	[tilespmem:$0x1EC00] =	vst v63  }
0x121: {  	_ =	swait.ge [sflag:s28], $0x1000  }
0x122: {  	[sflag:s28] =	ssyncset.done $0x0  }
0x123: {  	s7 =	rddreg [dreg:$0x11];
	[sflag:s28] =	ssyncadd.s32 $0xFFFFF000  }
0x124: {  	[spmem:s2] =	stream.indirect.scatter.add.f32 [tilespmem:s20], [sflag:$0xE], $0x80, s7, s14, $0xb8;
	[tilespmem:$0x1EC00] =	vst v63  }
0x125: {  	_ =	swait.ge [sflag:s29], $0x1000  }
0x126: {  	[sflag:s29] =	ssyncset.done $0x0  }
0x127: {  	[sflag:s29] =	ssyncadd.s32 $0xFFFFF000  }
0x128: {  	[spmem:s2] =	stream.indirect.scatter.add.f32 [tilespmem:s21], [sflag:$0xF], $0x80, s30, s14, $0xb8;
	[tilespmem:$0x1EC00] =	vst v63  }
0x129: {  	_ =	swait.ge [sflag:s31], $0x1000  }
0x12a: {  	[sflag:s31] =	ssyncset.done $0x0  }
0x12b: {  	[sflag:s31] =	ssyncadd.s32 $0xFFFFF000  }
0x12c: {  	[spmem:s2] =	stream.indirect.scatter.add.f32 [tilespmem:s22], [sflag:$0x10], $0x80, s0, s14, $0xb8;
	[tilespmem:$0x1EC00] =	vst v63  }
0x12d: {  	_ =	swait.ge [sflag:s13], $0x1000  }
0x12e: {  	[sflag:s13] =	ssyncset.done $0x0  }
0x12f: {  	s8 =	simm.s32 $0xA;
	[sflag:s13] =	ssyncadd.s32 $0xFFFFF000  }
0x130: {  	_ =	swait.ge [sflag:s8], $0x1000  }
0x131: {  	[sflag:s8] =	ssyncset.done $0x0  }
0x132: {  	s5 =	simm.s32 $0xB;
	[sflag:s8] =	ssyncadd.s32 $0xFFFFF000  }
0x133: {  	_ =	swait.ge [sflag:s5], $0x1000  }
0x134: {  	[sflag:s5] =	ssyncset.done $0x0  }
0x135: {  	s7 =	simm.s32 $0xC;
	[sflag:s5] =	ssyncadd.s32 $0xFFFFF000  }
0x136: {  	_ =	swait.ge [sflag:s7], $0x1000  }
0x137: {  	[sflag:s7] =	ssyncset.done $0x0  }
0x138: {  	s8 =	simm.s32 $0xD;
	[sflag:s7] =	ssyncadd.s32 $0xFFFFF000  }
0x139: {  	_ =	swait.ge [sflag:s8], $0x1000  }
0x13a: {  	[sflag:s8] =	ssyncset.done $0x0  }
0x13b: {  	s5 =	simm.s32 $0xE;
	[sflag:s8] =	ssyncadd.s32 $0xFFFFF000  }
0x13c: {  	_ =	swait.ge [sflag:s5], $0x1000  }
0x13d: {  	[sflag:s5] =	ssyncset.done $0x0  }
0x13e: {  	[sflag:s5] =	ssyncadd.s32 $0xFFFFF000  }
0x13f: {  	_ =	swait.ge [sflag:s9], $0x1000  }
0x140: {  	[sflag:s9] =	ssyncset.done $0x0  }
0x141: {  	[sflag:s9] =	ssyncadd.s32 $0xFFFFF000  }
0x142: {  	_ =	swait.ge [sflag:s10], $0x1000  }
0x143: {  	[sflag:s10] =	ssyncset.done $0x0  }
0x144: {  	[sflag:s10] =	ssyncadd.s32 $0xFFFFF000  }
0x145: {  	[bflag:$0x0] =	sbarrier.arrive $0xFFFF  }
0x146: {  	s7 =	rddreg [dreg:$0x13]  }
0x147: {  	s5 =	rddreg [dreg:$0x16];
	s3 =	sor.u32 $0x1C11, s7  }
0x148: {  	[hbm:s5], [sflag:s3] =	dma.local [spmem:s11], $0x2780  }
0x149: {  	_ =	swait.ge [sflag:s6], $0x2780  }
0x14a: {  	s1 =	sadd.s32 $0x1, s1;
	s8 =	rddreg [dreg:$0x17]  }
0x14b: {  	p0 =	sne.s32 s1, s8  }
.Ltmp1:
0x14c: {  	_ = 	snop;
	(pc) =	sbr.rel @p0 .LBB2_1-.Ltmp1, $3  }
0x14d: {  	_ =	sdelay $0x1  }
0x14e: {  	[sflag:s6] =	ssyncset.done $0x0  }
0x14f: {  	[sflag:s6] =	ssyncadd.s32 $0xFFFFD880  }
0x150: {  	_ =	sfence.sel $0x180000  }
0x151: {  	[bflag:$0x0] =	sbarrier.arrive $0xFFFF  }
0x152: {  	_ =	strace $0x90000050  }
0x153: {  	s0 =	stileid.u32;
	[bflag:$0x2] =	sbarrier.arrive $0xFFFF  }
0x154: {  	p0 =	sne.s32 s0, $0x0;
	s0 =	rddreg [dreg:$0x3]  }
0x155: {  	s0 =	sadd.s32 @!p0 $0x100000, s0  }
0x156: {  	[sflag:s0] =	ssyncadd.tile.s32 @!p0 $0x1;
	_ =	shalt  }
.Lfunc_end2:
_tile_overlayer_lowered:
.L_overlay_start_2:
0x157: {  	(tag) =	ssettag $0x2  }
0x158: {  	s0 =	rddreg [dreg:$0x0];
	s2 =	stileid.u32  }
0x159: {  	s1 =	rddreg [dreg:$0x1];
	p0 =	sne.s32 s2, $0x0  }
0x15a: {  	s3 =	rddreg [dreg:$0x2];
	[bflag:$0x3] =	sbarrier.arrive $0xFFFF;
	s2 =	simm.s32 @!p0 $0x1C11  }
0x15b: {  	[timem:s3], [sflag:s2] =	dma.local @!p0 [hbm:s0], s1  }
0x15c: {  	s0 =	simm.s32 @!p0 $0x11  }
0x15d: {  	_ =	swait.ge @!p0 [sflag:s0], s1  }
0x15e: {  	s1 =	ssub.s32 @!p0 $0x0, s1;
	[sflag:s0] =	ssyncset.done @!p0 $0x0  }
0x15f: {  	[sflag:s0] =	ssyncadd.s32 @!p0 s1  }
0x160: {  	[bflag:$0x3] =	sbarrier.arrive $0xFFFF  }
0x161: {  	_ =	shalt  }

</sc_bundles>
